<compile_context>
chip_gen: v7x
topology: tpu7x:2x2x1
jax: 0.10.2.dev20260603
libtpu: 0.0.44.dev20260713+nightly
codegen_flags: <defaults>
</compile_context>

<pallas_src>
import functools

import jax
import jax.numpy as jnp
from jax import lax
from jax.experimental import pallas as pl
from jax.experimental.pallas import tpu as pltpu
from jax.experimental.pallas import tpu_sc as plsc

D = 128
K = 8
DD = D // K
M = 32
PAD = 8


def _seg_matrices(dtype=jnp.float32):
    lane = lax.broadcasted_iota(jnp.int32, (D, K), 0)
    cap = lax.broadcasted_iota(jnp.int32, (D, K), 1)
    s = (lane // DD == cap).astype(dtype)
    lane_t = lax.broadcasted_iota(jnp.int32, (K, D), 1)
    cap_t = lax.broadcasted_iota(jnp.int32, (K, D), 0)
    st = (lane_t // DD == cap_t).astype(dtype)
    return s, st


def _normalize_body(x_ref, o_ref):
    x = x_ref[...]
    n = x.shape[0]
    s, st = _seg_matrices()
    ss = lax.dot_general(x * x, s, (((1,), (0,)), ((), ())),
                         preferred_element_type=jnp.float32)
    den = jnp.maximum(jnp.sqrt(ss), 1e-12)
    inv = lax.dot_general(1.0 / den, st, (((1,), (0,)), ((), ())),
                          preferred_element_type=jnp.float32)
    o_ref[pl.ds(0, n), :] = x * inv
    o_ref[pl.ds(n, PAD), :] = jnp.zeros((PAD, D), jnp.float32)


def _routing_body(mi_ref, z_ref, x_ref, o_ref):
    zb = z_ref[...]
    xb = x_ref[...]
    b = xb.shape[0]
    s, st = _seg_matrices()

    def seg_sum(t):
        return lax.dot_general(t, s, (((1,), (0,)), ((), ())),
                               preferred_element_type=jnp.float32)

    def expand(t):
        return lax.dot_general(t, st, (((1,), (0,)), ((), ())),
                               preferred_element_type=jnp.float32)

    ones_kk = jnp.ones((K, K), jnp.float32)
    z3 = zb.reshape(b, M, D)

    def body(_, u):
        ss = seg_sum(u * u)
        den = jnp.maximum(jnp.sqrt(ss), 1e-12)
        un = u * expand(1.0 / den)
        t = (z3 * un.reshape(b, 1, D)).reshape(b * M, D)
        logits = seg_sum(t)
        e = jnp.exp(logits)
        p = e / lax.dot_general(e, ones_kk, (((1,), (0,)), ((), ())),
                                preferred_element_type=jnp.float32)
        w = zb * expand(p)
        return jnp.sum(w.reshape(b, M, D), axis=1) + xb

    mi = mi_ref[0]
    u1 = jnp.sum(z3, axis=1) * (1.0 / K) + xb
    u0 = jnp.where(mi > 0, u1, jnp.zeros((b, D), jnp.float32))
    o_ref[...] = lax.fori_loop(1, mi, body, u0)


def _make_gather(n_rows, e, kc):
    mesh = plsc.VectorSubcoreMesh(core_axis_name="c", subcore_axis_name="s")
    nw = 32
    ch = kc * 128
    nch = e // ch
    nb = 3
    n_ss = pl.cdiv(nch, nb * nw)

    @functools.partial(
        pl.kernel, mesh=mesh,
        out_type=jax.ShapeDtypeStruct((e, D), jnp.float32),
        scratch_types=(
            [pltpu.VMEM((kc, 128), jnp.int32) for _ in range(nb)]
            + [pltpu.VMEM((ch, D), jnp.float32) for _ in range(nb)]
            + [pltpu.SemaphoreType.DMA for _ in range(2 * nb)]
        ),
    )
    def gather(table_hbm, nbr_hbm, out_hbm,
               idx0, idx1, idx2, rows0, rows1, rows2,
               g0, g1, g2, w0, w1, w2):
        idx = (idx0, idx1, idx2)
        rows = (rows0, rows1, rows2)
        g = (g0, g1, g2)
        w = (w0, w1, w2)
        wid = lax.axis_index("s") * 2 + lax.axis_index("c")

        def fetch(c, b):
            for j in range(kc):
                pltpu.sync_copy(nbr_hbm.at[pl.ds(c * ch + j * 128, 128)],
                                idx[b].at[j])
            for j in range(kc):
                pltpu.async_copy(
                    table_hbm.at[idx[b].at[j]],
                    rows[b].at[pl.ds(j * 128, 128)], g[b])

        def fetch_wait(b):
            for j in range(kc):
                pltpu.make_async_copy(
                    table_hbm.at[idx[b].at[j]],
                    rows[b].at[pl.ds(j * 128, 128)], g[b]).wait()

        def wb_start(c, b):
            pltpu.async_copy(rows[b], out_hbm.at[pl.ds(c * ch, ch)], w[b])

        def wb_wait(c, b):
            pltpu.make_async_copy(
                rows[b], out_hbm.at[pl.ds(c * ch, ch)], w[b]).wait()

        def body(ss, carry):
            base = ss * nb * nw + wid
            for b in range(nb):
                c = base + b * nw
                cp = c - nw
                cw = c - nb * nw

                @pl.when(jnp.logical_and(cw >= 0, cw < nch))
                def _(cw=cw, b=b):
                    wb_wait(cw, b)

                @pl.when(c < nch)
                def _(c=c, b=b):
                    fetch(c, b)

                @pl.when(jnp.logical_and(cp >= 0, cp < nch))
                def _(cp=cp, b=b):
                    pb = (b - 1) % nb
                    fetch_wait(pb)
                    wb_start(cp, pb)

            return carry

        lax.fori_loop(0, n_ss + 1, body, 0)

    return gather


def kernel(x, neighbors, max_iter):
    n = x.shape[0]
    e = neighbors.shape[0]

    xn = pl.pallas_call(
        _normalize_body,
        out_shape=jax.ShapeDtypeStruct((n + PAD, D), jnp.float32),
    )(x)

    n_chunks = 5
    cn = n // n_chunks
    ce = cn * M
    blk = 400
    grid = cn // blk
    mi = jnp.reshape(jnp.asarray(max_iter, jnp.int32), (1,))
    gather = _make_gather(n + PAD, ce, 2)

    zs = []
    for i in range(n_chunks):
        nbr_i = lax.slice_in_dim(neighbors, i * ce, (i + 1) * ce)
        zs.append(gather(xn, nbr_i))

    outs = []
    for i in range(n_chunks):
        base = i * grid
        u_i = pl.pallas_call(
            _routing_body,
            grid=(grid,),
            in_specs=[
                pl.BlockSpec(memory_space=pltpu.SMEM),
                pl.BlockSpec((blk * M, D), lambda j: (j, 0)),
                pl.BlockSpec((blk, D), lambda j, base=base: (base + j, 0)),
            ],
            out_specs=pl.BlockSpec((blk, D), lambda j: (j, 0)),
            out_shape=jax.ShapeDtypeStruct((cn, D), jnp.float32),
        )(mi, zs[i], xn)
        outs.append(u_i)
    return jnp.concatenate(outs, axis=0)

# --- scband reference (transcript-rebuilt; emitter-appended) ---
"""Pipeline reference for scband-kdr-4449586119506 (READ-ONLY COPY).

The authoritative reference and input builder live on the scoring server;
editing this copy changes nothing except your own understanding.
"""

import jax, jax.numpy as jnp
import numpy as np


def _normalize(x, axis):
    # matches torch.nn.functional.normalize(p=2, eps=1e-12)
    nrm = jnp.linalg.norm(x, ord=2, axis=axis, keepdims=True)
    return x / jnp.maximum(nrm, 1e-12)


def setup_inputs(seed: int = 0) -> dict:
    key = jax.random.key(seed)
    n, d = 10000, 128
    m = 32
    x = jax.random.normal(jax.random.fold_in(key, 0), (n, d), dtype=jnp.float32)
    # neighbor index values in [0, n]; index n points at the zero padding row
    neighbors = jax.random.randint(jax.random.fold_in(key, 1), (n * m,), 0, n + 1, dtype=jnp.int32)
    return {"x": x, "neighbors": neighbors, "max_iter": 3}


def reference(x, neighbors, max_iter):
    d, k = 128, 8
    delta_d = d // k
    n = x.shape[0]
    m = neighbors.shape[0] // n
    x = _normalize(x.reshape(n, k, delta_d), axis=2).reshape(n, d)
    z = jnp.concatenate([x, jnp.zeros((1, d), dtype=x.dtype)], axis=0)
    z = jnp.take(z, neighbors, axis=0).reshape(n, m, k, delta_d)

    def body(clus_iter, u):
        un = _normalize(u, axis=2)
        p = jnp.sum(z * un.reshape(n, 1, k, delta_d), axis=3)
        p = jax.nn.softmax(p, axis=2)
        u = jnp.sum(z * p.reshape(n, m, k, 1), axis=1)
        u = u + x.reshape(n, k, delta_d)
        return u

    u0 = jnp.zeros((n, k, delta_d), dtype=x.dtype)
    u = jax.lax.fori_loop(0, max_iter, body, u0)
    return u.reshape(n, d)

if __name__ == "__main__":
    import jax
    _d = setup_inputs()
    print(jax.jit(kernel)(*tuple(_d.values())))

</pallas_src>

<mosaic_0001>
#map = affine_map<(d0, d1) -> (0, 0)>
#map1 = affine_map<(d0, d1) -> (0)>
module attributes {stable_mosaic.version = 14 : i64} {
  func.func @gather(%arg0: i32, %arg1: i32, %arg2: memref<10008x128xf32, #tpu.memory_space<hbm>>, %arg3: memref<64000xi32, #tpu.memory_space<hbm>>, %arg4: memref<64000x128xf32, #tpu.memory_space<hbm>>, %arg5: memref<2x128xi32, #tpu.memory_space<vmem>>, %arg6: memref<2x128xi32, #tpu.memory_space<vmem>>, %arg7: memref<2x128xi32, #tpu.memory_space<vmem>>, %arg8: memref<256x128xf32, #tpu.memory_space<vmem>>, %arg9: memref<256x128xf32, #tpu.memory_space<vmem>>, %arg10: memref<256x128xf32, #tpu.memory_space<vmem>>, %arg11: memref<!tpu.dma_semaphore, #tpu.memory_space<semaphore_mem>>, %arg12: memref<!tpu.dma_semaphore, #tpu.memory_space<semaphore_mem>>, %arg13: memref<!tpu.dma_semaphore, #tpu.memory_space<semaphore_mem>>, %arg14: memref<!tpu.dma_semaphore, #tpu.memory_space<semaphore_mem>>, %arg15: memref<!tpu.dma_semaphore, #tpu.memory_space<semaphore_mem>>, %arg16: memref<!tpu.dma_semaphore, #tpu.memory_space<semaphore_mem>>) attributes {dimension_semantics = [#tpu.dimension_semantics<core_parallel>, #tpu.dimension_semantics<subcore_parallel>], iteration_bounds = array<i64: 2, 16>, scalar_prefetch = 0 : i64, scratch_operands = 12 : i64, tpu.core_type = #tpu.core_type<sc_vector_subcore>, window_params = [{transform_indices = #map}, {transform_indices = #map1}, {transform_indices = #map}]} {
    %mul3A = arith.constant 2 : i32
    %mul3A_0 = arith.muli %arg1, %mul3A : i32
    %add3A = arith.addi %mul3A_0, %arg0 : i32
    %scan3A = arith.constant 0 : i32
    %scan3A_1 = arith.constant 0 : i32
    %scan3A_2 = arith.constant 4 : i32
    %scan3A_3 = arith.addi %scan3A_1, %scan3A_2 : i32
    %scan3A_4 = arith.constant 1 : i32
    scf.for %scan3A_6 = %scan3A_1 to %scan3A_3 step %scan3A_4  : i32 {
      %mul3A_7 = arith.constant 3 : i32
      %mul3A_8 = arith.muli %scan3A_6, %mul3A_7 : i32
      %mul3A_9 = arith.constant 32 : i32
      %mul3A_10 = arith.muli %mul3A_8, %mul3A_9 : i32
      %add3A_11 = arith.addi %mul3A_10, %add3A : i32
      %add3A_12 = arith.constant 0 : i32
      %add3A_13 = arith.addi %add3A_11, %add3A_12 : i32
      %sub3A = arith.constant 32 : i32
      %sub3A_14 = arith.subi %add3A_13, %sub3A : i32
      %sub3A_15 = arith.constant 96 : i32
      %sub3A_16 = arith.subi %add3A_13, %sub3A_15 : i32
      %ge3A = arith.constant 0 : i32
      %ge3A_17 = arith.cmpi sge, %sub3A_16, %ge3A : i32
      %lt3A = arith.constant 250 : i32
      %lt3A_18 = arith.cmpi slt, %sub3A_16, %lt3A : i32
      %and3A = arith.andi %ge3A_17, %lt3A_18 : i1
      %convert_element_type3A = arith.extui %and3A : i1 to i32
      %cond3A = arith.constant 0 : i32
      %cond3A_19 = arith.cmpi ne, %convert_element_type3A, %cond3A : i32
      scf.if %cond3A_19 {
        %mul3A_87 = arith.constant 256 : i32
        %mul3A_88 = arith.muli %sub3A_16, %mul3A_87 : i32
        %dma_wait3A = arith.constant 0 : i32
        %dma_wait3A_89 = tpu.memref_slice %arg4[%mul3A_88, %dma_wait3A] : memref<64000x128xf32, #tpu.memory_space<hbm>> -> memref<256x128xf32, #tpu.memory_space<hbm>>
        %dma_wait3A_90 = arith.constant 0 : i32
        %dma_wait3A_91 = tpu.memref_slice %arg4[%mul3A_88, %dma_wait3A_90] : memref<64000x128xf32, #tpu.memory_space<hbm>> -> memref<256x128xf32, #tpu.memory_space<hbm>>
        tpu.wait_dma2 semaphore(%arg14 : memref<!tpu.dma_semaphore, #tpu.memory_space<semaphore_mem>>) src(%arg8 : memref<256x128xf32, #tpu.memory_space<vmem>>) dst(%dma_wait3A_91 : memref<256x128xf32, #tpu.memory_space<hbm>>)
      } else {
      }
      %lt3A_20 = arith.constant 250 : i32
      %lt3A_21 = arith.cmpi slt, %add3A_13, %lt3A_20 : i32
      %convert_element_type3A_22 = arith.extui %lt3A_21 : i1 to i32
      %cond3A_23 = arith.constant 0 : i32
      %cond3A_24 = arith.cmpi ne, %convert_element_type3A_22, %cond3A_23 : i32
      scf.if %cond3A_24 {
        %mul3A_87 = arith.constant 256 : i32
        %mul3A_88 = arith.muli %add3A_13, %mul3A_87 : i32
        %add3A_89 = arith.constant 0 : i32
        %add3A_90 = arith.addi %mul3A_88, %add3A_89 : i32
        %run_scoped3A = arith.constant 0 : i32
        "tpu.region"() ({
          %run_scoped3A_115 = tpu.sem_alloc : memref<!tpu.dma_semaphore, #tpu.memory_space<semaphore_mem>>
          %dma_start3A_116 = arith.constant 0 : i32
          %dma_start3A_117 = tpu.memref_slice %arg5[%run_scoped3A, %dma_start3A_116] : memref<2x128xi32, #tpu.memory_space<vmem>> -> memref<1x128xi32, #tpu.memory_space<vmem>>
          %dma_start3A_118 = tpu.memref_squeeze %dma_start3A_117 : memref<1x128xi32, #tpu.memory_space<vmem>> -> memref<128xi32, #tpu.memory_space<vmem>>
          %dma_start3A_119 = tpu.memref_slice %arg3[%add3A_90] : memref<64000xi32, #tpu.memory_space<hbm>> -> memref<128xi32, #tpu.memory_space<hbm>>
          %dma_start3A_120 = arith.constant 0 : i32
          %dma_start3A_121 = tpu.memref_slice %arg5[%run_scoped3A, %dma_start3A_120] : memref<2x128xi32, #tpu.memory_space<vmem>> -> memref<1x128xi32, #tpu.memory_space<vmem>>
          %dma_start3A_122 = tpu.memref_squeeze %dma_start3A_121 : memref<1x128xi32, #tpu.memory_space<vmem>> -> memref<128xi32, #tpu.memory_space<vmem>>
          %dma_start3A_123 = tpu.memref_slice %arg3[%add3A_90] : memref<64000xi32, #tpu.memory_space<hbm>> -> memref<128xi32, #tpu.memory_space<hbm>>
          tpu.enqueue_dma source(%dma_start3A_123 : memref<128xi32, #tpu.memory_space<hbm>>) target(%dma_start3A_122 : memref<128xi32, #tpu.memory_space<vmem>>) target_semaphore(%run_scoped3A_115 : memref<!tpu.dma_semaphore, #tpu.memory_space<semaphore_mem>>)
          %dma_wait3A = arith.constant 0 : i32
          %dma_wait3A_124 = tpu.memref_slice %arg5[%run_scoped3A, %dma_wait3A] : memref<2x128xi32, #tpu.memory_space<vmem>> -> memref<1x128xi32, #tpu.memory_space<vmem>>
          %dma_wait3A_125 = tpu.memref_squeeze %dma_wait3A_124 : memref<1x128xi32, #tpu.memory_space<vmem>> -> memref<128xi32, #tpu.memory_space<vmem>>
          %dma_wait3A_126 = tpu.memref_slice %arg3[%add3A_90] : memref<64000xi32, #tpu.memory_space<hbm>> -> memref<128xi32, #tpu.memory_space<hbm>>
          %dma_wait3A_127 = arith.constant 0 : i32
          %dma_wait3A_128 = tpu.memref_slice %arg5[%run_scoped3A, %dma_wait3A_127] : memref<2x128xi32, #tpu.memory_space<vmem>> -> memref<1x128xi32, #tpu.memory_space<vmem>>
          %dma_wait3A_129 = tpu.memref_squeeze %dma_wait3A_128 : memref<1x128xi32, #tpu.memory_space<vmem>> -> memref<128xi32, #tpu.memory_space<vmem>>
          %dma_wait3A_130 = tpu.memref_slice %arg3[%add3A_90] : memref<64000xi32, #tpu.memory_space<hbm>> -> memref<128xi32, #tpu.memory_space<hbm>>
          tpu.wait_dma2 semaphore(%run_scoped3A_115 : memref<!tpu.dma_semaphore, #tpu.memory_space<semaphore_mem>>) src(%dma_wait3A_130 : memref<128xi32, #tpu.memory_space<hbm>>) dst(%dma_wait3A_129 : memref<128xi32, #tpu.memory_space<vmem>>)
          tpu.yield
        }) : () -> ()
        %mul3A_91 = arith.constant 256 : i32
        %mul3A_92 = arith.muli %add3A_13, %mul3A_91 : i32
        %add3A_93 = arith.constant 128 : i32
        %add3A_94 = arith.addi %mul3A_92, %add3A_93 : i32
        %run_scoped3A_95 = arith.constant 1 : i32
        "tpu.region"() ({
          %run_scoped3A_115 = tpu.sem_alloc : memref<!tpu.dma_semaphore, #tpu.memory_space<semaphore_mem>>
          %dma_start3A_116 = arith.constant 0 : i32
          %dma_start3A_117 = tpu.memref_slice %arg5[%run_scoped3A_95, %dma_start3A_116] : memref<2x128xi32, #tpu.memory_space<vmem>> -> memref<1x128xi32, #tpu.memory_space<vmem>>
          %dma_start3A_118 = tpu.memref_squeeze %dma_start3A_117 : memref<1x128xi32, #tpu.memory_space<vmem>> -> memref<128xi32, #tpu.memory_space<vmem>>
          %dma_start3A_119 = tpu.memref_slice %arg3[%add3A_94] : memref<64000xi32, #tpu.memory_space<hbm>> -> memref<128xi32, #tpu.memory_space<hbm>>
          %dma_start3A_120 = arith.constant 0 : i32
          %dma_start3A_121 = tpu.memref_slice %arg5[%run_scoped3A_95, %dma_start3A_120] : memref<2x128xi32, #tpu.memory_space<vmem>> -> memref<1x128xi32, #tpu.memory_space<vmem>>
          %dma_start3A_122 = tpu.memref_squeeze %dma_start3A_121 : memref<1x128xi32, #tpu.memory_space<vmem>> -> memref<128xi32, #tpu.memory_space<vmem>>
          %dma_start3A_123 = tpu.memref_slice %arg3[%add3A_94] : memref<64000xi32, #tpu.memory_space<hbm>> -> memref<128xi32, #tpu.memory_space<hbm>>
          tpu.enqueue_dma source(%dma_start3A_123 : memref<128xi32, #tpu.memory_space<hbm>>) target(%dma_start3A_122 : memref<128xi32, #tpu.memory_space<vmem>>) target_semaphore(%run_scoped3A_115 : memref<!tpu.dma_semaphore, #tpu.memory_space<semaphore_mem>>)
          %dma_wait3A = arith.constant 0 : i32
          %dma_wait3A_124 = tpu.memref_slice %arg5[%run_scoped3A_95, %dma_wait3A] : memref<2x128xi32, #tpu.memory_space<vmem>> -> memref<1x128xi32, #tpu.memory_space<vmem>>
          %dma_wait3A_125 = tpu.memref_squeeze %dma_wait3A_124 : memref<1x128xi32, #tpu.memory_space<vmem>> -> memref<128xi32, #tpu.memory_space<vmem>>
          %dma_wait3A_126 = tpu.memref_slice %arg3[%add3A_94] : memref<64000xi32, #tpu.memory_space<hbm>> -> memref<128xi32, #tpu.memory_space<hbm>>
          %dma_wait3A_127 = arith.constant 0 : i32
          %dma_wait3A_128 = tpu.memref_slice %arg5[%run_scoped3A_95, %dma_wait3A_127] : memref<2x128xi32, #tpu.memory_space<vmem>> -> memref<1x128xi32, #tpu.memory_space<vmem>>
          %dma_wait3A_129 = tpu.memref_squeeze %dma_wait3A_128 : memref<1x128xi32, #tpu.memory_space<vmem>> -> memref<128xi32, #tpu.memory_space<vmem>>
          %dma_wait3A_130 = tpu.memref_slice %arg3[%add3A_94] : memref<64000xi32, #tpu.memory_space<hbm>> -> memref<128xi32, #tpu.memory_space<hbm>>
          tpu.wait_dma2 semaphore(%run_scoped3A_115 : memref<!tpu.dma_semaphore, #tpu.memory_space<semaphore_mem>>) src(%dma_wait3A_130 : memref<128xi32, #tpu.memory_space<hbm>>) dst(%dma_wait3A_129 : memref<128xi32, #tpu.memory_space<vmem>>)
          tpu.yield
        }) : () -> ()
        %dma_start3A = arith.constant 0 : i32
        %dma_start3A_96 = arith.constant 0 : i32
        %dma_start3A_97 = arith.constant 0 : i32
        %dma_start3A_98 = tpu.memref_slice %arg8[%dma_start3A_96, %dma_start3A_97] : memref<256x128xf32, #tpu.memory_space<vmem>> -> memref<128x128xf32, #tpu.memory_space<vmem>>
        %dma_start3A_99 = arith.constant 0 : i32
        %dma_start3A_100 = tpu.memref_slice %arg5[%dma_start3A, %dma_start3A_99] : memref<2x128xi32, #tpu.memory_space<vmem>> -> memref<1x128xi32, #tpu.memory_space<vmem>>
        %dma_start3A_101 = tpu.memref_squeeze %dma_start3A_100 : memref<1x128xi32, #tpu.memory_space<vmem>> -> memref<128xi32, #tpu.memory_space<vmem>>
        %dma_start3A_102 = arith.constant 0 : i32
        %dma_start3A_103 = arith.constant 0 : i32
        %dma_start3A_104 = tpu.memref_slice %arg2[%dma_start3A_102, %dma_start3A_103] : memref<10008x128xf32, #tpu.memory_space<hbm>> -> memref<10008x128xf32, #tpu.memory_space<hbm>>
        tpu.enqueue_indirect_dma source(%dma_start3A_104 : memref<10008x128xf32, #tpu.memory_space<hbm>>) target(%dma_start3A_98 : memref<128x128xf32, #tpu.memory_space<vmem>>) offsets(%dma_start3A_101 : memref<128xi32, #tpu.memory_space<vmem>>) semaphore(%arg11 : memref<!tpu.dma_semaphore, #tpu.memory_space<semaphore_mem>>)
        %dma_start3A_105 = arith.constant 1 : i32
        %dma_start3A_106 = arith.constant 128 : i32
        %dma_start3A_107 = arith.constant 0 : i32
        %dma_start3A_108 = tpu.memref_slice %arg8[%dma_start3A_106, %dma_start3A_107] : memref<256x128xf32, #tpu.memory_space<vmem>> -> memref<128x128xf32, #tpu.memory_space<vmem>>
        %dma_start3A_109 = arith.constant 0 : i32
        %dma_start3A_110 = tpu.memref_slice %arg5[%dma_start3A_105, %dma_start3A_109] : memref<2x128xi32, #tpu.memory_space<vmem>> -> memref<1x128xi32, #tpu.memory_space<vmem>>
        %dma_start3A_111 = tpu.memref_squeeze %dma_start3A_110 : memref<1x128xi32, #tpu.memory_space<vmem>> -> memref<128xi32, #tpu.memory_space<vmem>>
        %dma_start3A_112 = arith.constant 0 : i32
        %dma_start3A_113 = arith.constant 0 : i32
        %dma_start3A_114 = tpu.memref_slice %arg2[%dma_start3A_112, %dma_start3A_113] : memref<10008x128xf32, #tpu.memory_space<hbm>> -> memref<10008x128xf32, #tpu.memory_space<hbm>>
        tpu.enqueue_indirect_dma source(%dma_start3A_114 : memref<10008x128xf32, #tpu.memory_space<hbm>>) target(%dma_start3A_108 : memref<128x128xf32, #tpu.memory_space<vmem>>) offsets(%dma_start3A_111 : memref<128xi32, #tpu.memory_space<vmem>>) semaphore(%arg11 : memref<!tpu.dma_semaphore, #tpu.memory_space<semaphore_mem>>)
      } else {
      }
      %ge3A_25 = arith.constant 0 : i32
      %ge3A_26 = arith.cmpi sge, %sub3A_14, %ge3A_25 : i32
      %lt3A_27 = arith.constant 250 : i32
      %lt3A_28 = arith.cmpi slt, %sub3A_14, %lt3A_27 : i32
      %and3A_29 = arith.andi %ge3A_26, %lt3A_28 : i1
      %convert_element_type3A_30 = arith.extui %and3A_29 : i1 to i32
      %cond3A_31 = arith.constant 0 : i32
      %cond3A_32 = arith.cmpi ne, %convert_element_type3A_30, %cond3A_31 : i32
      scf.if %cond3A_32 {
        %dma_wait3A = arith.constant 0 : i32
        %dma_wait3A_87 = arith.constant 0 : i32
        %dma_wait3A_88 = arith.constant 0 : i32
        %dma_wait3A_89 = tpu.memref_slice %arg10[%dma_wait3A_87, %dma_wait3A_88] : memref<256x128xf32, #tpu.memory_space<vmem>> -> memref<128x128xf32, #tpu.memory_space<vmem>>
        %dma_wait3A_90 = arith.constant 0 : i32
        %dma_wait3A_91 = tpu.memref_slice %arg7[%dma_wait3A, %dma_wait3A_90] : memref<2x128xi32, #tpu.memory_space<vmem>> -> memref<1x128xi32, #tpu.memory_space<vmem>>
        %dma_wait3A_92 = tpu.memref_squeeze %dma_wait3A_91 : memref<1x128xi32, #tpu.memory_space<vmem>> -> memref<128xi32, #tpu.memory_space<vmem>>
        %dma_wait3A_93 = arith.constant 0 : i32
        %dma_wait3A_94 = arith.constant 0 : i32
        %dma_wait3A_95 = tpu.memref_slice %arg2[%dma_wait3A_93, %dma_wait3A_94] : memref<10008x128xf32, #tpu.memory_space<hbm>> -> memref<10008x128xf32, #tpu.memory_space<hbm>>
        tpu.wait_indirect_dma semaphore(%arg13 : memref<!tpu.dma_semaphore, #tpu.memory_space<semaphore_mem>>) src(%dma_wait3A_95 : memref<10008x128xf32, #tpu.memory_space<hbm>>) dst(%dma_wait3A_89 : memref<128x128xf32, #tpu.memory_space<vmem>>)
        %dma_wait3A_96 = arith.constant 1 : i32
        %dma_wait3A_97 = arith.constant 128 : i32
        %dma_wait3A_98 = arith.constant 0 : i32
        %dma_wait3A_99 = tpu.memref_slice %arg10[%dma_wait3A_97, %dma_wait3A_98] : memref<256x128xf32, #tpu.memory_space<vmem>> -> memref<128x128xf32, #tpu.memory_space<vmem>>
        %dma_wait3A_100 = arith.constant 0 : i32
        %dma_wait3A_101 = tpu.memref_slice %arg7[%dma_wait3A_96, %dma_wait3A_100] : memref<2x128xi32, #tpu.memory_space<vmem>> -> memref<1x128xi32, #tpu.memory_space<vmem>>
        %dma_wait3A_102 = tpu.memref_squeeze %dma_wait3A_101 : memref<1x128xi32, #tpu.memory_space<vmem>> -> memref<128xi32, #tpu.memory_space<vmem>>
        %dma_wait3A_103 = arith.constant 0 : i32
        %dma_wait3A_104 = arith.constant 0 : i32
        %dma_wait3A_105 = tpu.memref_slice %arg2[%dma_wait3A_103, %dma_wait3A_104] : memref<10008x128xf32, #tpu.memory_space<hbm>> -> memref<10008x128xf32, #tpu.memory_space<hbm>>
        tpu.wait_indirect_dma semaphore(%arg13 : memref<!tpu.dma_semaphore, #tpu.memory_space<semaphore_mem>>) src(%dma_wait3A_105 : memref<10008x128xf32, #tpu.memory_space<hbm>>) dst(%dma_wait3A_99 : memref<128x128xf32, #tpu.memory_space<vmem>>)
        %mul3A_106 = arith.constant 256 : i32
        %mul3A_107 = arith.muli %sub3A_14, %mul3A_106 : i32
        %dma_start3A = arith.constant 0 : i32
        %dma_start3A_108 = tpu.memref_slice %arg4[%mul3A_107, %dma_start3A] : memref<64000x128xf32, #tpu.memory_space<hbm>> -> memref<256x128xf32, #tpu.memory_space<hbm>>
        %dma_start3A_109 = arith.constant 0 : i32
        %dma_start3A_110 = tpu.memref_slice %arg4[%mul3A_107, %dma_start3A_109] : memref<64000x128xf32, #tpu.memory_space<hbm>> -> memref<256x128xf32, #tpu.memory_space<hbm>>
        tpu.enqueue_dma source(%arg10 : memref<256x128xf32, #tpu.memory_space<vmem>>) target(%dma_start3A_110 : memref<256x128xf32, #tpu.memory_space<hbm>>) target_semaphore(%arg16 : memref<!tpu.dma_semaphore, #tpu.memory_space<semaphore_mem>>)
      } else {
      }
      %add3A_33 = arith.constant 32 : i32
      %add3A_34 = arith.addi %add3A_11, %add3A_33 : i32
      %sub3A_35 = arith.constant 32 : i32
      %sub3A_36 = arith.subi %add3A_34, %sub3A_35 : i32
      %sub3A_37 = arith.constant 96 : i32
      %sub3A_38 = arith.subi %add3A_34, %sub3A_37 : i32
      %ge3A_39 = arith.constant 0 : i32
      %ge3A_40 = arith.cmpi sge, %sub3A_38, %ge3A_39 : i32
      %lt3A_41 = arith.constant 250 : i32
      %lt3A_42 = arith.cmpi slt, %sub3A_38, %lt3A_41 : i32
      %and3A_43 = arith.andi %ge3A_40, %lt3A_42 : i1
      %convert_element_type3A_44 = arith.extui %and3A_43 : i1 to i32
      %cond3A_45 = arith.constant 0 : i32
      %cond3A_46 = arith.cmpi ne, %convert_element_type3A_44, %cond3A_45 : i32
      scf.if %cond3A_46 {
        %mul3A_87 = arith.constant 256 : i32
        %mul3A_88 = arith.muli %sub3A_38, %mul3A_87 : i32
        %dma_wait3A = arith.constant 0 : i32
        %dma_wait3A_89 = tpu.memref_slice %arg4[%mul3A_88, %dma_wait3A] : memref<64000x128xf32, #tpu.memory_space<hbm>> -> memref<256x128xf32, #tpu.memory_space<hbm>>
        %dma_wait3A_90 = arith.constant 0 : i32
        %dma_wait3A_91 = tpu.memref_slice %arg4[%mul3A_88, %dma_wait3A_90] : memref<64000x128xf32, #tpu.memory_space<hbm>> -> memref<256x128xf32, #tpu.memory_space<hbm>>
        tpu.wait_dma2 semaphore(%arg15 : memref<!tpu.dma_semaphore, #tpu.memory_space<semaphore_mem>>) src(%arg9 : memref<256x128xf32, #tpu.memory_space<vmem>>) dst(%dma_wait3A_91 : memref<256x128xf32, #tpu.memory_space<hbm>>)
      } else {
      }
      %lt3A_47 = arith.constant 250 : i32
      %lt3A_48 = arith.cmpi slt, %add3A_34, %lt3A_47 : i32
      %convert_element_type3A_49 = arith.extui %lt3A_48 : i1 to i32
      %cond3A_50 = arith.constant 0 : i32
      %cond3A_51 = arith.cmpi ne, %convert_element_type3A_49, %cond3A_50 : i32
      scf.if %cond3A_51 {
        %mul3A_87 = arith.constant 256 : i32
        %mul3A_88 = arith.muli %add3A_34, %mul3A_87 : i32
        %add3A_89 = arith.constant 0 : i32
        %add3A_90 = arith.addi %mul3A_88, %add3A_89 : i32
        %run_scoped3A = arith.constant 0 : i32
        "tpu.region"() ({
          %run_scoped3A_115 = tpu.sem_alloc : memref<!tpu.dma_semaphore, #tpu.memory_space<semaphore_mem>>
          %dma_start3A_116 = arith.constant 0 : i32
          %dma_start3A_117 = tpu.memref_slice %arg6[%run_scoped3A, %dma_start3A_116] : memref<2x128xi32, #tpu.memory_space<vmem>> -> memref<1x128xi32, #tpu.memory_space<vmem>>
          %dma_start3A_118 = tpu.memref_squeeze %dma_start3A_117 : memref<1x128xi32, #tpu.memory_space<vmem>> -> memref<128xi32, #tpu.memory_space<vmem>>
          %dma_start3A_119 = tpu.memref_slice %arg3[%add3A_90] : memref<64000xi32, #tpu.memory_space<hbm>> -> memref<128xi32, #tpu.memory_space<hbm>>
          %dma_start3A_120 = arith.constant 0 : i32
          %dma_start3A_121 = tpu.memref_slice %arg6[%run_scoped3A, %dma_start3A_120] : memref<2x128xi32, #tpu.memory_space<vmem>> -> memref<1x128xi32, #tpu.memory_space<vmem>>
          %dma_start3A_122 = tpu.memref_squeeze %dma_start3A_121 : memref<1x128xi32, #tpu.memory_space<vmem>> -> memref<128xi32, #tpu.memory_space<vmem>>
          %dma_start3A_123 = tpu.memref_slice %arg3[%add3A_90] : memref<64000xi32, #tpu.memory_space<hbm>> -> memref<128xi32, #tpu.memory_space<hbm>>
          tpu.enqueue_dma source(%dma_start3A_123 : memref<128xi32, #tpu.memory_space<hbm>>) target(%dma_start3A_122 : memref<128xi32, #tpu.memory_space<vmem>>) target_semaphore(%run_scoped3A_115 : memref<!tpu.dma_semaphore, #tpu.memory_space<semaphore_mem>>)
          %dma_wait3A = arith.constant 0 : i32
          %dma_wait3A_124 = tpu.memref_slice %arg6[%run_scoped3A, %dma_wait3A] : memref<2x128xi32, #tpu.memory_space<vmem>> -> memref<1x128xi32, #tpu.memory_space<vmem>>
          %dma_wait3A_125 = tpu.memref_squeeze %dma_wait3A_124 : memref<1x128xi32, #tpu.memory_space<vmem>> -> memref<128xi32, #tpu.memory_space<vmem>>
          %dma_wait3A_126 = tpu.memref_slice %arg3[%add3A_90] : memref<64000xi32, #tpu.memory_space<hbm>> -> memref<128xi32, #tpu.memory_space<hbm>>
          %dma_wait3A_127 = arith.constant 0 : i32
          %dma_wait3A_128 = tpu.memref_slice %arg6[%run_scoped3A, %dma_wait3A_127] : memref<2x128xi32, #tpu.memory_space<vmem>> -> memref<1x128xi32, #tpu.memory_space<vmem>>
          %dma_wait3A_129 = tpu.memref_squeeze %dma_wait3A_128 : memref<1x128xi32, #tpu.memory_space<vmem>> -> memref<128xi32, #tpu.memory_space<vmem>>
          %dma_wait3A_130 = tpu.memref_slice %arg3[%add3A_90] : memref<64000xi32, #tpu.memory_space<hbm>> -> memref<128xi32, #tpu.memory_space<hbm>>
          tpu.wait_dma2 semaphore(%run_scoped3A_115 : memref<!tpu.dma_semaphore, #tpu.memory_space<semaphore_mem>>) src(%dma_wait3A_130 : memref<128xi32, #tpu.memory_space<hbm>>) dst(%dma_wait3A_129 : memref<128xi32, #tpu.memory_space<vmem>>)
          tpu.yield
        }) : () -> ()
        %mul3A_91 = arith.constant 256 : i32
        %mul3A_92 = arith.muli %add3A_34, %mul3A_91 : i32
        %add3A_93 = arith.constant 128 : i32
        %add3A_94 = arith.addi %mul3A_92, %add3A_93 : i32
        %run_scoped3A_95 = arith.constant 1 : i32
        "tpu.region"() ({
          %run_scoped3A_115 = tpu.sem_alloc : memref<!tpu.dma_semaphore, #tpu.memory_space<semaphore_mem>>
          %dma_start3A_116 = arith.constant 0 : i32
          %dma_start3A_117 = tpu.memref_slice %arg6[%run_scoped3A_95, %dma_start3A_116] : memref<2x128xi32, #tpu.memory_space<vmem>> -> memref<1x128xi32, #tpu.memory_space<vmem>>
          %dma_start3A_118 = tpu.memref_squeeze %dma_start3A_117 : memref<1x128xi32, #tpu.memory_space<vmem>> -> memref<128xi32, #tpu.memory_space<vmem>>
          %dma_start3A_119 = tpu.memref_slice %arg3[%add3A_94] : memref<64000xi32, #tpu.memory_space<hbm>> -> memref<128xi32, #tpu.memory_space<hbm>>
          %dma_start3A_120 = arith.constant 0 : i32
          %dma_start3A_121 = tpu.memref_slice %arg6[%run_scoped3A_95, %dma_start3A_120] : memref<2x128xi32, #tpu.memory_space<vmem>> -> memref<1x128xi32, #tpu.memory_space<vmem>>
          %dma_start3A_122 = tpu.memref_squeeze %dma_start3A_121 : memref<1x128xi32, #tpu.memory_space<vmem>> -> memref<128xi32, #tpu.memory_space<vmem>>
          %dma_start3A_123 = tpu.memref_slice %arg3[%add3A_94] : memref<64000xi32, #tpu.memory_space<hbm>> -> memref<128xi32, #tpu.memory_space<hbm>>
          tpu.enqueue_dma source(%dma_start3A_123 : memref<128xi32, #tpu.memory_space<hbm>>) target(%dma_start3A_122 : memref<128xi32, #tpu.memory_space<vmem>>) target_semaphore(%run_scoped3A_115 : memref<!tpu.dma_semaphore, #tpu.memory_space<semaphore_mem>>)
          %dma_wait3A = arith.constant 0 : i32
          %dma_wait3A_124 = tpu.memref_slice %arg6[%run_scoped3A_95, %dma_wait3A] : memref<2x128xi32, #tpu.memory_space<vmem>> -> memref<1x128xi32, #tpu.memory_space<vmem>>
          %dma_wait3A_125 = tpu.memref_squeeze %dma_wait3A_124 : memref<1x128xi32, #tpu.memory_space<vmem>> -> memref<128xi32, #tpu.memory_space<vmem>>
          %dma_wait3A_126 = tpu.memref_slice %arg3[%add3A_94] : memref<64000xi32, #tpu.memory_space<hbm>> -> memref<128xi32, #tpu.memory_space<hbm>>
          %dma_wait3A_127 = arith.constant 0 : i32
          %dma_wait3A_128 = tpu.memref_slice %arg6[%run_scoped3A_95, %dma_wait3A_127] : memref<2x128xi32, #tpu.memory_space<vmem>> -> memref<1x128xi32, #tpu.memory_space<vmem>>
          %dma_wait3A_129 = tpu.memref_squeeze %dma_wait3A_128 : memref<1x128xi32, #tpu.memory_space<vmem>> -> memref<128xi32, #tpu.memory_space<vmem>>
          %dma_wait3A_130 = tpu.memref_slice %arg3[%add3A_94] : memref<64000xi32, #tpu.memory_space<hbm>> -> memref<128xi32, #tpu.memory_space<hbm>>
          tpu.wait_dma2 semaphore(%run_scoped3A_115 : memref<!tpu.dma_semaphore, #tpu.memory_space<semaphore_mem>>) src(%dma_wait3A_130 : memref<128xi32, #tpu.memory_space<hbm>>) dst(%dma_wait3A_129 : memref<128xi32, #tpu.memory_space<vmem>>)
          tpu.yield
        }) : () -> ()
        %dma_start3A = arith.constant 0 : i32
        %dma_start3A_96 = arith.constant 0 : i32
        %dma_start3A_97 = arith.constant 0 : i32
        %dma_start3A_98 = tpu.memref_slice %arg9[%dma_start3A_96, %dma_start3A_97] : memref<256x128xf32, #tpu.memory_space<vmem>> -> memref<128x128xf32, #tpu.memory_space<vmem>>
        %dma_start3A_99 = arith.constant 0 : i32
        %dma_start3A_100 = tpu.memref_slice %arg6[%dma_start3A, %dma_start3A_99] : memref<2x128xi32, #tpu.memory_space<vmem>> -> memref<1x128xi32, #tpu.memory_space<vmem>>
        %dma_start3A_101 = tpu.memref_squeeze %dma_start3A_100 : memref<1x128xi32, #tpu.memory_space<vmem>> -> memref<128xi32, #tpu.memory_space<vmem>>
        %dma_start3A_102 = arith.constant 0 : i32
        %dma_start3A_103 = arith.constant 0 : i32
        %dma_start3A_104 = tpu.memref_slice %arg2[%dma_start3A_102, %dma_start3A_103] : memref<10008x128xf32, #tpu.memory_space<hbm>> -> memref<10008x128xf32, #tpu.memory_space<hbm>>
        tpu.enqueue_indirect_dma source(%dma_start3A_104 : memref<10008x128xf32, #tpu.memory_space<hbm>>) target(%dma_start3A_98 : memref<128x128xf32, #tpu.memory_space<vmem>>) offsets(%dma_start3A_101 : memref<128xi32, #tpu.memory_space<vmem>>) semaphore(%arg12 : memref<!tpu.dma_semaphore, #tpu.memory_space<semaphore_mem>>)
        %dma_start3A_105 = arith.constant 1 : i32
        %dma_start3A_106 = arith.constant 128 : i32
        %dma_start3A_107 = arith.constant 0 : i32
        %dma_start3A_108 = tpu.memref_slice %arg9[%dma_start3A_106, %dma_start3A_107] : memref<256x128xf32, #tpu.memory_space<vmem>> -> memref<128x128xf32, #tpu.memory_space<vmem>>
        %dma_start3A_109 = arith.constant 0 : i32
        %dma_start3A_110 = tpu.memref_slice %arg6[%dma_start3A_105, %dma_start3A_109] : memref<2x128xi32, #tpu.memory_space<vmem>> -> memref<1x128xi32, #tpu.memory_space<vmem>>
        %dma_start3A_111 = tpu.memref_squeeze %dma_start3A_110 : memref<1x128xi32, #tpu.memory_space<vmem>> -> memref<128xi32, #tpu.memory_space<vmem>>
        %dma_start3A_112 = arith.constant 0 : i32
        %dma_start3A_113 = arith.constant 0 : i32
        %dma_start3A_114 = tpu.memref_slice %arg2[%dma_start3A_112, %dma_start3A_113] : memref<10008x128xf32, #tpu.memory_space<hbm>> -> memref<10008x128xf32, #tpu.memory_space<hbm>>
        tpu.enqueue_indirect_dma source(%dma_start3A_114 : memref<10008x128xf32, #tpu.memory_space<hbm>>) target(%dma_start3A_108 : memref<128x128xf32, #tpu.memory_space<vmem>>) offsets(%dma_start3A_111 : memref<128xi32, #tpu.memory_space<vmem>>) semaphore(%arg12 : memref<!tpu.dma_semaphore, #tpu.memory_space<semaphore_mem>>)
      } else {
      }
      %ge3A_52 = arith.constant 0 : i32
      %ge3A_53 = arith.cmpi sge, %sub3A_36, %ge3A_52 : i32
      %lt3A_54 = arith.constant 250 : i32
      %lt3A_55 = arith.cmpi slt, %sub3A_36, %lt3A_54 : i32
      %and3A_56 = arith.andi %ge3A_53, %lt3A_55 : i1
      %convert_element_type3A_57 = arith.extui %and3A_56 : i1 to i32
      %cond3A_58 = arith.constant 0 : i32
      %cond3A_59 = arith.cmpi ne, %convert_element_type3A_57, %cond3A_58 : i32
      scf.if %cond3A_59 {
        %dma_wait3A = arith.constant 0 : i32
        %dma_wait3A_87 = arith.constant 0 : i32
        %dma_wait3A_88 = arith.constant 0 : i32
        %dma_wait3A_89 = tpu.memref_slice %arg8[%dma_wait3A_87, %dma_wait3A_88] : memref<256x128xf32, #tpu.memory_space<vmem>> -> memref<128x128xf32, #tpu.memory_space<vmem>>
        %dma_wait3A_90 = arith.constant 0 : i32
        %dma_wait3A_91 = tpu.memref_slice %arg5[%dma_wait3A, %dma_wait3A_90] : memref<2x128xi32, #tpu.memory_space<vmem>> -> memref<1x128xi32, #tpu.memory_space<vmem>>
        %dma_wait3A_92 = tpu.memref_squeeze %dma_wait3A_91 : memref<1x128xi32, #tpu.memory_space<vmem>> -> memref<128xi32, #tpu.memory_space<vmem>>
        %dma_wait3A_93 = arith.constant 0 : i32
        %dma_wait3A_94 = arith.constant 0 : i32
        %dma_wait3A_95 = tpu.memref_slice %arg2[%dma_wait3A_93, %dma_wait3A_94] : memref<10008x128xf32, #tpu.memory_space<hbm>> -> memref<10008x128xf32, #tpu.memory_space<hbm>>
        tpu.wait_indirect_dma semaphore(%arg11 : memref<!tpu.dma_semaphore, #tpu.memory_space<semaphore_mem>>) src(%dma_wait3A_95 : memref<10008x128xf32, #tpu.memory_space<hbm>>) dst(%dma_wait3A_89 : memref<128x128xf32, #tpu.memory_space<vmem>>)
        %dma_wait3A_96 = arith.constant 1 : i32
        %dma_wait3A_97 = arith.constant 128 : i32
        %dma_wait3A_98 = arith.constant 0 : i32
        %dma_wait3A_99 = tpu.memref_slice %arg8[%dma_wait3A_97, %dma_wait3A_98] : memref<256x128xf32, #tpu.memory_space<vmem>> -> memref<128x128xf32, #tpu.memory_space<vmem>>
        %dma_wait3A_100 = arith.constant 0 : i32
        %dma_wait3A_101 = tpu.memref_slice %arg5[%dma_wait3A_96, %dma_wait3A_100] : memref<2x128xi32, #tpu.memory_space<vmem>> -> memref<1x128xi32, #tpu.memory_space<vmem>>
        %dma_wait3A_102 = tpu.memref_squeeze %dma_wait3A_101 : memref<1x128xi32, #tpu.memory_space<vmem>> -> memref<128xi32, #tpu.memory_space<vmem>>
        %dma_wait3A_103 = arith.constant 0 : i32
        %dma_wait3A_104 = arith.constant 0 : i32
        %dma_wait3A_105 = tpu.memref_slice %arg2[%dma_wait3A_103, %dma_wait3A_104] : memref<10008x128xf32, #tpu.memory_space<hbm>> -> memref<10008x128xf32, #tpu.memory_space<hbm>>
        tpu.wait_indirect_dma semaphore(%arg11 : memref<!tpu.dma_semaphore, #tpu.memory_space<semaphore_mem>>) src(%dma_wait3A_105 : memref<10008x128xf32, #tpu.memory_space<hbm>>) dst(%dma_wait3A_99 : memref<128x128xf32, #tpu.memory_space<vmem>>)
        %mul3A_106 = arith.constant 256 : i32
        %mul3A_107 = arith.muli %sub3A_36, %mul3A_106 : i32
        %dma_start3A = arith.constant 0 : i32
        %dma_start3A_108 = tpu.memref_slice %arg4[%mul3A_107, %dma_start3A] : memref<64000x128xf32, #tpu.memory_space<hbm>> -> memref<256x128xf32, #tpu.memory_space<hbm>>
        %dma_start3A_109 = arith.constant 0 : i32
        %dma_start3A_110 = tpu.memref_slice %arg4[%mul3A_107, %dma_start3A_109] : memref<64000x128xf32, #tpu.memory_space<hbm>> -> memref<256x128xf32, #tpu.memory_space<hbm>>
        tpu.enqueue_dma source(%arg8 : memref<256x128xf32, #tpu.memory_space<vmem>>) target(%dma_start3A_110 : memref<256x128xf32, #tpu.memory_space<hbm>>) target_semaphore(%arg14 : memref<!tpu.dma_semaphore, #tpu.memory_space<semaphore_mem>>)
      } else {
      }
      %add3A_60 = arith.constant 64 : i32
      %add3A_61 = arith.addi %add3A_11, %add3A_60 : i32
      %sub3A_62 = arith.constant 32 : i32
      %sub3A_63 = arith.subi %add3A_61, %sub3A_62 : i32
      %sub3A_64 = arith.constant 96 : i32
      %sub3A_65 = arith.subi %add3A_61, %sub3A_64 : i32
      %ge3A_66 = arith.constant 0 : i32
      %ge3A_67 = arith.cmpi sge, %sub3A_65, %ge3A_66 : i32
      %lt3A_68 = arith.constant 250 : i32
      %lt3A_69 = arith.cmpi slt, %sub3A_65, %lt3A_68 : i32
      %and3A_70 = arith.andi %ge3A_67, %lt3A_69 : i1
      %convert_element_type3A_71 = arith.extui %and3A_70 : i1 to i32
      %cond3A_72 = arith.constant 0 : i32
      %cond3A_73 = arith.cmpi ne, %convert_element_type3A_71, %cond3A_72 : i32
      scf.if %cond3A_73 {
        %mul3A_87 = arith.constant 256 : i32
        %mul3A_88 = arith.muli %sub3A_65, %mul3A_87 : i32
        %dma_wait3A = arith.constant 0 : i32
        %dma_wait3A_89 = tpu.memref_slice %arg4[%mul3A_88, %dma_wait3A] : memref<64000x128xf32, #tpu.memory_space<hbm>> -> memref<256x128xf32, #tpu.memory_space<hbm>>
        %dma_wait3A_90 = arith.constant 0 : i32
        %dma_wait3A_91 = tpu.memref_slice %arg4[%mul3A_88, %dma_wait3A_90] : memref<64000x128xf32, #tpu.memory_space<hbm>> -> memref<256x128xf32, #tpu.memory_space<hbm>>
        tpu.wait_dma2 semaphore(%arg16 : memref<!tpu.dma_semaphore, #tpu.memory_space<semaphore_mem>>) src(%arg10 : memref<256x128xf32, #tpu.memory_space<vmem>>) dst(%dma_wait3A_91 : memref<256x128xf32, #tpu.memory_space<hbm>>)
      } else {
      }
      %lt3A_74 = arith.constant 250 : i32
      %lt3A_75 = arith.cmpi slt, %add3A_61, %lt3A_74 : i32
      %convert_element_type3A_76 = arith.extui %lt3A_75 : i1 to i32
      %cond3A_77 = arith.constant 0 : i32
      %cond3A_78 = arith.cmpi ne, %convert_element_type3A_76, %cond3A_77 : i32
      scf.if %cond3A_78 {
        %mul3A_87 = arith.constant 256 : i32
        %mul3A_88 = arith.muli %add3A_61, %mul3A_87 : i32
        %add3A_89 = arith.constant 0 : i32
        %add3A_90 = arith.addi %mul3A_88, %add3A_89 : i32
        %run_scoped3A = arith.constant 0 : i32
        "tpu.region"() ({
          %run_scoped3A_115 = tpu.sem_alloc : memref<!tpu.dma_semaphore, #tpu.memory_space<semaphore_mem>>
          %dma_start3A_116 = arith.constant 0 : i32
          %dma_start3A_117 = tpu.memref_slice %arg7[%run_scoped3A, %dma_start3A_116] : memref<2x128xi32, #tpu.memory_space<vmem>> -> memref<1x128xi32, #tpu.memory_space<vmem>>
          %dma_start3A_118 = tpu.memref_squeeze %dma_start3A_117 : memref<1x128xi32, #tpu.memory_space<vmem>> -> memref<128xi32, #tpu.memory_space<vmem>>
          %dma_start3A_119 = tpu.memref_slice %arg3[%add3A_90] : memref<64000xi32, #tpu.memory_space<hbm>> -> memref<128xi32, #tpu.memory_space<hbm>>
          %dma_start3A_120 = arith.constant 0 : i32
          %dma_start3A_121 = tpu.memref_slice %arg7[%run_scoped3A, %dma_start3A_120] : memref<2x128xi32, #tpu.memory_space<vmem>> -> memref<1x128xi32, #tpu.memory_space<vmem>>
          %dma_start3A_122 = tpu.memref_squeeze %dma_start3A_121 : memref<1x128xi32, #tpu.memory_space<vmem>> -> memref<128xi32, #tpu.memory_space<vmem>>
          %dma_start3A_123 = tpu.memref_slice %arg3[%add3A_90] : memref<64000xi32, #tpu.memory_space<hbm>> -> memref<128xi32, #tpu.memory_space<hbm>>
          tpu.enqueue_dma source(%dma_start3A_123 : memref<128xi32, #tpu.memory_space<hbm>>) target(%dma_start3A_122 : memref<128xi32, #tpu.memory_space<vmem>>) target_semaphore(%run_scoped3A_115 : memref<!tpu.dma_semaphore, #tpu.memory_space<semaphore_mem>>)
          %dma_wait3A = arith.constant 0 : i32
          %dma_wait3A_124 = tpu.memref_slice %arg7[%run_scoped3A, %dma_wait3A] : memref<2x128xi32, #tpu.memory_space<vmem>> -> memref<1x128xi32, #tpu.memory_space<vmem>>
          %dma_wait3A_125 = tpu.memref_squeeze %dma_wait3A_124 : memref<1x128xi32, #tpu.memory_space<vmem>> -> memref<128xi32, #tpu.memory_space<vmem>>
          %dma_wait3A_126 = tpu.memref_slice %arg3[%add3A_90] : memref<64000xi32, #tpu.memory_space<hbm>> -> memref<128xi32, #tpu.memory_space<hbm>>
          %dma_wait3A_127 = arith.constant 0 : i32
          %dma_wait3A_128 = tpu.memref_slice %arg7[%run_scoped3A, %dma_wait3A_127] : memref<2x128xi32, #tpu.memory_space<vmem>> -> memref<1x128xi32, #tpu.memory_space<vmem>>
          %dma_wait3A_129 = tpu.memref_squeeze %dma_wait3A_128 : memref<1x128xi32, #tpu.memory_space<vmem>> -> memref<128xi32, #tpu.memory_space<vmem>>
          %dma_wait3A_130 = tpu.memref_slice %arg3[%add3A_90] : memref<64000xi32, #tpu.memory_space<hbm>> -> memref<128xi32, #tpu.memory_space<hbm>>
          tpu.wait_dma2 semaphore(%run_scoped3A_115 : memref<!tpu.dma_semaphore, #tpu.memory_space<semaphore_mem>>) src(%dma_wait3A_130 : memref<128xi32, #tpu.memory_space<hbm>>) dst(%dma_wait3A_129 : memref<128xi32, #tpu.memory_space<vmem>>)
          tpu.yield
        }) : () -> ()
        %mul3A_91 = arith.constant 256 : i32
        %mul3A_92 = arith.muli %add3A_61, %mul3A_91 : i32
        %add3A_93 = arith.constant 128 : i32
        %add3A_94 = arith.addi %mul3A_92, %add3A_93 : i32
        %run_scoped3A_95 = arith.constant 1 : i32
        "tpu.region"() ({
          %run_scoped3A_115 = tpu.sem_alloc : memref<!tpu.dma_semaphore, #tpu.memory_space<semaphore_mem>>
          %dma_start3A_116 = arith.constant 0 : i32
          %dma_start3A_117 = tpu.memref_slice %arg7[%run_scoped3A_95, %dma_start3A_116] : memref<2x128xi32, #tpu.memory_space<vmem>> -> memref<1x128xi32, #tpu.memory_space<vmem>>
          %dma_start3A_118 = tpu.memref_squeeze %dma_start3A_117 : memref<1x128xi32, #tpu.memory_space<vmem>> -> memref<128xi32, #tpu.memory_space<vmem>>
          %dma_start3A_119 = tpu.memref_slice %arg3[%add3A_94] : memref<64000xi32, #tpu.memory_space<hbm>> -> memref<128xi32, #tpu.memory_space<hbm>>
          %dma_start3A_120 = arith.constant 0 : i32
          %dma_start3A_121 = tpu.memref_slice %arg7[%run_scoped3A_95, %dma_start3A_120] : memref<2x128xi32, #tpu.memory_space<vmem>> -> memref<1x128xi32, #tpu.memory_space<vmem>>
          %dma_start3A_122 = tpu.memref_squeeze %dma_start3A_121 : memref<1x128xi32, #tpu.memory_space<vmem>> -> memref<128xi32, #tpu.memory_space<vmem>>
          %dma_start3A_123 = tpu.memref_slice %arg3[%add3A_94] : memref<64000xi32, #tpu.memory_space<hbm>> -> memref<128xi32, #tpu.memory_space<hbm>>
          tpu.enqueue_dma source(%dma_start3A_123 : memref<128xi32, #tpu.memory_space<hbm>>) target(%dma_start3A_122 : memref<128xi32, #tpu.memory_space<vmem>>) target_semaphore(%run_scoped3A_115 : memref<!tpu.dma_semaphore, #tpu.memory_space<semaphore_mem>>)
          %dma_wait3A = arith.constant 0 : i32
          %dma_wait3A_124 = tpu.memref_slice %arg7[%run_scoped3A_95, %dma_wait3A] : memref<2x128xi32, #tpu.memory_space<vmem>> -> memref<1x128xi32, #tpu.memory_space<vmem>>
          %dma_wait3A_125 = tpu.memref_squeeze %dma_wait3A_124 : memref<1x128xi32, #tpu.memory_space<vmem>> -> memref<128xi32, #tpu.memory_space<vmem>>
          %dma_wait3A_126 = tpu.memref_slice %arg3[%add3A_94] : memref<64000xi32, #tpu.memory_space<hbm>> -> memref<128xi32, #tpu.memory_space<hbm>>
          %dma_wait3A_127 = arith.constant 0 : i32
          %dma_wait3A_128 = tpu.memref_slice %arg7[%run_scoped3A_95, %dma_wait3A_127] : memref<2x128xi32, #tpu.memory_space<vmem>> -> memref<1x128xi32, #tpu.memory_space<vmem>>
          %dma_wait3A_129 = tpu.memref_squeeze %dma_wait3A_128 : memref<1x128xi32, #tpu.memory_space<vmem>> -> memref<128xi32, #tpu.memory_space<vmem>>
          %dma_wait3A_130 = tpu.memref_slice %arg3[%add3A_94] : memref<64000xi32, #tpu.memory_space<hbm>> -> memref<128xi32, #tpu.memory_space<hbm>>
          tpu.wait_dma2 semaphore(%run_scoped3A_115 : memref<!tpu.dma_semaphore, #tpu.memory_space<semaphore_mem>>) src(%dma_wait3A_130 : memref<128xi32, #tpu.memory_space<hbm>>) dst(%dma_wait3A_129 : memref<128xi32, #tpu.memory_space<vmem>>)
          tpu.yield
        }) : () -> ()
        %dma_start3A = arith.constant 0 : i32
        %dma_start3A_96 = arith.constant 0 : i32
        %dma_start3A_97 = arith.constant 0 : i32
        %dma_start3A_98 = tpu.memref_slice %arg10[%dma_start3A_96, %dma_start3A_97] : memref<256x128xf32, #tpu.memory_space<vmem>> -> memref<128x128xf32, #tpu.memory_space<vmem>>
        %dma_start3A_99 = arith.constant 0 : i32
        %dma_start3A_100 = tpu.memref_slice %arg7[%dma_start3A, %dma_start3A_99] : memref<2x128xi32, #tpu.memory_space<vmem>> -> memref<1x128xi32, #tpu.memory_space<vmem>>
        %dma_start3A_101 = tpu.memref_squeeze %dma_start3A_100 : memref<1x128xi32, #tpu.memory_space<vmem>> -> memref<128xi32, #tpu.memory_space<vmem>>
        %dma_start3A_102 = arith.constant 0 : i32
        %dma_start3A_103 = arith.constant 0 : i32
        %dma_start3A_104 = tpu.memref_slice %arg2[%dma_start3A_102, %dma_start3A_103] : memref<10008x128xf32, #tpu.memory_space<hbm>> -> memref<10008x128xf32, #tpu.memory_space<hbm>>
        tpu.enqueue_indirect_dma source(%dma_start3A_104 : memref<10008x128xf32, #tpu.memory_space<hbm>>) target(%dma_start3A_98 : memref<128x128xf32, #tpu.memory_space<vmem>>) offsets(%dma_start3A_101 : memref<128xi32, #tpu.memory_space<vmem>>) semaphore(%arg13 : memref<!tpu.dma_semaphore, #tpu.memory_space<semaphore_mem>>)
        %dma_start3A_105 = arith.constant 1 : i32
        %dma_start3A_106 = arith.constant 128 : i32
        %dma_start3A_107 = arith.constant 0 : i32
        %dma_start3A_108 = tpu.memref_slice %arg10[%dma_start3A_106, %dma_start3A_107] : memref<256x128xf32, #tpu.memory_space<vmem>> -> memref<128x128xf32, #tpu.memory_space<vmem>>
        %dma_start3A_109 = arith.constant 0 : i32
        %dma_start3A_110 = tpu.memref_slice %arg7[%dma_start3A_105, %dma_start3A_109] : memref<2x128xi32, #tpu.memory_space<vmem>> -> memref<1x128xi32, #tpu.memory_space<vmem>>
        %dma_start3A_111 = tpu.memref_squeeze %dma_start3A_110 : memref<1x128xi32, #tpu.memory_space<vmem>> -> memref<128xi32, #tpu.memory_space<vmem>>
        %dma_start3A_112 = arith.constant 0 : i32
        %dma_start3A_113 = arith.constant 0 : i32
        %dma_start3A_114 = tpu.memref_slice %arg2[%dma_start3A_112, %dma_start3A_113] : memref<10008x128xf32, #tpu.memory_space<hbm>> -> memref<10008x128xf32, #tpu.memory_space<hbm>>
        tpu.enqueue_indirect_dma source(%dma_start3A_114 : memref<10008x128xf32, #tpu.memory_space<hbm>>) target(%dma_start3A_108 : memref<128x128xf32, #tpu.memory_space<vmem>>) offsets(%dma_start3A_111 : memref<128xi32, #tpu.memory_space<vmem>>) semaphore(%arg13 : memref<!tpu.dma_semaphore, #tpu.memory_space<semaphore_mem>>)
      } else {
      }
      %ge3A_79 = arith.constant 0 : i32
      %ge3A_80 = arith.cmpi sge, %sub3A_63, %ge3A_79 : i32
      %lt3A_81 = arith.constant 250 : i32
      %lt3A_82 = arith.cmpi slt, %sub3A_63, %lt3A_81 : i32
      %and3A_83 = arith.andi %ge3A_80, %lt3A_82 : i1
      %convert_element_type3A_84 = arith.extui %and3A_83 : i1 to i32
      %cond3A_85 = arith.constant 0 : i32
      %cond3A_86 = arith.cmpi ne, %convert_element_type3A_84, %cond3A_85 : i32
      scf.if %cond3A_86 {
        %dma_wait3A = arith.constant 0 : i32
        %dma_wait3A_87 = arith.constant 0 : i32
        %dma_wait3A_88 = arith.constant 0 : i32
        %dma_wait3A_89 = tpu.memref_slice %arg9[%dma_wait3A_87, %dma_wait3A_88] : memref<256x128xf32, #tpu.memory_space<vmem>> -> memref<128x128xf32, #tpu.memory_space<vmem>>
        %dma_wait3A_90 = arith.constant 0 : i32
        %dma_wait3A_91 = tpu.memref_slice %arg6[%dma_wait3A, %dma_wait3A_90] : memref<2x128xi32, #tpu.memory_space<vmem>> -> memref<1x128xi32, #tpu.memory_space<vmem>>
        %dma_wait3A_92 = tpu.memref_squeeze %dma_wait3A_91 : memref<1x128xi32, #tpu.memory_space<vmem>> -> memref<128xi32, #tpu.memory_space<vmem>>
        %dma_wait3A_93 = arith.constant 0 : i32
        %dma_wait3A_94 = arith.constant 0 : i32
        %dma_wait3A_95 = tpu.memref_slice %arg2[%dma_wait3A_93, %dma_wait3A_94] : memref<10008x128xf32, #tpu.memory_space<hbm>> -> memref<10008x128xf32, #tpu.memory_space<hbm>>
        tpu.wait_indirect_dma semaphore(%arg12 : memref<!tpu.dma_semaphore, #tpu.memory_space<semaphore_mem>>) src(%dma_wait3A_95 : memref<10008x128xf32, #tpu.memory_space<hbm>>) dst(%dma_wait3A_89 : memref<128x128xf32, #tpu.memory_space<vmem>>)
        %dma_wait3A_96 = arith.constant 1 : i32
        %dma_wait3A_97 = arith.constant 128 : i32
        %dma_wait3A_98 = arith.constant 0 : i32
        %dma_wait3A_99 = tpu.memref_slice %arg9[%dma_wait3A_97, %dma_wait3A_98] : memref<256x128xf32, #tpu.memory_space<vmem>> -> memref<128x128xf32, #tpu.memory_space<vmem>>
        %dma_wait3A_100 = arith.constant 0 : i32
        %dma_wait3A_101 = tpu.memref_slice %arg6[%dma_wait3A_96, %dma_wait3A_100] : memref<2x128xi32, #tpu.memory_space<vmem>> -> memref<1x128xi32, #tpu.memory_space<vmem>>
        %dma_wait3A_102 = tpu.memref_squeeze %dma_wait3A_101 : memref<1x128xi32, #tpu.memory_space<vmem>> -> memref<128xi32, #tpu.memory_space<vmem>>
        %dma_wait3A_103 = arith.constant 0 : i32
        %dma_wait3A_104 = arith.constant 0 : i32
        %dma_wait3A_105 = tpu.memref_slice %arg2[%dma_wait3A_103, %dma_wait3A_104] : memref<10008x128xf32, #tpu.memory_space<hbm>> -> memref<10008x128xf32, #tpu.memory_space<hbm>>
        tpu.wait_indirect_dma semaphore(%arg12 : memref<!tpu.dma_semaphore, #tpu.memory_space<semaphore_mem>>) src(%dma_wait3A_105 : memref<10008x128xf32, #tpu.memory_space<hbm>>) dst(%dma_wait3A_99 : memref<128x128xf32, #tpu.memory_space<vmem>>)
        %mul3A_106 = arith.constant 256 : i32
        %mul3A_107 = arith.muli %sub3A_63, %mul3A_106 : i32
        %dma_start3A = arith.constant 0 : i32
        %dma_start3A_108 = tpu.memref_slice %arg4[%mul3A_107, %dma_start3A] : memref<64000x128xf32, #tpu.memory_space<hbm>> -> memref<256x128xf32, #tpu.memory_space<hbm>>
        %dma_start3A_109 = arith.constant 0 : i32
        %dma_start3A_110 = tpu.memref_slice %arg4[%mul3A_107, %dma_start3A_109] : memref<64000x128xf32, #tpu.memory_space<hbm>> -> memref<256x128xf32, #tpu.memory_space<hbm>>
        tpu.enqueue_dma source(%arg9 : memref<256x128xf32, #tpu.memory_space<vmem>>) target(%dma_start3A_110 : memref<256x128xf32, #tpu.memory_space<hbm>>) target_semaphore(%arg15 : memref<!tpu.dma_semaphore, #tpu.memory_space<semaphore_mem>>)
      } else {
      }
    }
    %scan3A_5 = arith.constant 4 : i32
    return
  }
}

#map = affine_map<(d0, d1) -> (0, 0)>
#map1 = affine_map<(d0, d1) -> (0)>
module attributes {stable_mosaic.version = 14 : i64} {
  func.func @gather(%arg0: i32, %arg1: i32, %arg2: memref<10008x128xf32, #tpu.memory_space<hbm>>, %arg3: memref<64000xi32, #tpu.memory_space<hbm>>, %arg4: memref<64000x128xf32, #tpu.memory_space<hbm>>, %arg5: memref<2x128xi32, #tpu.memory_space<vmem>>, %arg6: memref<2x128xi32, #tpu.memory_space<vmem>>, %arg7: memref<2x128xi32, #tpu.memory_space<vmem>>, %arg8: memref<256x128xf32, #tpu.memory_space<vmem>>, %arg9: memref<256x128xf32, #tpu.memory_space<vmem>>, %arg10: memref<256x128xf32, #tpu.memory_space<vmem>>, %arg11: memref<!tpu.dma_semaphore, #tpu.memory_space<semaphore_mem>>, %arg12: memref<!tpu.dma_semaphore, #tpu.memory_space<semaphore_mem>>, %arg13: memref<!tpu.dma_semaphore, #tpu.memory_space<semaphore_mem>>, %arg14: memref<!tpu.dma_semaphore, #tpu.memory_space<semaphore_mem>>, %arg15: memref<!tpu.dma_semaphore, #tpu.memory_space<semaphore_mem>>, %arg16: memref<!tpu.dma_semaphore, #tpu.memory_space<semaphore_mem>>) attributes {dimension_semantics = [#tpu.dimension_semantics<core_parallel>, #tpu.dimension_semantics<subcore_parallel>], iteration_bounds = array<i64: 2, 16>, scalar_prefetch = 0 : i64, scratch_operands = 12 : i64, tpu.core_type = #tpu.core_type<sc_vector_subcore>, window_params = [{transform_indices = #map}, {transform_indices = #map1}, {transform_indices = #map}]} {
    %mul3A = arith.constant 2 : i32
    %mul3A_0 = arith.muli %arg1, %mul3A : i32
    %add3A = arith.addi %mul3A_0, %arg0 : i32
    %scan3A = arith.constant 0 : i32
    %scan3A_1 = arith.constant 0 : i32
    %scan3A_2 = arith.constant 4 : i32
    %scan3A_3 = arith.addi %scan3A_1, %scan3A_2 : i32
    %scan3A_4 = arith.constant 1 : i32
    scf.for %scan3A_6 = %scan3A_1 to %scan3A_3 step %scan3A_4  : i32 {
      %mul3A_7 = arith.constant 3 : i32
      %mul3A_8 = arith.muli %scan3A_6, %mul3A_7 : i32
      %mul3A_9 = arith.constant 32 : i32
      %mul3A_10 = arith.muli %mul3A_8, %mul3A_9 : i32
      %add3A_11 = arith.addi %mul3A_10, %add3A : i32
      %add3A_12 = arith.constant 0 : i32
      %add3A_13 = arith.addi %add3A_11, %add3A_12 : i32
      %sub3A = arith.constant 32 : i32
      %sub3A_14 = arith.subi %add3A_13, %sub3A : i32
      %sub3A_15 = arith.constant 96 : i32
      %sub3A_16 = arith.subi %add3A_13, %sub3A_15 : i32
      %ge3A = arith.constant 0 : i32
      %ge3A_17 = arith.cmpi sge, %sub3A_16, %ge3A : i32
      %lt3A = arith.constant 250 : i32
      %lt3A_18 = arith.cmpi slt, %sub3A_16, %lt3A : i32
      %and3A = arith.andi %ge3A_17, %lt3A_18 : i1
      %convert_element_type3A = arith.extui %and3A : i1 to i32
      %cond3A = arith.constant 0 : i32
      %cond3A_19 = arith.cmpi ne, %convert_element_type3A, %cond3A : i32
      scf.if %cond3A_19 {
        %mul3A_87 = arith.constant 256 : i32
        %mul3A_88 = arith.muli %sub3A_16, %mul3A_87 : i32
        %dma_wait3A = arith.constant 0 : i32
        %dma_wait3A_89 = tpu.memref_slice %arg4[%mul3A_88, %dma_wait3A] : memref<64000x128xf32, #tpu.memory_space<hbm>> -> memref<256x128xf32, #tpu.memory_space<hbm>>
        %dma_wait3A_90 = arith.constant 0 : i32
        %dma_wait3A_91 = tpu.memref_slice %arg4[%mul3A_88, %dma_wait3A_90] : memref<64000x128xf32, #tpu.memory_space<hbm>> -> memref<256x128xf32, #tpu.memory_space<hbm>>
        tpu.wait_dma2 semaphore(%arg14 : memref<!tpu.dma_semaphore, #tpu.memory_space<semaphore_mem>>) src(%arg8 : memref<256x128xf32, #tpu.memory_space<vmem>>) dst(%dma_wait3A_91 : memref<256x128xf32, #tpu.memory_space<hbm>>)
      } else {
      }
      %lt3A_20 = arith.constant 250 : i32
      %lt3A_21 = arith.cmpi slt, %add3A_13, %lt3A_20 : i32
      %convert_element_type3A_22 = arith.extui %lt3A_21 : i1 to i32
      %cond3A_23 = arith.constant 0 : i32
      %cond3A_24 = arith.cmpi ne, %convert_element_type3A_22, %cond3A_23 : i32
      scf.if %cond3A_24 {
        %mul3A_87 = arith.constant 256 : i32
        %mul3A_88 = arith.muli %add3A_13, %mul3A_87 : i32
        %add3A_89 = arith.constant 0 : i32
        %add3A_90 = arith.addi %mul3A_88, %add3A_89 : i32
        %run_scoped3A = arith.constant 0 : i32
        "tpu.region"() ({
          %run_scoped3A_115 = tpu.sem_alloc : memref<!tpu.dma_semaphore, #tpu.memory_space<semaphore_mem>>
          %dma_start3A_116 = arith.constant 0 : i32
          %dma_start3A_117 = tpu.memref_slice %arg5[%run_scoped3A, %dma_start3A_116] : memref<2x128xi32, #tpu.memory_space<vmem>> -> memref<1x128xi32, #tpu.memory_space<vmem>>
          %dma_start3A_118 = tpu.memref_squeeze %dma_start3A_117 : memref<1x128xi32, #tpu.memory_space<vmem>> -> memref<128xi32, #tpu.memory_space<vmem>>
          %dma_start3A_119 = tpu.memref_slice %arg3[%add3A_90] : memref<64000xi32, #tpu.memory_space<hbm>> -> memref<128xi32, #tpu.memory_space<hbm>>
          %dma_start3A_120 = arith.constant 0 : i32
          %dma_start3A_121 = tpu.memref_slice %arg5[%run_scoped3A, %dma_start3A_120] : memref<2x128xi32, #tpu.memory_space<vmem>> -> memref<1x128xi32, #tpu.memory_space<vmem>>
          %dma_start3A_122 = tpu.memref_squeeze %dma_start3A_121 : memref<1x128xi32, #tpu.memory_space<vmem>> -> memref<128xi32, #tpu.memory_space<vmem>>
          %dma_start3A_123 = tpu.memref_slice %arg3[%add3A_90] : memref<64000xi32, #tpu.memory_space<hbm>> -> memref<128xi32, #tpu.memory_space<hbm>>
          tpu.enqueue_dma source(%dma_start3A_123 : memref<128xi32, #tpu.memory_space<hbm>>) target(%dma_start3A_122 : memref<128xi32, #tpu.memory_space<vmem>>) target_semaphore(%run_scoped3A_115 : memref<!tpu.dma_semaphore, #tpu.memory_space<semaphore_mem>>)
          %dma_wait3A = arith.constant 0 : i32
          %dma_wait3A_124 = tpu.memref_slice %arg5[%run_scoped3A, %dma_wait3A] : memref<2x128xi32, #tpu.memory_space<vmem>> -> memref<1x128xi32, #tpu.memory_space<vmem>>
          %dma_wait3A_125 = tpu.memref_squeeze %dma_wait3A_124 : memref<1x128xi32, #tpu.memory_space<vmem>> -> memref<128xi32, #tpu.memory_space<vmem>>
          %dma_wait3A_126 = tpu.memref_slice %arg3[%add3A_90] : memref<64000xi32, #tpu.memory_space<hbm>> -> memref<128xi32, #tpu.memory_space<hbm>>
          %dma_wait3A_127 = arith.constant 0 : i32
          %dma_wait3A_128 = tpu.memref_slice %arg5[%run_scoped3A, %dma_wait3A_127] : memref<2x128xi32, #tpu.memory_space<vmem>> -> memref<1x128xi32, #tpu.memory_space<vmem>>
          %dma_wait3A_129 = tpu.memref_squeeze %dma_wait3A_128 : memref<1x128xi32, #tpu.memory_space<vmem>> -> memref<128xi32, #tpu.memory_space<vmem>>
          %dma_wait3A_130 = tpu.memref_slice %arg3[%add3A_90] : memref<64000xi32, #tpu.memory_space<hbm>> -> memref<128xi32, #tpu.memory_space<hbm>>
          tpu.wait_dma2 semaphore(%run_scoped3A_115 : memref<!tpu.dma_semaphore, #tpu.memory_space<semaphore_mem>>) src(%dma_wait3A_130 : memref<128xi32, #tpu.memory_space<hbm>>) dst(%dma_wait3A_129 : memref<128xi32, #tpu.memory_space<vmem>>)
          tpu.yield
        }) : () -> ()
        %mul3A_91 = arith.constant 256 : i32
        %mul3A_92 = arith.muli %add3A_13, %mul3A_91 : i32
        %add3A_93 = arith.constant 128 : i32
        %add3A_94 = arith.addi %mul3A_92, %add3A_93 : i32
        %run_scoped3A_95 = arith.constant 1 : i32
        "tpu.region"() ({
          %run_scoped3A_115 = tpu.sem_alloc : memref<!tpu.dma_semaphore, #tpu.memory_space<semaphore_mem>>
          %dma_start3A_116 = arith.constant 0 : i32
          %dma_start3A_117 = tpu.memref_slice %arg5[%run_scoped3A_95, %dma_start3A_116] : memref<2x128xi32, #tpu.memory_space<vmem>> -> memref<1x128xi32, #tpu.memory_space<vmem>>
          %dma_start3A_118 = tpu.memref_squeeze %dma_start3A_117 : memref<1x128xi32, #tpu.memory_space<vmem>> -> memref<128xi32, #tpu.memory_space<vmem>>
          %dma_start3A_119 = tpu.memref_slice %arg3[%add3A_94] : memref<64000xi32, #tpu.memory_space<hbm>> -> memref<128xi32, #tpu.memory_space<hbm>>
          %dma_start3A_120 = arith.constant 0 : i32
          %dma_start3A_121 = tpu.memref_slice %arg5[%run_scoped3A_95, %dma_start3A_120] : memref<2x128xi32, #tpu.memory_space<vmem>> -> memref<1x128xi32, #tpu.memory_space<vmem>>
          %dma_start3A_122 = tpu.memref_squeeze %dma_start3A_121 : memref<1x128xi32, #tpu.memory_space<vmem>> -> memref<128xi32, #tpu.memory_space<vmem>>
          %dma_start3A_123 = tpu.memref_slice %arg3[%add3A_94] : memref<64000xi32, #tpu.memory_space<hbm>> -> memref<128xi32, #tpu.memory_space<hbm>>
          tpu.enqueue_dma source(%dma_start3A_123 : memref<128xi32, #tpu.memory_space<hbm>>) target(%dma_start3A_122 : memref<128xi32, #tpu.memory_space<vmem>>) target_semaphore(%run_scoped3A_115 : memref<!tpu.dma_semaphore, #tpu.memory_space<semaphore_mem>>)
          %dma_wait3A = arith.constant 0 : i32
          %dma_wait3A_124 = tpu.memref_slice %arg5[%run_scoped3A_95, %dma_wait3A] : memref<2x128xi32, #tpu.memory_space<vmem>> -> memref<1x128xi32, #tpu.memory_space<vmem>>
          %dma_wait3A_125 = tpu.memref_squeeze %dma_wait3A_124 : memref<1x128xi32, #tpu.memory_space<vmem>> -> memref<128xi32, #tpu.memory_space<vmem>>
          %dma_wait3A_126 = tpu.memref_slice %arg3[%add3A_94] : memref<64000xi32, #tpu.memory_space<hbm>> -> memref<128xi32, #tpu.memory_space<hbm>>
          %dma_wait3A_127 = arith.constant 0 : i32
          %dma_wait3A_128 = tpu.memref_slice %arg5[%run_scoped3A_95, %dma_wait3A_127] : memref<2x128xi32, #tpu.memory_space<vmem>> -> memref<1x128xi32, #tpu.memory_space<vmem>>
          %dma_wait3A_129 = tpu.memref_squeeze %dma_wait3A_128 : memref<1x128xi32, #tpu.memory_space<vmem>> -> memref<128xi32, #tpu.memory_space<vmem>>
          %dma_wait3A_130 = tpu.memref_slice %arg3[%add3A_94] : memref<64000xi32, #tpu.memory_space<hbm>> -> memref<128xi32, #tpu.memory_space<hbm>>
          tpu.wait_dma2 semaphore(%run_scoped3A_115 : memref<!tpu.dma_semaphore, #tpu.memory_space<semaphore_mem>>) src(%dma_wait3A_130 : memref<128xi32, #tpu.memory_space<hbm>>) dst(%dma_wait3A_129 : memref<128xi32, #tpu.memory_space<vmem>>)
          tpu.yield
        }) : () -> ()
        %dma_start3A = arith.constant 0 : i32
        %dma_start3A_96 = arith.constant 0 : i32
        %dma_start3A_97 = arith.constant 0 : i32
        %dma_start3A_98 = tpu.memref_slice %arg8[%dma_start3A_96, %dma_start3A_97] : memref<256x128xf32, #tpu.memory_space<vmem>> -> memref<128x128xf32, #tpu.memory_space<vmem>>
        %dma_start3A_99 = arith.constant 0 : i32
        %dma_start3A_100 = tpu.memref_slice %arg5[%dma_start3A, %dma_start3A_99] : memref<2x128xi32, #tpu.memory_space<vmem>> -> memref<1x128xi32, #tpu.memory_space<vmem>>
        %dma_start3A_101 = tpu.memref_squeeze %dma_start3A_100 : memref<1x128xi32, #tpu.memory_space<vmem>> -> memref<128xi32, #tpu.memory_space<vmem>>
        %dma_start3A_102 = arith.constant 0 : i32
        %dma_start3A_103 = arith.constant 0 : i32
        %dma_start3A_104 = tpu.memref_slice %arg2[%dma_start3A_102, %dma_start3A_103] : memref<10008x128xf32, #tpu.memory_space<hbm>> -> memref<10008x128xf32, #tpu.memory_space<hbm>>
        tpu.enqueue_indirect_dma source(%dma_start3A_104 : memref<10008x128xf32, #tpu.memory_space<hbm>>) target(%dma_start3A_98 : memref<128x128xf32, #tpu.memory_space<vmem>>) offsets(%dma_start3A_101 : memref<128xi32, #tpu.memory_space<vmem>>) semaphore(%arg11 : memref<!tpu.dma_semaphore, #tpu.memory_space<semaphore_mem>>)
        %dma_start3A_105 = arith.constant 1 : i32
        %dma_start3A_106 = arith.constant 128 : i32
        %dma_start3A_107 = arith.constant 0 : i32
        %dma_start3A_108 = tpu.memref_slice %arg8[%dma_start3A_106, %dma_start3A_107] : memref<256x128xf32, #tpu.memory_space<vmem>> -> memref<128x128xf32, #tpu.memory_space<vmem>>
        %dma_start3A_109 = arith.constant 0 : i32
        %dma_start3A_110 = tpu.memref_slice %arg5[%dma_start3A_105, %dma_start3A_109] : memref<2x128xi32, #tpu.memory_space<vmem>> -> memref<1x128xi32, #tpu.memory_space<vmem>>
        %dma_start3A_111 = tpu.memref_squeeze %dma_start3A_110 : memref<1x128xi32, #tpu.memory_space<vmem>> -> memref<128xi32, #tpu.memory_space<vmem>>
        %dma_start3A_112 = arith.constant 0 : i32
        %dma_start3A_113 = arith.constant 0 : i32
        %dma_start3A_114 = tpu.memref_slice %arg2[%dma_start3A_112, %dma_start3A_113] : memref<10008x128xf32, #tpu.memory_space<hbm>> -> memref<10008x128xf32, #tpu.memory_space<hbm>>
        tpu.enqueue_indirect_dma source(%dma_start3A_114 : memref<10008x128xf32, #tpu.memory_space<hbm>>) target(%dma_start3A_108 : memref<128x128xf32, #tpu.memory_space<vmem>>) offsets(%dma_start3A_111 : memref<128xi32, #tpu.memory_space<vmem>>) semaphore(%arg11 : memref<!tpu.dma_semaphore, #tpu.memory_space<semaphore_mem>>)
      } else {
      }
      %ge3A_25 = arith.constant 0 : i32
      %ge3A_26 = arith.cmpi sge, %sub3A_14, %ge3A_25 : i32
      %lt3A_27 = arith.constant 250 : i32
      %lt3A_28 = arith.cmpi slt, %sub3A_14, %lt3A_27 : i32
      %and3A_29 = arith.andi %ge3A_26, %lt3A_28 : i1
      %convert_element_type3A_30 = arith.extui %and3A_29 : i1 to i32
      %cond3A_31 = arith.constant 0 : i32
      %cond3A_32 = arith.cmpi ne, %convert_element_type3A_30, %cond3A_31 : i32
      scf.if %cond3A_32 {
        %dma_wait3A = arith.constant 0 : i32
        %dma_wait3A_87 = arith.constant 0 : i32
        %dma_wait3A_88 = arith.constant 0 : i32
        %dma_wait3A_89 = tpu.memref_slice %arg10[%dma_wait3A_87, %dma_wait3A_88] : memref<256x128xf32, #tpu.memory_space<vmem>> -> memref<128x128xf32, #tpu.memory_space<vmem>>
        %dma_wait3A_90 = arith.constant 0 : i32
        %dma_wait3A_91 = tpu.memref_slice %arg7[%dma_wait3A, %dma_wait3A_90] : memref<2x128xi32, #tpu.memory_space<vmem>> -> memref<1x128xi32, #tpu.memory_space<vmem>>
        %dma_wait3A_92 = tpu.memref_squeeze %dma_wait3A_91 : memref<1x128xi32, #tpu.memory_space<vmem>> -> memref<128xi32, #tpu.memory_space<vmem>>
        %dma_wait3A_93 = arith.constant 0 : i32
        %dma_wait3A_94 = arith.constant 0 : i32
        %dma_wait3A_95 = tpu.memref_slice %arg2[%dma_wait3A_93, %dma_wait3A_94] : memref<10008x128xf32, #tpu.memory_space<hbm>> -> memref<10008x128xf32, #tpu.memory_space<hbm>>
        tpu.wait_indirect_dma semaphore(%arg13 : memref<!tpu.dma_semaphore, #tpu.memory_space<semaphore_mem>>) src(%dma_wait3A_95 : memref<10008x128xf32, #tpu.memory_space<hbm>>) dst(%dma_wait3A_89 : memref<128x128xf32, #tpu.memory_space<vmem>>)
        %dma_wait3A_96 = arith.constant 1 : i32
        %dma_wait3A_97 = arith.constant 128 : i32
        %dma_wait3A_98 = arith.constant 0 : i32
        %dma_wait3A_99 = tpu.memref_slice %arg10[%dma_wait3A_97, %dma_wait3A_98] : memref<256x128xf32, #tpu.memory_space<vmem>> -> memref<128x128xf32, #tpu.memory_space<vmem>>
        %dma_wait3A_100 = arith.constant 0 : i32
        %dma_wait3A_101 = tpu.memref_slice %arg7[%dma_wait3A_96, %dma_wait3A_100] : memref<2x128xi32, #tpu.memory_space<vmem>> -> memref<1x128xi32, #tpu.memory_space<vmem>>
        %dma_wait3A_102 = tpu.memref_squeeze %dma_wait3A_101 : memref<1x128xi32, #tpu.memory_space<vmem>> -> memref<128xi32, #tpu.memory_space<vmem>>
        %dma_wait3A_103 = arith.constant 0 : i32
        %dma_wait3A_104 = arith.constant 0 : i32
        %dma_wait3A_105 = tpu.memref_slice %arg2[%dma_wait3A_103, %dma_wait3A_104] : memref<10008x128xf32, #tpu.memory_space<hbm>> -> memref<10008x128xf32, #tpu.memory_space<hbm>>
        tpu.wait_indirect_dma semaphore(%arg13 : memref<!tpu.dma_semaphore, #tpu.memory_space<semaphore_mem>>) src(%dma_wait3A_105 : memref<10008x128xf32, #tpu.memory_space<hbm>>) dst(%dma_wait3A_99 : memref<128x128xf32, #tpu.memory_space<vmem>>)
        %mul3A_106 = arith.constant 256 : i32
        %mul3A_107 = arith.muli %sub3A_14, %mul3A_106 : i32
        %dma_start3A = arith.constant 0 : i32
        %dma_start3A_108 = tpu.memref_slice %arg4[%mul3A_107, %dma_start3A] : memref<64000x128xf32, #tpu.memory_space<hbm>> -> memref<256x128xf32, #tpu.memory_space<hbm>>
        %dma_start3A_109 = arith.constant 0 : i32
        %dma_start3A_110 = tpu.memref_slice %arg4[%mul3A_107, %dma_start3A_109] : memref<64000x128xf32, #tpu.memory_space<hbm>> -> memref<256x128xf32, #tpu.memory_space<hbm>>
        tpu.enqueue_dma source(%arg10 : memref<256x128xf32, #tpu.memory_space<vmem>>) target(%dma_start3A_110 : memref<256x128xf32, #tpu.memory_space<hbm>>) target_semaphore(%arg16 : memref<!tpu.dma_semaphore, #tpu.memory_space<semaphore_mem>>)
      } else {
      }
      %add3A_33 = arith.constant 32 : i32
      %add3A_34 = arith.addi %add3A_11, %add3A_33 : i32
      %sub3A_35 = arith.constant 32 : i32
      %sub3A_36 = arith.subi %add3A_34, %sub3A_35 : i32
      %sub3A_37 = arith.constant 96 : i32
      %sub3A_38 = arith.subi %add3A_34, %sub3A_37 : i32
      %ge3A_39 = arith.constant 0 : i32
      %ge3A_40 = arith.cmpi sge, %sub3A_38, %ge3A_39 : i32
      %lt3A_41 = arith.constant 250 : i32
      %lt3A_42 = arith.cmpi slt, %sub3A_38, %lt3A_41 : i32
      %and3A_43 = arith.andi %ge3A_40, %lt3A_42 : i1
      %convert_element_type3A_44 = arith.extui %and3A_43 : i1 to i32
      %cond3A_45 = arith.constant 0 : i32
      %cond3A_46 = arith.cmpi ne, %convert_element_type3A_44, %cond3A_45 : i32
      scf.if %cond3A_46 {
        %mul3A_87 = arith.constant 256 : i32
        %mul3A_88 = arith.muli %sub3A_38, %mul3A_87 : i32
        %dma_wait3A = arith.constant 0 : i32
        %dma_wait3A_89 = tpu.memref_slice %arg4[%mul3A_88, %dma_wait3A] : memref<64000x128xf32, #tpu.memory_space<hbm>> -> memref<256x128xf32, #tpu.memory_space<hbm>>
        %dma_wait3A_90 = arith.constant 0 : i32
        %dma_wait3A_91 = tpu.memref_slice %arg4[%mul3A_88, %dma_wait3A_90] : memref<64000x128xf32, #tpu.memory_space<hbm>> -> memref<256x128xf32, #tpu.memory_space<hbm>>
        tpu.wait_dma2 semaphore(%arg15 : memref<!tpu.dma_semaphore, #tpu.memory_space<semaphore_mem>>) src(%arg9 : memref<256x128xf32, #tpu.memory_space<vmem>>) dst(%dma_wait3A_91 : memref<256x128xf32, #tpu.memory_space<hbm>>)
      } else {
      }
      %lt3A_47 = arith.constant 250 : i32
      %lt3A_48 = arith.cmpi slt, %add3A_34, %lt3A_47 : i32
      %convert_element_type3A_49 = arith.extui %lt3A_48 : i1 to i32
      %cond3A_50 = arith.constant 0 : i32
      %cond3A_51 = arith.cmpi ne, %convert_element_type3A_49, %cond3A_50 : i32
      scf.if %cond3A_51 {
        %mul3A_87 = arith.constant 256 : i32
        %mul3A_88 = arith.muli %add3A_34, %mul3A_87 : i32
        %add3A_89 = arith.constant 0 : i32
        %add3A_90 = arith.addi %mul3A_88, %add3A_89 : i32
        %run_scoped3A = arith.constant 0 : i32
        "tpu.region"() ({
          %run_scoped3A_115 = tpu.sem_alloc : memref<!tpu.dma_semaphore, #tpu.memory_space<semaphore_mem>>
          %dma_start3A_116 = arith.constant 0 : i32
          %dma_start3A_117 = tpu.memref_slice %arg6[%run_scoped3A, %dma_start3A_116] : memref<2x128xi32, #tpu.memory_space<vmem>> -> memref<1x128xi32, #tpu.memory_space<vmem>>
          %dma_start3A_118 = tpu.memref_squeeze %dma_start3A_117 : memref<1x128xi32, #tpu.memory_space<vmem>> -> memref<128xi32, #tpu.memory_space<vmem>>
          %dma_start3A_119 = tpu.memref_slice %arg3[%add3A_90] : memref<64000xi32, #tpu.memory_space<hbm>> -> memref<128xi32, #tpu.memory_space<hbm>>
          %dma_start3A_120 = arith.constant 0 : i32
          %dma_start3A_121 = tpu.memref_slice %arg6[%run_scoped3A, %dma_start3A_120] : memref<2x128xi32, #tpu.memory_space<vmem>> -> memref<1x128xi32, #tpu.memory_space<vmem>>
          %dma_start3A_122 = tpu.memref_squeeze %dma_start3A_121 : memref<1x128xi32, #tpu.memory_space<vmem>> -> memref<128xi32, #tpu.memory_space<vmem>>
          %dma_start3A_123 = tpu.memref_slice %arg3[%add3A_90] : memref<64000xi32, #tpu.memory_space<hbm>> -> memref<128xi32, #tpu.memory_space<hbm>>
          tpu.enqueue_dma source(%dma_start3A_123 : memref<128xi32, #tpu.memory_space<hbm>>) target(%dma_start3A_122 : memref<128xi32, #tpu.memory_space<vmem>>) target_semaphore(%run_scoped3A_115 : memref<!tpu.dma_semaphore, #tpu.memory_space<semaphore_mem>>)
          %dma_wait3A = arith.constant 0 : i32
          %dma_wait3A_124 = tpu.memref_slice %arg6[%run_scoped3A, %dma_wait3A] : memref<2x128xi32, #tpu.memory_space<vmem>> -> memref<1x128xi32, #tpu.memory_space<vmem>>
          %dma_wait3A_125 = tpu.memref_squeeze %dma_wait3A_124 : memref<1x128xi32, #tpu.memory_space<vmem>> -> memref<128xi32, #tpu.memory_space<vmem>>
          %dma_wait3A_126 = tpu.memref_slice %arg3[%add3A_90] : memref<64000xi32, #tpu.memory_space<hbm>> -> memref<128xi32, #tpu.memory_space<hbm>>
          %dma_wait3A_127 = arith.constant 0 : i32
          %dma_wait3A_128 = tpu.memref_slice %arg6[%run_scoped3A, %dma_wait3A_127] : memref<2x128xi32, #tpu.memory_space<vmem>> -> memref<1x128xi32, #tpu.memory_space<vmem>>
          %dma_wait3A_129 = tpu.memref_squeeze %dma_wait3A_128 : memref<1x128xi32, #tpu.memory_space<vmem>> -> memref<128xi32, #tpu.memory_space<vmem>>
          %dma_wait3A_130 = tpu.memref_slice %arg3[%add3A_90] : memref<64000xi32, #tpu.memory_space<hbm>> -> memref<128xi32, #tpu.memory_space<hbm>>
          tpu.wait_dma2 semaphore(%run_scoped3A_115 : memref<!tpu.dma_semaphore, #tpu.memory_space<semaphore_mem>>) src(%dma_wait3A_130 : memref<128xi32, #tpu.memory_space<hbm>>) dst(%dma_wait3A_129 : memref<128xi32, #tpu.memory_space<vmem>>)
          tpu.yield
        }) : () -> ()
        %mul3A_91 = arith.constant 256 : i32
        %mul3A_92 = arith.muli %add3A_34, %mul3A_91 : i32
        %add3A_93 = arith.constant 128 : i32
        %add3A_94 = arith.addi %mul3A_92, %add3A_93 : i32
        %run_scoped3A_95 = arith.constant 1 : i32
        "tpu.region"() ({
          %run_scoped3A_115 = tpu.sem_alloc : memref<!tpu.dma_semaphore, #tpu.memory_space<semaphore_mem>>
          %dma_start3A_116 = arith.constant 0 : i32
          %dma_start3A_117 = tpu.memref_slice %arg6[%run_scoped3A_95, %dma_start3A_116] : memref<2x128xi32, #tpu.memory_space<vmem>> -> memref<1x128xi32, #tpu.memory_space<vmem>>
          %dma_start3A_118 = tpu.memref_squeeze %dma_start3A_117 : memref<1x128xi32, #tpu.memory_space<vmem>> -> memref<128xi32, #tpu.memory_space<vmem>>
          %dma_start3A_119 = tpu.memref_slice %arg3[%add3A_94] : memref<64000xi32, #tpu.memory_space<hbm>> -> memref<128xi32, #tpu.memory_space<hbm>>
          %dma_start3A_120 = arith.constant 0 : i32
          %dma_start3A_121 = tpu.memref_slice %arg6[%run_scoped3A_95, %dma_start3A_120] : memref<2x128xi32, #tpu.memory_space<vmem>> -> memref<1x128xi32, #tpu.memory_space<vmem>>
          %dma_start3A_122 = tpu.memref_squeeze %dma_start3A_121 : memref<1x128xi32, #tpu.memory_space<vmem>> -> memref<128xi32, #tpu.memory_space<vmem>>
          %dma_start3A_123 = tpu.memref_slice %arg3[%add3A_94] : memref<64000xi32, #tpu.memory_space<hbm>> -> memref<128xi32, #tpu.memory_space<hbm>>
          tpu.enqueue_dma source(%dma_start3A_123 : memref<128xi32, #tpu.memory_space<hbm>>) target(%dma_start3A_122 : memref<128xi32, #tpu.memory_space<vmem>>) target_semaphore(%run_scoped3A_115 : memref<!tpu.dma_semaphore, #tpu.memory_space<semaphore_mem>>)
          %dma_wait3A = arith.constant 0 : i32
          %dma_wait3A_124 = tpu.memref_slice %arg6[%run_scoped3A_95, %dma_wait3A] : memref<2x128xi32, #tpu.memory_space<vmem>> -> memref<1x128xi32, #tpu.memory_space<vmem>>
          %dma_wait3A_125 = tpu.memref_squeeze %dma_wait3A_124 : memref<1x128xi32, #tpu.memory_space<vmem>> -> memref<128xi32, #tpu.memory_space<vmem>>
          %dma_wait3A_126 = tpu.memref_slice %arg3[%add3A_94] : memref<64000xi32, #tpu.memory_space<hbm>> -> memref<128xi32, #tpu.memory_space<hbm>>
          %dma_wait3A_127 = arith.constant 0 : i32
          %dma_wait3A_128 = tpu.memref_slice %arg6[%run_scoped3A_95, %dma_wait3A_127] : memref<2x128xi32, #tpu.memory_space<vmem>> -> memref<1x128xi32, #tpu.memory_space<vmem>>
          %dma_wait3A_129 = tpu.memref_squeeze %dma_wait3A_128 : memref<1x128xi32, #tpu.memory_space<vmem>> -> memref<128xi32, #tpu.memory_space<vmem>>
          %dma_wait3A_130 = tpu.memref_slice %arg3[%add3A_94] : memref<64000xi32, #tpu.memory_space<hbm>> -> memref<128xi32, #tpu.memory_space<hbm>>
          tpu.wait_dma2 semaphore(%run_scoped3A_115 : memref<!tpu.dma_semaphore, #tpu.memory_space<semaphore_mem>>) src(%dma_wait3A_130 : memref<128xi32, #tpu.memory_space<hbm>>) dst(%dma_wait3A_129 : memref<128xi32, #tpu.memory_space<vmem>>)
          tpu.yield
        }) : () -> ()
        %dma_start3A = arith.constant 0 : i32
        %dma_start3A_96 = arith.constant 0 : i32
        %dma_start3A_97 = arith.constant 0 : i32
        %dma_start3A_98 = tpu.memref_slice %arg9[%dma_start3A_96, %dma_start3A_97] : memref<256x128xf32, #tpu.memory_space<vmem>> -> memref<128x128xf32, #tpu.memory_space<vmem>>
        %dma_start3A_99 = arith.constant 0 : i32
        %dma_start3A_100 = tpu.memref_slice %arg6[%dma_start3A, %dma_start3A_99] : memref<2x128xi32, #tpu.memory_space<vmem>> -> memref<1x128xi32, #tpu.memory_space<vmem>>
        %dma_start3A_101 = tpu.memref_squeeze %dma_start3A_100 : memref<1x128xi32, #tpu.memory_space<vmem>> -> memref<128xi32, #tpu.memory_space<vmem>>
        %dma_start3A_102 = arith.constant 0 : i32
        %dma_start3A_103 = arith.constant 0 : i32
        %dma_start3A_104 = tpu.memref_slice %arg2[%dma_start3A_102, %dma_start3A_103] : memref<10008x128xf32, #tpu.memory_space<hbm>> -> memref<10008x128xf32, #tpu.memory_space<hbm>>
        tpu.enqueue_indirect_dma source(%dma_start3A_104 : memref<10008x128xf32, #tpu.memory_space<hbm>>) target(%dma_start3A_98 : memref<128x128xf32, #tpu.memory_space<vmem>>) offsets(%dma_start3A_101 : memref<128xi32, #tpu.memory_space<vmem>>) semaphore(%arg12 : memref<!tpu.dma_semaphore, #tpu.memory_space<semaphore_mem>>)
        %dma_start3A_105 = arith.constant 1 : i32
        %dma_start3A_106 = arith.constant 128 : i32
        %dma_start3A_107 = arith.constant 0 : i32
        %dma_start3A_108 = tpu.memref_slice %arg9[%dma_start3A_106, %dma_start3A_107] : memref<256x128xf32, #tpu.memory_space<vmem>> -> memref<128x128xf32, #tpu.memory_space<vmem>>
        %dma_start3A_109 = arith.constant 0 : i32
        %dma_start3A_110 = tpu.memref_slice %arg6[%dma_start3A_105, %dma_start3A_109] : memref<2x128xi32, #tpu.memory_space<vmem>> -> memref<1x128xi32, #tpu.memory_space<vmem>>
        %dma_start3A_111 = tpu.memref_squeeze %dma_start3A_110 : memref<1x128xi32, #tpu.memory_space<vmem>> -> memref<128xi32, #tpu.memory_space<vmem>>
        %dma_start3A_112 = arith.constant 0 : i32
        %dma_start3A_113 = arith.constant 0 : i32
        %dma_start3A_114 = tpu.memref_slice %arg2[%dma_start3A_112, %dma_start3A_113] : memref<10008x128xf32, #tpu.memory_space<hbm>> -> memref<10008x128xf32, #tpu.memory_space<hbm>>
        tpu.enqueue_indirect_dma source(%dma_start3A_114 : memref<10008x128xf32, #tpu.memory_space<hbm>>) target(%dma_start3A_108 : memref<128x128xf32, #tpu.memory_space<vmem>>) offsets(%dma_start3A_111 : memref<128xi32, #tpu.memory_space<vmem>>) semaphore(%arg12 : memref<!tpu.dma_semaphore, #tpu.memory_space<semaphore_mem>>)
      } else {
      }
      %ge3A_52 = arith.constant 0 : i32
      %ge3A_53 = arith.cmpi sge, %sub3A_36, %ge3A_52 : i32
      %lt3A_54 = arith.constant 250 : i32
      %lt3A_55 = arith.cmpi slt, %sub3A_36, %lt3A_54 : i32
      %and3A_56 = arith.andi %ge3A_53, %lt3A_55 : i1
      %convert_element_type3A_57 = arith.extui %and3A_56 : i1 to i32
      %cond3A_58 = arith.constant 0 : i32
      %cond3A_59 = arith.cmpi ne, %convert_element_type3A_57, %cond3A_58 : i32
      scf.if %cond3A_59 {
        %dma_wait3A = arith.constant 0 : i32
        %dma_wait3A_87 = arith.constant 0 : i32
        %dma_wait3A_88 = arith.constant 0 : i32
        %dma_wait3A_89 = tpu.memref_slice %arg8[%dma_wait3A_87, %dma_wait3A_88] : memref<256x128xf32, #tpu.memory_space<vmem>> -> memref<128x128xf32, #tpu.memory_space<vmem>>
        %dma_wait3A_90 = arith.constant 0 : i32
        %dma_wait3A_91 = tpu.memref_slice %arg5[%dma_wait3A, %dma_wait3A_90] : memref<2x128xi32, #tpu.memory_space<vmem>> -> memref<1x128xi32, #tpu.memory_space<vmem>>
        %dma_wait3A_92 = tpu.memref_squeeze %dma_wait3A_91 : memref<1x128xi32, #tpu.memory_space<vmem>> -> memref<128xi32, #tpu.memory_space<vmem>>
        %dma_wait3A_93 = arith.constant 0 : i32
        %dma_wait3A_94 = arith.constant 0 : i32
        %dma_wait3A_95 = tpu.memref_slice %arg2[%dma_wait3A_93, %dma_wait3A_94] : memref<10008x128xf32, #tpu.memory_space<hbm>> -> memref<10008x128xf32, #tpu.memory_space<hbm>>
        tpu.wait_indirect_dma semaphore(%arg11 : memref<!tpu.dma_semaphore, #tpu.memory_space<semaphore_mem>>) src(%dma_wait3A_95 : memref<10008x128xf32, #tpu.memory_space<hbm>>) dst(%dma_wait3A_89 : memref<128x128xf32, #tpu.memory_space<vmem>>)
        %dma_wait3A_96 = arith.constant 1 : i32
        %dma_wait3A_97 = arith.constant 128 : i32
        %dma_wait3A_98 = arith.constant 0 : i32
        %dma_wait3A_99 = tpu.memref_slice %arg8[%dma_wait3A_97, %dma_wait3A_98] : memref<256x128xf32, #tpu.memory_space<vmem>> -> memref<128x128xf32, #tpu.memory_space<vmem>>
        %dma_wait3A_100 = arith.constant 0 : i32
        %dma_wait3A_101 = tpu.memref_slice %arg5[%dma_wait3A_96, %dma_wait3A_100] : memref<2x128xi32, #tpu.memory_space<vmem>> -> memref<1x128xi32, #tpu.memory_space<vmem>>
        %dma_wait3A_102 = tpu.memref_squeeze %dma_wait3A_101 : memref<1x128xi32, #tpu.memory_space<vmem>> -> memref<128xi32, #tpu.memory_space<vmem>>
        %dma_wait3A_103 = arith.constant 0 : i32
        %dma_wait3A_104 = arith.constant 0 : i32
        %dma_wait3A_105 = tpu.memref_slice %arg2[%dma_wait3A_103, %dma_wait3A_104] : memref<10008x128xf32, #tpu.memory_space<hbm>> -> memref<10008x128xf32, #tpu.memory_space<hbm>>
        tpu.wait_indirect_dma semaphore(%arg11 : memref<!tpu.dma_semaphore, #tpu.memory_space<semaphore_mem>>) src(%dma_wait3A_105 : memref<10008x128xf32, #tpu.memory_space<hbm>>) dst(%dma_wait3A_99 : memref<128x128xf32, #tpu.memory_space<vmem>>)
        %mul3A_106 = arith.constant 256 : i32
        %mul3A_107 = arith.muli %sub3A_36, %mul3A_106 : i32
        %dma_start3A = arith.constant 0 : i32
        %dma_start3A_108 = tpu.memref_slice %arg4[%mul3A_107, %dma_start3A] : memref<64000x128xf32, #tpu.memory_space<hbm>> -> memref<256x128xf32, #tpu.memory_space<hbm>>
        %dma_start3A_109 = arith.constant 0 : i32
        %dma_start3A_110 = tpu.memref_slice %arg4[%mul3A_107, %dma_start3A_109] : memref<64000x128xf32, #tpu.memory_space<hbm>> -> memref<256x128xf32, #tpu.memory_space<hbm>>
        tpu.enqueue_dma source(%arg8 : memref<256x128xf32, #tpu.memory_space<vmem>>) target(%dma_start3A_110 : memref<256x128xf32, #tpu.memory_space<hbm>>) target_semaphore(%arg14 : memref<!tpu.dma_semaphore, #tpu.memory_space<semaphore_mem>>)
      } else {
      }
      %add3A_60 = arith.constant 64 : i32
      %add3A_61 = arith.addi %add3A_11, %add3A_60 : i32
      %sub3A_62 = arith.constant 32 : i32
      %sub3A_63 = arith.subi %add3A_61, %sub3A_62 : i32
      %sub3A_64 = arith.constant 96 : i32
      %sub3A_65 = arith.subi %add3A_61, %sub3A_64 : i32
      %ge3A_66 = arith.constant 0 : i32
      %ge3A_67 = arith.cmpi sge, %sub3A_65, %ge3A_66 : i32
      %lt3A_68 = arith.constant 250 : i32
      %lt3A_69 = arith.cmpi slt, %sub3A_65, %lt3A_68 : i32
      %and3A_70 = arith.andi %ge3A_67, %lt3A_69 : i1
      %convert_element_type3A_71 = arith.extui %and3A_70 : i1 to i32
      %cond3A_72 = arith.constant 0 : i32
      %cond3A_73 = arith.cmpi ne, %convert_element_type3A_71, %cond3A_72 : i32
      scf.if %cond3A_73 {
        %mul3A_87 = arith.constant 256 : i32
        %mul3A_88 = arith.muli %sub3A_65, %mul3A_87 : i32
        %dma_wait3A = arith.constant 0 : i32
        %dma_wait3A_89 = tpu.memref_slice %arg4[%mul3A_88, %dma_wait3A] : memref<64000x128xf32, #tpu.memory_space<hbm>> -> memref<256x128xf32, #tpu.memory_space<hbm>>
        %dma_wait3A_90 = arith.constant 0 : i32
        %dma_wait3A_91 = tpu.memref_slice %arg4[%mul3A_88, %dma_wait3A_90] : memref<64000x128xf32, #tpu.memory_space<hbm>> -> memref<256x128xf32, #tpu.memory_space<hbm>>
        tpu.wait_dma2 semaphore(%arg16 : memref<!tpu.dma_semaphore, #tpu.memory_space<semaphore_mem>>) src(%arg10 : memref<256x128xf32, #tpu.memory_space<vmem>>) dst(%dma_wait3A_91 : memref<256x128xf32, #tpu.memory_space<hbm>>)
      } else {
      }
      %lt3A_74 = arith.constant 250 : i32
      %lt3A_75 = arith.cmpi slt, %add3A_61, %lt3A_74 : i32
      %convert_element_type3A_76 = arith.extui %lt3A_75 : i1 to i32
      %cond3A_77 = arith.constant 0 : i32
      %cond3A_78 = arith.cmpi ne, %convert_element_type3A_76, %cond3A_77 : i32
      scf.if %cond3A_78 {
        %mul3A_87 = arith.constant 256 : i32
        %mul3A_88 = arith.muli %add3A_61, %mul3A_87 : i32
        %add3A_89 = arith.constant 0 : i32
        %add3A_90 = arith.addi %mul3A_88, %add3A_89 : i32
        %run_scoped3A = arith.constant 0 : i32
        "tpu.region"() ({
          %run_scoped3A_115 = tpu.sem_alloc : memref<!tpu.dma_semaphore, #tpu.memory_space<semaphore_mem>>
          %dma_start3A_116 = arith.constant 0 : i32
          %dma_start3A_117 = tpu.memref_slice %arg7[%run_scoped3A, %dma_start3A_116] : memref<2x128xi32, #tpu.memory_space<vmem>> -> memref<1x128xi32, #tpu.memory_space<vmem>>
          %dma_start3A_118 = tpu.memref_squeeze %dma_start3A_117 : memref<1x128xi32, #tpu.memory_space<vmem>> -> memref<128xi32, #tpu.memory_space<vmem>>
          %dma_start3A_119 = tpu.memref_slice %arg3[%add3A_90] : memref<64000xi32, #tpu.memory_space<hbm>> -> memref<128xi32, #tpu.memory_space<hbm>>
          %dma_start3A_120 = arith.constant 0 : i32
          %dma_start3A_121 = tpu.memref_slice %arg7[%run_scoped3A, %dma_start3A_120] : memref<2x128xi32, #tpu.memory_space<vmem>> -> memref<1x128xi32, #tpu.memory_space<vmem>>
          %dma_start3A_122 = tpu.memref_squeeze %dma_start3A_121 : memref<1x128xi32, #tpu.memory_space<vmem>> -> memref<128xi32, #tpu.memory_space<vmem>>
          %dma_start3A_123 = tpu.memref_slice %arg3[%add3A_90] : memref<64000xi32, #tpu.memory_space<hbm>> -> memref<128xi32, #tpu.memory_space<hbm>>
          tpu.enqueue_dma source(%dma_start3A_123 : memref<128xi32, #tpu.memory_space<hbm>>) target(%dma_start3A_122 : memref<128xi32, #tpu.memory_space<vmem>>) target_semaphore(%run_scoped3A_115 : memref<!tpu.dma_semaphore, #tpu.memory_space<semaphore_mem>>)
          %dma_wait3A = arith.constant 0 : i32
          %dma_wait3A_124 = tpu.memref_slice %arg7[%run_scoped3A, %dma_wait3A] : memref<2x128xi32, #tpu.memory_space<vmem>> -> memref<1x128xi32, #tpu.memory_space<vmem>>
          %dma_wait3A_125 = tpu.memref_squeeze %dma_wait3A_124 : memref<1x128xi32, #tpu.memory_space<vmem>> -> memref<128xi32, #tpu.memory_space<vmem>>
          %dma_wait3A_126 = tpu.memref_slice %arg3[%add3A_90] : memref<64000xi32, #tpu.memory_space<hbm>> -> memref<128xi32, #tpu.memory_space<hbm>>
          %dma_wait3A_127 = arith.constant 0 : i32
          %dma_wait3A_128 = tpu.memref_slice %arg7[%run_scoped3A, %dma_wait3A_127] : memref<2x128xi32, #tpu.memory_space<vmem>> -> memref<1x128xi32, #tpu.memory_space<vmem>>
          %dma_wait3A_129 = tpu.memref_squeeze %dma_wait3A_128 : memref<1x128xi32, #tpu.memory_space<vmem>> -> memref<128xi32, #tpu.memory_space<vmem>>
          %dma_wait3A_130 = tpu.memref_slice %arg3[%add3A_90] : memref<64000xi32, #tpu.memory_space<hbm>> -> memref<128xi32, #tpu.memory_space<hbm>>
          tpu.wait_dma2 semaphore(%run_scoped3A_115 : memref<!tpu.dma_semaphore, #tpu.memory_space<semaphore_mem>>) src(%dma_wait3A_130 : memref<128xi32, #tpu.memory_space<hbm>>) dst(%dma_wait3A_129 : memref<128xi32, #tpu.memory_space<vmem>>)
          tpu.yield
        }) : () -> ()
        %mul3A_91 = arith.constant 256 : i32
        %mul3A_92 = arith.muli %add3A_61, %mul3A_91 : i32
        %add3A_93 = arith.constant 128 : i32
        %add3A_94 = arith.addi %mul3A_92, %add3A_93 : i32
        %run_scoped3A_95 = arith.constant 1 : i32
        "tpu.region"() ({
          %run_scoped3A_115 = tpu.sem_alloc : memref<!tpu.dma_semaphore, #tpu.memory_space<semaphore_mem>>
          %dma_start3A_116 = arith.constant 0 : i32
          %dma_start3A_117 = tpu.memref_slice %arg7[%run_scoped3A_95, %dma_start3A_116] : memref<2x128xi32, #tpu.memory_space<vmem>> -> memref<1x128xi32, #tpu.memory_space<vmem>>
          %dma_start3A_118 = tpu.memref_squeeze %dma_start3A_117 : memref<1x128xi32, #tpu.memory_space<vmem>> -> memref<128xi32, #tpu.memory_space<vmem>>
          %dma_start3A_119 = tpu.memref_slice %arg3[%add3A_94] : memref<64000xi32, #tpu.memory_space<hbm>> -> memref<128xi32, #tpu.memory_space<hbm>>
          %dma_start3A_120 = arith.constant 0 : i32
          %dma_start3A_121 = tpu.memref_slice %arg7[%run_scoped3A_95, %dma_start3A_120] : memref<2x128xi32, #tpu.memory_space<vmem>> -> memref<1x128xi32, #tpu.memory_space<vmem>>
          %dma_start3A_122 = tpu.memref_squeeze %dma_start3A_121 : memref<1x128xi32, #tpu.memory_space<vmem>> -> memref<128xi32, #tpu.memory_space<vmem>>
          %dma_start3A_123 = tpu.memref_slice %arg3[%add3A_94] : memref<64000xi32, #tpu.memory_space<hbm>> -> memref<128xi32, #tpu.memory_space<hbm>>
          tpu.enqueue_dma source(%dma_start3A_123 : memref<128xi32, #tpu.memory_space<hbm>>) target(%dma_start3A_122 : memref<128xi32, #tpu.memory_space<vmem>>) target_semaphore(%run_scoped3A_115 : memref<!tpu.dma_semaphore, #tpu.memory_space<semaphore_mem>>)
          %dma_wait3A = arith.constant 0 : i32
          %dma_wait3A_124 = tpu.memref_slice %arg7[%run_scoped3A_95, %dma_wait3A] : memref<2x128xi32, #tpu.memory_space<vmem>> -> memref<1x128xi32, #tpu.memory_space<vmem>>
          %dma_wait3A_125 = tpu.memref_squeeze %dma_wait3A_124 : memref<1x128xi32, #tpu.memory_space<vmem>> -> memref<128xi32, #tpu.memory_space<vmem>>
          %dma_wait3A_126 = tpu.memref_slice %arg3[%add3A_94] : memref<64000xi32, #tpu.memory_space<hbm>> -> memref<128xi32, #tpu.memory_space<hbm>>
          %dma_wait3A_127 = arith.constant 0 : i32
          %dma_wait3A_128 = tpu.memref_slice %arg7[%run_scoped3A_95, %dma_wait3A_127] : memref<2x128xi32, #tpu.memory_space<vmem>> -> memref<1x128xi32, #tpu.memory_space<vmem>>
          %dma_wait3A_129 = tpu.memref_squeeze %dma_wait3A_128 : memref<1x128xi32, #tpu.memory_space<vmem>> -> memref<128xi32, #tpu.memory_space<vmem>>
          %dma_wait3A_130 = tpu.memref_slice %arg3[%add3A_94] : memref<64000xi32, #tpu.memory_space<hbm>> -> memref<128xi32, #tpu.memory_space<hbm>>
          tpu.wait_dma2 semaphore(%run_scoped3A_115 : memref<!tpu.dma_semaphore, #tpu.memory_space<semaphore_mem>>) src(%dma_wait3A_130 : memref<128xi32, #tpu.memory_space<hbm>>) dst(%dma_wait3A_129 : memref<128xi32, #tpu.memory_space<vmem>>)
          tpu.yield
        }) : () -> ()
        %dma_start3A = arith.constant 0 : i32
        %dma_start3A_96 = arith.constant 0 : i32
        %dma_start3A_97 = arith.constant 0 : i32
        %dma_start3A_98 = tpu.memref_slice %arg10[%dma_start3A_96, %dma_start3A_97] : memref<256x128xf32, #tpu.memory_space<vmem>> -> memref<128x128xf32, #tpu.memory_space<vmem>>
        %dma_start3A_99 = arith.constant 0 : i32
        %dma_start3A_100 = tpu.memref_slice %arg7[%dma_start3A, %dma_start3A_99] : memref<2x128xi32, #tpu.memory_space<vmem>> -> memref<1x128xi32, #tpu.memory_space<vmem>>
        %dma_start3A_101 = tpu.memref_squeeze %dma_start3A_100 : memref<1x128xi32, #tpu.memory_space<vmem>> -> memref<128xi32, #tpu.memory_space<vmem>>
        %dma_start3A_102 = arith.constant 0 : i32
        %dma_start3A_103 = arith.constant 0 : i32
        %dma_start3A_104 = tpu.memref_slice %arg2[%dma_start3A_102, %dma_start3A_103] : memref<10008x128xf32, #tpu.memory_space<hbm>> -> memref<10008x128xf32, #tpu.memory_space<hbm>>
        tpu.enqueue_indirect_dma source(%dma_start3A_104 : memref<10008x128xf32, #tpu.memory_space<hbm>>) target(%dma_start3A_98 : memref<128x128xf32, #tpu.memory_space<vmem>>) offsets(%dma_start3A_101 : memref<128xi32, #tpu.memory_space<vmem>>) semaphore(%arg13 : memref<!tpu.dma_semaphore, #tpu.memory_space<semaphore_mem>>)
        %dma_start3A_105 = arith.constant 1 : i32
        %dma_start3A_106 = arith.constant 128 : i32
        %dma_start3A_107 = arith.constant 0 : i32
        %dma_start3A_108 = tpu.memref_slice %arg10[%dma_start3A_106, %dma_start3A_107] : memref<256x128xf32, #tpu.memory_space<vmem>> -> memref<128x128xf32, #tpu.memory_space<vmem>>
        %dma_start3A_109 = arith.constant 0 : i32
        %dma_start3A_110 = tpu.memref_slice %arg7[%dma_start3A_105, %dma_start3A_109] : memref<2x128xi32, #tpu.memory_space<vmem>> -> memref<1x128xi32, #tpu.memory_space<vmem>>
        %dma_start3A_111 = tpu.memref_squeeze %dma_start3A_110 : memref<1x128xi32, #tpu.memory_space<vmem>> -> memref<128xi32, #tpu.memory_space<vmem>>
        %dma_start3A_112 = arith.constant 0 : i32
        %dma_start3A_113 = arith.constant 0 : i32
        %dma_start3A_114 = tpu.memref_slice %arg2[%dma_start3A_112, %dma_start3A_113] : memref<10008x128xf32, #tpu.memory_space<hbm>> -> memref<10008x128xf32, #tpu.memory_space<hbm>>
        tpu.enqueue_indirect_dma source(%dma_start3A_114 : memref<10008x128xf32, #tpu.memory_space<hbm>>) target(%dma_start3A_108 : memref<128x128xf32, #tpu.memory_space<vmem>>) offsets(%dma_start3A_111 : memref<128xi32, #tpu.memory_space<vmem>>) semaphore(%arg13 : memref<!tpu.dma_semaphore, #tpu.memory_space<semaphore_mem>>)
      } else {
      }
      %ge3A_79 = arith.constant 0 : i32
      %ge3A_80 = arith.cmpi sge, %sub3A_63, %ge3A_79 : i32
      %lt3A_81 = arith.constant 250 : i32
      %lt3A_82 = arith.cmpi slt, %sub3A_63, %lt3A_81 : i32
      %and3A_83 = arith.andi %ge3A_80, %lt3A_82 : i1
      %convert_element_type3A_84 = arith.extui %and3A_83 : i1 to i32
      %cond3A_85 = arith.constant 0 : i32
      %cond3A_86 = arith.cmpi ne, %convert_element_type3A_84, %cond3A_85 : i32
      scf.if %cond3A_86 {
        %dma_wait3A = arith.constant 0 : i32
        %dma_wait3A_87 = arith.constant 0 : i32
        %dma_wait3A_88 = arith.constant 0 : i32
        %dma_wait3A_89 = tpu.memref_slice %arg9[%dma_wait3A_87, %dma_wait3A_88] : memref<256x128xf32, #tpu.memory_space<vmem>> -> memref<128x128xf32, #tpu.memory_space<vmem>>
        %dma_wait3A_90 = arith.constant 0 : i32
        %dma_wait3A_91 = tpu.memref_slice %arg6[%dma_wait3A, %dma_wait3A_90] : memref<2x128xi32, #tpu.memory_space<vmem>> -> memref<1x128xi32, #tpu.memory_space<vmem>>
        %dma_wait3A_92 = tpu.memref_squeeze %dma_wait3A_91 : memref<1x128xi32, #tpu.memory_space<vmem>> -> memref<128xi32, #tpu.memory_space<vmem>>
        %dma_wait3A_93 = arith.constant 0 : i32
        %dma_wait3A_94 = arith.constant 0 : i32
        %dma_wait3A_95 = tpu.memref_slice %arg2[%dma_wait3A_93, %dma_wait3A_94] : memref<10008x128xf32, #tpu.memory_space<hbm>> -> memref<10008x128xf32, #tpu.memory_space<hbm>>
        tpu.wait_indirect_dma semaphore(%arg12 : memref<!tpu.dma_semaphore, #tpu.memory_space<semaphore_mem>>) src(%dma_wait3A_95 : memref<10008x128xf32, #tpu.memory_space<hbm>>) dst(%dma_wait3A_89 : memref<128x128xf32, #tpu.memory_space<vmem>>)
        %dma_wait3A_96 = arith.constant 1 : i32
        %dma_wait3A_97 = arith.constant 128 : i32
        %dma_wait3A_98 = arith.constant 0 : i32
        %dma_wait3A_99 = tpu.memref_slice %arg9[%dma_wait3A_97, %dma_wait3A_98] : memref<256x128xf32, #tpu.memory_space<vmem>> -> memref<128x128xf32, #tpu.memory_space<vmem>>
        %dma_wait3A_100 = arith.constant 0 : i32
        %dma_wait3A_101 = tpu.memref_slice %arg6[%dma_wait3A_96, %dma_wait3A_100] : memref<2x128xi32, #tpu.memory_space<vmem>> -> memref<1x128xi32, #tpu.memory_space<vmem>>
        %dma_wait3A_102 = tpu.memref_squeeze %dma_wait3A_101 : memref<1x128xi32, #tpu.memory_space<vmem>> -> memref<128xi32, #tpu.memory_space<vmem>>
        %dma_wait3A_103 = arith.constant 0 : i32
        %dma_wait3A_104 = arith.constant 0 : i32
        %dma_wait3A_105 = tpu.memref_slice %arg2[%dma_wait3A_103, %dma_wait3A_104] : memref<10008x128xf32, #tpu.memory_space<hbm>> -> memref<10008x128xf32, #tpu.memory_space<hbm>>
        tpu.wait_indirect_dma semaphore(%arg12 : memref<!tpu.dma_semaphore, #tpu.memory_space<semaphore_mem>>) src(%dma_wait3A_105 : memref<10008x128xf32, #tpu.memory_space<hbm>>) dst(%dma_wait3A_99 : memref<128x128xf32, #tpu.memory_space<vmem>>)
        %mul3A_106 = arith.constant 256 : i32
        %mul3A_107 = arith.muli %sub3A_63, %mul3A_106 : i32
        %dma_start3A = arith.constant 0 : i32
        %dma_start3A_108 = tpu.memref_slice %arg4[%mul3A_107, %dma_start3A] : memref<64000x128xf32, #tpu.memory_space<hbm>> -> memref<256x128xf32, #tpu.memory_space<hbm>>
        %dma_start3A_109 = arith.constant 0 : i32
        %dma_start3A_110 = tpu.memref_slice %arg4[%mul3A_107, %dma_start3A_109] : memref<64000x128xf32, #tpu.memory_space<hbm>> -> memref<256x128xf32, #tpu.memory_space<hbm>>
        tpu.enqueue_dma source(%arg9 : memref<256x128xf32, #tpu.memory_space<vmem>>) target(%dma_start3A_110 : memref<256x128xf32, #tpu.memory_space<hbm>>) target_semaphore(%arg15 : memref<!tpu.dma_semaphore, #tpu.memory_space<semaphore_mem>>)
      } else {
      }
    }
    %scan3A_5 = arith.constant 4 : i32
    return
  }
}

#map = affine_map<(d0, d1) -> (0, 0)>
#map1 = affine_map<(d0, d1) -> (0)>
module attributes {stable_mosaic.version = 14 : i64} {
  func.func @gather(%arg0: i32, %arg1: i32, %arg2: memref<10008x128xf32, #tpu.memory_space<hbm>>, %arg3: memref<64000xi32, #tpu.memory_space<hbm>>, %arg4: memref<64000x128xf32, #tpu.memory_space<hbm>>, %arg5: memref<2x128xi32, #tpu.memory_space<vmem>>, %arg6: memref<2x128xi32, #tpu.memory_space<vmem>>, %arg7: memref<2x128xi32, #tpu.memory_space<vmem>>, %arg8: memref<256x128xf32, #tpu.memory_space<vmem>>, %arg9: memref<256x128xf32, #tpu.memory_space<vmem>>, %arg10: memref<256x128xf32, #tpu.memory_space<vmem>>, %arg11: memref<!tpu.dma_semaphore, #tpu.memory_space<semaphore_mem>>, %arg12: memref<!tpu.dma_semaphore, #tpu.memory_space<semaphore_mem>>, %arg13: memref<!tpu.dma_semaphore, #tpu.memory_space<semaphore_mem>>, %arg14: memref<!tpu.dma_semaphore, #tpu.memory_space<semaphore_mem>>, %arg15: memref<!tpu.dma_semaphore, #tpu.memory_space<semaphore_mem>>, %arg16: memref<!tpu.dma_semaphore, #tpu.memory_space<semaphore_mem>>) attributes {dimension_semantics = [#tpu.dimension_semantics<core_parallel>, #tpu.dimension_semantics<subcore_parallel>], iteration_bounds = array<i64: 2, 16>, scalar_prefetch = 0 : i64, scratch_operands = 12 : i64, tpu.core_type = #tpu.core_type<sc_vector_subcore>, window_params = [{transform_indices = #map}, {transform_indices = #map1}, {transform_indices = #map}]} {
    %mul3A = arith.constant 2 : i32
    %mul3A_0 = arith.muli %arg1, %mul3A : i32
    %add3A = arith.addi %mul3A_0, %arg0 : i32
    %scan3A = arith.constant 0 : i32
    %scan3A_1 = arith.constant 0 : i32
    %scan3A_2 = arith.constant 4 : i32
    %scan3A_3 = arith.addi %scan3A_1, %scan3A_2 : i32
    %scan3A_4 = arith.constant 1 : i32
    scf.for %scan3A_6 = %scan3A_1 to %scan3A_3 step %scan3A_4  : i32 {
      %mul3A_7 = arith.constant 3 : i32
      %mul3A_8 = arith.muli %scan3A_6, %mul3A_7 : i32
      %mul3A_9 = arith.constant 32 : i32
      %mul3A_10 = arith.muli %mul3A_8, %mul3A_9 : i32
      %add3A_11 = arith.addi %mul3A_10, %add3A : i32
      %add3A_12 = arith.constant 0 : i32
      %add3A_13 = arith.addi %add3A_11, %add3A_12 : i32
      %sub3A = arith.constant 32 : i32
      %sub3A_14 = arith.subi %add3A_13, %sub3A : i32
      %sub3A_15 = arith.constant 96 : i32
      %sub3A_16 = arith.subi %add3A_13, %sub3A_15 : i32
      %ge3A = arith.constant 0 : i32
      %ge3A_17 = arith.cmpi sge, %sub3A_16, %ge3A : i32
      %lt3A = arith.constant 250 : i32
      %lt3A_18 = arith.cmpi slt, %sub3A_16, %lt3A : i32
      %and3A = arith.andi %ge3A_17, %lt3A_18 : i1
      %convert_element_type3A = arith.extui %and3A : i1 to i32
      %cond3A = arith.constant 0 : i32
      %cond3A_19 = arith.cmpi ne, %convert_element_type3A, %cond3A : i32
      scf.if %cond3A_19 {
        %mul3A_87 = arith.constant 256 : i32
        %mul3A_88 = arith.muli %sub3A_16, %mul3A_87 : i32
        %dma_wait3A = arith.constant 0 : i32
        %dma_wait3A_89 = tpu.memref_slice %arg4[%mul3A_88, %dma_wait3A] : memref<64000x128xf32, #tpu.memory_space<hbm>> -> memref<256x128xf32, #tpu.memory_space<hbm>>
        %dma_wait3A_90 = arith.constant 0 : i32
        %dma_wait3A_91 = tpu.memref_slice %arg4[%mul3A_88, %dma_wait3A_90] : memref<64000x128xf32, #tpu.memory_space<hbm>> -> memref<256x128xf32, #tpu.memory_space<hbm>>
        tpu.wait_dma2 semaphore(%arg14 : memref<!tpu.dma_semaphore, #tpu.memory_space<semaphore_mem>>) src(%arg8 : memref<256x128xf32, #tpu.memory_space<vmem>>) dst(%dma_wait3A_91 : memref<256x128xf32, #tpu.memory_space<hbm>>)
      } else {
      }
      %lt3A_20 = arith.constant 250 : i32
      %lt3A_21 = arith.cmpi slt, %add3A_13, %lt3A_20 : i32
      %convert_element_type3A_22 = arith.extui %lt3A_21 : i1 to i32
      %cond3A_23 = arith.constant 0 : i32
      %cond3A_24 = arith.cmpi ne, %convert_element_type3A_22, %cond3A_23 : i32
      scf.if %cond3A_24 {
        %mul3A_87 = arith.constant 256 : i32
        %mul3A_88 = arith.muli %add3A_13, %mul3A_87 : i32
        %add3A_89 = arith.constant 0 : i32
        %add3A_90 = arith.addi %mul3A_88, %add3A_89 : i32
        %run_scoped3A = arith.constant 0 : i32
        "tpu.region"() ({
          %run_scoped3A_115 = tpu.sem_alloc : memref<!tpu.dma_semaphore, #tpu.memory_space<semaphore_mem>>
          %dma_start3A_116 = arith.constant 0 : i32
          %dma_start3A_117 = tpu.memref_slice %arg5[%run_scoped3A, %dma_start3A_116] : memref<2x128xi32, #tpu.memory_space<vmem>> -> memref<1x128xi32, #tpu.memory_space<vmem>>
          %dma_start3A_118 = tpu.memref_squeeze %dma_start3A_117 : memref<1x128xi32, #tpu.memory_space<vmem>> -> memref<128xi32, #tpu.memory_space<vmem>>
          %dma_start3A_119 = tpu.memref_slice %arg3[%add3A_90] : memref<64000xi32, #tpu.memory_space<hbm>> -> memref<128xi32, #tpu.memory_space<hbm>>
          %dma_start3A_120 = arith.constant 0 : i32
          %dma_start3A_121 = tpu.memref_slice %arg5[%run_scoped3A, %dma_start3A_120] : memref<2x128xi32, #tpu.memory_space<vmem>> -> memref<1x128xi32, #tpu.memory_space<vmem>>
          %dma_start3A_122 = tpu.memref_squeeze %dma_start3A_121 : memref<1x128xi32, #tpu.memory_space<vmem>> -> memref<128xi32, #tpu.memory_space<vmem>>
          %dma_start3A_123 = tpu.memref_slice %arg3[%add3A_90] : memref<64000xi32, #tpu.memory_space<hbm>> -> memref<128xi32, #tpu.memory_space<hbm>>
          tpu.enqueue_dma source(%dma_start3A_123 : memref<128xi32, #tpu.memory_space<hbm>>) target(%dma_start3A_122 : memref<128xi32, #tpu.memory_space<vmem>>) target_semaphore(%run_scoped3A_115 : memref<!tpu.dma_semaphore, #tpu.memory_space<semaphore_mem>>)
          %dma_wait3A = arith.constant 0 : i32
          %dma_wait3A_124 = tpu.memref_slice %arg5[%run_scoped3A, %dma_wait3A] : memref<2x128xi32, #tpu.memory_space<vmem>> -> memref<1x128xi32, #tpu.memory_space<vmem>>
          %dma_wait3A_125 = tpu.memref_squeeze %dma_wait3A_124 : memref<1x128xi32, #tpu.memory_space<vmem>> -> memref<128xi32, #tpu.memory_space<vmem>>
          %dma_wait3A_126 = tpu.memref_slice %arg3[%add3A_90] : memref<64000xi32, #tpu.memory_space<hbm>> -> memref<128xi32, #tpu.memory_space<hbm>>
          %dma_wait3A_127 = arith.constant 0 : i32
          %dma_wait3A_128 = tpu.memref_slice %arg5[%run_scoped3A, %dma_wait3A_127] : memref<2x128xi32, #tpu.memory_space<vmem>> -> memref<1x128xi32, #tpu.memory_space<vmem>>
          %dma_wait3A_129 = tpu.memref_squeeze %dma_wait3A_128 : memref<1x128xi32, #tpu.memory_space<vmem>> -> memref<128xi32, #tpu.memory_space<vmem>>
          %dma_wait3A_130 = tpu.memref_slice %arg3[%add3A_90] : memref<64000xi32, #tpu.memory_space<hbm>> -> memref<128xi32, #tpu.memory_space<hbm>>
          tpu.wait_dma2 semaphore(%run_scoped3A_115 : memref<!tpu.dma_semaphore, #tpu.memory_space<semaphore_mem>>) src(%dma_wait3A_130 : memref<128xi32, #tpu.memory_space<hbm>>) dst(%dma_wait3A_129 : memref<128xi32, #tpu.memory_space<vmem>>)
          tpu.yield
        }) : () -> ()
        %mul3A_91 = arith.constant 256 : i32
        %mul3A_92 = arith.muli %add3A_13, %mul3A_91 : i32
        %add3A_93 = arith.constant 128 : i32
        %add3A_94 = arith.addi %mul3A_92, %add3A_93 : i32
        %run_scoped3A_95 = arith.constant 1 : i32
        "tpu.region"() ({
          %run_scoped3A_115 = tpu.sem_alloc : memref<!tpu.dma_semaphore, #tpu.memory_space<semaphore_mem>>
          %dma_start3A_116 = arith.constant 0 : i32
          %dma_start3A_117 = tpu.memref_slice %arg5[%run_scoped3A_95, %dma_start3A_116] : memref<2x128xi32, #tpu.memory_space<vmem>> -> memref<1x128xi32, #tpu.memory_space<vmem>>
          %dma_start3A_118 = tpu.memref_squeeze %dma_start3A_117 : memref<1x128xi32, #tpu.memory_space<vmem>> -> memref<128xi32, #tpu.memory_space<vmem>>
          %dma_start3A_119 = tpu.memref_slice %arg3[%add3A_94] : memref<64000xi32, #tpu.memory_space<hbm>> -> memref<128xi32, #tpu.memory_space<hbm>>
          %dma_start3A_120 = arith.constant 0 : i32
          %dma_start3A_121 = tpu.memref_slice %arg5[%run_scoped3A_95, %dma_start3A_120] : memref<2x128xi32, #tpu.memory_space<vmem>> -> memref<1x128xi32, #tpu.memory_space<vmem>>
          %dma_start3A_122 = tpu.memref_squeeze %dma_start3A_121 : memref<1x128xi32, #tpu.memory_space<vmem>> -> memref<128xi32, #tpu.memory_space<vmem>>
          %dma_start3A_123 = tpu.memref_slice %arg3[%add3A_94] : memref<64000xi32, #tpu.memory_space<hbm>> -> memref<128xi32, #tpu.memory_space<hbm>>
          tpu.enqueue_dma source(%dma_start3A_123 : memref<128xi32, #tpu.memory_space<hbm>>) target(%dma_start3A_122 : memref<128xi32, #tpu.memory_space<vmem>>) target_semaphore(%run_scoped3A_115 : memref<!tpu.dma_semaphore, #tpu.memory_space<semaphore_mem>>)
          %dma_wait3A = arith.constant 0 : i32
          %dma_wait3A_124 = tpu.memref_slice %arg5[%run_scoped3A_95, %dma_wait3A] : memref<2x128xi32, #tpu.memory_space<vmem>> -> memref<1x128xi32, #tpu.memory_space<vmem>>
          %dma_wait3A_125 = tpu.memref_squeeze %dma_wait3A_124 : memref<1x128xi32, #tpu.memory_space<vmem>> -> memref<128xi32, #tpu.memory_space<vmem>>
          %dma_wait3A_126 = tpu.memref_slice %arg3[%add3A_94] : memref<64000xi32, #tpu.memory_space<hbm>> -> memref<128xi32, #tpu.memory_space<hbm>>
          %dma_wait3A_127 = arith.constant 0 : i32
          %dma_wait3A_128 = tpu.memref_slice %arg5[%run_scoped3A_95, %dma_wait3A_127] : memref<2x128xi32, #tpu.memory_space<vmem>> -> memref<1x128xi32, #tpu.memory_space<vmem>>
          %dma_wait3A_129 = tpu.memref_squeeze %dma_wait3A_128 : memref<1x128xi32, #tpu.memory_space<vmem>> -> memref<128xi32, #tpu.memory_space<vmem>>
          %dma_wait3A_130 = tpu.memref_slice %arg3[%add3A_94] : memref<64000xi32, #tpu.memory_space<hbm>> -> memref<128xi32, #tpu.memory_space<hbm>>
          tpu.wait_dma2 semaphore(%run_scoped3A_115 : memref<!tpu.dma_semaphore, #tpu.memory_space<semaphore_mem>>) src(%dma_wait3A_130 : memref<128xi32, #tpu.memory_space<hbm>>) dst(%dma_wait3A_129 : memref<128xi32, #tpu.memory_space<vmem>>)
          tpu.yield
        }) : () -> ()
        %dma_start3A = arith.constant 0 : i32
        %dma_start3A_96 = arith.constant 0 : i32
        %dma_start3A_97 = arith.constant 0 : i32
        %dma_start3A_98 = tpu.memref_slice %arg8[%dma_start3A_96, %dma_start3A_97] : memref<256x128xf32, #tpu.memory_space<vmem>> -> memref<128x128xf32, #tpu.memory_space<vmem>>
        %dma_start3A_99 = arith.constant 0 : i32
        %dma_start3A_100 = tpu.memref_slice %arg5[%dma_start3A, %dma_start3A_99] : memref<2x128xi32, #tpu.memory_space<vmem>> -> memref<1x128xi32, #tpu.memory_space<vmem>>
        %dma_start3A_101 = tpu.memref_squeeze %dma_start3A_100 : memref<1x128xi32, #tpu.memory_space<vmem>> -> memref<128xi32, #tpu.memory_space<vmem>>
        %dma_start3A_102 = arith.constant 0 : i32
        %dma_start3A_103 = arith.constant 0 : i32
        %dma_start3A_104 = tpu.memref_slice %arg2[%dma_start3A_102, %dma_start3A_103] : memref<10008x128xf32, #tpu.memory_space<hbm>> -> memref<10008x128xf32, #tpu.memory_space<hbm>>
        tpu.enqueue_indirect_dma source(%dma_start3A_104 : memref<10008x128xf32, #tpu.memory_space<hbm>>) target(%dma_start3A_98 : memref<128x128xf32, #tpu.memory_space<vmem>>) offsets(%dma_start3A_101 : memref<128xi32, #tpu.memory_space<vmem>>) semaphore(%arg11 : memref<!tpu.dma_semaphore, #tpu.memory_space<semaphore_mem>>)
        %dma_start3A_105 = arith.constant 1 : i32
        %dma_start3A_106 = arith.constant 128 : i32
        %dma_start3A_107 = arith.constant 0 : i32
        %dma_start3A_108 = tpu.memref_slice %arg8[%dma_start3A_106, %dma_start3A_107] : memref<256x128xf32, #tpu.memory_space<vmem>> -> memref<128x128xf32, #tpu.memory_space<vmem>>
        %dma_start3A_109 = arith.constant 0 : i32
        %dma_start3A_110 = tpu.memref_slice %arg5[%dma_start3A_105, %dma_start3A_109] : memref<2x128xi32, #tpu.memory_space<vmem>> -> memref<1x128xi32, #tpu.memory_space<vmem>>
        %dma_start3A_111 = tpu.memref_squeeze %dma_start3A_110 : memref<1x128xi32, #tpu.memory_space<vmem>> -> memref<128xi32, #tpu.memory_space<vmem>>
        %dma_start3A_112 = arith.constant 0 : i32
        %dma_start3A_113 = arith.constant 0 : i32
        %dma_start3A_114 = tpu.memref_slice %arg2[%dma_start3A_112, %dma_start3A_113] : memref<10008x128xf32, #tpu.memory_space<hbm>> -> memref<10008x128xf32, #tpu.memory_space<hbm>>
        tpu.enqueue_indirect_dma source(%dma_start3A_114 : memref<10008x128xf32, #tpu.memory_space<hbm>>) target(%dma_start3A_108 : memref<128x128xf32, #tpu.memory_space<vmem>>) offsets(%dma_start3A_111 : memref<128xi32, #tpu.memory_space<vmem>>) semaphore(%arg11 : memref<!tpu.dma_semaphore, #tpu.memory_space<semaphore_mem>>)
      } else {
      }
      %ge3A_25 = arith.constant 0 : i32
      %ge3A_26 = arith.cmpi sge, %sub3A_14, %ge3A_25 : i32
      %lt3A_27 = arith.constant 250 : i32
      %lt3A_28 = arith.cmpi slt, %sub3A_14, %lt3A_27 : i32
      %and3A_29 = arith.andi %ge3A_26, %lt3A_28 : i1
      %convert_element_type3A_30 = arith.extui %and3A_29 : i1 to i32
      %cond3A_31 = arith.constant 0 : i32
      %cond3A_32 = arith.cmpi ne, %convert_element_type3A_30, %cond3A_31 : i32
      scf.if %cond3A_32 {
        %dma_wait3A = arith.constant 0 : i32
        %dma_wait3A_87 = arith.constant 0 : i32
        %dma_wait3A_88 = arith.constant 0 : i32
        %dma_wait3A_89 = tpu.memref_slice %arg10[%dma_wait3A_87, %dma_wait3A_88] : memref<256x128xf32, #tpu.memory_space<vmem>> -> memref<128x128xf32, #tpu.memory_space<vmem>>
        %dma_wait3A_90 = arith.constant 0 : i32
        %dma_wait3A_91 = tpu.memref_slice %arg7[%dma_wait3A, %dma_wait3A_90] : memref<2x128xi32, #tpu.memory_space<vmem>> -> memref<1x128xi32, #tpu.memory_space<vmem>>
        %dma_wait3A_92 = tpu.memref_squeeze %dma_wait3A_91 : memref<1x128xi32, #tpu.memory_space<vmem>> -> memref<128xi32, #tpu.memory_space<vmem>>
        %dma_wait3A_93 = arith.constant 0 : i32
        %dma_wait3A_94 = arith.constant 0 : i32
        %dma_wait3A_95 = tpu.memref_slice %arg2[%dma_wait3A_93, %dma_wait3A_94] : memref<10008x128xf32, #tpu.memory_space<hbm>> -> memref<10008x128xf32, #tpu.memory_space<hbm>>
        tpu.wait_indirect_dma semaphore(%arg13 : memref<!tpu.dma_semaphore, #tpu.memory_space<semaphore_mem>>) src(%dma_wait3A_95 : memref<10008x128xf32, #tpu.memory_space<hbm>>) dst(%dma_wait3A_89 : memref<128x128xf32, #tpu.memory_space<vmem>>)
        %dma_wait3A_96 = arith.constant 1 : i32
        %dma_wait3A_97 = arith.constant 128 : i32
        %dma_wait3A_98 = arith.constant 0 : i32
        %dma_wait3A_99 = tpu.memref_slice %arg10[%dma_wait3A_97, %dma_wait3A_98] : memref<256x128xf32, #tpu.memory_space<vmem>> -> memref<128x128xf32, #tpu.memory_space<vmem>>
        %dma_wait3A_100 = arith.constant 0 : i32
        %dma_wait3A_101 = tpu.memref_slice %arg7[%dma_wait3A_96, %dma_wait3A_100] : memref<2x128xi32, #tpu.memory_space<vmem>> -> memref<1x128xi32, #tpu.memory_space<vmem>>
        %dma_wait3A_102 = tpu.memref_squeeze %dma_wait3A_101 : memref<1x128xi32, #tpu.memory_space<vmem>> -> memref<128xi32, #tpu.memory_space<vmem>>
        %dma_wait3A_103 = arith.constant 0 : i32
        %dma_wait3A_104 = arith.constant 0 : i32
        %dma_wait3A_105 = tpu.memref_slice %arg2[%dma_wait3A_103, %dma_wait3A_104] : memref<10008x128xf32, #tpu.memory_space<hbm>> -> memref<10008x128xf32, #tpu.memory_space<hbm>>
        tpu.wait_indirect_dma semaphore(%arg13 : memref<!tpu.dma_semaphore, #tpu.memory_space<semaphore_mem>>) src(%dma_wait3A_105 : memref<10008x128xf32, #tpu.memory_space<hbm>>) dst(%dma_wait3A_99 : memref<128x128xf32, #tpu.memory_space<vmem>>)
        %mul3A_106 = arith.constant 256 : i32
        %mul3A_107 = arith.muli %sub3A_14, %mul3A_106 : i32
        %dma_start3A = arith.constant 0 : i32
        %dma_start3A_108 = tpu.memref_slice %arg4[%mul3A_107, %dma_start3A] : memref<64000x128xf32, #tpu.memory_space<hbm>> -> memref<256x128xf32, #tpu.memory_space<hbm>>
        %dma_start3A_109 = arith.constant 0 : i32
        %dma_start3A_110 = tpu.memref_slice %arg4[%mul3A_107, %dma_start3A_109] : memref<64000x128xf32, #tpu.memory_space<hbm>> -> memref<256x128xf32, #tpu.memory_space<hbm>>
        tpu.enqueue_dma source(%arg10 : memref<256x128xf32, #tpu.memory_space<vmem>>) target(%dma_start3A_110 : memref<256x128xf32, #tpu.memory_space<hbm>>) target_semaphore(%arg16 : memref<!tpu.dma_semaphore, #tpu.memory_space<semaphore_mem>>)
      } else {
      }
      %add3A_33 = arith.constant 32 : i32
      %add3A_34 = arith.addi %add3A_11, %add3A_33 : i32
      %sub3A_35 = arith.constant 32 : i32
      %sub3A_36 = arith.subi %add3A_34, %sub3A_35 : i32
      %sub3A_37 = arith.constant 96 : i32
      %sub3A_38 = arith.subi %add3A_34, %sub3A_37 : i32
      %ge3A_39 = arith.constant 0 : i32
      %ge3A_40 = arith.cmpi sge, %sub3A_38, %ge3A_39 : i32
      %lt3A_41 = arith.constant 250 : i32
      %lt3A_42 = arith.cmpi slt, %sub3A_38, %lt3A_41 : i32
      %and3A_43 = arith.andi %ge3A_40, %lt3A_42 : i1
      %convert_element_type3A_44 = arith.extui %and3A_43 : i1 to i32
      %cond3A_45 = arith.constant 0 : i32
      %cond3A_46 = arith.cmpi ne, %convert_element_type3A_44, %cond3A_45 : i32
      scf.if %cond3A_46 {
        %mul3A_87 = arith.constant 256 : i32
        %mul3A_88 = arith.muli %sub3A_38, %mul3A_87 : i32
        %dma_wait3A = arith.constant 0 : i32
        %dma_wait3A_89 = tpu.memref_slice %arg4[%mul3A_88, %dma_wait3A] : memref<64000x128xf32, #tpu.memory_space<hbm>> -> memref<256x128xf32, #tpu.memory_space<hbm>>
        %dma_wait3A_90 = arith.constant 0 : i32
        %dma_wait3A_91 = tpu.memref_slice %arg4[%mul3A_88, %dma_wait3A_90] : memref<64000x128xf32, #tpu.memory_space<hbm>> -> memref<256x128xf32, #tpu.memory_space<hbm>>
        tpu.wait_dma2 semaphore(%arg15 : memref<!tpu.dma_semaphore, #tpu.memory_space<semaphore_mem>>) src(%arg9 : memref<256x128xf32, #tpu.memory_space<vmem>>) dst(%dma_wait3A_91 : memref<256x128xf32, #tpu.memory_space<hbm>>)
      } else {
      }
      %lt3A_47 = arith.constant 250 : i32
      %lt3A_48 = arith.cmpi slt, %add3A_34, %lt3A_47 : i32
      %convert_element_type3A_49 = arith.extui %lt3A_48 : i1 to i32
      %cond3A_50 = arith.constant 0 : i32
      %cond3A_51 = arith.cmpi ne, %convert_element_type3A_49, %cond3A_50 : i32
      scf.if %cond3A_51 {
        %mul3A_87 = arith.constant 256 : i32
        %mul3A_88 = arith.muli %add3A_34, %mul3A_87 : i32
        %add3A_89 = arith.constant 0 : i32
        %add3A_90 = arith.addi %mul3A_88, %add3A_89 : i32
        %run_scoped3A = arith.constant 0 : i32
        "tpu.region"() ({
          %run_scoped3A_115 = tpu.sem_alloc : memref<!tpu.dma_semaphore, #tpu.memory_space<semaphore_mem>>
          %dma_start3A_116 = arith.constant 0 : i32
          %dma_start3A_117 = tpu.memref_slice %arg6[%run_scoped3A, %dma_start3A_116] : memref<2x128xi32, #tpu.memory_space<vmem>> -> memref<1x128xi32, #tpu.memory_space<vmem>>
          %dma_start3A_118 = tpu.memref_squeeze %dma_start3A_117 : memref<1x128xi32, #tpu.memory_space<vmem>> -> memref<128xi32, #tpu.memory_space<vmem>>
          %dma_start3A_119 = tpu.memref_slice %arg3[%add3A_90] : memref<64000xi32, #tpu.memory_space<hbm>> -> memref<128xi32, #tpu.memory_space<hbm>>
          %dma_start3A_120 = arith.constant 0 : i32
          %dma_start3A_121 = tpu.memref_slice %arg6[%run_scoped3A, %dma_start3A_120] : memref<2x128xi32, #tpu.memory_space<vmem>> -> memref<1x128xi32, #tpu.memory_space<vmem>>
          %dma_start3A_122 = tpu.memref_squeeze %dma_start3A_121 : memref<1x128xi32, #tpu.memory_space<vmem>> -> memref<128xi32, #tpu.memory_space<vmem>>
          %dma_start3A_123 = tpu.memref_slice %arg3[%add3A_90] : memref<64000xi32, #tpu.memory_space<hbm>> -> memref<128xi32, #tpu.memory_space<hbm>>
          tpu.enqueue_dma source(%dma_start3A_123 : memref<128xi32, #tpu.memory_space<hbm>>) target(%dma_start3A_122 : memref<128xi32, #tpu.memory_space<vmem>>) target_semaphore(%run_scoped3A_115 : memref<!tpu.dma_semaphore, #tpu.memory_space<semaphore_mem>>)
          %dma_wait3A = arith.constant 0 : i32
          %dma_wait3A_124 = tpu.memref_slice %arg6[%run_scoped3A, %dma_wait3A] : memref<2x128xi32, #tpu.memory_space<vmem>> -> memref<1x128xi32, #tpu.memory_space<vmem>>
          %dma_wait3A_125 = tpu.memref_squeeze %dma_wait3A_124 : memref<1x128xi32, #tpu.memory_space<vmem>> -> memref<128xi32, #tpu.memory_space<vmem>>
          %dma_wait3A_126 = tpu.memref_slice %arg3[%add3A_90] : memref<64000xi32, #tpu.memory_space<hbm>> -> memref<128xi32, #tpu.memory_space<hbm>>
          %dma_wait3A_127 = arith.constant 0 : i32
          %dma_wait3A_128 = tpu.memref_slice %arg6[%run_scoped3A, %dma_wait3A_127] : memref<2x128xi32, #tpu.memory_space<vmem>> -> memref<1x128xi32, #tpu.memory_space<vmem>>
          %dma_wait3A_129 = tpu.memref_squeeze %dma_wait3A_128 : memref<1x128xi32, #tpu.memory_space<vmem>> -> memref<128xi32, #tpu.memory_space<vmem>>
          %dma_wait3A_130 = tpu.memref_slice %arg3[%add3A_90] : memref<64000xi32, #tpu.memory_space<hbm>> -> memref<128xi32, #tpu.memory_space<hbm>>
          tpu.wait_dma2 semaphore(%run_scoped3A_115 : memref<!tpu.dma_semaphore, #tpu.memory_space<semaphore_mem>>) src(%dma_wait3A_130 : memref<128xi32, #tpu.memory_space<hbm>>) dst(%dma_wait3A_129 : memref<128xi32, #tpu.memory_space<vmem>>)
          tpu.yield
        }) : () -> ()
        %mul3A_91 = arith.constant 256 : i32
        %mul3A_92 = arith.muli %add3A_34, %mul3A_91 : i32
        %add3A_93 = arith.constant 128 : i32
        %add3A_94 = arith.addi %mul3A_92, %add3A_93 : i32
        %run_scoped3A_95 = arith.constant 1 : i32
        "tpu.region"() ({
          %run_scoped3A_115 = tpu.sem_alloc : memref<!tpu.dma_semaphore, #tpu.memory_space<semaphore_mem>>
          %dma_start3A_116 = arith.constant 0 : i32
          %dma_start3A_117 = tpu.memref_slice %arg6[%run_scoped3A_95, %dma_start3A_116] : memref<2x128xi32, #tpu.memory_space<vmem>> -> memref<1x128xi32, #tpu.memory_space<vmem>>
          %dma_start3A_118 = tpu.memref_squeeze %dma_start3A_117 : memref<1x128xi32, #tpu.memory_space<vmem>> -> memref<128xi32, #tpu.memory_space<vmem>>
          %dma_start3A_119 = tpu.memref_slice %arg3[%add3A_94] : memref<64000xi32, #tpu.memory_space<hbm>> -> memref<128xi32, #tpu.memory_space<hbm>>
          %dma_start3A_120 = arith.constant 0 : i32
          %dma_start3A_121 = tpu.memref_slice %arg6[%run_scoped3A_95, %dma_start3A_120] : memref<2x128xi32, #tpu.memory_space<vmem>> -> memref<1x128xi32, #tpu.memory_space<vmem>>
          %dma_start3A_122 = tpu.memref_squeeze %dma_start3A_121 : memref<1x128xi32, #tpu.memory_space<vmem>> -> memref<128xi32, #tpu.memory_space<vmem>>
          %dma_start3A_123 = tpu.memref_slice %arg3[%add3A_94] : memref<64000xi32, #tpu.memory_space<hbm>> -> memref<128xi32, #tpu.memory_space<hbm>>
          tpu.enqueue_dma source(%dma_start3A_123 : memref<128xi32, #tpu.memory_space<hbm>>) target(%dma_start3A_122 : memref<128xi32, #tpu.memory_space<vmem>>) target_semaphore(%run_scoped3A_115 : memref<!tpu.dma_semaphore, #tpu.memory_space<semaphore_mem>>)
          %dma_wait3A = arith.constant 0 : i32
          %dma_wait3A_124 = tpu.memref_slice %arg6[%run_scoped3A_95, %dma_wait3A] : memref<2x128xi32, #tpu.memory_space<vmem>> -> memref<1x128xi32, #tpu.memory_space<vmem>>
          %dma_wait3A_125 = tpu.memref_squeeze %dma_wait3A_124 : memref<1x128xi32, #tpu.memory_space<vmem>> -> memref<128xi32, #tpu.memory_space<vmem>>
          %dma_wait3A_126 = tpu.memref_slice %arg3[%add3A_94] : memref<64000xi32, #tpu.memory_space<hbm>> -> memref<128xi32, #tpu.memory_space<hbm>>
          %dma_wait3A_127 = arith.constant 0 : i32
          %dma_wait3A_128 = tpu.memref_slice %arg6[%run_scoped3A_95, %dma_wait3A_127] : memref<2x128xi32, #tpu.memory_space<vmem>> -> memref<1x128xi32, #tpu.memory_space<vmem>>
          %dma_wait3A_129 = tpu.memref_squeeze %dma_wait3A_128 : memref<1x128xi32, #tpu.memory_space<vmem>> -> memref<128xi32, #tpu.memory_space<vmem>>
          %dma_wait3A_130 = tpu.memref_slice %arg3[%add3A_94] : memref<64000xi32, #tpu.memory_space<hbm>> -> memref<128xi32, #tpu.memory_space<hbm>>
          tpu.wait_dma2 semaphore(%run_scoped3A_115 : memref<!tpu.dma_semaphore, #tpu.memory_space<semaphore_mem>>) src(%dma_wait3A_130 : memref<128xi32, #tpu.memory_space<hbm>>) dst(%dma_wait3A_129 : memref<128xi32, #tpu.memory_space<vmem>>)
          tpu.yield
        }) : () -> ()
        %dma_start3A = arith.constant 0 : i32
        %dma_start3A_96 = arith.constant 0 : i32
        %dma_start3A_97 = arith.constant 0 : i32
        %dma_start3A_98 = tpu.memref_slice %arg9[%dma_start3A_96, %dma_start3A_97] : memref<256x128xf32, #tpu.memory_space<vmem>> -> memref<128x128xf32, #tpu.memory_space<vmem>>
        %dma_start3A_99 = arith.constant 0 : i32
        %dma_start3A_100 = tpu.memref_slice %arg6[%dma_start3A, %dma_start3A_99] : memref<2x128xi32, #tpu.memory_space<vmem>> -> memref<1x128xi32, #tpu.memory_space<vmem>>
        %dma_start3A_101 = tpu.memref_squeeze %dma_start3A_100 : memref<1x128xi32, #tpu.memory_space<vmem>> -> memref<128xi32, #tpu.memory_space<vmem>>
        %dma_start3A_102 = arith.constant 0 : i32
        %dma_start3A_103 = arith.constant 0 : i32
        %dma_start3A_104 = tpu.memref_slice %arg2[%dma_start3A_102, %dma_start3A_103] : memref<10008x128xf32, #tpu.memory_space<hbm>> -> memref<10008x128xf32, #tpu.memory_space<hbm>>
        tpu.enqueue_indirect_dma source(%dma_start3A_104 : memref<10008x128xf32, #tpu.memory_space<hbm>>) target(%dma_start3A_98 : memref<128x128xf32, #tpu.memory_space<vmem>>) offsets(%dma_start3A_101 : memref<128xi32, #tpu.memory_space<vmem>>) semaphore(%arg12 : memref<!tpu.dma_semaphore, #tpu.memory_space<semaphore_mem>>)
        %dma_start3A_105 = arith.constant 1 : i32
        %dma_start3A_106 = arith.constant 128 : i32
        %dma_start3A_107 = arith.constant 0 : i32
        %dma_start3A_108 = tpu.memref_slice %arg9[%dma_start3A_106, %dma_start3A_107] : memref<256x128xf32, #tpu.memory_space<vmem>> -> memref<128x128xf32, #tpu.memory_space<vmem>>
        %dma_start3A_109 = arith.constant 0 : i32
        %dma_start3A_110 = tpu.memref_slice %arg6[%dma_start3A_105, %dma_start3A_109] : memref<2x128xi32, #tpu.memory_space<vmem>> -> memref<1x128xi32, #tpu.memory_space<vmem>>
        %dma_start3A_111 = tpu.memref_squeeze %dma_start3A_110 : memref<1x128xi32, #tpu.memory_space<vmem>> -> memref<128xi32, #tpu.memory_space<vmem>>
        %dma_start3A_112 = arith.constant 0 : i32
        %dma_start3A_113 = arith.constant 0 : i32
        %dma_start3A_114 = tpu.memref_slice %arg2[%dma_start3A_112, %dma_start3A_113] : memref<10008x128xf32, #tpu.memory_space<hbm>> -> memref<10008x128xf32, #tpu.memory_space<hbm>>
        tpu.enqueue_indirect_dma source(%dma_start3A_114 : memref<10008x128xf32, #tpu.memory_space<hbm>>) target(%dma_start3A_108 : memref<128x128xf32, #tpu.memory_space<vmem>>) offsets(%dma_start3A_111 : memref<128xi32, #tpu.memory_space<vmem>>) semaphore(%arg12 : memref<!tpu.dma_semaphore, #tpu.memory_space<semaphore_mem>>)
      } else {
      }
      %ge3A_52 = arith.constant 0 : i32
      %ge3A_53 = arith.cmpi sge, %sub3A_36, %ge3A_52 : i32
      %lt3A_54 = arith.constant 250 : i32
      %lt3A_55 = arith.cmpi slt, %sub3A_36, %lt3A_54 : i32
      %and3A_56 = arith.andi %ge3A_53, %lt3A_55 : i1
      %convert_element_type3A_57 = arith.extui %and3A_56 : i1 to i32
      %cond3A_58 = arith.constant 0 : i32
      %cond3A_59 = arith.cmpi ne, %convert_element_type3A_57, %cond3A_58 : i32
      scf.if %cond3A_59 {
        %dma_wait3A = arith.constant 0 : i32
        %dma_wait3A_87 = arith.constant 0 : i32
        %dma_wait3A_88 = arith.constant 0 : i32
        %dma_wait3A_89 = tpu.memref_slice %arg8[%dma_wait3A_87, %dma_wait3A_88] : memref<256x128xf32, #tpu.memory_space<vmem>> -> memref<128x128xf32, #tpu.memory_space<vmem>>
        %dma_wait3A_90 = arith.constant 0 : i32
        %dma_wait3A_91 = tpu.memref_slice %arg5[%dma_wait3A, %dma_wait3A_90] : memref<2x128xi32, #tpu.memory_space<vmem>> -> memref<1x128xi32, #tpu.memory_space<vmem>>
        %dma_wait3A_92 = tpu.memref_squeeze %dma_wait3A_91 : memref<1x128xi32, #tpu.memory_space<vmem>> -> memref<128xi32, #tpu.memory_space<vmem>>
        %dma_wait3A_93 = arith.constant 0 : i32
        %dma_wait3A_94 = arith.constant 0 : i32
        %dma_wait3A_95 = tpu.memref_slice %arg2[%dma_wait3A_93, %dma_wait3A_94] : memref<10008x128xf32, #tpu.memory_space<hbm>> -> memref<10008x128xf32, #tpu.memory_space<hbm>>
        tpu.wait_indirect_dma semaphore(%arg11 : memref<!tpu.dma_semaphore, #tpu.memory_space<semaphore_mem>>) src(%dma_wait3A_95 : memref<10008x128xf32, #tpu.memory_space<hbm>>) dst(%dma_wait3A_89 : memref<128x128xf32, #tpu.memory_space<vmem>>)
        %dma_wait3A_96 = arith.constant 1 : i32
        %dma_wait3A_97 = arith.constant 128 : i32
        %dma_wait3A_98 = arith.constant 0 : i32
        %dma_wait3A_99 = tpu.memref_slice %arg8[%dma_wait3A_97, %dma_wait3A_98] : memref<256x128xf32, #tpu.memory_space<vmem>> -> memref<128x128xf32, #tpu.memory_space<vmem>>
        %dma_wait3A_100 = arith.constant 0 : i32
        %dma_wait3A_101 = tpu.memref_slice %arg5[%dma_wait3A_96, %dma_wait3A_100] : memref<2x128xi32, #tpu.memory_space<vmem>> -> memref<1x128xi32, #tpu.memory_space<vmem>>
        %dma_wait3A_102 = tpu.memref_squeeze %dma_wait3A_101 : memref<1x128xi32, #tpu.memory_space<vmem>> -> memref<128xi32, #tpu.memory_space<vmem>>
        %dma_wait3A_103 = arith.constant 0 : i32
        %dma_wait3A_104 = arith.constant 0 : i32
        %dma_wait3A_105 = tpu.memref_slice %arg2[%dma_wait3A_103, %dma_wait3A_104] : memref<10008x128xf32, #tpu.memory_space<hbm>> -> memref<10008x128xf32, #tpu.memory_space<hbm>>
        tpu.wait_indirect_dma semaphore(%arg11 : memref<!tpu.dma_semaphore, #tpu.memory_space<semaphore_mem>>) src(%dma_wait3A_105 : memref<10008x128xf32, #tpu.memory_space<hbm>>) dst(%dma_wait3A_99 : memref<128x128xf32, #tpu.memory_space<vmem>>)
        %mul3A_106 = arith.constant 256 : i32
        %mul3A_107 = arith.muli %sub3A_36, %mul3A_106 : i32
        %dma_start3A = arith.constant 0 : i32
        %dma_start3A_108 = tpu.memref_slice %arg4[%mul3A_107, %dma_start3A] : memref<64000x128xf32, #tpu.memory_space<hbm>> -> memref<256x128xf32, #tpu.memory_space<hbm>>
        %dma_start3A_109 = arith.constant 0 : i32
        %dma_start3A_110 = tpu.memref_slice %arg4[%mul3A_107, %dma_start3A_109] : memref<64000x128xf32, #tpu.memory_space<hbm>> -> memref<256x128xf32, #tpu.memory_space<hbm>>
        tpu.enqueue_dma source(%arg8 : memref<256x128xf32, #tpu.memory_space<vmem>>) target(%dma_start3A_110 : memref<256x128xf32, #tpu.memory_space<hbm>>) target_semaphore(%arg14 : memref<!tpu.dma_semaphore, #tpu.memory_space<semaphore_mem>>)
      } else {
      }
      %add3A_60 = arith.constant 64 : i32
      %add3A_61 = arith.addi %add3A_11, %add3A_60 : i32
      %sub3A_62 = arith.constant 32 : i32
      %sub3A_63 = arith.subi %add3A_61, %sub3A_62 : i32
      %sub3A_64 = arith.constant 96 : i32
      %sub3A_65 = arith.subi %add3A_61, %sub3A_64 : i32
      %ge3A_66 = arith.constant 0 : i32
      %ge3A_67 = arith.cmpi sge, %sub3A_65, %ge3A_66 : i32
      %lt3A_68 = arith.constant 250 : i32
      %lt3A_69 = arith.cmpi slt, %sub3A_65, %lt3A_68 : i32
      %and3A_70 = arith.andi %ge3A_67, %lt3A_69 : i1
      %convert_element_type3A_71 = arith.extui %and3A_70 : i1 to i32
      %cond3A_72 = arith.constant 0 : i32
      %cond3A_73 = arith.cmpi ne, %convert_element_type3A_71, %cond3A_72 : i32
      scf.if %cond3A_73 {
        %mul3A_87 = arith.constant 256 : i32
        %mul3A_88 = arith.muli %sub3A_65, %mul3A_87 : i32
        %dma_wait3A = arith.constant 0 : i32
        %dma_wait3A_89 = tpu.memref_slice %arg4[%mul3A_88, %dma_wait3A] : memref<64000x128xf32, #tpu.memory_space<hbm>> -> memref<256x128xf32, #tpu.memory_space<hbm>>
        %dma_wait3A_90 = arith.constant 0 : i32
        %dma_wait3A_91 = tpu.memref_slice %arg4[%mul3A_88, %dma_wait3A_90] : memref<64000x128xf32, #tpu.memory_space<hbm>> -> memref<256x128xf32, #tpu.memory_space<hbm>>
        tpu.wait_dma2 semaphore(%arg16 : memref<!tpu.dma_semaphore, #tpu.memory_space<semaphore_mem>>) src(%arg10 : memref<256x128xf32, #tpu.memory_space<vmem>>) dst(%dma_wait3A_91 : memref<256x128xf32, #tpu.memory_space<hbm>>)
      } else {
      }
      %lt3A_74 = arith.constant 250 : i32
      %lt3A_75 = arith.cmpi slt, %add3A_61, %lt3A_74 : i32
      %convert_element_type3A_76 = arith.extui %lt3A_75 : i1 to i32
      %cond3A_77 = arith.constant 0 : i32
      %cond3A_78 = arith.cmpi ne, %convert_element_type3A_76, %cond3A_77 : i32
      scf.if %cond3A_78 {
        %mul3A_87 = arith.constant 256 : i32
        %mul3A_88 = arith.muli %add3A_61, %mul3A_87 : i32
        %add3A_89 = arith.constant 0 : i32
        %add3A_90 = arith.addi %mul3A_88, %add3A_89 : i32
        %run_scoped3A = arith.constant 0 : i32
        "tpu.region"() ({
          %run_scoped3A_115 = tpu.sem_alloc : memref<!tpu.dma_semaphore, #tpu.memory_space<semaphore_mem>>
          %dma_start3A_116 = arith.constant 0 : i32
          %dma_start3A_117 = tpu.memref_slice %arg7[%run_scoped3A, %dma_start3A_116] : memref<2x128xi32, #tpu.memory_space<vmem>> -> memref<1x128xi32, #tpu.memory_space<vmem>>
          %dma_start3A_118 = tpu.memref_squeeze %dma_start3A_117 : memref<1x128xi32, #tpu.memory_space<vmem>> -> memref<128xi32, #tpu.memory_space<vmem>>
          %dma_start3A_119 = tpu.memref_slice %arg3[%add3A_90] : memref<64000xi32, #tpu.memory_space<hbm>> -> memref<128xi32, #tpu.memory_space<hbm>>
          %dma_start3A_120 = arith.constant 0 : i32
          %dma_start3A_121 = tpu.memref_slice %arg7[%run_scoped3A, %dma_start3A_120] : memref<2x128xi32, #tpu.memory_space<vmem>> -> memref<1x128xi32, #tpu.memory_space<vmem>>
          %dma_start3A_122 = tpu.memref_squeeze %dma_start3A_121 : memref<1x128xi32, #tpu.memory_space<vmem>> -> memref<128xi32, #tpu.memory_space<vmem>>
          %dma_start3A_123 = tpu.memref_slice %arg3[%add3A_90] : memref<64000xi32, #tpu.memory_space<hbm>> -> memref<128xi32, #tpu.memory_space<hbm>>
          tpu.enqueue_dma source(%dma_start3A_123 : memref<128xi32, #tpu.memory_space<hbm>>) target(%dma_start3A_122 : memref<128xi32, #tpu.memory_space<vmem>>) target_semaphore(%run_scoped3A_115 : memref<!tpu.dma_semaphore, #tpu.memory_space<semaphore_mem>>)
          %dma_wait3A = arith.constant 0 : i32
          %dma_wait3A_124 = tpu.memref_slice %arg7[%run_scoped3A, %dma_wait3A] : memref<2x128xi32, #tpu.memory_space<vmem>> -> memref<1x128xi32, #tpu.memory_space<vmem>>
          %dma_wait3A_125 = tpu.memref_squeeze %dma_wait3A_124 : memref<1x128xi32, #tpu.memory_space<vmem>> -> memref<128xi32, #tpu.memory_space<vmem>>
          %dma_wait3A_126 = tpu.memref_slice %arg3[%add3A_90] : memref<64000xi32, #tpu.memory_space<hbm>> -> memref<128xi32, #tpu.memory_space<hbm>>
          %dma_wait3A_127 = arith.constant 0 : i32
          %dma_wait3A_128 = tpu.memref_slice %arg7[%run_scoped3A, %dma_wait3A_127] : memref<2x128xi32, #tpu.memory_space<vmem>> -> memref<1x128xi32, #tpu.memory_space<vmem>>
          %dma_wait3A_129 = tpu.memref_squeeze %dma_wait3A_128 : memref<1x128xi32, #tpu.memory_space<vmem>> -> memref<128xi32, #tpu.memory_space<vmem>>
          %dma_wait3A_130 = tpu.memref_slice %arg3[%add3A_90] : memref<64000xi32, #tpu.memory_space<hbm>> -> memref<128xi32, #tpu.memory_space<hbm>>
          tpu.wait_dma2 semaphore(%run_scoped3A_115 : memref<!tpu.dma_semaphore, #tpu.memory_space<semaphore_mem>>) src(%dma_wait3A_130 : memref<128xi32, #tpu.memory_space<hbm>>) dst(%dma_wait3A_129 : memref<128xi32, #tpu.memory_space<vmem>>)
          tpu.yield
        }) : () -> ()
        %mul3A_91 = arith.constant 256 : i32
        %mul3A_92 = arith.muli %add3A_61, %mul3A_91 : i32
        %add3A_93 = arith.constant 128 : i32
        %add3A_94 = arith.addi %mul3A_92, %add3A_93 : i32
        %run_scoped3A_95 = arith.constant 1 : i32
        "tpu.region"() ({
          %run_scoped3A_115 = tpu.sem_alloc : memref<!tpu.dma_semaphore, #tpu.memory_space<semaphore_mem>>
          %dma_start3A_116 = arith.constant 0 : i32
          %dma_start3A_117 = tpu.memref_slice %arg7[%run_scoped3A_95, %dma_start3A_116] : memref<2x128xi32, #tpu.memory_space<vmem>> -> memref<1x128xi32, #tpu.memory_space<vmem>>
          %dma_start3A_118 = tpu.memref_squeeze %dma_start3A_117 : memref<1x128xi32, #tpu.memory_space<vmem>> -> memref<128xi32, #tpu.memory_space<vmem>>
          %dma_start3A_119 = tpu.memref_slice %arg3[%add3A_94] : memref<64000xi32, #tpu.memory_space<hbm>> -> memref<128xi32, #tpu.memory_space<hbm>>
          %dma_start3A_120 = arith.constant 0 : i32
          %dma_start3A_121 = tpu.memref_slice %arg7[%run_scoped3A_95, %dma_start3A_120] : memref<2x128xi32, #tpu.memory_space<vmem>> -> memref<1x128xi32, #tpu.memory_space<vmem>>
          %dma_start3A_122 = tpu.memref_squeeze %dma_start3A_121 : memref<1x128xi32, #tpu.memory_space<vmem>> -> memref<128xi32, #tpu.memory_space<vmem>>
          %dma_start3A_123 = tpu.memref_slice %arg3[%add3A_94] : memref<64000xi32, #tpu.memory_space<hbm>> -> memref<128xi32, #tpu.memory_space<hbm>>
          tpu.enqueue_dma source(%dma_start3A_123 : memref<128xi32, #tpu.memory_space<hbm>>) target(%dma_start3A_122 : memref<128xi32, #tpu.memory_space<vmem>>) target_semaphore(%run_scoped3A_115 : memref<!tpu.dma_semaphore, #tpu.memory_space<semaphore_mem>>)
          %dma_wait3A = arith.constant 0 : i32
          %dma_wait3A_124 = tpu.memref_slice %arg7[%run_scoped3A_95, %dma_wait3A] : memref<2x128xi32, #tpu.memory_space<vmem>> -> memref<1x128xi32, #tpu.memory_space<vmem>>
          %dma_wait3A_125 = tpu.memref_squeeze %dma_wait3A_124 : memref<1x128xi32, #tpu.memory_space<vmem>> -> memref<128xi32, #tpu.memory_space<vmem>>
          %dma_wait3A_126 = tpu.memref_slice %arg3[%add3A_94] : memref<64000xi32, #tpu.memory_space<hbm>> -> memref<128xi32, #tpu.memory_space<hbm>>
          %dma_wait3A_127 = arith.constant 0 : i32
          %dma_wait3A_128 = tpu.memref_slice %arg7[%run_scoped3A_95, %dma_wait3A_127] : memref<2x128xi32, #tpu.memory_space<vmem>> -> memref<1x128xi32, #tpu.memory_space<vmem>>
          %dma_wait3A_129 = tpu.memref_squeeze %dma_wait3A_128 : memref<1x128xi32, #tpu.memory_space<vmem>> -> memref<128xi32, #tpu.memory_space<vmem>>
          %dma_wait3A_130 = tpu.memref_slice %arg3[%add3A_94] : memref<64000xi32, #tpu.memory_space<hbm>> -> memref<128xi32, #tpu.memory_space<hbm>>
          tpu.wait_dma2 semaphore(%run_scoped3A_115 : memref<!tpu.dma_semaphore, #tpu.memory_space<semaphore_mem>>) src(%dma_wait3A_130 : memref<128xi32, #tpu.memory_space<hbm>>) dst(%dma_wait3A_129 : memref<128xi32, #tpu.memory_space<vmem>>)
          tpu.yield
        }) : () -> ()
        %dma_start3A = arith.constant 0 : i32
        %dma_start3A_96 = arith.constant 0 : i32
        %dma_start3A_97 = arith.constant 0 : i32
        %dma_start3A_98 = tpu.memref_slice %arg10[%dma_start3A_96, %dma_start3A_97] : memref<256x128xf32, #tpu.memory_space<vmem>> -> memref<128x128xf32, #tpu.memory_space<vmem>>
        %dma_start3A_99 = arith.constant 0 : i32
        %dma_start3A_100 = tpu.memref_slice %arg7[%dma_start3A, %dma_start3A_99] : memref<2x128xi32, #tpu.memory_space<vmem>> -> memref<1x128xi32, #tpu.memory_space<vmem>>
        %dma_start3A_101 = tpu.memref_squeeze %dma_start3A_100 : memref<1x128xi32, #tpu.memory_space<vmem>> -> memref<128xi32, #tpu.memory_space<vmem>>
        %dma_start3A_102 = arith.constant 0 : i32
        %dma_start3A_103 = arith.constant 0 : i32
        %dma_start3A_104 = tpu.memref_slice %arg2[%dma_start3A_102, %dma_start3A_103] : memref<10008x128xf32, #tpu.memory_space<hbm>> -> memref<10008x128xf32, #tpu.memory_space<hbm>>
        tpu.enqueue_indirect_dma source(%dma_start3A_104 : memref<10008x128xf32, #tpu.memory_space<hbm>>) target(%dma_start3A_98 : memref<128x128xf32, #tpu.memory_space<vmem>>) offsets(%dma_start3A_101 : memref<128xi32, #tpu.memory_space<vmem>>) semaphore(%arg13 : memref<!tpu.dma_semaphore, #tpu.memory_space<semaphore_mem>>)
        %dma_start3A_105 = arith.constant 1 : i32
        %dma_start3A_106 = arith.constant 128 : i32
        %dma_start3A_107 = arith.constant 0 : i32
        %dma_start3A_108 = tpu.memref_slice %arg10[%dma_start3A_106, %dma_start3A_107] : memref<256x128xf32, #tpu.memory_space<vmem>> -> memref<128x128xf32, #tpu.memory_space<vmem>>
        %dma_start3A_109 = arith.constant 0 : i32
        %dma_start3A_110 = tpu.memref_slice %arg7[%dma_start3A_105, %dma_start3A_109] : memref<2x128xi32, #tpu.memory_space<vmem>> -> memref<1x128xi32, #tpu.memory_space<vmem>>
        %dma_start3A_111 = tpu.memref_squeeze %dma_start3A_110 : memref<1x128xi32, #tpu.memory_space<vmem>> -> memref<128xi32, #tpu.memory_space<vmem>>
        %dma_start3A_112 = arith.constant 0 : i32
        %dma_start3A_113 = arith.constant 0 : i32
        %dma_start3A_114 = tpu.memref_slice %arg2[%dma_start3A_112, %dma_start3A_113] : memref<10008x128xf32, #tpu.memory_space<hbm>> -> memref<10008x128xf32, #tpu.memory_space<hbm>>
        tpu.enqueue_indirect_dma source(%dma_start3A_114 : memref<10008x128xf32, #tpu.memory_space<hbm>>) target(%dma_start3A_108 : memref<128x128xf32, #tpu.memory_space<vmem>>) offsets(%dma_start3A_111 : memref<128xi32, #tpu.memory_space<vmem>>) semaphore(%arg13 : memref<!tpu.dma_semaphore, #tpu.memory_space<semaphore_mem>>)
      } else {
      }
      %ge3A_79 = arith.constant 0 : i32
      %ge3A_80 = arith.cmpi sge, %sub3A_63, %ge3A_79 : i32
      %lt3A_81 = arith.constant 250 : i32
      %lt3A_82 = arith.cmpi slt, %sub3A_63, %lt3A_81 : i32
      %and3A_83 = arith.andi %ge3A_80, %lt3A_82 : i1
      %convert_element_type3A_84 = arith.extui %and3A_83 : i1 to i32
      %cond3A_85 = arith.constant 0 : i32
      %cond3A_86 = arith.cmpi ne, %convert_element_type3A_84, %cond3A_85 : i32
      scf.if %cond3A_86 {
        %dma_wait3A = arith.constant 0 : i32
        %dma_wait3A_87 = arith.constant 0 : i32
        %dma_wait3A_88 = arith.constant 0 : i32
        %dma_wait3A_89 = tpu.memref_slice %arg9[%dma_wait3A_87, %dma_wait3A_88] : memref<256x128xf32, #tpu.memory_space<vmem>> -> memref<128x128xf32, #tpu.memory_space<vmem>>
        %dma_wait3A_90 = arith.constant 0 : i32
        %dma_wait3A_91 = tpu.memref_slice %arg6[%dma_wait3A, %dma_wait3A_90] : memref<2x128xi32, #tpu.memory_space<vmem>> -> memref<1x128xi32, #tpu.memory_space<vmem>>
        %dma_wait3A_92 = tpu.memref_squeeze %dma_wait3A_91 : memref<1x128xi32, #tpu.memory_space<vmem>> -> memref<128xi32, #tpu.memory_space<vmem>>
        %dma_wait3A_93 = arith.constant 0 : i32
        %dma_wait3A_94 = arith.constant 0 : i32
        %dma_wait3A_95 = tpu.memref_slice %arg2[%dma_wait3A_93, %dma_wait3A_94] : memref<10008x128xf32, #tpu.memory_space<hbm>> -> memref<10008x128xf32, #tpu.memory_space<hbm>>
        tpu.wait_indirect_dma semaphore(%arg12 : memref<!tpu.dma_semaphore, #tpu.memory_space<semaphore_mem>>) src(%dma_wait3A_95 : memref<10008x128xf32, #tpu.memory_space<hbm>>) dst(%dma_wait3A_89 : memref<128x128xf32, #tpu.memory_space<vmem>>)
        %dma_wait3A_96 = arith.constant 1 : i32
        %dma_wait3A_97 = arith.constant 128 : i32
        %dma_wait3A_98 = arith.constant 0 : i32
        %dma_wait3A_99 = tpu.memref_slice %arg9[%dma_wait3A_97, %dma_wait3A_98] : memref<256x128xf32, #tpu.memory_space<vmem>> -> memref<128x128xf32, #tpu.memory_space<vmem>>
        %dma_wait3A_100 = arith.constant 0 : i32
        %dma_wait3A_101 = tpu.memref_slice %arg6[%dma_wait3A_96, %dma_wait3A_100] : memref<2x128xi32, #tpu.memory_space<vmem>> -> memref<1x128xi32, #tpu.memory_space<vmem>>
        %dma_wait3A_102 = tpu.memref_squeeze %dma_wait3A_101 : memref<1x128xi32, #tpu.memory_space<vmem>> -> memref<128xi32, #tpu.memory_space<vmem>>
        %dma_wait3A_103 = arith.constant 0 : i32
        %dma_wait3A_104 = arith.constant 0 : i32
        %dma_wait3A_105 = tpu.memref_slice %arg2[%dma_wait3A_103, %dma_wait3A_104] : memref<10008x128xf32, #tpu.memory_space<hbm>> -> memref<10008x128xf32, #tpu.memory_space<hbm>>
        tpu.wait_indirect_dma semaphore(%arg12 : memref<!tpu.dma_semaphore, #tpu.memory_space<semaphore_mem>>) src(%dma_wait3A_105 : memref<10008x128xf32, #tpu.memory_space<hbm>>) dst(%dma_wait3A_99 : memref<128x128xf32, #tpu.memory_space<vmem>>)
        %mul3A_106 = arith.constant 256 : i32
        %mul3A_107 = arith.muli %sub3A_63, %mul3A_106 : i32
        %dma_start3A = arith.constant 0 : i32
        %dma_start3A_108 = tpu.memref_slice %arg4[%mul3A_107, %dma_start3A] : memref<64000x128xf32, #tpu.memory_space<hbm>> -> memref<256x128xf32, #tpu.memory_space<hbm>>
        %dma_start3A_109 = arith.constant 0 : i32
        %dma_start3A_110 = tpu.memref_slice %arg4[%mul3A_107, %dma_start3A_109] : memref<64000x128xf32, #tpu.memory_space<hbm>> -> memref<256x128xf32, #tpu.memory_space<hbm>>
        tpu.enqueue_dma source(%arg9 : memref<256x128xf32, #tpu.memory_space<vmem>>) target(%dma_start3A_110 : memref<256x128xf32, #tpu.memory_space<hbm>>) target_semaphore(%arg15 : memref<!tpu.dma_semaphore, #tpu.memory_space<semaphore_mem>>)
      } else {
      }
    }
    %scan3A_5 = arith.constant 4 : i32
    return
  }
}

#map = affine_map<(d0, d1) -> (0, 0)>
#map1 = affine_map<(d0, d1) -> (0)>
module attributes {stable_mosaic.version = 14 : i64} {
  func.func @gather(%arg0: i32, %arg1: i32, %arg2: memref<10008x128xf32, #tpu.memory_space<hbm>>, %arg3: memref<64000xi32, #tpu.memory_space<hbm>>, %arg4: memref<64000x128xf32, #tpu.memory_space<hbm>>, %arg5: memref<2x128xi32, #tpu.memory_space<vmem>>, %arg6: memref<2x128xi32, #tpu.memory_space<vmem>>, %arg7: memref<2x128xi32, #tpu.memory_space<vmem>>, %arg8: memref<256x128xf32, #tpu.memory_space<vmem>>, %arg9: memref<256x128xf32, #tpu.memory_space<vmem>>, %arg10: memref<256x128xf32, #tpu.memory_space<vmem>>, %arg11: memref<!tpu.dma_semaphore, #tpu.memory_space<semaphore_mem>>, %arg12: memref<!tpu.dma_semaphore, #tpu.memory_space<semaphore_mem>>, %arg13: memref<!tpu.dma_semaphore, #tpu.memory_space<semaphore_mem>>, %arg14: memref<!tpu.dma_semaphore, #tpu.memory_space<semaphore_mem>>, %arg15: memref<!tpu.dma_semaphore, #tpu.memory_space<semaphore_mem>>, %arg16: memref<!tpu.dma_semaphore, #tpu.memory_space<semaphore_mem>>) attributes {dimension_semantics = [#tpu.dimension_semantics<core_parallel>, #tpu.dimension_semantics<subcore_parallel>], iteration_bounds = array<i64: 2, 16>, scalar_prefetch = 0 : i64, scratch_operands = 12 : i64, tpu.core_type = #tpu.core_type<sc_vector_subcore>, window_params = [{transform_indices = #map}, {transform_indices = #map1}, {transform_indices = #map}]} {
    %mul3A = arith.constant 2 : i32
    %mul3A_0 = arith.muli %arg1, %mul3A : i32
    %add3A = arith.addi %mul3A_0, %arg0 : i32
    %scan3A = arith.constant 0 : i32
    %scan3A_1 = arith.constant 0 : i32
    %scan3A_2 = arith.constant 4 : i32
    %scan3A_3 = arith.addi %scan3A_1, %scan3A_2 : i32
    %scan3A_4 = arith.constant 1 : i32
    scf.for %scan3A_6 = %scan3A_1 to %scan3A_3 step %scan3A_4  : i32 {
      %mul3A_7 = arith.constant 3 : i32
      %mul3A_8 = arith.muli %scan3A_6, %mul3A_7 : i32
      %mul3A_9 = arith.constant 32 : i32
      %mul3A_10 = arith.muli %mul3A_8, %mul3A_9 : i32
      %add3A_11 = arith.addi %mul3A_10, %add3A : i32
      %add3A_12 = arith.constant 0 : i32
      %add3A_13 = arith.addi %add3A_11, %add3A_12 : i32
      %sub3A = arith.constant 32 : i32
      %sub3A_14 = arith.subi %add3A_13, %sub3A : i32
      %sub3A_15 = arith.constant 96 : i32
      %sub3A_16 = arith.subi %add3A_13, %sub3A_15 : i32
      %ge3A = arith.constant 0 : i32
      %ge3A_17 = arith.cmpi sge, %sub3A_16, %ge3A : i32
      %lt3A = arith.constant 250 : i32
      %lt3A_18 = arith.cmpi slt, %sub3A_16, %lt3A : i32
      %and3A = arith.andi %ge3A_17, %lt3A_18 : i1
      %convert_element_type3A = arith.extui %and3A : i1 to i32
      %cond3A = arith.constant 0 : i32
      %cond3A_19 = arith.cmpi ne, %convert_element_type3A, %cond3A : i32
      scf.if %cond3A_19 {
        %mul3A_87 = arith.constant 256 : i32
        %mul3A_88 = arith.muli %sub3A_16, %mul3A_87 : i32
        %dma_wait3A = arith.constant 0 : i32
        %dma_wait3A_89 = tpu.memref_slice %arg4[%mul3A_88, %dma_wait3A] : memref<64000x128xf32, #tpu.memory_space<hbm>> -> memref<256x128xf32, #tpu.memory_space<hbm>>
        %dma_wait3A_90 = arith.constant 0 : i32
        %dma_wait3A_91 = tpu.memref_slice %arg4[%mul3A_88, %dma_wait3A_90] : memref<64000x128xf32, #tpu.memory_space<hbm>> -> memref<256x128xf32, #tpu.memory_space<hbm>>
        tpu.wait_dma2 semaphore(%arg14 : memref<!tpu.dma_semaphore, #tpu.memory_space<semaphore_mem>>) src(%arg8 : memref<256x128xf32, #tpu.memory_space<vmem>>) dst(%dma_wait3A_91 : memref<256x128xf32, #tpu.memory_space<hbm>>)
      } else {
      }
      %lt3A_20 = arith.constant 250 : i32
      %lt3A_21 = arith.cmpi slt, %add3A_13, %lt3A_20 : i32
      %convert_element_type3A_22 = arith.extui %lt3A_21 : i1 to i32
      %cond3A_23 = arith.constant 0 : i32
      %cond3A_24 = arith.cmpi ne, %convert_element_type3A_22, %cond3A_23 : i32
      scf.if %cond3A_24 {
        %mul3A_87 = arith.constant 256 : i32
        %mul3A_88 = arith.muli %add3A_13, %mul3A_87 : i32
        %add3A_89 = arith.constant 0 : i32
        %add3A_90 = arith.addi %mul3A_88, %add3A_89 : i32
        %run_scoped3A = arith.constant 0 : i32
        "tpu.region"() ({
          %run_scoped3A_115 = tpu.sem_alloc : memref<!tpu.dma_semaphore, #tpu.memory_space<semaphore_mem>>
          %dma_start3A_116 = arith.constant 0 : i32
          %dma_start3A_117 = tpu.memref_slice %arg5[%run_scoped3A, %dma_start3A_116] : memref<2x128xi32, #tpu.memory_space<vmem>> -> memref<1x128xi32, #tpu.memory_space<vmem>>
          %dma_start3A_118 = tpu.memref_squeeze %dma_start3A_117 : memref<1x128xi32, #tpu.memory_space<vmem>> -> memref<128xi32, #tpu.memory_space<vmem>>
          %dma_start3A_119 = tpu.memref_slice %arg3[%add3A_90] : memref<64000xi32, #tpu.memory_space<hbm>> -> memref<128xi32, #tpu.memory_space<hbm>>
          %dma_start3A_120 = arith.constant 0 : i32
          %dma_start3A_121 = tpu.memref_slice %arg5[%run_scoped3A, %dma_start3A_120] : memref<2x128xi32, #tpu.memory_space<vmem>> -> memref<1x128xi32, #tpu.memory_space<vmem>>
          %dma_start3A_122 = tpu.memref_squeeze %dma_start3A_121 : memref<1x128xi32, #tpu.memory_space<vmem>> -> memref<128xi32, #tpu.memory_space<vmem>>
          %dma_start3A_123 = tpu.memref_slice %arg3[%add3A_90] : memref<64000xi32, #tpu.memory_space<hbm>> -> memref<128xi32, #tpu.memory_space<hbm>>
          tpu.enqueue_dma source(%dma_start3A_123 : memref<128xi32, #tpu.memory_space<hbm>>) target(%dma_start3A_122 : memref<128xi32, #tpu.memory_space<vmem>>) target_semaphore(%run_scoped3A_115 : memref<!tpu.dma_semaphore, #tpu.memory_space<semaphore_mem>>)
          %dma_wait3A = arith.constant 0 : i32
          %dma_wait3A_124 = tpu.memref_slice %arg5[%run_scoped3A, %dma_wait3A] : memref<2x128xi32, #tpu.memory_space<vmem>> -> memref<1x128xi32, #tpu.memory_space<vmem>>
          %dma_wait3A_125 = tpu.memref_squeeze %dma_wait3A_124 : memref<1x128xi32, #tpu.memory_space<vmem>> -> memref<128xi32, #tpu.memory_space<vmem>>
          %dma_wait3A_126 = tpu.memref_slice %arg3[%add3A_90] : memref<64000xi32, #tpu.memory_space<hbm>> -> memref<128xi32, #tpu.memory_space<hbm>>
          %dma_wait3A_127 = arith.constant 0 : i32
          %dma_wait3A_128 = tpu.memref_slice %arg5[%run_scoped3A, %dma_wait3A_127] : memref<2x128xi32, #tpu.memory_space<vmem>> -> memref<1x128xi32, #tpu.memory_space<vmem>>
          %dma_wait3A_129 = tpu.memref_squeeze %dma_wait3A_128 : memref<1x128xi32, #tpu.memory_space<vmem>> -> memref<128xi32, #tpu.memory_space<vmem>>
          %dma_wait3A_130 = tpu.memref_slice %arg3[%add3A_90] : memref<64000xi32, #tpu.memory_space<hbm>> -> memref<128xi32, #tpu.memory_space<hbm>>
          tpu.wait_dma2 semaphore(%run_scoped3A_115 : memref<!tpu.dma_semaphore, #tpu.memory_space<semaphore_mem>>) src(%dma_wait3A_130 : memref<128xi32, #tpu.memory_space<hbm>>) dst(%dma_wait3A_129 : memref<128xi32, #tpu.memory_space<vmem>>)
          tpu.yield
        }) : () -> ()
        %mul3A_91 = arith.constant 256 : i32
        %mul3A_92 = arith.muli %add3A_13, %mul3A_91 : i32
        %add3A_93 = arith.constant 128 : i32
        %add3A_94 = arith.addi %mul3A_92, %add3A_93 : i32
        %run_scoped3A_95 = arith.constant 1 : i32
        "tpu.region"() ({
          %run_scoped3A_115 = tpu.sem_alloc : memref<!tpu.dma_semaphore, #tpu.memory_space<semaphore_mem>>
          %dma_start3A_116 = arith.constant 0 : i32
          %dma_start3A_117 = tpu.memref_slice %arg5[%run_scoped3A_95, %dma_start3A_116] : memref<2x128xi32, #tpu.memory_space<vmem>> -> memref<1x128xi32, #tpu.memory_space<vmem>>
          %dma_start3A_118 = tpu.memref_squeeze %dma_start3A_117 : memref<1x128xi32, #tpu.memory_space<vmem>> -> memref<128xi32, #tpu.memory_space<vmem>>
          %dma_start3A_119 = tpu.memref_slice %arg3[%add3A_94] : memref<64000xi32, #tpu.memory_space<hbm>> -> memref<128xi32, #tpu.memory_space<hbm>>
          %dma_start3A_120 = arith.constant 0 : i32
          %dma_start3A_121 = tpu.memref_slice %arg5[%run_scoped3A_95, %dma_start3A_120] : memref<2x128xi32, #tpu.memory_space<vmem>> -> memref<1x128xi32, #tpu.memory_space<vmem>>
          %dma_start3A_122 = tpu.memref_squeeze %dma_start3A_121 : memref<1x128xi32, #tpu.memory_space<vmem>> -> memref<128xi32, #tpu.memory_space<vmem>>
          %dma_start3A_123 = tpu.memref_slice %arg3[%add3A_94] : memref<64000xi32, #tpu.memory_space<hbm>> -> memref<128xi32, #tpu.memory_space<hbm>>
          tpu.enqueue_dma source(%dma_start3A_123 : memref<128xi32, #tpu.memory_space<hbm>>) target(%dma_start3A_122 : memref<128xi32, #tpu.memory_space<vmem>>) target_semaphore(%run_scoped3A_115 : memref<!tpu.dma_semaphore, #tpu.memory_space<semaphore_mem>>)
          %dma_wait3A = arith.constant 0 : i32
          %dma_wait3A_124 = tpu.memref_slice %arg5[%run_scoped3A_95, %dma_wait3A] : memref<2x128xi32, #tpu.memory_space<vmem>> -> memref<1x128xi32, #tpu.memory_space<vmem>>
          %dma_wait3A_125 = tpu.memref_squeeze %dma_wait3A_124 : memref<1x128xi32, #tpu.memory_space<vmem>> -> memref<128xi32, #tpu.memory_space<vmem>>
          %dma_wait3A_126 = tpu.memref_slice %arg3[%add3A_94] : memref<64000xi32, #tpu.memory_space<hbm>> -> memref<128xi32, #tpu.memory_space<hbm>>
          %dma_wait3A_127 = arith.constant 0 : i32
          %dma_wait3A_128 = tpu.memref_slice %arg5[%run_scoped3A_95, %dma_wait3A_127] : memref<2x128xi32, #tpu.memory_space<vmem>> -> memref<1x128xi32, #tpu.memory_space<vmem>>
          %dma_wait3A_129 = tpu.memref_squeeze %dma_wait3A_128 : memref<1x128xi32, #tpu.memory_space<vmem>> -> memref<128xi32, #tpu.memory_space<vmem>>
          %dma_wait3A_130 = tpu.memref_slice %arg3[%add3A_94] : memref<64000xi32, #tpu.memory_space<hbm>> -> memref<128xi32, #tpu.memory_space<hbm>>
          tpu.wait_dma2 semaphore(%run_scoped3A_115 : memref<!tpu.dma_semaphore, #tpu.memory_space<semaphore_mem>>) src(%dma_wait3A_130 : memref<128xi32, #tpu.memory_space<hbm>>) dst(%dma_wait3A_129 : memref<128xi32, #tpu.memory_space<vmem>>)
          tpu.yield
        }) : () -> ()
        %dma_start3A = arith.constant 0 : i32
        %dma_start3A_96 = arith.constant 0 : i32
        %dma_start3A_97 = arith.constant 0 : i32
        %dma_start3A_98 = tpu.memref_slice %arg8[%dma_start3A_96, %dma_start3A_97] : memref<256x128xf32, #tpu.memory_space<vmem>> -> memref<128x128xf32, #tpu.memory_space<vmem>>
        %dma_start3A_99 = arith.constant 0 : i32
        %dma_start3A_100 = tpu.memref_slice %arg5[%dma_start3A, %dma_start3A_99] : memref<2x128xi32, #tpu.memory_space<vmem>> -> memref<1x128xi32, #tpu.memory_space<vmem>>
        %dma_start3A_101 = tpu.memref_squeeze %dma_start3A_100 : memref<1x128xi32, #tpu.memory_space<vmem>> -> memref<128xi32, #tpu.memory_space<vmem>>
        %dma_start3A_102 = arith.constant 0 : i32
        %dma_start3A_103 = arith.constant 0 : i32
        %dma_start3A_104 = tpu.memref_slice %arg2[%dma_start3A_102, %dma_start3A_103] : memref<10008x128xf32, #tpu.memory_space<hbm>> -> memref<10008x128xf32, #tpu.memory_space<hbm>>
        tpu.enqueue_indirect_dma source(%dma_start3A_104 : memref<10008x128xf32, #tpu.memory_space<hbm>>) target(%dma_start3A_98 : memref<128x128xf32, #tpu.memory_space<vmem>>) offsets(%dma_start3A_101 : memref<128xi32, #tpu.memory_space<vmem>>) semaphore(%arg11 : memref<!tpu.dma_semaphore, #tpu.memory_space<semaphore_mem>>)
        %dma_start3A_105 = arith.constant 1 : i32
        %dma_start3A_106 = arith.constant 128 : i32
        %dma_start3A_107 = arith.constant 0 : i32
        %dma_start3A_108 = tpu.memref_slice %arg8[%dma_start3A_106, %dma_start3A_107] : memref<256x128xf32, #tpu.memory_space<vmem>> -> memref<128x128xf32, #tpu.memory_space<vmem>>
        %dma_start3A_109 = arith.constant 0 : i32
        %dma_start3A_110 = tpu.memref_slice %arg5[%dma_start3A_105, %dma_start3A_109] : memref<2x128xi32, #tpu.memory_space<vmem>> -> memref<1x128xi32, #tpu.memory_space<vmem>>
        %dma_start3A_111 = tpu.memref_squeeze %dma_start3A_110 : memref<1x128xi32, #tpu.memory_space<vmem>> -> memref<128xi32, #tpu.memory_space<vmem>>
        %dma_start3A_112 = arith.constant 0 : i32
        %dma_start3A_113 = arith.constant 0 : i32
        %dma_start3A_114 = tpu.memref_slice %arg2[%dma_start3A_112, %dma_start3A_113] : memref<10008x128xf32, #tpu.memory_space<hbm>> -> memref<10008x128xf32, #tpu.memory_space<hbm>>
        tpu.enqueue_indirect_dma source(%dma_start3A_114 : memref<10008x128xf32, #tpu.memory_space<hbm>>) target(%dma_start3A_108 : memref<128x128xf32, #tpu.memory_space<vmem>>) offsets(%dma_start3A_111 : memref<128xi32, #tpu.memory_space<vmem>>) semaphore(%arg11 : memref<!tpu.dma_semaphore, #tpu.memory_space<semaphore_mem>>)
      } else {
      }
      %ge3A_25 = arith.constant 0 : i32
      %ge3A_26 = arith.cmpi sge, %sub3A_14, %ge3A_25 : i32
      %lt3A_27 = arith.constant 250 : i32
      %lt3A_28 = arith.cmpi slt, %sub3A_14, %lt3A_27 : i32
      %and3A_29 = arith.andi %ge3A_26, %lt3A_28 : i1
      %convert_element_type3A_30 = arith.extui %and3A_29 : i1 to i32
      %cond3A_31 = arith.constant 0 : i32
      %cond3A_32 = arith.cmpi ne, %convert_element_type3A_30, %cond3A_31 : i32
      scf.if %cond3A_32 {
        %dma_wait3A = arith.constant 0 : i32
        %dma_wait3A_87 = arith.constant 0 : i32
        %dma_wait3A_88 = arith.constant 0 : i32
        %dma_wait3A_89 = tpu.memref_slice %arg10[%dma_wait3A_87, %dma_wait3A_88] : memref<256x128xf32, #tpu.memory_space<vmem>> -> memref<128x128xf32, #tpu.memory_space<vmem>>
        %dma_wait3A_90 = arith.constant 0 : i32
        %dma_wait3A_91 = tpu.memref_slice %arg7[%dma_wait3A, %dma_wait3A_90] : memref<2x128xi32, #tpu.memory_space<vmem>> -> memref<1x128xi32, #tpu.memory_space<vmem>>
        %dma_wait3A_92 = tpu.memref_squeeze %dma_wait3A_91 : memref<1x128xi32, #tpu.memory_space<vmem>> -> memref<128xi32, #tpu.memory_space<vmem>>
        %dma_wait3A_93 = arith.constant 0 : i32
        %dma_wait3A_94 = arith.constant 0 : i32
        %dma_wait3A_95 = tpu.memref_slice %arg2[%dma_wait3A_93, %dma_wait3A_94] : memref<10008x128xf32, #tpu.memory_space<hbm>> -> memref<10008x128xf32, #tpu.memory_space<hbm>>
        tpu.wait_indirect_dma semaphore(%arg13 : memref<!tpu.dma_semaphore, #tpu.memory_space<semaphore_mem>>) src(%dma_wait3A_95 : memref<10008x128xf32, #tpu.memory_space<hbm>>) dst(%dma_wait3A_89 : memref<128x128xf32, #tpu.memory_space<vmem>>)
        %dma_wait3A_96 = arith.constant 1 : i32
        %dma_wait3A_97 = arith.constant 128 : i32
        %dma_wait3A_98 = arith.constant 0 : i32
        %dma_wait3A_99 = tpu.memref_slice %arg10[%dma_wait3A_97, %dma_wait3A_98] : memref<256x128xf32, #tpu.memory_space<vmem>> -> memref<128x128xf32, #tpu.memory_space<vmem>>
        %dma_wait3A_100 = arith.constant 0 : i32
        %dma_wait3A_101 = tpu.memref_slice %arg7[%dma_wait3A_96, %dma_wait3A_100] : memref<2x128xi32, #tpu.memory_space<vmem>> -> memref<1x128xi32, #tpu.memory_space<vmem>>
        %dma_wait3A_102 = tpu.memref_squeeze %dma_wait3A_101 : memref<1x128xi32, #tpu.memory_space<vmem>> -> memref<128xi32, #tpu.memory_space<vmem>>
        %dma_wait3A_103 = arith.constant 0 : i32
        %dma_wait3A_104 = arith.constant 0 : i32
        %dma_wait3A_105 = tpu.memref_slice %arg2[%dma_wait3A_103, %dma_wait3A_104] : memref<10008x128xf32, #tpu.memory_space<hbm>> -> memref<10008x128xf32, #tpu.memory_space<hbm>>
        tpu.wait_indirect_dma semaphore(%arg13 : memref<!tpu.dma_semaphore, #tpu.memory_space<semaphore_mem>>) src(%dma_wait3A_105 : memref<10008x128xf32, #tpu.memory_space<hbm>>) dst(%dma_wait3A_99 : memref<128x128xf32, #tpu.memory_space<vmem>>)
        %mul3A_106 = arith.constant 256 : i32
        %mul3A_107 = arith.muli %sub3A_14, %mul3A_106 : i32
        %dma_start3A = arith.constant 0 : i32
        %dma_start3A_108 = tpu.memref_slice %arg4[%mul3A_107, %dma_start3A] : memref<64000x128xf32, #tpu.memory_space<hbm>> -> memref<256x128xf32, #tpu.memory_space<hbm>>
        %dma_start3A_109 = arith.constant 0 : i32
        %dma_start3A_110 = tpu.memref_slice %arg4[%mul3A_107, %dma_start3A_109] : memref<64000x128xf32, #tpu.memory_space<hbm>> -> memref<256x128xf32, #tpu.memory_space<hbm>>
        tpu.enqueue_dma source(%arg10 : memref<256x128xf32, #tpu.memory_space<vmem>>) target(%dma_start3A_110 : memref<256x128xf32, #tpu.memory_space<hbm>>) target_semaphore(%arg16 : memref<!tpu.dma_semaphore, #tpu.memory_space<semaphore_mem>>)
      } else {
      }
      %add3A_33 = arith.constant 32 : i32
      %add3A_34 = arith.addi %add3A_11, %add3A_33 : i32
      %sub3A_35 = arith.constant 32 : i32
      %sub3A_36 = arith.subi %add3A_34, %sub3A_35 : i32
      %sub3A_37 = arith.constant 96 : i32
      %sub3A_38 = arith.subi %add3A_34, %sub3A_37 : i32
      %ge3A_39 = arith.constant 0 : i32
      %ge3A_40 = arith.cmpi sge, %sub3A_38, %ge3A_39 : i32
      %lt3A_41 = arith.constant 250 : i32
      %lt3A_42 = arith.cmpi slt, %sub3A_38, %lt3A_41 : i32
      %and3A_43 = arith.andi %ge3A_40, %lt3A_42 : i1
      %convert_element_type3A_44 = arith.extui %and3A_43 : i1 to i32
      %cond3A_45 = arith.constant 0 : i32
      %cond3A_46 = arith.cmpi ne, %convert_element_type3A_44, %cond3A_45 : i32
      scf.if %cond3A_46 {
        %mul3A_87 = arith.constant 256 : i32
        %mul3A_88 = arith.muli %sub3A_38, %mul3A_87 : i32
        %dma_wait3A = arith.constant 0 : i32
        %dma_wait3A_89 = tpu.memref_slice %arg4[%mul3A_88, %dma_wait3A] : memref<64000x128xf32, #tpu.memory_space<hbm>> -> memref<256x128xf32, #tpu.memory_space<hbm>>
        %dma_wait3A_90 = arith.constant 0 : i32
        %dma_wait3A_91 = tpu.memref_slice %arg4[%mul3A_88, %dma_wait3A_90] : memref<64000x128xf32, #tpu.memory_space<hbm>> -> memref<256x128xf32, #tpu.memory_space<hbm>>
        tpu.wait_dma2 semaphore(%arg15 : memref<!tpu.dma_semaphore, #tpu.memory_space<semaphore_mem>>) src(%arg9 : memref<256x128xf32, #tpu.memory_space<vmem>>) dst(%dma_wait3A_91 : memref<256x128xf32, #tpu.memory_space<hbm>>)
      } else {
      }
      %lt3A_47 = arith.constant 250 : i32
      %lt3A_48 = arith.cmpi slt, %add3A_34, %lt3A_47 : i32
      %convert_element_type3A_49 = arith.extui %lt3A_48 : i1 to i32
      %cond3A_50 = arith.constant 0 : i32
      %cond3A_51 = arith.cmpi ne, %convert_element_type3A_49, %cond3A_50 : i32
      scf.if %cond3A_51 {
        %mul3A_87 = arith.constant 256 : i32
        %mul3A_88 = arith.muli %add3A_34, %mul3A_87 : i32
        %add3A_89 = arith.constant 0 : i32
        %add3A_90 = arith.addi %mul3A_88, %add3A_89 : i32
        %run_scoped3A = arith.constant 0 : i32
        "tpu.region"() ({
          %run_scoped3A_115 = tpu.sem_alloc : memref<!tpu.dma_semaphore, #tpu.memory_space<semaphore_mem>>
          %dma_start3A_116 = arith.constant 0 : i32
          %dma_start3A_117 = tpu.memref_slice %arg6[%run_scoped3A, %dma_start3A_116] : memref<2x128xi32, #tpu.memory_space<vmem>> -> memref<1x128xi32, #tpu.memory_space<vmem>>
          %dma_start3A_118 = tpu.memref_squeeze %dma_start3A_117 : memref<1x128xi32, #tpu.memory_space<vmem>> -> memref<128xi32, #tpu.memory_space<vmem>>
          %dma_start3A_119 = tpu.memref_slice %arg3[%add3A_90] : memref<64000xi32, #tpu.memory_space<hbm>> -> memref<128xi32, #tpu.memory_space<hbm>>
          %dma_start3A_120 = arith.constant 0 : i32
          %dma_start3A_121 = tpu.memref_slice %arg6[%run_scoped3A, %dma_start3A_120] : memref<2x128xi32, #tpu.memory_space<vmem>> -> memref<1x128xi32, #tpu.memory_space<vmem>>
          %dma_start3A_122 = tpu.memref_squeeze %dma_start3A_121 : memref<1x128xi32, #tpu.memory_space<vmem>> -> memref<128xi32, #tpu.memory_space<vmem>>
          %dma_start3A_123 = tpu.memref_slice %arg3[%add3A_90] : memref<64000xi32, #tpu.memory_space<hbm>> -> memref<128xi32, #tpu.memory_space<hbm>>
          tpu.enqueue_dma source(%dma_start3A_123 : memref<128xi32, #tpu.memory_space<hbm>>) target(%dma_start3A_122 : memref<128xi32, #tpu.memory_space<vmem>>) target_semaphore(%run_scoped3A_115 : memref<!tpu.dma_semaphore, #tpu.memory_space<semaphore_mem>>)
          %dma_wait3A = arith.constant 0 : i32
          %dma_wait3A_124 = tpu.memref_slice %arg6[%run_scoped3A, %dma_wait3A] : memref<2x128xi32, #tpu.memory_space<vmem>> -> memref<1x128xi32, #tpu.memory_space<vmem>>
          %dma_wait3A_125 = tpu.memref_squeeze %dma_wait3A_124 : memref<1x128xi32, #tpu.memory_space<vmem>> -> memref<128xi32, #tpu.memory_space<vmem>>
          %dma_wait3A_126 = tpu.memref_slice %arg3[%add3A_90] : memref<64000xi32, #tpu.memory_space<hbm>> -> memref<128xi32, #tpu.memory_space<hbm>>
          %dma_wait3A_127 = arith.constant 0 : i32
          %dma_wait3A_128 = tpu.memref_slice %arg6[%run_scoped3A, %dma_wait3A_127] : memref<2x128xi32, #tpu.memory_space<vmem>> -> memref<1x128xi32, #tpu.memory_space<vmem>>
          %dma_wait3A_129 = tpu.memref_squeeze %dma_wait3A_128 : memref<1x128xi32, #tpu.memory_space<vmem>> -> memref<128xi32, #tpu.memory_space<vmem>>
          %dma_wait3A_130 = tpu.memref_slice %arg3[%add3A_90] : memref<64000xi32, #tpu.memory_space<hbm>> -> memref<128xi32, #tpu.memory_space<hbm>>
          tpu.wait_dma2 semaphore(%run_scoped3A_115 : memref<!tpu.dma_semaphore, #tpu.memory_space<semaphore_mem>>) src(%dma_wait3A_130 : memref<128xi32, #tpu.memory_space<hbm>>) dst(%dma_wait3A_129 : memref<128xi32, #tpu.memory_space<vmem>>)
          tpu.yield
        }) : () -> ()
        %mul3A_91 = arith.constant 256 : i32
        %mul3A_92 = arith.muli %add3A_34, %mul3A_91 : i32
        %add3A_93 = arith.constant 128 : i32
        %add3A_94 = arith.addi %mul3A_92, %add3A_93 : i32
        %run_scoped3A_95 = arith.constant 1 : i32
        "tpu.region"() ({
          %run_scoped3A_115 = tpu.sem_alloc : memref<!tpu.dma_semaphore, #tpu.memory_space<semaphore_mem>>
          %dma_start3A_116 = arith.constant 0 : i32
          %dma_start3A_117 = tpu.memref_slice %arg6[%run_scoped3A_95, %dma_start3A_116] : memref<2x128xi32, #tpu.memory_space<vmem>> -> memref<1x128xi32, #tpu.memory_space<vmem>>
          %dma_start3A_118 = tpu.memref_squeeze %dma_start3A_117 : memref<1x128xi32, #tpu.memory_space<vmem>> -> memref<128xi32, #tpu.memory_space<vmem>>
          %dma_start3A_119 = tpu.memref_slice %arg3[%add3A_94] : memref<64000xi32, #tpu.memory_space<hbm>> -> memref<128xi32, #tpu.memory_space<hbm>>
          %dma_start3A_120 = arith.constant 0 : i32
          %dma_start3A_121 = tpu.memref_slice %arg6[%run_scoped3A_95, %dma_start3A_120] : memref<2x128xi32, #tpu.memory_space<vmem>> -> memref<1x128xi32, #tpu.memory_space<vmem>>
          %dma_start3A_122 = tpu.memref_squeeze %dma_start3A_121 : memref<1x128xi32, #tpu.memory_space<vmem>> -> memref<128xi32, #tpu.memory_space<vmem>>
          %dma_start3A_123 = tpu.memref_slice %arg3[%add3A_94] : memref<64000xi32, #tpu.memory_space<hbm>> -> memref<128xi32, #tpu.memory_space<hbm>>
          tpu.enqueue_dma source(%dma_start3A_123 : memref<128xi32, #tpu.memory_space<hbm>>) target(%dma_start3A_122 : memref<128xi32, #tpu.memory_space<vmem>>) target_semaphore(%run_scoped3A_115 : memref<!tpu.dma_semaphore, #tpu.memory_space<semaphore_mem>>)
          %dma_wait3A = arith.constant 0 : i32
          %dma_wait3A_124 = tpu.memref_slice %arg6[%run_scoped3A_95, %dma_wait3A] : memref<2x128xi32, #tpu.memory_space<vmem>> -> memref<1x128xi32, #tpu.memory_space<vmem>>
          %dma_wait3A_125 = tpu.memref_squeeze %dma_wait3A_124 : memref<1x128xi32, #tpu.memory_space<vmem>> -> memref<128xi32, #tpu.memory_space<vmem>>
          %dma_wait3A_126 = tpu.memref_slice %arg3[%add3A_94] : memref<64000xi32, #tpu.memory_space<hbm>> -> memref<128xi32, #tpu.memory_space<hbm>>
          %dma_wait3A_127 = arith.constant 0 : i32
          %dma_wait3A_128 = tpu.memref_slice %arg6[%run_scoped3A_95, %dma_wait3A_127] : memref<2x128xi32, #tpu.memory_space<vmem>> -> memref<1x128xi32, #tpu.memory_space<vmem>>
          %dma_wait3A_129 = tpu.memref_squeeze %dma_wait3A_128 : memref<1x128xi32, #tpu.memory_space<vmem>> -> memref<128xi32, #tpu.memory_space<vmem>>
          %dma_wait3A_130 = tpu.memref_slice %arg3[%add3A_94] : memref<64000xi32, #tpu.memory_space<hbm>> -> memref<128xi32, #tpu.memory_space<hbm>>
          tpu.wait_dma2 semaphore(%run_scoped3A_115 : memref<!tpu.dma_semaphore, #tpu.memory_space<semaphore_mem>>) src(%dma_wait3A_130 : memref<128xi32, #tpu.memory_space<hbm>>) dst(%dma_wait3A_129 : memref<128xi32, #tpu.memory_space<vmem>>)
          tpu.yield
        }) : () -> ()
        %dma_start3A = arith.constant 0 : i32
        %dma_start3A_96 = arith.constant 0 : i32
        %dma_start3A_97 = arith.constant 0 : i32
        %dma_start3A_98 = tpu.memref_slice %arg9[%dma_start3A_96, %dma_start3A_97] : memref<256x128xf32, #tpu.memory_space<vmem>> -> memref<128x128xf32, #tpu.memory_space<vmem>>
        %dma_start3A_99 = arith.constant 0 : i32
        %dma_start3A_100 = tpu.memref_slice %arg6[%dma_start3A, %dma_start3A_99] : memref<2x128xi32, #tpu.memory_space<vmem>> -> memref<1x128xi32, #tpu.memory_space<vmem>>
        %dma_start3A_101 = tpu.memref_squeeze %dma_start3A_100 : memref<1x128xi32, #tpu.memory_space<vmem>> -> memref<128xi32, #tpu.memory_space<vmem>>
        %dma_start3A_102 = arith.constant 0 : i32
        %dma_start3A_103 = arith.constant 0 : i32
        %dma_start3A_104 = tpu.memref_slice %arg2[%dma_start3A_102, %dma_start3A_103] : memref<10008x128xf32, #tpu.memory_space<hbm>> -> memref<10008x128xf32, #tpu.memory_space<hbm>>
        tpu.enqueue_indirect_dma source(%dma_start3A_104 : memref<10008x128xf32, #tpu.memory_space<hbm>>) target(%dma_start3A_98 : memref<128x128xf32, #tpu.memory_space<vmem>>) offsets(%dma_start3A_101 : memref<128xi32, #tpu.memory_space<vmem>>) semaphore(%arg12 : memref<!tpu.dma_semaphore, #tpu.memory_space<semaphore_mem>>)
        %dma_start3A_105 = arith.constant 1 : i32
        %dma_start3A_106 = arith.constant 128 : i32
        %dma_start3A_107 = arith.constant 0 : i32
        %dma_start3A_108 = tpu.memref_slice %arg9[%dma_start3A_106, %dma_start3A_107] : memref<256x128xf32, #tpu.memory_space<vmem>> -> memref<128x128xf32, #tpu.memory_space<vmem>>
        %dma_start3A_109 = arith.constant 0 : i32
        %dma_start3A_110 = tpu.memref_slice %arg6[%dma_start3A_105, %dma_start3A_109] : memref<2x128xi32, #tpu.memory_space<vmem>> -> memref<1x128xi32, #tpu.memory_space<vmem>>
        %dma_start3A_111 = tpu.memref_squeeze %dma_start3A_110 : memref<1x128xi32, #tpu.memory_space<vmem>> -> memref<128xi32, #tpu.memory_space<vmem>>
        %dma_start3A_112 = arith.constant 0 : i32
        %dma_start3A_113 = arith.constant 0 : i32
        %dma_start3A_114 = tpu.memref_slice %arg2[%dma_start3A_112, %dma_start3A_113] : memref<10008x128xf32, #tpu.memory_space<hbm>> -> memref<10008x128xf32, #tpu.memory_space<hbm>>
        tpu.enqueue_indirect_dma source(%dma_start3A_114 : memref<10008x128xf32, #tpu.memory_space<hbm>>) target(%dma_start3A_108 : memref<128x128xf32, #tpu.memory_space<vmem>>) offsets(%dma_start3A_111 : memref<128xi32, #tpu.memory_space<vmem>>) semaphore(%arg12 : memref<!tpu.dma_semaphore, #tpu.memory_space<semaphore_mem>>)
      } else {
      }
      %ge3A_52 = arith.constant 0 : i32
      %ge3A_53 = arith.cmpi sge, %sub3A_36, %ge3A_52 : i32
      %lt3A_54 = arith.constant 250 : i32
      %lt3A_55 = arith.cmpi slt, %sub3A_36, %lt3A_54 : i32
      %and3A_56 = arith.andi %ge3A_53, %lt3A_55 : i1
      %convert_element_type3A_57 = arith.extui %and3A_56 : i1 to i32
      %cond3A_58 = arith.constant 0 : i32
      %cond3A_59 = arith.cmpi ne, %convert_element_type3A_57, %cond3A_58 : i32
      scf.if %cond3A_59 {
        %dma_wait3A = arith.constant 0 : i32
        %dma_wait3A_87 = arith.constant 0 : i32
        %dma_wait3A_88 = arith.constant 0 : i32
        %dma_wait3A_89 = tpu.memref_slice %arg8[%dma_wait3A_87, %dma_wait3A_88] : memref<256x128xf32, #tpu.memory_space<vmem>> -> memref<128x128xf32, #tpu.memory_space<vmem>>
        %dma_wait3A_90 = arith.constant 0 : i32
        %dma_wait3A_91 = tpu.memref_slice %arg5[%dma_wait3A, %dma_wait3A_90] : memref<2x128xi32, #tpu.memory_space<vmem>> -> memref<1x128xi32, #tpu.memory_space<vmem>>
        %dma_wait3A_92 = tpu.memref_squeeze %dma_wait3A_91 : memref<1x128xi32, #tpu.memory_space<vmem>> -> memref<128xi32, #tpu.memory_space<vmem>>
        %dma_wait3A_93 = arith.constant 0 : i32
        %dma_wait3A_94 = arith.constant 0 : i32
        %dma_wait3A_95 = tpu.memref_slice %arg2[%dma_wait3A_93, %dma_wait3A_94] : memref<10008x128xf32, #tpu.memory_space<hbm>> -> memref<10008x128xf32, #tpu.memory_space<hbm>>
        tpu.wait_indirect_dma semaphore(%arg11 : memref<!tpu.dma_semaphore, #tpu.memory_space<semaphore_mem>>) src(%dma_wait3A_95 : memref<10008x128xf32, #tpu.memory_space<hbm>>) dst(%dma_wait3A_89 : memref<128x128xf32, #tpu.memory_space<vmem>>)
        %dma_wait3A_96 = arith.constant 1 : i32
        %dma_wait3A_97 = arith.constant 128 : i32
        %dma_wait3A_98 = arith.constant 0 : i32
        %dma_wait3A_99 = tpu.memref_slice %arg8[%dma_wait3A_97, %dma_wait3A_98] : memref<256x128xf32, #tpu.memory_space<vmem>> -> memref<128x128xf32, #tpu.memory_space<vmem>>
        %dma_wait3A_100 = arith.constant 0 : i32
        %dma_wait3A_101 = tpu.memref_slice %arg5[%dma_wait3A_96, %dma_wait3A_100] : memref<2x128xi32, #tpu.memory_space<vmem>> -> memref<1x128xi32, #tpu.memory_space<vmem>>
        %dma_wait3A_102 = tpu.memref_squeeze %dma_wait3A_101 : memref<1x128xi32, #tpu.memory_space<vmem>> -> memref<128xi32, #tpu.memory_space<vmem>>
        %dma_wait3A_103 = arith.constant 0 : i32
        %dma_wait3A_104 = arith.constant 0 : i32
        %dma_wait3A_105 = tpu.memref_slice %arg2[%dma_wait3A_103, %dma_wait3A_104] : memref<10008x128xf32, #tpu.memory_space<hbm>> -> memref<10008x128xf32, #tpu.memory_space<hbm>>
        tpu.wait_indirect_dma semaphore(%arg11 : memref<!tpu.dma_semaphore, #tpu.memory_space<semaphore_mem>>) src(%dma_wait3A_105 : memref<10008x128xf32, #tpu.memory_space<hbm>>) dst(%dma_wait3A_99 : memref<128x128xf32, #tpu.memory_space<vmem>>)
        %mul3A_106 = arith.constant 256 : i32
        %mul3A_107 = arith.muli %sub3A_36, %mul3A_106 : i32
        %dma_start3A = arith.constant 0 : i32
        %dma_start3A_108 = tpu.memref_slice %arg4[%mul3A_107, %dma_start3A] : memref<64000x128xf32, #tpu.memory_space<hbm>> -> memref<256x128xf32, #tpu.memory_space<hbm>>
        %dma_start3A_109 = arith.constant 0 : i32
        %dma_start3A_110 = tpu.memref_slice %arg4[%mul3A_107, %dma_start3A_109] : memref<64000x128xf32, #tpu.memory_space<hbm>> -> memref<256x128xf32, #tpu.memory_space<hbm>>
        tpu.enqueue_dma source(%arg8 : memref<256x128xf32, #tpu.memory_space<vmem>>) target(%dma_start3A_110 : memref<256x128xf32, #tpu.memory_space<hbm>>) target_semaphore(%arg14 : memref<!tpu.dma_semaphore, #tpu.memory_space<semaphore_mem>>)
      } else {
      }
      %add3A_60 = arith.constant 64 : i32
      %add3A_61 = arith.addi %add3A_11, %add3A_60 : i32
      %sub3A_62 = arith.constant 32 : i32
      %sub3A_63 = arith.subi %add3A_61, %sub3A_62 : i32
      %sub3A_64 = arith.constant 96 : i32
      %sub3A_65 = arith.subi %add3A_61, %sub3A_64 : i32
      %ge3A_66 = arith.constant 0 : i32
      %ge3A_67 = arith.cmpi sge, %sub3A_65, %ge3A_66 : i32
      %lt3A_68 = arith.constant 250 : i32
      %lt3A_69 = arith.cmpi slt, %sub3A_65, %lt3A_68 : i32
      %and3A_70 = arith.andi %ge3A_67, %lt3A_69 : i1
      %convert_element_type3A_71 = arith.extui %and3A_70 : i1 to i32
      %cond3A_72 = arith.constant 0 : i32
      %cond3A_73 = arith.cmpi ne, %convert_element_type3A_71, %cond3A_72 : i32
      scf.if %cond3A_73 {
        %mul3A_87 = arith.constant 256 : i32
        %mul3A_88 = arith.muli %sub3A_65, %mul3A_87 : i32
        %dma_wait3A = arith.constant 0 : i32
        %dma_wait3A_89 = tpu.memref_slice %arg4[%mul3A_88, %dma_wait3A] : memref<64000x128xf32, #tpu.memory_space<hbm>> -> memref<256x128xf32, #tpu.memory_space<hbm>>
        %dma_wait3A_90 = arith.constant 0 : i32
        %dma_wait3A_91 = tpu.memref_slice %arg4[%mul3A_88, %dma_wait3A_90] : memref<64000x128xf32, #tpu.memory_space<hbm>> -> memref<256x128xf32, #tpu.memory_space<hbm>>
        tpu.wait_dma2 semaphore(%arg16 : memref<!tpu.dma_semaphore, #tpu.memory_space<semaphore_mem>>) src(%arg10 : memref<256x128xf32, #tpu.memory_space<vmem>>) dst(%dma_wait3A_91 : memref<256x128xf32, #tpu.memory_space<hbm>>)
      } else {
      }
      %lt3A_74 = arith.constant 250 : i32
      %lt3A_75 = arith.cmpi slt, %add3A_61, %lt3A_74 : i32
      %convert_element_type3A_76 = arith.extui %lt3A_75 : i1 to i32
      %cond3A_77 = arith.constant 0 : i32
      %cond3A_78 = arith.cmpi ne, %convert_element_type3A_76, %cond3A_77 : i32
      scf.if %cond3A_78 {
        %mul3A_87 = arith.constant 256 : i32
        %mul3A_88 = arith.muli %add3A_61, %mul3A_87 : i32
        %add3A_89 = arith.constant 0 : i32
        %add3A_90 = arith.addi %mul3A_88, %add3A_89 : i32
        %run_scoped3A = arith.constant 0 : i32
        "tpu.region"() ({
          %run_scoped3A_115 = tpu.sem_alloc : memref<!tpu.dma_semaphore, #tpu.memory_space<semaphore_mem>>
          %dma_start3A_116 = arith.constant 0 : i32
          %dma_start3A_117 = tpu.memref_slice %arg7[%run_scoped3A, %dma_start3A_116] : memref<2x128xi32, #tpu.memory_space<vmem>> -> memref<1x128xi32, #tpu.memory_space<vmem>>
          %dma_start3A_118 = tpu.memref_squeeze %dma_start3A_117 : memref<1x128xi32, #tpu.memory_space<vmem>> -> memref<128xi32, #tpu.memory_space<vmem>>
          %dma_start3A_119 = tpu.memref_slice %arg3[%add3A_90] : memref<64000xi32, #tpu.memory_space<hbm>> -> memref<128xi32, #tpu.memory_space<hbm>>
          %dma_start3A_120 = arith.constant 0 : i32
          %dma_start3A_121 = tpu.memref_slice %arg7[%run_scoped3A, %dma_start3A_120] : memref<2x128xi32, #tpu.memory_space<vmem>> -> memref<1x128xi32, #tpu.memory_space<vmem>>
          %dma_start3A_122 = tpu.memref_squeeze %dma_start3A_121 : memref<1x128xi32, #tpu.memory_space<vmem>> -> memref<128xi32, #tpu.memory_space<vmem>>
          %dma_start3A_123 = tpu.memref_slice %arg3[%add3A_90] : memref<64000xi32, #tpu.memory_space<hbm>> -> memref<128xi32, #tpu.memory_space<hbm>>
          tpu.enqueue_dma source(%dma_start3A_123 : memref<128xi32, #tpu.memory_space<hbm>>) target(%dma_start3A_122 : memref<128xi32, #tpu.memory_space<vmem>>) target_semaphore(%run_scoped3A_115 : memref<!tpu.dma_semaphore, #tpu.memory_space<semaphore_mem>>)
          %dma_wait3A = arith.constant 0 : i32
          %dma_wait3A_124 = tpu.memref_slice %arg7[%run_scoped3A, %dma_wait3A] : memref<2x128xi32, #tpu.memory_space<vmem>> -> memref<1x128xi32, #tpu.memory_space<vmem>>
          %dma_wait3A_125 = tpu.memref_squeeze %dma_wait3A_124 : memref<1x128xi32, #tpu.memory_space<vmem>> -> memref<128xi32, #tpu.memory_space<vmem>>
          %dma_wait3A_126 = tpu.memref_slice %arg3[%add3A_90] : memref<64000xi32, #tpu.memory_space<hbm>> -> memref<128xi32, #tpu.memory_space<hbm>>
          %dma_wait3A_127 = arith.constant 0 : i32
          %dma_wait3A_128 = tpu.memref_slice %arg7[%run_scoped3A, %dma_wait3A_127] : memref<2x128xi32, #tpu.memory_space<vmem>> -> memref<1x128xi32, #tpu.memory_space<vmem>>
          %dma_wait3A_129 = tpu.memref_squeeze %dma_wait3A_128 : memref<1x128xi32, #tpu.memory_space<vmem>> -> memref<128xi32, #tpu.memory_space<vmem>>
          %dma_wait3A_130 = tpu.memref_slice %arg3[%add3A_90] : memref<64000xi32, #tpu.memory_space<hbm>> -> memref<128xi32, #tpu.memory_space<hbm>>
          tpu.wait_dma2 semaphore(%run_scoped3A_115 : memref<!tpu.dma_semaphore, #tpu.memory_space<semaphore_mem>>) src(%dma_wait3A_130 : memref<128xi32, #tpu.memory_space<hbm>>) dst(%dma_wait3A_129 : memref<128xi32, #tpu.memory_space<vmem>>)
          tpu.yield
        }) : () -> ()
        %mul3A_91 = arith.constant 256 : i32
        %mul3A_92 = arith.muli %add3A_61, %mul3A_91 : i32
        %add3A_93 = arith.constant 128 : i32
        %add3A_94 = arith.addi %mul3A_92, %add3A_93 : i32
        %run_scoped3A_95 = arith.constant 1 : i32
        "tpu.region"() ({
          %run_scoped3A_115 = tpu.sem_alloc : memref<!tpu.dma_semaphore, #tpu.memory_space<semaphore_mem>>
          %dma_start3A_116 = arith.constant 0 : i32
          %dma_start3A_117 = tpu.memref_slice %arg7[%run_scoped3A_95, %dma_start3A_116] : memref<2x128xi32, #tpu.memory_space<vmem>> -> memref<1x128xi32, #tpu.memory_space<vmem>>
          %dma_start3A_118 = tpu.memref_squeeze %dma_start3A_117 : memref<1x128xi32, #tpu.memory_space<vmem>> -> memref<128xi32, #tpu.memory_space<vmem>>
          %dma_start3A_119 = tpu.memref_slice %arg3[%add3A_94] : memref<64000xi32, #tpu.memory_space<hbm>> -> memref<128xi32, #tpu.memory_space<hbm>>
          %dma_start3A_120 = arith.constant 0 : i32
          %dma_start3A_121 = tpu.memref_slice %arg7[%run_scoped3A_95, %dma_start3A_120] : memref<2x128xi32, #tpu.memory_space<vmem>> -> memref<1x128xi32, #tpu.memory_space<vmem>>
          %dma_start3A_122 = tpu.memref_squeeze %dma_start3A_121 : memref<1x128xi32, #tpu.memory_space<vmem>> -> memref<128xi32, #tpu.memory_space<vmem>>
          %dma_start3A_123 = tpu.memref_slice %arg3[%add3A_94] : memref<64000xi32, #tpu.memory_space<hbm>> -> memref<128xi32, #tpu.memory_space<hbm>>
          tpu.enqueue_dma source(%dma_start3A_123 : memref<128xi32, #tpu.memory_space<hbm>>) target(%dma_start3A_122 : memref<128xi32, #tpu.memory_space<vmem>>) target_semaphore(%run_scoped3A_115 : memref<!tpu.dma_semaphore, #tpu.memory_space<semaphore_mem>>)
          %dma_wait3A = arith.constant 0 : i32
          %dma_wait3A_124 = tpu.memref_slice %arg7[%run_scoped3A_95, %dma_wait3A] : memref<2x128xi32, #tpu.memory_space<vmem>> -> memref<1x128xi32, #tpu.memory_space<vmem>>
          %dma_wait3A_125 = tpu.memref_squeeze %dma_wait3A_124 : memref<1x128xi32, #tpu.memory_space<vmem>> -> memref<128xi32, #tpu.memory_space<vmem>>
          %dma_wait3A_126 = tpu.memref_slice %arg3[%add3A_94] : memref<64000xi32, #tpu.memory_space<hbm>> -> memref<128xi32, #tpu.memory_space<hbm>>
          %dma_wait3A_127 = arith.constant 0 : i32
          %dma_wait3A_128 = tpu.memref_slice %arg7[%run_scoped3A_95, %dma_wait3A_127] : memref<2x128xi32, #tpu.memory_space<vmem>> -> memref<1x128xi32, #tpu.memory_space<vmem>>
          %dma_wait3A_129 = tpu.memref_squeeze %dma_wait3A_128 : memref<1x128xi32, #tpu.memory_space<vmem>> -> memref<128xi32, #tpu.memory_space<vmem>>
          %dma_wait3A_130 = tpu.memref_slice %arg3[%add3A_94] : memref<64000xi32, #tpu.memory_space<hbm>> -> memref<128xi32, #tpu.memory_space<hbm>>
          tpu.wait_dma2 semaphore(%run_scoped3A_115 : memref<!tpu.dma_semaphore, #tpu.memory_space<semaphore_mem>>) src(%dma_wait3A_130 : memref<128xi32, #tpu.memory_space<hbm>>) dst(%dma_wait3A_129 : memref<128xi32, #tpu.memory_space<vmem>>)
          tpu.yield
        }) : () -> ()
        %dma_start3A = arith.constant 0 : i32
        %dma_start3A_96 = arith.constant 0 : i32
        %dma_start3A_97 = arith.constant 0 : i32
        %dma_start3A_98 = tpu.memref_slice %arg10[%dma_start3A_96, %dma_start3A_97] : memref<256x128xf32, #tpu.memory_space<vmem>> -> memref<128x128xf32, #tpu.memory_space<vmem>>
        %dma_start3A_99 = arith.constant 0 : i32
        %dma_start3A_100 = tpu.memref_slice %arg7[%dma_start3A, %dma_start3A_99] : memref<2x128xi32, #tpu.memory_space<vmem>> -> memref<1x128xi32, #tpu.memory_space<vmem>>
        %dma_start3A_101 = tpu.memref_squeeze %dma_start3A_100 : memref<1x128xi32, #tpu.memory_space<vmem>> -> memref<128xi32, #tpu.memory_space<vmem>>
        %dma_start3A_102 = arith.constant 0 : i32
        %dma_start3A_103 = arith.constant 0 : i32
        %dma_start3A_104 = tpu.memref_slice %arg2[%dma_start3A_102, %dma_start3A_103] : memref<10008x128xf32, #tpu.memory_space<hbm>> -> memref<10008x128xf32, #tpu.memory_space<hbm>>
        tpu.enqueue_indirect_dma source(%dma_start3A_104 : memref<10008x128xf32, #tpu.memory_space<hbm>>) target(%dma_start3A_98 : memref<128x128xf32, #tpu.memory_space<vmem>>) offsets(%dma_start3A_101 : memref<128xi32, #tpu.memory_space<vmem>>) semaphore(%arg13 : memref<!tpu.dma_semaphore, #tpu.memory_space<semaphore_mem>>)
        %dma_start3A_105 = arith.constant 1 : i32
        %dma_start3A_106 = arith.constant 128 : i32
        %dma_start3A_107 = arith.constant 0 : i32
        %dma_start3A_108 = tpu.memref_slice %arg10[%dma_start3A_106, %dma_start3A_107] : memref<256x128xf32, #tpu.memory_space<vmem>> -> memref<128x128xf32, #tpu.memory_space<vmem>>
        %dma_start3A_109 = arith.constant 0 : i32
        %dma_start3A_110 = tpu.memref_slice %arg7[%dma_start3A_105, %dma_start3A_109] : memref<2x128xi32, #tpu.memory_space<vmem>> -> memref<1x128xi32, #tpu.memory_space<vmem>>
        %dma_start3A_111 = tpu.memref_squeeze %dma_start3A_110 : memref<1x128xi32, #tpu.memory_space<vmem>> -> memref<128xi32, #tpu.memory_space<vmem>>
        %dma_start3A_112 = arith.constant 0 : i32
        %dma_start3A_113 = arith.constant 0 : i32
        %dma_start3A_114 = tpu.memref_slice %arg2[%dma_start3A_112, %dma_start3A_113] : memref<10008x128xf32, #tpu.memory_space<hbm>> -> memref<10008x128xf32, #tpu.memory_space<hbm>>
        tpu.enqueue_indirect_dma source(%dma_start3A_114 : memref<10008x128xf32, #tpu.memory_space<hbm>>) target(%dma_start3A_108 : memref<128x128xf32, #tpu.memory_space<vmem>>) offsets(%dma_start3A_111 : memref<128xi32, #tpu.memory_space<vmem>>) semaphore(%arg13 : memref<!tpu.dma_semaphore, #tpu.memory_space<semaphore_mem>>)
      } else {
      }
      %ge3A_79 = arith.constant 0 : i32
      %ge3A_80 = arith.cmpi sge, %sub3A_63, %ge3A_79 : i32
      %lt3A_81 = arith.constant 250 : i32
      %lt3A_82 = arith.cmpi slt, %sub3A_63, %lt3A_81 : i32
      %and3A_83 = arith.andi %ge3A_80, %lt3A_82 : i1
      %convert_element_type3A_84 = arith.extui %and3A_83 : i1 to i32
      %cond3A_85 = arith.constant 0 : i32
      %cond3A_86 = arith.cmpi ne, %convert_element_type3A_84, %cond3A_85 : i32
      scf.if %cond3A_86 {
        %dma_wait3A = arith.constant 0 : i32
        %dma_wait3A_87 = arith.constant 0 : i32
        %dma_wait3A_88 = arith.constant 0 : i32
        %dma_wait3A_89 = tpu.memref_slice %arg9[%dma_wait3A_87, %dma_wait3A_88] : memref<256x128xf32, #tpu.memory_space<vmem>> -> memref<128x128xf32, #tpu.memory_space<vmem>>
        %dma_wait3A_90 = arith.constant 0 : i32
        %dma_wait3A_91 = tpu.memref_slice %arg6[%dma_wait3A, %dma_wait3A_90] : memref<2x128xi32, #tpu.memory_space<vmem>> -> memref<1x128xi32, #tpu.memory_space<vmem>>
        %dma_wait3A_92 = tpu.memref_squeeze %dma_wait3A_91 : memref<1x128xi32, #tpu.memory_space<vmem>> -> memref<128xi32, #tpu.memory_space<vmem>>
        %dma_wait3A_93 = arith.constant 0 : i32
        %dma_wait3A_94 = arith.constant 0 : i32
        %dma_wait3A_95 = tpu.memref_slice %arg2[%dma_wait3A_93, %dma_wait3A_94] : memref<10008x128xf32, #tpu.memory_space<hbm>> -> memref<10008x128xf32, #tpu.memory_space<hbm>>
        tpu.wait_indirect_dma semaphore(%arg12 : memref<!tpu.dma_semaphore, #tpu.memory_space<semaphore_mem>>) src(%dma_wait3A_95 : memref<10008x128xf32, #tpu.memory_space<hbm>>) dst(%dma_wait3A_89 : memref<128x128xf32, #tpu.memory_space<vmem>>)
        %dma_wait3A_96 = arith.constant 1 : i32
        %dma_wait3A_97 = arith.constant 128 : i32
        %dma_wait3A_98 = arith.constant 0 : i32
        %dma_wait3A_99 = tpu.memref_slice %arg9[%dma_wait3A_97, %dma_wait3A_98] : memref<256x128xf32, #tpu.memory_space<vmem>> -> memref<128x128xf32, #tpu.memory_space<vmem>>
        %dma_wait3A_100 = arith.constant 0 : i32
        %dma_wait3A_101 = tpu.memref_slice %arg6[%dma_wait3A_96, %dma_wait3A_100] : memref<2x128xi32, #tpu.memory_space<vmem>> -> memref<1x128xi32, #tpu.memory_space<vmem>>
        %dma_wait3A_102 = tpu.memref_squeeze %dma_wait3A_101 : memref<1x128xi32, #tpu.memory_space<vmem>> -> memref<128xi32, #tpu.memory_space<vmem>>
        %dma_wait3A_103 = arith.constant 0 : i32
        %dma_wait3A_104 = arith.constant 0 : i32
        %dma_wait3A_105 = tpu.memref_slice %arg2[%dma_wait3A_103, %dma_wait3A_104] : memref<10008x128xf32, #tpu.memory_space<hbm>> -> memref<10008x128xf32, #tpu.memory_space<hbm>>
        tpu.wait_indirect_dma semaphore(%arg12 : memref<!tpu.dma_semaphore, #tpu.memory_space<semaphore_mem>>) src(%dma_wait3A_105 : memref<10008x128xf32, #tpu.memory_space<hbm>>) dst(%dma_wait3A_99 : memref<128x128xf32, #tpu.memory_space<vmem>>)
        %mul3A_106 = arith.constant 256 : i32
        %mul3A_107 = arith.muli %sub3A_63, %mul3A_106 : i32
        %dma_start3A = arith.constant 0 : i32
        %dma_start3A_108 = tpu.memref_slice %arg4[%mul3A_107, %dma_start3A] : memref<64000x128xf32, #tpu.memory_space<hbm>> -> memref<256x128xf32, #tpu.memory_space<hbm>>
        %dma_start3A_109 = arith.constant 0 : i32
        %dma_start3A_110 = tpu.memref_slice %arg4[%mul3A_107, %dma_start3A_109] : memref<64000x128xf32, #tpu.memory_space<hbm>> -> memref<256x128xf32, #tpu.memory_space<hbm>>
        tpu.enqueue_dma source(%arg9 : memref<256x128xf32, #tpu.memory_space<vmem>>) target(%dma_start3A_110 : memref<256x128xf32, #tpu.memory_space<hbm>>) target_semaphore(%arg15 : memref<!tpu.dma_semaphore, #tpu.memory_space<semaphore_mem>>)
      } else {
      }
    }
    %scan3A_5 = arith.constant 4 : i32
    return
  }
}

#map = affine_map<(d0, d1) -> (0, 0)>
#map1 = affine_map<(d0, d1) -> (0)>
module attributes {stable_mosaic.version = 14 : i64} {
  func.func @gather(%arg0: i32, %arg1: i32, %arg2: memref<10008x128xf32, #tpu.memory_space<hbm>>, %arg3: memref<64000xi32, #tpu.memory_space<hbm>>, %arg4: memref<64000x128xf32, #tpu.memory_space<hbm>>, %arg5: memref<2x128xi32, #tpu.memory_space<vmem>>, %arg6: memref<2x128xi32, #tpu.memory_space<vmem>>, %arg7: memref<2x128xi32, #tpu.memory_space<vmem>>, %arg8: memref<256x128xf32, #tpu.memory_space<vmem>>, %arg9: memref<256x128xf32, #tpu.memory_space<vmem>>, %arg10: memref<256x128xf32, #tpu.memory_space<vmem>>, %arg11: memref<!tpu.dma_semaphore, #tpu.memory_space<semaphore_mem>>, %arg12: memref<!tpu.dma_semaphore, #tpu.memory_space<semaphore_mem>>, %arg13: memref<!tpu.dma_semaphore, #tpu.memory_space<semaphore_mem>>, %arg14: memref<!tpu.dma_semaphore, #tpu.memory_space<semaphore_mem>>, %arg15: memref<!tpu.dma_semaphore, #tpu.memory_space<semaphore_mem>>, %arg16: memref<!tpu.dma_semaphore, #tpu.memory_space<semaphore_mem>>) attributes {dimension_semantics = [#tpu.dimension_semantics<core_parallel>, #tpu.dimension_semantics<subcore_parallel>], iteration_bounds = array<i64: 2, 16>, scalar_prefetch = 0 : i64, scratch_operands = 12 : i64, tpu.core_type = #tpu.core_type<sc_vector_subcore>, window_params = [{transform_indices = #map}, {transform_indices = #map1}, {transform_indices = #map}]} {
    %mul3A = arith.constant 2 : i32
    %mul3A_0 = arith.muli %arg1, %mul3A : i32
    %add3A = arith.addi %mul3A_0, %arg0 : i32
    %scan3A = arith.constant 0 : i32
    %scan3A_1 = arith.constant 0 : i32
    %scan3A_2 = arith.constant 4 : i32
    %scan3A_3 = arith.addi %scan3A_1, %scan3A_2 : i32
    %scan3A_4 = arith.constant 1 : i32
    scf.for %scan3A_6 = %scan3A_1 to %scan3A_3 step %scan3A_4  : i32 {
      %mul3A_7 = arith.constant 3 : i32
      %mul3A_8 = arith.muli %scan3A_6, %mul3A_7 : i32
      %mul3A_9 = arith.constant 32 : i32
      %mul3A_10 = arith.muli %mul3A_8, %mul3A_9 : i32
      %add3A_11 = arith.addi %mul3A_10, %add3A : i32
      %add3A_12 = arith.constant 0 : i32
      %add3A_13 = arith.addi %add3A_11, %add3A_12 : i32
      %sub3A = arith.constant 32 : i32
      %sub3A_14 = arith.subi %add3A_13, %sub3A : i32
      %sub3A_15 = arith.constant 96 : i32
      %sub3A_16 = arith.subi %add3A_13, %sub3A_15 : i32
      %ge3A = arith.constant 0 : i32
      %ge3A_17 = arith.cmpi sge, %sub3A_16, %ge3A : i32
      %lt3A = arith.constant 250 : i32
      %lt3A_18 = arith.cmpi slt, %sub3A_16, %lt3A : i32
      %and3A = arith.andi %ge3A_17, %lt3A_18 : i1
      %convert_element_type3A = arith.extui %and3A : i1 to i32
      %cond3A = arith.constant 0 : i32
      %cond3A_19 = arith.cmpi ne, %convert_element_type3A, %cond3A : i32
      scf.if %cond3A_19 {
        %mul3A_87 = arith.constant 256 : i32
        %mul3A_88 = arith.muli %sub3A_16, %mul3A_87 : i32
        %dma_wait3A = arith.constant 0 : i32
        %dma_wait3A_89 = tpu.memref_slice %arg4[%mul3A_88, %dma_wait3A] : memref<64000x128xf32, #tpu.memory_space<hbm>> -> memref<256x128xf32, #tpu.memory_space<hbm>>
        %dma_wait3A_90 = arith.constant 0 : i32
        %dma_wait3A_91 = tpu.memref_slice %arg4[%mul3A_88, %dma_wait3A_90] : memref<64000x128xf32, #tpu.memory_space<hbm>> -> memref<256x128xf32, #tpu.memory_space<hbm>>
        tpu.wait_dma2 semaphore(%arg14 : memref<!tpu.dma_semaphore, #tpu.memory_space<semaphore_mem>>) src(%arg8 : memref<256x128xf32, #tpu.memory_space<vmem>>) dst(%dma_wait3A_91 : memref<256x128xf32, #tpu.memory_space<hbm>>)
      } else {
      }
      %lt3A_20 = arith.constant 250 : i32
      %lt3A_21 = arith.cmpi slt, %add3A_13, %lt3A_20 : i32
      %convert_element_type3A_22 = arith.extui %lt3A_21 : i1 to i32
      %cond3A_23 = arith.constant 0 : i32
      %cond3A_24 = arith.cmpi ne, %convert_element_type3A_22, %cond3A_23 : i32
      scf.if %cond3A_24 {
        %mul3A_87 = arith.constant 256 : i32
        %mul3A_88 = arith.muli %add3A_13, %mul3A_87 : i32
        %add3A_89 = arith.constant 0 : i32
        %add3A_90 = arith.addi %mul3A_88, %add3A_89 : i32
        %run_scoped3A = arith.constant 0 : i32
        "tpu.region"() ({
          %run_scoped3A_115 = tpu.sem_alloc : memref<!tpu.dma_semaphore, #tpu.memory_space<semaphore_mem>>
          %dma_start3A_116 = arith.constant 0 : i32
          %dma_start3A_117 = tpu.memref_slice %arg5[%run_scoped3A, %dma_start3A_116] : memref<2x128xi32, #tpu.memory_space<vmem>> -> memref<1x128xi32, #tpu.memory_space<vmem>>
          %dma_start3A_118 = tpu.memref_squeeze %dma_start3A_117 : memref<1x128xi32, #tpu.memory_space<vmem>> -> memref<128xi32, #tpu.memory_space<vmem>>
          %dma_start3A_119 = tpu.memref_slice %arg3[%add3A_90] : memref<64000xi32, #tpu.memory_space<hbm>> -> memref<128xi32, #tpu.memory_space<hbm>>
          %dma_start3A_120 = arith.constant 0 : i32
          %dma_start3A_121 = tpu.memref_slice %arg5[%run_scoped3A, %dma_start3A_120] : memref<2x128xi32, #tpu.memory_space<vmem>> -> memref<1x128xi32, #tpu.memory_space<vmem>>
          %dma_start3A_122 = tpu.memref_squeeze %dma_start3A_121 : memref<1x128xi32, #tpu.memory_space<vmem>> -> memref<128xi32, #tpu.memory_space<vmem>>
          %dma_start3A_123 = tpu.memref_slice %arg3[%add3A_90] : memref<64000xi32, #tpu.memory_space<hbm>> -> memref<128xi32, #tpu.memory_space<hbm>>
          tpu.enqueue_dma source(%dma_start3A_123 : memref<128xi32, #tpu.memory_space<hbm>>) target(%dma_start3A_122 : memref<128xi32, #tpu.memory_space<vmem>>) target_semaphore(%run_scoped3A_115 : memref<!tpu.dma_semaphore, #tpu.memory_space<semaphore_mem>>)
          %dma_wait3A = arith.constant 0 : i32
          %dma_wait3A_124 = tpu.memref_slice %arg5[%run_scoped3A, %dma_wait3A] : memref<2x128xi32, #tpu.memory_space<vmem>> -> memref<1x128xi32, #tpu.memory_space<vmem>>
          %dma_wait3A_125 = tpu.memref_squeeze %dma_wait3A_124 : memref<1x128xi32, #tpu.memory_space<vmem>> -> memref<128xi32, #tpu.memory_space<vmem>>
          %dma_wait3A_126 = tpu.memref_slice %arg3[%add3A_90] : memref<64000xi32, #tpu.memory_space<hbm>> -> memref<128xi32, #tpu.memory_space<hbm>>
          %dma_wait3A_127 = arith.constant 0 : i32
          %dma_wait3A_128 = tpu.memref_slice %arg5[%run_scoped3A, %dma_wait3A_127] : memref<2x128xi32, #tpu.memory_space<vmem>> -> memref<1x128xi32, #tpu.memory_space<vmem>>
          %dma_wait3A_129 = tpu.memref_squeeze %dma_wait3A_128 : memref<1x128xi32, #tpu.memory_space<vmem>> -> memref<128xi32, #tpu.memory_space<vmem>>
          %dma_wait3A_130 = tpu.memref_slice %arg3[%add3A_90] : memref<64000xi32, #tpu.memory_space<hbm>> -> memref<128xi32, #tpu.memory_space<hbm>>
          tpu.wait_dma2 semaphore(%run_scoped3A_115 : memref<!tpu.dma_semaphore, #tpu.memory_space<semaphore_mem>>) src(%dma_wait3A_130 : memref<128xi32, #tpu.memory_space<hbm>>) dst(%dma_wait3A_129 : memref<128xi32, #tpu.memory_space<vmem>>)
          tpu.yield
        }) : () -> ()
        %mul3A_91 = arith.constant 256 : i32
        %mul3A_92 = arith.muli %add3A_13, %mul3A_91 : i32
        %add3A_93 = arith.constant 128 : i32
        %add3A_94 = arith.addi %mul3A_92, %add3A_93 : i32
        %run_scoped3A_95 = arith.constant 1 : i32
        "tpu.region"() ({
          %run_scoped3A_115 = tpu.sem_alloc : memref<!tpu.dma_semaphore, #tpu.memory_space<semaphore_mem>>
          %dma_start3A_116 = arith.constant 0 : i32
          %dma_start3A_117 = tpu.memref_slice %arg5[%run_scoped3A_95, %dma_start3A_116] : memref<2x128xi32, #tpu.memory_space<vmem>> -> memref<1x128xi32, #tpu.memory_space<vmem>>
          %dma_start3A_118 = tpu.memref_squeeze %dma_start3A_117 : memref<1x128xi32, #tpu.memory_space<vmem>> -> memref<128xi32, #tpu.memory_space<vmem>>
          %dma_start3A_119 = tpu.memref_slice %arg3[%add3A_94] : memref<64000xi32, #tpu.memory_space<hbm>> -> memref<128xi32, #tpu.memory_space<hbm>>
          %dma_start3A_120 = arith.constant 0 : i32
          %dma_start3A_121 = tpu.memref_slice %arg5[%run_scoped3A_95, %dma_start3A_120] : memref<2x128xi32, #tpu.memory_space<vmem>> -> memref<1x128xi32, #tpu.memory_space<vmem>>
          %dma_start3A_122 = tpu.memref_squeeze %dma_start3A_121 : memref<1x128xi32, #tpu.memory_space<vmem>> -> memref<128xi32, #tpu.memory_space<vmem>>
          %dma_start3A_123 = tpu.memref_slice %arg3[%add3A_94] : memref<64000xi32, #tpu.memory_space<hbm>> -> memref<128xi32, #tpu.memory_space<hbm>>
          tpu.enqueue_dma source(%dma_start3A_123 : memref<128xi32, #tpu.memory_space<hbm>>) target(%dma_start3A_122 : memref<128xi32, #tpu.memory_space<vmem>>) target_semaphore(%run_scoped3A_115 : memref<!tpu.dma_semaphore, #tpu.memory_space<semaphore_mem>>)
          %dma_wait3A = arith.constant 0 : i32
          %dma_wait3A_124 = tpu.memref_slice %arg5[%run_scoped3A_95, %dma_wait3A] : memref<2x128xi32, #tpu.memory_space<vmem>> -> memref<1x128xi32, #tpu.memory_space<vmem>>
          %dma_wait3A_125 = tpu.memref_squeeze %dma_wait3A_124 : memref<1x128xi32, #tpu.memory_space<vmem>> -> memref<128xi32, #tpu.memory_space<vmem>>
          %dma_wait3A_126 = tpu.memref_slice %arg3[%add3A_94] : memref<64000xi32, #tpu.memory_space<hbm>> -> memref<128xi32, #tpu.memory_space<hbm>>
          %dma_wait3A_127 = arith.constant 0 : i32
          %dma_wait3A_128 = tpu.memref_slice %arg5[%run_scoped3A_95, %dma_wait3A_127] : memref<2x128xi32, #tpu.memory_space<vmem>> -> memref<1x128xi32, #tpu.memory_space<vmem>>
          %dma_wait3A_129 = tpu.memref_squeeze %dma_wait3A_128 : memref<1x128xi32, #tpu.memory_space<vmem>> -> memref<128xi32, #tpu.memory_space<vmem>>
          %dma_wait3A_130 = tpu.memref_slice %arg3[%add3A_94] : memref<64000xi32, #tpu.memory_space<hbm>> -> memref<128xi32, #tpu.memory_space<hbm>>
          tpu.wait_dma2 semaphore(%run_scoped3A_115 : memref<!tpu.dma_semaphore, #tpu.memory_space<semaphore_mem>>) src(%dma_wait3A_130 : memref<128xi32, #tpu.memory_space<hbm>>) dst(%dma_wait3A_129 : memref<128xi32, #tpu.memory_space<vmem>>)
          tpu.yield
        }) : () -> ()
        %dma_start3A = arith.constant 0 : i32
        %dma_start3A_96 = arith.constant 0 : i32
        %dma_start3A_97 = arith.constant 0 : i32
        %dma_start3A_98 = tpu.memref_slice %arg8[%dma_start3A_96, %dma_start3A_97] : memref<256x128xf32, #tpu.memory_space<vmem>> -> memref<128x128xf32, #tpu.memory_space<vmem>>
        %dma_start3A_99 = arith.constant 0 : i32
        %dma_start3A_100 = tpu.memref_slice %arg5[%dma_start3A, %dma_start3A_99] : memref<2x128xi32, #tpu.memory_space<vmem>> -> memref<1x128xi32, #tpu.memory_space<vmem>>
        %dma_start3A_101 = tpu.memref_squeeze %dma_start3A_100 : memref<1x128xi32, #tpu.memory_space<vmem>> -> memref<128xi32, #tpu.memory_space<vmem>>
        %dma_start3A_102 = arith.constant 0 : i32
        %dma_start3A_103 = arith.constant 0 : i32
        %dma_start3A_104 = tpu.memref_slice %arg2[%dma_start3A_102, %dma_start3A_103] : memref<10008x128xf32, #tpu.memory_space<hbm>> -> memref<10008x128xf32, #tpu.memory_space<hbm>>
        tpu.enqueue_indirect_dma source(%dma_start3A_104 : memref<10008x128xf32, #tpu.memory_space<hbm>>) target(%dma_start3A_98 : memref<128x128xf32, #tpu.memory_space<vmem>>) offsets(%dma_start3A_101 : memref<128xi32, #tpu.memory_space<vmem>>) semaphore(%arg11 : memref<!tpu.dma_semaphore, #tpu.memory_space<semaphore_mem>>)
        %dma_start3A_105 = arith.constant 1 : i32
        %dma_start3A_106 = arith.constant 128 : i32
        %dma_start3A_107 = arith.constant 0 : i32
        %dma_start3A_108 = tpu.memref_slice %arg8[%dma_start3A_106, %dma_start3A_107] : memref<256x128xf32, #tpu.memory_space<vmem>> -> memref<128x128xf32, #tpu.memory_space<vmem>>
        %dma_start3A_109 = arith.constant 0 : i32
        %dma_start3A_110 = tpu.memref_slice %arg5[%dma_start3A_105, %dma_start3A_109] : memref<2x128xi32, #tpu.memory_space<vmem>> -> memref<1x128xi32, #tpu.memory_space<vmem>>
        %dma_start3A_111 = tpu.memref_squeeze %dma_start3A_110 : memref<1x128xi32, #tpu.memory_space<vmem>> -> memref<128xi32, #tpu.memory_space<vmem>>
        %dma_start3A_112 = arith.constant 0 : i32
        %dma_start3A_113 = arith.constant 0 : i32
        %dma_start3A_114 = tpu.memref_slice %arg2[%dma_start3A_112, %dma_start3A_113] : memref<10008x128xf32, #tpu.memory_space<hbm>> -> memref<10008x128xf32, #tpu.memory_space<hbm>>
        tpu.enqueue_indirect_dma source(%dma_start3A_114 : memref<10008x128xf32, #tpu.memory_space<hbm>>) target(%dma_start3A_108 : memref<128x128xf32, #tpu.memory_space<vmem>>) offsets(%dma_start3A_111 : memref<128xi32, #tpu.memory_space<vmem>>) semaphore(%arg11 : memref<!tpu.dma_semaphore, #tpu.memory_space<semaphore_mem>>)
      } else {
      }
      %ge3A_25 = arith.constant 0 : i32
      %ge3A_26 = arith.cmpi sge, %sub3A_14, %ge3A_25 : i32
      %lt3A_27 = arith.constant 250 : i32
      %lt3A_28 = arith.cmpi slt, %sub3A_14, %lt3A_27 : i32
      %and3A_29 = arith.andi %ge3A_26, %lt3A_28 : i1
      %convert_element_type3A_30 = arith.extui %and3A_29 : i1 to i32
      %cond3A_31 = arith.constant 0 : i32
      %cond3A_32 = arith.cmpi ne, %convert_element_type3A_30, %cond3A_31 : i32
      scf.if %cond3A_32 {
        %dma_wait3A = arith.constant 0 : i32
        %dma_wait3A_87 = arith.constant 0 : i32
        %dma_wait3A_88 = arith.constant 0 : i32
        %dma_wait3A_89 = tpu.memref_slice %arg10[%dma_wait3A_87, %dma_wait3A_88] : memref<256x128xf32, #tpu.memory_space<vmem>> -> memref<128x128xf32, #tpu.memory_space<vmem>>
        %dma_wait3A_90 = arith.constant 0 : i32
        %dma_wait3A_91 = tpu.memref_slice %arg7[%dma_wait3A, %dma_wait3A_90] : memref<2x128xi32, #tpu.memory_space<vmem>> -> memref<1x128xi32, #tpu.memory_space<vmem>>
        %dma_wait3A_92 = tpu.memref_squeeze %dma_wait3A_91 : memref<1x128xi32, #tpu.memory_space<vmem>> -> memref<128xi32, #tpu.memory_space<vmem>>
        %dma_wait3A_93 = arith.constant 0 : i32
        %dma_wait3A_94 = arith.constant 0 : i32
        %dma_wait3A_95 = tpu.memref_slice %arg2[%dma_wait3A_93, %dma_wait3A_94] : memref<10008x128xf32, #tpu.memory_space<hbm>> -> memref<10008x128xf32, #tpu.memory_space<hbm>>
        tpu.wait_indirect_dma semaphore(%arg13 : memref<!tpu.dma_semaphore, #tpu.memory_space<semaphore_mem>>) src(%dma_wait3A_95 : memref<10008x128xf32, #tpu.memory_space<hbm>>) dst(%dma_wait3A_89 : memref<128x128xf32, #tpu.memory_space<vmem>>)
        %dma_wait3A_96 = arith.constant 1 : i32
        %dma_wait3A_97 = arith.constant 128 : i32
        %dma_wait3A_98 = arith.constant 0 : i32
        %dma_wait3A_99 = tpu.memref_slice %arg10[%dma_wait3A_97, %dma_wait3A_98] : memref<256x128xf32, #tpu.memory_space<vmem>> -> memref<128x128xf32, #tpu.memory_space<vmem>>
        %dma_wait3A_100 = arith.constant 0 : i32
        %dma_wait3A_101 = tpu.memref_slice %arg7[%dma_wait3A_96, %dma_wait3A_100] : memref<2x128xi32, #tpu.memory_space<vmem>> -> memref<1x128xi32, #tpu.memory_space<vmem>>
        %dma_wait3A_102 = tpu.memref_squeeze %dma_wait3A_101 : memref<1x128xi32, #tpu.memory_space<vmem>> -> memref<128xi32, #tpu.memory_space<vmem>>
        %dma_wait3A_103 = arith.constant 0 : i32
        %dma_wait3A_104 = arith.constant 0 : i32
        %dma_wait3A_105 = tpu.memref_slice %arg2[%dma_wait3A_103, %dma_wait3A_104] : memref<10008x128xf32, #tpu.memory_space<hbm>> -> memref<10008x128xf32, #tpu.memory_space<hbm>>
        tpu.wait_indirect_dma semaphore(%arg13 : memref<!tpu.dma_semaphore, #tpu.memory_space<semaphore_mem>>) src(%dma_wait3A_105 : memref<10008x128xf32, #tpu.memory_space<hbm>>) dst(%dma_wait3A_99 : memref<128x128xf32, #tpu.memory_space<vmem>>)
        %mul3A_106 = arith.constant 256 : i32
        %mul3A_107 = arith.muli %sub3A_14, %mul3A_106 : i32
        %dma_start3A = arith.constant 0 : i32
        %dma_start3A_108 = tpu.memref_slice %arg4[%mul3A_107, %dma_start3A] : memref<64000x128xf32, #tpu.memory_space<hbm>> -> memref<256x128xf32, #tpu.memory_space<hbm>>
        %dma_start3A_109 = arith.constant 0 : i32
        %dma_start3A_110 = tpu.memref_slice %arg4[%mul3A_107, %dma_start3A_109] : memref<64000x128xf32, #tpu.memory_space<hbm>> -> memref<256x128xf32, #tpu.memory_space<hbm>>
        tpu.enqueue_dma source(%arg10 : memref<256x128xf32, #tpu.memory_space<vmem>>) target(%dma_start3A_110 : memref<256x128xf32, #tpu.memory_space<hbm>>) target_semaphore(%arg16 : memref<!tpu.dma_semaphore, #tpu.memory_space<semaphore_mem>>)
      } else {
      }
      %add3A_33 = arith.constant 32 : i32
      %add3A_34 = arith.addi %add3A_11, %add3A_33 : i32
      %sub3A_35 = arith.constant 32 : i32
      %sub3A_36 = arith.subi %add3A_34, %sub3A_35 : i32
      %sub3A_37 = arith.constant 96 : i32
      %sub3A_38 = arith.subi %add3A_34, %sub3A_37 : i32
      %ge3A_39 = arith.constant 0 : i32
      %ge3A_40 = arith.cmpi sge, %sub3A_38, %ge3A_39 : i32
      %lt3A_41 = arith.constant 250 : i32
      %lt3A_42 = arith.cmpi slt, %sub3A_38, %lt3A_41 : i32
      %and3A_43 = arith.andi %ge3A_40, %lt3A_42 : i1
      %convert_element_type3A_44 = arith.extui %and3A_43 : i1 to i32
      %cond3A_45 = arith.constant 0 : i32
      %cond3A_46 = arith.cmpi ne, %convert_element_type3A_44, %cond3A_45 : i32
      scf.if %cond3A_46 {
        %mul3A_87 = arith.constant 256 : i32
        %mul3A_88 = arith.muli %sub3A_38, %mul3A_87 : i32
        %dma_wait3A = arith.constant 0 : i32
        %dma_wait3A_89 = tpu.memref_slice %arg4[%mul3A_88, %dma_wait3A] : memref<64000x128xf32, #tpu.memory_space<hbm>> -> memref<256x128xf32, #tpu.memory_space<hbm>>
        %dma_wait3A_90 = arith.constant 0 : i32
        %dma_wait3A_91 = tpu.memref_slice %arg4[%mul3A_88, %dma_wait3A_90] : memref<64000x128xf32, #tpu.memory_space<hbm>> -> memref<256x128xf32, #tpu.memory_space<hbm>>
        tpu.wait_dma2 semaphore(%arg15 : memref<!tpu.dma_semaphore, #tpu.memory_space<semaphore_mem>>) src(%arg9 : memref<256x128xf32, #tpu.memory_space<vmem>>) dst(%dma_wait3A_91 : memref<256x128xf32, #tpu.memory_space<hbm>>)
      } else {
      }
      %lt3A_47 = arith.constant 250 : i32
      %lt3A_48 = arith.cmpi slt, %add3A_34, %lt3A_47 : i32
      %convert_element_type3A_49 = arith.extui %lt3A_48 : i1 to i32
      %cond3A_50 = arith.constant 0 : i32
      %cond3A_51 = arith.cmpi ne, %convert_element_type3A_49, %cond3A_50 : i32
      scf.if %cond3A_51 {
        %mul3A_87 = arith.constant 256 : i32
        %mul3A_88 = arith.muli %add3A_34, %mul3A_87 : i32
        %add3A_89 = arith.constant 0 : i32
        %add3A_90 = arith.addi %mul3A_88, %add3A_89 : i32
        %run_scoped3A = arith.constant 0 : i32
        "tpu.region"() ({
          %run_scoped3A_115 = tpu.sem_alloc : memref<!tpu.dma_semaphore, #tpu.memory_space<semaphore_mem>>
          %dma_start3A_116 = arith.constant 0 : i32
          %dma_start3A_117 = tpu.memref_slice %arg6[%run_scoped3A, %dma_start3A_116] : memref<2x128xi32, #tpu.memory_space<vmem>> -> memref<1x128xi32, #tpu.memory_space<vmem>>
          %dma_start3A_118 = tpu.memref_squeeze %dma_start3A_117 : memref<1x128xi32, #tpu.memory_space<vmem>> -> memref<128xi32, #tpu.memory_space<vmem>>
          %dma_start3A_119 = tpu.memref_slice %arg3[%add3A_90] : memref<64000xi32, #tpu.memory_space<hbm>> -> memref<128xi32, #tpu.memory_space<hbm>>
          %dma_start3A_120 = arith.constant 0 : i32
          %dma_start3A_121 = tpu.memref_slice %arg6[%run_scoped3A, %dma_start3A_120] : memref<2x128xi32, #tpu.memory_space<vmem>> -> memref<1x128xi32, #tpu.memory_space<vmem>>
          %dma_start3A_122 = tpu.memref_squeeze %dma_start3A_121 : memref<1x128xi32, #tpu.memory_space<vmem>> -> memref<128xi32, #tpu.memory_space<vmem>>
          %dma_start3A_123 = tpu.memref_slice %arg3[%add3A_90] : memref<64000xi32, #tpu.memory_space<hbm>> -> memref<128xi32, #tpu.memory_space<hbm>>
          tpu.enqueue_dma source(%dma_start3A_123 : memref<128xi32, #tpu.memory_space<hbm>>) target(%dma_start3A_122 : memref<128xi32, #tpu.memory_space<vmem>>) target_semaphore(%run_scoped3A_115 : memref<!tpu.dma_semaphore, #tpu.memory_space<semaphore_mem>>)
          %dma_wait3A = arith.constant 0 : i32
          %dma_wait3A_124 = tpu.memref_slice %arg6[%run_scoped3A, %dma_wait3A] : memref<2x128xi32, #tpu.memory_space<vmem>> -> memref<1x128xi32, #tpu.memory_space<vmem>>
          %dma_wait3A_125 = tpu.memref_squeeze %dma_wait3A_124 : memref<1x128xi32, #tpu.memory_space<vmem>> -> memref<128xi32, #tpu.memory_space<vmem>>
          %dma_wait3A_126 = tpu.memref_slice %arg3[%add3A_90] : memref<64000xi32, #tpu.memory_space<hbm>> -> memref<128xi32, #tpu.memory_space<hbm>>
          %dma_wait3A_127 = arith.constant 0 : i32
          %dma_wait3A_128 = tpu.memref_slice %arg6[%run_scoped3A, %dma_wait3A_127] : memref<2x128xi32, #tpu.memory_space<vmem>> -> memref<1x128xi32, #tpu.memory_space<vmem>>
          %dma_wait3A_129 = tpu.memref_squeeze %dma_wait3A_128 : memref<1x128xi32, #tpu.memory_space<vmem>> -> memref<128xi32, #tpu.memory_space<vmem>>
          %dma_wait3A_130 = tpu.memref_slice %arg3[%add3A_90] : memref<64000xi32, #tpu.memory_space<hbm>> -> memref<128xi32, #tpu.memory_space<hbm>>
          tpu.wait_dma2 semaphore(%run_scoped3A_115 : memref<!tpu.dma_semaphore, #tpu.memory_space<semaphore_mem>>) src(%dma_wait3A_130 : memref<128xi32, #tpu.memory_space<hbm>>) dst(%dma_wait3A_129 : memref<128xi32, #tpu.memory_space<vmem>>)
          tpu.yield
        }) : () -> ()
        %mul3A_91 = arith.constant 256 : i32
        %mul3A_92 = arith.muli %add3A_34, %mul3A_91 : i32
        %add3A_93 = arith.constant 128 : i32
        %add3A_94 = arith.addi %mul3A_92, %add3A_93 : i32
        %run_scoped3A_95 = arith.constant 1 : i32
        "tpu.region"() ({
          %run_scoped3A_115 = tpu.sem_alloc : memref<!tpu.dma_semaphore, #tpu.memory_space<semaphore_mem>>
          %dma_start3A_116 = arith.constant 0 : i32
          %dma_start3A_117 = tpu.memref_slice %arg6[%run_scoped3A_95, %dma_start3A_116] : memref<2x128xi32, #tpu.memory_space<vmem>> -> memref<1x128xi32, #tpu.memory_space<vmem>>
          %dma_start3A_118 = tpu.memref_squeeze %dma_start3A_117 : memref<1x128xi32, #tpu.memory_space<vmem>> -> memref<128xi32, #tpu.memory_space<vmem>>
          %dma_start3A_119 = tpu.memref_slice %arg3[%add3A_94] : memref<64000xi32, #tpu.memory_space<hbm>> -> memref<128xi32, #tpu.memory_space<hbm>>
          %dma_start3A_120 = arith.constant 0 : i32
          %dma_start3A_121 = tpu.memref_slice %arg6[%run_scoped3A_95, %dma_start3A_120] : memref<2x128xi32, #tpu.memory_space<vmem>> -> memref<1x128xi32, #tpu.memory_space<vmem>>
          %dma_start3A_122 = tpu.memref_squeeze %dma_start3A_121 : memref<1x128xi32, #tpu.memory_space<vmem>> -> memref<128xi32, #tpu.memory_space<vmem>>
          %dma_start3A_123 = tpu.memref_slice %arg3[%add3A_94] : memref<64000xi32, #tpu.memory_space<hbm>> -> memref<128xi32, #tpu.memory_space<hbm>>
          tpu.enqueue_dma source(%dma_start3A_123 : memref<128xi32, #tpu.memory_space<hbm>>) target(%dma_start3A_122 : memref<128xi32, #tpu.memory_space<vmem>>) target_semaphore(%run_scoped3A_115 : memref<!tpu.dma_semaphore, #tpu.memory_space<semaphore_mem>>)
          %dma_wait3A = arith.constant 0 : i32
          %dma_wait3A_124 = tpu.memref_slice %arg6[%run_scoped3A_95, %dma_wait3A] : memref<2x128xi32, #tpu.memory_space<vmem>> -> memref<1x128xi32, #tpu.memory_space<vmem>>
          %dma_wait3A_125 = tpu.memref_squeeze %dma_wait3A_124 : memref<1x128xi32, #tpu.memory_space<vmem>> -> memref<128xi32, #tpu.memory_space<vmem>>
          %dma_wait3A_126 = tpu.memref_slice %arg3[%add3A_94] : memref<64000xi32, #tpu.memory_space<hbm>> -> memref<128xi32, #tpu.memory_space<hbm>>
          %dma_wait3A_127 = arith.constant 0 : i32
          %dma_wait3A_128 = tpu.memref_slice %arg6[%run_scoped3A_95, %dma_wait3A_127] : memref<2x128xi32, #tpu.memory_space<vmem>> -> memref<1x128xi32, #tpu.memory_space<vmem>>
          %dma_wait3A_129 = tpu.memref_squeeze %dma_wait3A_128 : memref<1x128xi32, #tpu.memory_space<vmem>> -> memref<128xi32, #tpu.memory_space<vmem>>
          %dma_wait3A_130 = tpu.memref_slice %arg3[%add3A_94] : memref<64000xi32, #tpu.memory_space<hbm>> -> memref<128xi32, #tpu.memory_space<hbm>>
          tpu.wait_dma2 semaphore(%run_scoped3A_115 : memref<!tpu.dma_semaphore, #tpu.memory_space<semaphore_mem>>) src(%dma_wait3A_130 : memref<128xi32, #tpu.memory_space<hbm>>) dst(%dma_wait3A_129 : memref<128xi32, #tpu.memory_space<vmem>>)
          tpu.yield
        }) : () -> ()
        %dma_start3A = arith.constant 0 : i32
        %dma_start3A_96 = arith.constant 0 : i32
        %dma_start3A_97 = arith.constant 0 : i32
        %dma_start3A_98 = tpu.memref_slice %arg9[%dma_start3A_96, %dma_start3A_97] : memref<256x128xf32, #tpu.memory_space<vmem>> -> memref<128x128xf32, #tpu.memory_space<vmem>>
        %dma_start3A_99 = arith.constant 0 : i32
        %dma_start3A_100 = tpu.memref_slice %arg6[%dma_start3A, %dma_start3A_99] : memref<2x128xi32, #tpu.memory_space<vmem>> -> memref<1x128xi32, #tpu.memory_space<vmem>>
        %dma_start3A_101 = tpu.memref_squeeze %dma_start3A_100 : memref<1x128xi32, #tpu.memory_space<vmem>> -> memref<128xi32, #tpu.memory_space<vmem>>
        %dma_start3A_102 = arith.constant 0 : i32
        %dma_start3A_103 = arith.constant 0 : i32
        %dma_start3A_104 = tpu.memref_slice %arg2[%dma_start3A_102, %dma_start3A_103] : memref<10008x128xf32, #tpu.memory_space<hbm>> -> memref<10008x128xf32, #tpu.memory_space<hbm>>
        tpu.enqueue_indirect_dma source(%dma_start3A_104 : memref<10008x128xf32, #tpu.memory_space<hbm>>) target(%dma_start3A_98 : memref<128x128xf32, #tpu.memory_space<vmem>>) offsets(%dma_start3A_101 : memref<128xi32, #tpu.memory_space<vmem>>) semaphore(%arg12 : memref<!tpu.dma_semaphore, #tpu.memory_space<semaphore_mem>>)
        %dma_start3A_105 = arith.constant 1 : i32
        %dma_start3A_106 = arith.constant 128 : i32
        %dma_start3A_107 = arith.constant 0 : i32
        %dma_start3A_108 = tpu.memref_slice %arg9[%dma_start3A_106, %dma_start3A_107] : memref<256x128xf32, #tpu.memory_space<vmem>> -> memref<128x128xf32, #tpu.memory_space<vmem>>
        %dma_start3A_109 = arith.constant 0 : i32
        %dma_start3A_110 = tpu.memref_slice %arg6[%dma_start3A_105, %dma_start3A_109] : memref<2x128xi32, #tpu.memory_space<vmem>> -> memref<1x128xi32, #tpu.memory_space<vmem>>
        %dma_start3A_111 = tpu.memref_squeeze %dma_start3A_110 : memref<1x128xi32, #tpu.memory_space<vmem>> -> memref<128xi32, #tpu.memory_space<vmem>>
        %dma_start3A_112 = arith.constant 0 : i32
        %dma_start3A_113 = arith.constant 0 : i32
        %dma_start3A_114 = tpu.memref_slice %arg2[%dma_start3A_112, %dma_start3A_113] : memref<10008x128xf32, #tpu.memory_space<hbm>> -> memref<10008x128xf32, #tpu.memory_space<hbm>>
        tpu.enqueue_indirect_dma source(%dma_start3A_114 : memref<10008x128xf32, #tpu.memory_space<hbm>>) target(%dma_start3A_108 : memref<128x128xf32, #tpu.memory_space<vmem>>) offsets(%dma_start3A_111 : memref<128xi32, #tpu.memory_space<vmem>>) semaphore(%arg12 : memref<!tpu.dma_semaphore, #tpu.memory_space<semaphore_mem>>)
      } else {
      }
      %ge3A_52 = arith.constant 0 : i32
      %ge3A_53 = arith.cmpi sge, %sub3A_36, %ge3A_52 : i32
      %lt3A_54 = arith.constant 250 : i32
      %lt3A_55 = arith.cmpi slt, %sub3A_36, %lt3A_54 : i32
      %and3A_56 = arith.andi %ge3A_53, %lt3A_55 : i1
      %convert_element_type3A_57 = arith.extui %and3A_56 : i1 to i32
      %cond3A_58 = arith.constant 0 : i32
      %cond3A_59 = arith.cmpi ne, %convert_element_type3A_57, %cond3A_58 : i32
      scf.if %cond3A_59 {
        %dma_wait3A = arith.constant 0 : i32
        %dma_wait3A_87 = arith.constant 0 : i32
        %dma_wait3A_88 = arith.constant 0 : i32
        %dma_wait3A_89 = tpu.memref_slice %arg8[%dma_wait3A_87, %dma_wait3A_88] : memref<256x128xf32, #tpu.memory_space<vmem>> -> memref<128x128xf32, #tpu.memory_space<vmem>>
        %dma_wait3A_90 = arith.constant 0 : i32
        %dma_wait3A_91 = tpu.memref_slice %arg5[%dma_wait3A, %dma_wait3A_90] : memref<2x128xi32, #tpu.memory_space<vmem>> -> memref<1x128xi32, #tpu.memory_space<vmem>>
        %dma_wait3A_92 = tpu.memref_squeeze %dma_wait3A_91 : memref<1x128xi32, #tpu.memory_space<vmem>> -> memref<128xi32, #tpu.memory_space<vmem>>
        %dma_wait3A_93 = arith.constant 0 : i32
        %dma_wait3A_94 = arith.constant 0 : i32
        %dma_wait3A_95 = tpu.memref_slice %arg2[%dma_wait3A_93, %dma_wait3A_94] : memref<10008x128xf32, #tpu.memory_space<hbm>> -> memref<10008x128xf32, #tpu.memory_space<hbm>>
        tpu.wait_indirect_dma semaphore(%arg11 : memref<!tpu.dma_semaphore, #tpu.memory_space<semaphore_mem>>) src(%dma_wait3A_95 : memref<10008x128xf32, #tpu.memory_space<hbm>>) dst(%dma_wait3A_89 : memref<128x128xf32, #tpu.memory_space<vmem>>)
        %dma_wait3A_96 = arith.constant 1 : i32
        %dma_wait3A_97 = arith.constant 128 : i32
        %dma_wait3A_98 = arith.constant 0 : i32
        %dma_wait3A_99 = tpu.memref_slice %arg8[%dma_wait3A_97, %dma_wait3A_98] : memref<256x128xf32, #tpu.memory_space<vmem>> -> memref<128x128xf32, #tpu.memory_space<vmem>>
        %dma_wait3A_100 = arith.constant 0 : i32
        %dma_wait3A_101 = tpu.memref_slice %arg5[%dma_wait3A_96, %dma_wait3A_100] : memref<2x128xi32, #tpu.memory_space<vmem>> -> memref<1x128xi32, #tpu.memory_space<vmem>>
        %dma_wait3A_102 = tpu.memref_squeeze %dma_wait3A_101 : memref<1x128xi32, #tpu.memory_space<vmem>> -> memref<128xi32, #tpu.memory_space<vmem>>
        %dma_wait3A_103 = arith.constant 0 : i32
        %dma_wait3A_104 = arith.constant 0 : i32
        %dma_wait3A_105 = tpu.memref_slice %arg2[%dma_wait3A_103, %dma_wait3A_104] : memref<10008x128xf32, #tpu.memory_space<hbm>> -> memref<10008x128xf32, #tpu.memory_space<hbm>>
        tpu.wait_indirect_dma semaphore(%arg11 : memref<!tpu.dma_semaphore, #tpu.memory_space<semaphore_mem>>) src(%dma_wait3A_105 : memref<10008x128xf32, #tpu.memory_space<hbm>>) dst(%dma_wait3A_99 : memref<128x128xf32, #tpu.memory_space<vmem>>)
        %mul3A_106 = arith.constant 256 : i32
        %mul3A_107 = arith.muli %sub3A_36, %mul3A_106 : i32
        %dma_start3A = arith.constant 0 : i32
        %dma_start3A_108 = tpu.memref_slice %arg4[%mul3A_107, %dma_start3A] : memref<64000x128xf32, #tpu.memory_space<hbm>> -> memref<256x128xf32, #tpu.memory_space<hbm>>
        %dma_start3A_109 = arith.constant 0 : i32
        %dma_start3A_110 = tpu.memref_slice %arg4[%mul3A_107, %dma_start3A_109] : memref<64000x128xf32, #tpu.memory_space<hbm>> -> memref<256x128xf32, #tpu.memory_space<hbm>>
        tpu.enqueue_dma source(%arg8 : memref<256x128xf32, #tpu.memory_space<vmem>>) target(%dma_start3A_110 : memref<256x128xf32, #tpu.memory_space<hbm>>) target_semaphore(%arg14 : memref<!tpu.dma_semaphore, #tpu.memory_space<semaphore_mem>>)
      } else {
      }
      %add3A_60 = arith.constant 64 : i32
      %add3A_61 = arith.addi %add3A_11, %add3A_60 : i32
      %sub3A_62 = arith.constant 32 : i32
      %sub3A_63 = arith.subi %add3A_61, %sub3A_62 : i32
      %sub3A_64 = arith.constant 96 : i32
      %sub3A_65 = arith.subi %add3A_61, %sub3A_64 : i32
      %ge3A_66 = arith.constant 0 : i32
      %ge3A_67 = arith.cmpi sge, %sub3A_65, %ge3A_66 : i32
      %lt3A_68 = arith.constant 250 : i32
      %lt3A_69 = arith.cmpi slt, %sub3A_65, %lt3A_68 : i32
      %and3A_70 = arith.andi %ge3A_67, %lt3A_69 : i1
      %convert_element_type3A_71 = arith.extui %and3A_70 : i1 to i32
      %cond3A_72 = arith.constant 0 : i32
      %cond3A_73 = arith.cmpi ne, %convert_element_type3A_71, %cond3A_72 : i32
      scf.if %cond3A_73 {
        %mul3A_87 = arith.constant 256 : i32
        %mul3A_88 = arith.muli %sub3A_65, %mul3A_87 : i32
        %dma_wait3A = arith.constant 0 : i32
        %dma_wait3A_89 = tpu.memref_slice %arg4[%mul3A_88, %dma_wait3A] : memref<64000x128xf32, #tpu.memory_space<hbm>> -> memref<256x128xf32, #tpu.memory_space<hbm>>
        %dma_wait3A_90 = arith.constant 0 : i32
        %dma_wait3A_91 = tpu.memref_slice %arg4[%mul3A_88, %dma_wait3A_90] : memref<64000x128xf32, #tpu.memory_space<hbm>> -> memref<256x128xf32, #tpu.memory_space<hbm>>
        tpu.wait_dma2 semaphore(%arg16 : memref<!tpu.dma_semaphore, #tpu.memory_space<semaphore_mem>>) src(%arg10 : memref<256x128xf32, #tpu.memory_space<vmem>>) dst(%dma_wait3A_91 : memref<256x128xf32, #tpu.memory_space<hbm>>)
      } else {
      }
      %lt3A_74 = arith.constant 250 : i32
      %lt3A_75 = arith.cmpi slt, %add3A_61, %lt3A_74 : i32
      %convert_element_type3A_76 = arith.extui %lt3A_75 : i1 to i32
      %cond3A_77 = arith.constant 0 : i32
      %cond3A_78 = arith.cmpi ne, %convert_element_type3A_76, %cond3A_77 : i32
      scf.if %cond3A_78 {
        %mul3A_87 = arith.constant 256 : i32
        %mul3A_88 = arith.muli %add3A_61, %mul3A_87 : i32
        %add3A_89 = arith.constant 0 : i32
        %add3A_90 = arith.addi %mul3A_88, %add3A_89 : i32
        %run_scoped3A = arith.constant 0 : i32
        "tpu.region"() ({
          %run_scoped3A_115 = tpu.sem_alloc : memref<!tpu.dma_semaphore, #tpu.memory_space<semaphore_mem>>
          %dma_start3A_116 = arith.constant 0 : i32
          %dma_start3A_117 = tpu.memref_slice %arg7[%run_scoped3A, %dma_start3A_116] : memref<2x128xi32, #tpu.memory_space<vmem>> -> memref<1x128xi32, #tpu.memory_space<vmem>>
          %dma_start3A_118 = tpu.memref_squeeze %dma_start3A_117 : memref<1x128xi32, #tpu.memory_space<vmem>> -> memref<128xi32, #tpu.memory_space<vmem>>
          %dma_start3A_119 = tpu.memref_slice %arg3[%add3A_90] : memref<64000xi32, #tpu.memory_space<hbm>> -> memref<128xi32, #tpu.memory_space<hbm>>
          %dma_start3A_120 = arith.constant 0 : i32
          %dma_start3A_121 = tpu.memref_slice %arg7[%run_scoped3A, %dma_start3A_120] : memref<2x128xi32, #tpu.memory_space<vmem>> -> memref<1x128xi32, #tpu.memory_space<vmem>>
          %dma_start3A_122 = tpu.memref_squeeze %dma_start3A_121 : memref<1x128xi32, #tpu.memory_space<vmem>> -> memref<128xi32, #tpu.memory_space<vmem>>
          %dma_start3A_123 = tpu.memref_slice %arg3[%add3A_90] : memref<64000xi32, #tpu.memory_space<hbm>> -> memref<128xi32, #tpu.memory_space<hbm>>
          tpu.enqueue_dma source(%dma_start3A_123 : memref<128xi32, #tpu.memory_space<hbm>>) target(%dma_start3A_122 : memref<128xi32, #tpu.memory_space<vmem>>) target_semaphore(%run_scoped3A_115 : memref<!tpu.dma_semaphore, #tpu.memory_space<semaphore_mem>>)
          %dma_wait3A = arith.constant 0 : i32
          %dma_wait3A_124 = tpu.memref_slice %arg7[%run_scoped3A, %dma_wait3A] : memref<2x128xi32, #tpu.memory_space<vmem>> -> memref<1x128xi32, #tpu.memory_space<vmem>>
          %dma_wait3A_125 = tpu.memref_squeeze %dma_wait3A_124 : memref<1x128xi32, #tpu.memory_space<vmem>> -> memref<128xi32, #tpu.memory_space<vmem>>
          %dma_wait3A_126 = tpu.memref_slice %arg3[%add3A_90] : memref<64000xi32, #tpu.memory_space<hbm>> -> memref<128xi32, #tpu.memory_space<hbm>>
          %dma_wait3A_127 = arith.constant 0 : i32
          %dma_wait3A_128 = tpu.memref_slice %arg7[%run_scoped3A, %dma_wait3A_127] : memref<2x128xi32, #tpu.memory_space<vmem>> -> memref<1x128xi32, #tpu.memory_space<vmem>>
          %dma_wait3A_129 = tpu.memref_squeeze %dma_wait3A_128 : memref<1x128xi32, #tpu.memory_space<vmem>> -> memref<128xi32, #tpu.memory_space<vmem>>
          %dma_wait3A_130 = tpu.memref_slice %arg3[%add3A_90] : memref<64000xi32, #tpu.memory_space<hbm>> -> memref<128xi32, #tpu.memory_space<hbm>>
          tpu.wait_dma2 semaphore(%run_scoped3A_115 : memref<!tpu.dma_semaphore, #tpu.memory_space<semaphore_mem>>) src(%dma_wait3A_130 : memref<128xi32, #tpu.memory_space<hbm>>) dst(%dma_wait3A_129 : memref<128xi32, #tpu.memory_space<vmem>>)
          tpu.yield
        }) : () -> ()
        %mul3A_91 = arith.constant 256 : i32
        %mul3A_92 = arith.muli %add3A_61, %mul3A_91 : i32
        %add3A_93 = arith.constant 128 : i32
        %add3A_94 = arith.addi %mul3A_92, %add3A_93 : i32
        %run_scoped3A_95 = arith.constant 1 : i32
        "tpu.region"() ({
          %run_scoped3A_115 = tpu.sem_alloc : memref<!tpu.dma_semaphore, #tpu.memory_space<semaphore_mem>>
          %dma_start3A_116 = arith.constant 0 : i32
          %dma_start3A_117 = tpu.memref_slice %arg7[%run_scoped3A_95, %dma_start3A_116] : memref<2x128xi32, #tpu.memory_space<vmem>> -> memref<1x128xi32, #tpu.memory_space<vmem>>
          %dma_start3A_118 = tpu.memref_squeeze %dma_start3A_117 : memref<1x128xi32, #tpu.memory_space<vmem>> -> memref<128xi32, #tpu.memory_space<vmem>>
          %dma_start3A_119 = tpu.memref_slice %arg3[%add3A_94] : memref<64000xi32, #tpu.memory_space<hbm>> -> memref<128xi32, #tpu.memory_space<hbm>>
          %dma_start3A_120 = arith.constant 0 : i32
          %dma_start3A_121 = tpu.memref_slice %arg7[%run_scoped3A_95, %dma_start3A_120] : memref<2x128xi32, #tpu.memory_space<vmem>> -> memref<1x128xi32, #tpu.memory_space<vmem>>
          %dma_start3A_122 = tpu.memref_squeeze %dma_start3A_121 : memref<1x128xi32, #tpu.memory_space<vmem>> -> memref<128xi32, #tpu.memory_space<vmem>>
          %dma_start3A_123 = tpu.memref_slice %arg3[%add3A_94] : memref<64000xi32, #tpu.memory_space<hbm>> -> memref<128xi32, #tpu.memory_space<hbm>>
          tpu.enqueue_dma source(%dma_start3A_123 : memref<128xi32, #tpu.memory_space<hbm>>) target(%dma_start3A_122 : memref<128xi32, #tpu.memory_space<vmem>>) target_semaphore(%run_scoped3A_115 : memref<!tpu.dma_semaphore, #tpu.memory_space<semaphore_mem>>)
          %dma_wait3A = arith.constant 0 : i32
          %dma_wait3A_124 = tpu.memref_slice %arg7[%run_scoped3A_95, %dma_wait3A] : memref<2x128xi32, #tpu.memory_space<vmem>> -> memref<1x128xi32, #tpu.memory_space<vmem>>
          %dma_wait3A_125 = tpu.memref_squeeze %dma_wait3A_124 : memref<1x128xi32, #tpu.memory_space<vmem>> -> memref<128xi32, #tpu.memory_space<vmem>>
          %dma_wait3A_126 = tpu.memref_slice %arg3[%add3A_94] : memref<64000xi32, #tpu.memory_space<hbm>> -> memref<128xi32, #tpu.memory_space<hbm>>
          %dma_wait3A_127 = arith.constant 0 : i32
          %dma_wait3A_128 = tpu.memref_slice %arg7[%run_scoped3A_95, %dma_wait3A_127] : memref<2x128xi32, #tpu.memory_space<vmem>> -> memref<1x128xi32, #tpu.memory_space<vmem>>
          %dma_wait3A_129 = tpu.memref_squeeze %dma_wait3A_128 : memref<1x128xi32, #tpu.memory_space<vmem>> -> memref<128xi32, #tpu.memory_space<vmem>>
          %dma_wait3A_130 = tpu.memref_slice %arg3[%add3A_94] : memref<64000xi32, #tpu.memory_space<hbm>> -> memref<128xi32, #tpu.memory_space<hbm>>
          tpu.wait_dma2 semaphore(%run_scoped3A_115 : memref<!tpu.dma_semaphore, #tpu.memory_space<semaphore_mem>>) src(%dma_wait3A_130 : memref<128xi32, #tpu.memory_space<hbm>>) dst(%dma_wait3A_129 : memref<128xi32, #tpu.memory_space<vmem>>)
          tpu.yield
        }) : () -> ()
        %dma_start3A = arith.constant 0 : i32
        %dma_start3A_96 = arith.constant 0 : i32
        %dma_start3A_97 = arith.constant 0 : i32
        %dma_start3A_98 = tpu.memref_slice %arg10[%dma_start3A_96, %dma_start3A_97] : memref<256x128xf32, #tpu.memory_space<vmem>> -> memref<128x128xf32, #tpu.memory_space<vmem>>
        %dma_start3A_99 = arith.constant 0 : i32
        %dma_start3A_100 = tpu.memref_slice %arg7[%dma_start3A, %dma_start3A_99] : memref<2x128xi32, #tpu.memory_space<vmem>> -> memref<1x128xi32, #tpu.memory_space<vmem>>
        %dma_start3A_101 = tpu.memref_squeeze %dma_start3A_100 : memref<1x128xi32, #tpu.memory_space<vmem>> -> memref<128xi32, #tpu.memory_space<vmem>>
        %dma_start3A_102 = arith.constant 0 : i32
        %dma_start3A_103 = arith.constant 0 : i32
        %dma_start3A_104 = tpu.memref_slice %arg2[%dma_start3A_102, %dma_start3A_103] : memref<10008x128xf32, #tpu.memory_space<hbm>> -> memref<10008x128xf32, #tpu.memory_space<hbm>>
        tpu.enqueue_indirect_dma source(%dma_start3A_104 : memref<10008x128xf32, #tpu.memory_space<hbm>>) target(%dma_start3A_98 : memref<128x128xf32, #tpu.memory_space<vmem>>) offsets(%dma_start3A_101 : memref<128xi32, #tpu.memory_space<vmem>>) semaphore(%arg13 : memref<!tpu.dma_semaphore, #tpu.memory_space<semaphore_mem>>)
        %dma_start3A_105 = arith.constant 1 : i32
        %dma_start3A_106 = arith.constant 128 : i32
        %dma_start3A_107 = arith.constant 0 : i32
        %dma_start3A_108 = tpu.memref_slice %arg10[%dma_start3A_106, %dma_start3A_107] : memref<256x128xf32, #tpu.memory_space<vmem>> -> memref<128x128xf32, #tpu.memory_space<vmem>>
        %dma_start3A_109 = arith.constant 0 : i32
        %dma_start3A_110 = tpu.memref_slice %arg7[%dma_start3A_105, %dma_start3A_109] : memref<2x128xi32, #tpu.memory_space<vmem>> -> memref<1x128xi32, #tpu.memory_space<vmem>>
        %dma_start3A_111 = tpu.memref_squeeze %dma_start3A_110 : memref<1x128xi32, #tpu.memory_space<vmem>> -> memref<128xi32, #tpu.memory_space<vmem>>
        %dma_start3A_112 = arith.constant 0 : i32
        %dma_start3A_113 = arith.constant 0 : i32
        %dma_start3A_114 = tpu.memref_slice %arg2[%dma_start3A_112, %dma_start3A_113] : memref<10008x128xf32, #tpu.memory_space<hbm>> -> memref<10008x128xf32, #tpu.memory_space<hbm>>
        tpu.enqueue_indirect_dma source(%dma_start3A_114 : memref<10008x128xf32, #tpu.memory_space<hbm>>) target(%dma_start3A_108 : memref<128x128xf32, #tpu.memory_space<vmem>>) offsets(%dma_start3A_111 : memref<128xi32, #tpu.memory_space<vmem>>) semaphore(%arg13 : memref<!tpu.dma_semaphore, #tpu.memory_space<semaphore_mem>>)
      } else {
      }
      %ge3A_79 = arith.constant 0 : i32
      %ge3A_80 = arith.cmpi sge, %sub3A_63, %ge3A_79 : i32
      %lt3A_81 = arith.constant 250 : i32
      %lt3A_82 = arith.cmpi slt, %sub3A_63, %lt3A_81 : i32
      %and3A_83 = arith.andi %ge3A_80, %lt3A_82 : i1
      %convert_element_type3A_84 = arith.extui %and3A_83 : i1 to i32
      %cond3A_85 = arith.constant 0 : i32
      %cond3A_86 = arith.cmpi ne, %convert_element_type3A_84, %cond3A_85 : i32
      scf.if %cond3A_86 {
        %dma_wait3A = arith.constant 0 : i32
        %dma_wait3A_87 = arith.constant 0 : i32
        %dma_wait3A_88 = arith.constant 0 : i32
        %dma_wait3A_89 = tpu.memref_slice %arg9[%dma_wait3A_87, %dma_wait3A_88] : memref<256x128xf32, #tpu.memory_space<vmem>> -> memref<128x128xf32, #tpu.memory_space<vmem>>
        %dma_wait3A_90 = arith.constant 0 : i32
        %dma_wait3A_91 = tpu.memref_slice %arg6[%dma_wait3A, %dma_wait3A_90] : memref<2x128xi32, #tpu.memory_space<vmem>> -> memref<1x128xi32, #tpu.memory_space<vmem>>
        %dma_wait3A_92 = tpu.memref_squeeze %dma_wait3A_91 : memref<1x128xi32, #tpu.memory_space<vmem>> -> memref<128xi32, #tpu.memory_space<vmem>>
        %dma_wait3A_93 = arith.constant 0 : i32
        %dma_wait3A_94 = arith.constant 0 : i32
        %dma_wait3A_95 = tpu.memref_slice %arg2[%dma_wait3A_93, %dma_wait3A_94] : memref<10008x128xf32, #tpu.memory_space<hbm>> -> memref<10008x128xf32, #tpu.memory_space<hbm>>
        tpu.wait_indirect_dma semaphore(%arg12 : memref<!tpu.dma_semaphore, #tpu.memory_space<semaphore_mem>>) src(%dma_wait3A_95 : memref<10008x128xf32, #tpu.memory_space<hbm>>) dst(%dma_wait3A_89 : memref<128x128xf32, #tpu.memory_space<vmem>>)
        %dma_wait3A_96 = arith.constant 1 : i32
        %dma_wait3A_97 = arith.constant 128 : i32
        %dma_wait3A_98 = arith.constant 0 : i32
        %dma_wait3A_99 = tpu.memref_slice %arg9[%dma_wait3A_97, %dma_wait3A_98] : memref<256x128xf32, #tpu.memory_space<vmem>> -> memref<128x128xf32, #tpu.memory_space<vmem>>
        %dma_wait3A_100 = arith.constant 0 : i32
        %dma_wait3A_101 = tpu.memref_slice %arg6[%dma_wait3A_96, %dma_wait3A_100] : memref<2x128xi32, #tpu.memory_space<vmem>> -> memref<1x128xi32, #tpu.memory_space<vmem>>
        %dma_wait3A_102 = tpu.memref_squeeze %dma_wait3A_101 : memref<1x128xi32, #tpu.memory_space<vmem>> -> memref<128xi32, #tpu.memory_space<vmem>>
        %dma_wait3A_103 = arith.constant 0 : i32
        %dma_wait3A_104 = arith.constant 0 : i32
        %dma_wait3A_105 = tpu.memref_slice %arg2[%dma_wait3A_103, %dma_wait3A_104] : memref<10008x128xf32, #tpu.memory_space<hbm>> -> memref<10008x128xf32, #tpu.memory_space<hbm>>
        tpu.wait_indirect_dma semaphore(%arg12 : memref<!tpu.dma_semaphore, #tpu.memory_space<semaphore_mem>>) src(%dma_wait3A_105 : memref<10008x128xf32, #tpu.memory_space<hbm>>) dst(%dma_wait3A_99 : memref<128x128xf32, #tpu.memory_space<vmem>>)
        %mul3A_106 = arith.constant 256 : i32
        %mul3A_107 = arith.muli %sub3A_63, %mul3A_106 : i32
        %dma_start3A = arith.constant 0 : i32
        %dma_start3A_108 = tpu.memref_slice %arg4[%mul3A_107, %dma_start3A] : memref<64000x128xf32, #tpu.memory_space<hbm>> -> memref<256x128xf32, #tpu.memory_space<hbm>>
        %dma_start3A_109 = arith.constant 0 : i32
        %dma_start3A_110 = tpu.memref_slice %arg4[%mul3A_107, %dma_start3A_109] : memref<64000x128xf32, #tpu.memory_space<hbm>> -> memref<256x128xf32, #tpu.memory_space<hbm>>
        tpu.enqueue_dma source(%arg9 : memref<256x128xf32, #tpu.memory_space<vmem>>) target(%dma_start3A_110 : memref<256x128xf32, #tpu.memory_space<hbm>>) target_semaphore(%arg15 : memref<!tpu.dma_semaphore, #tpu.memory_space<semaphore_mem>>)
      } else {
      }
    }
    %scan3A_5 = arith.constant 4 : i32
    return
  }
}

module attributes {stable_mosaic.version = 14 : i64} {
  func.func @_routing_body(%arg0: i32, %arg1: memref<1xi32, #tpu.memory_space<smem>>, %arg2: memref<12800x128xf32, #tpu.memory_space<vmem>>, %arg3: memref<400x128xf32, #tpu.memory_space<vmem>>, %arg4: memref<400x128xf32, #tpu.memory_space<vmem>>) attributes {dimension_semantics = [#tpu.dimension_semantics<arbitrary>], iteration_bounds = array<i64: 5>, scalar_prefetch = 0 : i64, scratch_operands = 0 : i64, tpu.core_type = #tpu.core_type<tc>, window_params = [{transform_indices = @transform_0, window_bounds = array<i64: 1>}, {transform_indices = @transform_1, window_bounds = array<i64: 12800, 128>}, {transform_indices = @transform_2, window_bounds = array<i64: 400, 128>}, {transform_indices = @transform_3, window_bounds = array<i64: 400, 128>}]} {
    %get3A = arith.constant 0 : index
    %get3A_0 = arith.constant 0 : index
    %get3A_1 = vector.load %arg2[%get3A, %get3A_0] : memref<12800x128xf32, #tpu.memory_space<vmem>>, vector<12800x128xf32>
    %get3A_2 = arith.constant 0 : index
    %get3A_3 = arith.constant 0 : index
    %get3A_4 = vector.load %arg3[%get3A_2, %get3A_3] : memref<400x128xf32, #tpu.memory_space<vmem>>, vector<400x128xf32>
    %iota3A = tpu.iota {dimensions = array<i32: 0>} : vector<128x8xi32>
    %iota3A_5 = tpu.iota {dimensions = array<i32: 1>} : vector<128x8xi32>
    %jit3A = arith.constant 16 : i32
    %div3A = vector.broadcast %jit3A : i32 to vector<128x8xi32>
    %div3A_6 = arith.divsi %iota3A, %div3A : vector<128x8xi32>
    %sign3A = arith.constant 0 : i32
    %sign3A_7 = vector.broadcast %sign3A : i32 to vector<128x8xi32>
    %sign3A_8 = arith.cmpi sgt, %iota3A, %sign3A_7 : vector<128x8xi32>
    %sign3A_9 = arith.extui %sign3A_8 : vector<128x8xi1> to vector<128x8xi32>
    %sign3A_10 = arith.constant 0 : i32
    %sign3A_11 = vector.broadcast %sign3A_10 : i32 to vector<128x8xi32>
    %sign3A_12 = arith.cmpi slt, %iota3A, %sign3A_11 : vector<128x8xi32>
    %sign3A_13 = arith.extui %sign3A_12 : vector<128x8xi1> to vector<128x8xi32>
    %sign3A_14 = arith.subi %sign3A_9, %sign3A_13 : vector<128x8xi32>
    %sign3A_15 = arith.constant 0 : i32
    %sign3A_16 = arith.cmpi sgt, %jit3A, %sign3A_15 : i32
    %sign3A_17 = arith.extui %sign3A_16 : i1 to i32
    %sign3A_18 = arith.constant 0 : i32
    %sign3A_19 = arith.cmpi slt, %jit3A, %sign3A_18 : i32
    %sign3A_20 = arith.extui %sign3A_19 : i1 to i32
    %sign3A_21 = arith.subi %sign3A_17, %sign3A_20 : i32
    %ne3A = vector.broadcast %sign3A_21 : i32 to vector<128x8xi32>
    %ne3A_22 = arith.cmpi ne, %sign3A_14, %ne3A : vector<128x8xi32>
    %rem3A = vector.broadcast %jit3A : i32 to vector<128x8xi32>
    %rem3A_23 = arith.remsi %iota3A, %rem3A : vector<128x8xi32>
    %ne3A_24 = arith.constant 0 : i32
    %ne3A_25 = vector.broadcast %ne3A_24 : i32 to vector<128x8xi32>
    %ne3A_26 = arith.cmpi ne, %rem3A_23, %ne3A_25 : vector<128x8xi32>
    %and3A = arith.andi %ne3A_22, %ne3A_26 : vector<128x8xi1>
    %sub3A = arith.constant 1 : i32
    %sub3A_27 = vector.broadcast %sub3A : i32 to vector<128x8xi32>
    %sub3A_28 = arith.subi %div3A_6, %sub3A_27 : vector<128x8xi32>
    %select_n3A = arith.select %and3A, %sub3A_28, %div3A_6 : vector<128x8xi1>, vector<128x8xi32>
    %eq3A = arith.cmpi eq, %select_n3A, %iota3A_5 : vector<128x8xi32>
    %convert_element_type3A = arith.extui %eq3A : vector<128x8xi1> to vector<128x8xi32>
    %convert_element_type3A_29 = arith.sitofp %convert_element_type3A : vector<128x8xi32> to vector<128x8xf32>
    %iota3A_30 = tpu.iota {dimensions = array<i32: 1>} : vector<8x128xi32>
    %iota3A_31 = tpu.iota {dimensions = array<i32: 0>} : vector<8x128xi32>
    %jit3A_32 = arith.constant 16 : i32
    %div3A_33 = vector.broadcast %jit3A_32 : i32 to vector<8x128xi32>
    %div3A_34 = arith.divsi %iota3A_30, %div3A_33 : vector<8x128xi32>
    %sign3A_35 = arith.constant 0 : i32
    %sign3A_36 = vector.broadcast %sign3A_35 : i32 to vector<8x128xi32>
    %sign3A_37 = arith.cmpi sgt, %iota3A_30, %sign3A_36 : vector<8x128xi32>
    %sign3A_38 = arith.extui %sign3A_37 : vector<8x128xi1> to vector<8x128xi32>
    %sign3A_39 = arith.constant 0 : i32
    %sign3A_40 = vector.broadcast %sign3A_39 : i32 to vector<8x128xi32>
    %sign3A_41 = arith.cmpi slt, %iota3A_30, %sign3A_40 : vector<8x128xi32>
    %sign3A_42 = arith.extui %sign3A_41 : vector<8x128xi1> to vector<8x128xi32>
    %sign3A_43 = arith.subi %sign3A_38, %sign3A_42 : vector<8x128xi32>
    %sign3A_44 = arith.constant 0 : i32
    %sign3A_45 = arith.cmpi sgt, %jit3A_32, %sign3A_44 : i32
    %sign3A_46 = arith.extui %sign3A_45 : i1 to i32
    %sign3A_47 = arith.constant 0 : i32
    %sign3A_48 = arith.cmpi slt, %jit3A_32, %sign3A_47 : i32
    %sign3A_49 = arith.extui %sign3A_48 : i1 to i32
    %sign3A_50 = arith.subi %sign3A_46, %sign3A_49 : i32
    %ne3A_51 = vector.broadcast %sign3A_50 : i32 to vector<8x128xi32>
    %ne3A_52 = arith.cmpi ne, %sign3A_43, %ne3A_51 : vector<8x128xi32>
    %rem3A_53 = vector.broadcast %jit3A_32 : i32 to vector<8x128xi32>
    %rem3A_54 = arith.remsi %iota3A_30, %rem3A_53 : vector<8x128xi32>
    %ne3A_55 = arith.constant 0 : i32
    %ne3A_56 = vector.broadcast %ne3A_55 : i32 to vector<8x128xi32>
    %ne3A_57 = arith.cmpi ne, %rem3A_54, %ne3A_56 : vector<8x128xi32>
    %and3A_58 = arith.andi %ne3A_52, %ne3A_57 : vector<8x128xi1>
    %sub3A_59 = arith.constant 1 : i32
    %sub3A_60 = vector.broadcast %sub3A_59 : i32 to vector<8x128xi32>
    %sub3A_61 = arith.subi %div3A_34, %sub3A_60 : vector<8x128xi32>
    %select_n3A_62 = arith.select %and3A_58, %sub3A_61, %div3A_34 : vector<8x128xi1>, vector<8x128xi32>
    %eq3A_63 = arith.cmpi eq, %select_n3A_62, %iota3A_31 : vector<8x128xi32>
    %convert_element_type3A_64 = arith.extui %eq3A_63 : vector<8x128xi1> to vector<8x128xi32>
    %convert_element_type3A_65 = arith.sitofp %convert_element_type3A_64 : vector<8x128xi32> to vector<8x128xf32>
    %broadcast_in_dim3A = arith.constant 1.000000e+00 : f32
    %broadcast_in_dim3A_66 = vector.broadcast %broadcast_in_dim3A : f32 to vector<8x8xf32>
    %reshape3A = vector.shape_cast %get3A_1 : vector<12800x128xf32> to vector<400x32x128xf32>
    %get3A_67 = arith.constant 0 : index
    %get3A_68 = memref.load %arg1[%get3A_67] : memref<1xi32, #tpu.memory_space<smem>>
    %reduce_sum3A = arith.constant dense<0.000000e+00> : vector<400x128xf32>
    %reduce_sum3A_69 = vector.multi_reduction <add>, %reshape3A, %reduce_sum3A [1] : vector<400x32x128xf32> to vector<400x128xf32>
    %mul3A = arith.constant 1.250000e-01 : f32
    %mul3A_70 = vector.broadcast %mul3A : f32 to vector<400x128xf32>
    %mul3A_71 = arith.mulf %reduce_sum3A_69, %mul3A_70 : vector<400x128xf32>
    %add3A = arith.addf %mul3A_71, %get3A_4 : vector<400x128xf32>
    %gt3A = arith.constant 0 : i32
    %gt3A_72 = arith.cmpi sgt, %get3A_68, %gt3A : i32
    %broadcast_in_dim3A_73 = arith.constant 0.000000e+00 : f32
    %broadcast_in_dim3A_74 = vector.broadcast %broadcast_in_dim3A_73 : f32 to vector<400x128xf32>
    %select_n3A_75 = arith.select %gt3A_72, %add3A, %broadcast_in_dim3A_74 : vector<400x128xf32>
    %while3A = arith.constant 1 : i32
    %while3A_76 = arith.subi %get3A_68, %while3A : i32
    %while3A_77 = arith.addi %while3A, %while3A_76 : i32
    %while3A_78 = arith.constant 1 : i32
    %while3A_79 = arith.divsi %while3A_76, %while3A_78 : i32
    %while3A_80 = arith.muli %while3A_79, %while3A_78 : i32
    %while3A_81 = arith.addi %while3A, %while3A_80 : i32
    %while3A_82 = arith.constant 1 : i32
    %while3A_83 = scf.for %while3A_88 = %while3A to %while3A_81 step %while3A_82 iter_args(%while3A_89 = %select_n3A_75) -> (vector<400x128xf32>)  : i32 {
      %mul3A_90 = arith.mulf %while3A_89, %while3A_89 : vector<400x128xf32>
      %dot_general3A = arith.constant dense<0.000000e+00> : vector<400x8xf32>
      %dot_general3A_91 = tpu.matmul %mul3A_90, %convert_element_type3A_29, %dot_general3A {dimension_numbers = #tpu.dot_dimension_numbers<[1], [0], [0], [1], [0, 0, 1, 1], [], []>, transpose_lhs_hint = false} : vector<400x128xf32>, vector<128x8xf32>, vector<400x8xf32> -> vector<400x8xf32>
      %sqrt3A = math.sqrt %dot_general3A_91 : vector<400x8xf32>
      %max3A = arith.constant 9.99999996E-13 : f32
      %max3A_92 = vector.broadcast %max3A : f32 to vector<400x8xf32>
      %max3A_93 = arith.maximumf %sqrt3A, %max3A_92 : vector<400x8xf32>
      %div3A_94 = arith.constant 1.000000e+00 : f32
      %div3A_95 = vector.broadcast %div3A_94 : f32 to vector<400x8xf32>
      %div3A_96 = arith.divf %div3A_95, %max3A_93 : vector<400x8xf32>
      %dot_general3A_97 = arith.constant dense<0.000000e+00> : vector<400x128xf32>
      %dot_general3A_98 = tpu.matmul %div3A_96, %convert_element_type3A_65, %dot_general3A_97 {dimension_numbers = #tpu.dot_dimension_numbers<[1], [0], [0], [1], [0, 0, 1, 1], [], []>, transpose_lhs_hint = false} : vector<400x8xf32>, vector<8x128xf32>, vector<400x128xf32> -> vector<400x128xf32>
      %mul3A_99 = arith.mulf %while3A_89, %dot_general3A_98 : vector<400x128xf32>
      %reshape3A_100 = vector.shape_cast %mul3A_99 : vector<400x128xf32> to vector<400x1x128xf32>
      %mul3A_101 = vector.broadcast %reshape3A_100 : vector<400x1x128xf32> to vector<400x32x128xf32>
      %mul3A_102 = arith.mulf %reshape3A, %mul3A_101 : vector<400x32x128xf32>
      %reshape3A_103 = vector.shape_cast %mul3A_102 : vector<400x32x128xf32> to vector<12800x128xf32>
      %dot_general3A_104 = arith.constant dense<0.000000e+00> : vector<12800x8xf32>
      %dot_general3A_105 = tpu.matmul %reshape3A_103, %convert_element_type3A_29, %dot_general3A_104 {dimension_numbers = #tpu.dot_dimension_numbers<[1], [0], [0], [1], [0, 0, 1, 1], [], []>, transpose_lhs_hint = false} : vector<12800x128xf32>, vector<128x8xf32>, vector<12800x8xf32> -> vector<12800x8xf32>
      %exp3A = math.exp %dot_general3A_105 : vector<12800x8xf32>
      %dot_general3A_106 = arith.constant dense<0.000000e+00> : vector<12800x8xf32>
      %dot_general3A_107 = tpu.matmul %exp3A, %broadcast_in_dim3A_66, %dot_general3A_106 {dimension_numbers = #tpu.dot_dimension_numbers<[1], [0], [0], [1], [0, 0, 1, 1], [], []>, transpose_lhs_hint = false} : vector<12800x8xf32>, vector<8x8xf32>, vector<12800x8xf32> -> vector<12800x8xf32>
      %div3A_108 = arith.divf %exp3A, %dot_general3A_107 : vector<12800x8xf32>
      %dot_general3A_109 = arith.constant dense<0.000000e+00> : vector<12800x128xf32>
      %dot_general3A_110 = tpu.matmul %div3A_108, %convert_element_type3A_65, %dot_general3A_109 {dimension_numbers = #tpu.dot_dimension_numbers<[1], [0], [0], [1], [0, 0, 1, 1], [], []>, transpose_lhs_hint = false} : vector<12800x8xf32>, vector<8x128xf32>, vector<12800x128xf32> -> vector<12800x128xf32>
      %mul3A_111 = arith.mulf %get3A_1, %dot_general3A_110 : vector<12800x128xf32>
      %reshape3A_112 = vector.shape_cast %mul3A_111 : vector<12800x128xf32> to vector<400x32x128xf32>
      %reduce_sum3A_113 = arith.constant dense<0.000000e+00> : vector<400x128xf32>
      %reduce_sum3A_114 = vector.multi_reduction <add>, %reshape3A_112, %reduce_sum3A_113 [1] : vector<400x32x128xf32> to vector<400x128xf32>
      %add3A_115 = arith.addf %reduce_sum3A_114, %get3A_4 : vector<400x128xf32>
      scf.yield %add3A_115 : vector<400x128xf32>
    }
    %while3A_84 = arith.constant 1 : i32
    %while3A_85 = scf.for %while3A_88 = %while3A_81 to %while3A_77 step %while3A_84 iter_args(%while3A_89 = %while3A_83) -> (vector<400x128xf32>)  : i32 {
      %mul3A_90 = arith.mulf %while3A_89, %while3A_89 : vector<400x128xf32>
      %dot_general3A = arith.constant dense<0.000000e+00> : vector<400x8xf32>
      %dot_general3A_91 = tpu.matmul %mul3A_90, %convert_element_type3A_29, %dot_general3A {dimension_numbers = #tpu.dot_dimension_numbers<[1], [0], [0], [1], [0, 0, 1, 1], [], []>, transpose_lhs_hint = false} : vector<400x128xf32>, vector<128x8xf32>, vector<400x8xf32> -> vector<400x8xf32>
      %sqrt3A = math.sqrt %dot_general3A_91 : vector<400x8xf32>
      %max3A = arith.constant 9.99999996E-13 : f32
      %max3A_92 = vector.broadcast %max3A : f32 to vector<400x8xf32>
      %max3A_93 = arith.maximumf %sqrt3A, %max3A_92 : vector<400x8xf32>
      %div3A_94 = arith.constant 1.000000e+00 : f32
      %div3A_95 = vector.broadcast %div3A_94 : f32 to vector<400x8xf32>
      %div3A_96 = arith.divf %div3A_95, %max3A_93 : vector<400x8xf32>
      %dot_general3A_97 = arith.constant dense<0.000000e+00> : vector<400x128xf32>
      %dot_general3A_98 = tpu.matmul %div3A_96, %convert_element_type3A_65, %dot_general3A_97 {dimension_numbers = #tpu.dot_dimension_numbers<[1], [0], [0], [1], [0, 0, 1, 1], [], []>, transpose_lhs_hint = false} : vector<400x8xf32>, vector<8x128xf32>, vector<400x128xf32> -> vector<400x128xf32>
      %mul3A_99 = arith.mulf %while3A_89, %dot_general3A_98 : vector<400x128xf32>
      %reshape3A_100 = vector.shape_cast %mul3A_99 : vector<400x128xf32> to vector<400x1x128xf32>
      %mul3A_101 = vector.broadcast %reshape3A_100 : vector<400x1x128xf32> to vector<400x32x128xf32>
      %mul3A_102 = arith.mulf %reshape3A, %mul3A_101 : vector<400x32x128xf32>
      %reshape3A_103 = vector.shape_cast %mul3A_102 : vector<400x32x128xf32> to vector<12800x128xf32>
      %dot_general3A_104 = arith.constant dense<0.000000e+00> : vector<12800x8xf32>
      %dot_general3A_105 = tpu.matmul %reshape3A_103, %convert_element_type3A_29, %dot_general3A_104 {dimension_numbers = #tpu.dot_dimension_numbers<[1], [0], [0], [1], [0, 0, 1, 1], [], []>, transpose_lhs_hint = false} : vector<12800x128xf32>, vector<128x8xf32>, vector<12800x8xf32> -> vector<12800x8xf32>
      %exp3A = math.exp %dot_general3A_105 : vector<12800x8xf32>
      %dot_general3A_106 = arith.constant dense<0.000000e+00> : vector<12800x8xf32>
      %dot_general3A_107 = tpu.matmul %exp3A, %broadcast_in_dim3A_66, %dot_general3A_106 {dimension_numbers = #tpu.dot_dimension_numbers<[1], [0], [0], [1], [0, 0, 1, 1], [], []>, transpose_lhs_hint = false} : vector<12800x8xf32>, vector<8x8xf32>, vector<12800x8xf32> -> vector<12800x8xf32>
      %div3A_108 = arith.divf %exp3A, %dot_general3A_107 : vector<12800x8xf32>
      %dot_general3A_109 = arith.constant dense<0.000000e+00> : vector<12800x128xf32>
      %dot_general3A_110 = tpu.matmul %div3A_108, %convert_element_type3A_65, %dot_general3A_109 {dimension_numbers = #tpu.dot_dimension_numbers<[1], [0], [0], [1], [0, 0, 1, 1], [], []>, transpose_lhs_hint = false} : vector<12800x8xf32>, vector<8x128xf32>, vector<12800x128xf32> -> vector<12800x128xf32>
      %mul3A_111 = arith.mulf %get3A_1, %dot_general3A_110 : vector<12800x128xf32>
      %reshape3A_112 = vector.shape_cast %mul3A_111 : vector<12800x128xf32> to vector<400x32x128xf32>
      %reduce_sum3A_113 = arith.constant dense<0.000000e+00> : vector<400x128xf32>
      %reduce_sum3A_114 = vector.multi_reduction <add>, %reshape3A_112, %reduce_sum3A_113 [1] : vector<400x32x128xf32> to vector<400x128xf32>
      %add3A_115 = arith.addf %reduce_sum3A_114, %get3A_4 : vector<400x128xf32>
      scf.yield %add3A_115 : vector<400x128xf32>
    }
    %swap3A = arith.constant 0 : index
    %swap3A_86 = arith.constant 0 : index
    %swap3A_87 = vector.load %arg4[%swap3A, %swap3A_86] : memref<400x128xf32, #tpu.memory_space<vmem>>, vector<400x128xf32>
    tpu.vector_store %arg4[%swap3A, %swap3A_86], %while3A_85 {strides = array<i32>} : memref<400x128xf32, #tpu.memory_space<vmem>>, vector<400x128xf32>,
    return
  }
  func.func @transform_0(%arg0: i32) -> i32 {
    %c0_i32 = arith.constant 0 : i32
    %c0_i32_0 = arith.constant 0 : i32
    return %c0_i32 : i32
  }
  func.func @transform_1(%arg0: i32) -> (i32, i32) {
    %c0_i32 = arith.constant 0 : i32
    %c0_i32_0 = arith.constant 0 : i32
    return %arg0, %c0_i32 : i32, i32
  }
  func.func @transform_2(%arg0: i32) -> (i32, i32) {
    %add3A = arith.constant 15 : i32
    %add3A_0 = arith.addi %add3A, %arg0 : i32
    %c0_i32 = arith.constant 0 : i32
    %c0_i32_1 = arith.constant 0 : i32
    return %add3A_0, %c0_i32 : i32, i32
  }
  func.func @transform_3(%arg0: i32) -> (i32, i32) {
    %c0_i32 = arith.constant 0 : i32
    %c0_i32_0 = arith.constant 0 : i32
    return %arg0, %c0_i32 : i32, i32
  }
}

module attributes {stable_mosaic.version = 14 : i64} {
  func.func @_routing_body(%arg0: i32, %arg1: memref<1xi32, #tpu.memory_space<smem>>, %arg2: memref<12800x128xf32, #tpu.memory_space<vmem>>, %arg3: memref<400x128xf32, #tpu.memory_space<vmem>>, %arg4: memref<400x128xf32, #tpu.memory_space<vmem>>) attributes {dimension_semantics = [#tpu.dimension_semantics<arbitrary>], iteration_bounds = array<i64: 5>, scalar_prefetch = 0 : i64, scratch_operands = 0 : i64, tpu.core_type = #tpu.core_type<tc>, window_params = [{transform_indices = @transform_0, window_bounds = array<i64: 1>}, {transform_indices = @transform_1, window_bounds = array<i64: 12800, 128>}, {transform_indices = @transform_2, window_bounds = array<i64: 400, 128>}, {transform_indices = @transform_3, window_bounds = array<i64: 400, 128>}]} {
    %get3A = arith.constant 0 : index
    %get3A_0 = arith.constant 0 : index
    %get3A_1 = vector.load %arg2[%get3A, %get3A_0] : memref<12800x128xf32, #tpu.memory_space<vmem>>, vector<12800x128xf32>
    %get3A_2 = arith.constant 0 : index
    %get3A_3 = arith.constant 0 : index
    %get3A_4 = vector.load %arg3[%get3A_2, %get3A_3] : memref<400x128xf32, #tpu.memory_space<vmem>>, vector<400x128xf32>
    %iota3A = tpu.iota {dimensions = array<i32: 0>} : vector<128x8xi32>
    %iota3A_5 = tpu.iota {dimensions = array<i32: 1>} : vector<128x8xi32>
    %jit3A = arith.constant 16 : i32
    %div3A = vector.broadcast %jit3A : i32 to vector<128x8xi32>
    %div3A_6 = arith.divsi %iota3A, %div3A : vector<128x8xi32>
    %sign3A = arith.constant 0 : i32
    %sign3A_7 = vector.broadcast %sign3A : i32 to vector<128x8xi32>
    %sign3A_8 = arith.cmpi sgt, %iota3A, %sign3A_7 : vector<128x8xi32>
    %sign3A_9 = arith.extui %sign3A_8 : vector<128x8xi1> to vector<128x8xi32>
    %sign3A_10 = arith.constant 0 : i32
    %sign3A_11 = vector.broadcast %sign3A_10 : i32 to vector<128x8xi32>
    %sign3A_12 = arith.cmpi slt, %iota3A, %sign3A_11 : vector<128x8xi32>
    %sign3A_13 = arith.extui %sign3A_12 : vector<128x8xi1> to vector<128x8xi32>
    %sign3A_14 = arith.subi %sign3A_9, %sign3A_13 : vector<128x8xi32>
    %sign3A_15 = arith.constant 0 : i32
    %sign3A_16 = arith.cmpi sgt, %jit3A, %sign3A_15 : i32
    %sign3A_17 = arith.extui %sign3A_16 : i1 to i32
    %sign3A_18 = arith.constant 0 : i32
    %sign3A_19 = arith.cmpi slt, %jit3A, %sign3A_18 : i32
    %sign3A_20 = arith.extui %sign3A_19 : i1 to i32
    %sign3A_21 = arith.subi %sign3A_17, %sign3A_20 : i32
    %ne3A = vector.broadcast %sign3A_21 : i32 to vector<128x8xi32>
    %ne3A_22 = arith.cmpi ne, %sign3A_14, %ne3A : vector<128x8xi32>
    %rem3A = vector.broadcast %jit3A : i32 to vector<128x8xi32>
    %rem3A_23 = arith.remsi %iota3A, %rem3A : vector<128x8xi32>
    %ne3A_24 = arith.constant 0 : i32
    %ne3A_25 = vector.broadcast %ne3A_24 : i32 to vector<128x8xi32>
    %ne3A_26 = arith.cmpi ne, %rem3A_23, %ne3A_25 : vector<128x8xi32>
    %and3A = arith.andi %ne3A_22, %ne3A_26 : vector<128x8xi1>
    %sub3A = arith.constant 1 : i32
    %sub3A_27 = vector.broadcast %sub3A : i32 to vector<128x8xi32>
    %sub3A_28 = arith.subi %div3A_6, %sub3A_27 : vector<128x8xi32>
    %select_n3A = arith.select %and3A, %sub3A_28, %div3A_6 : vector<128x8xi1>, vector<128x8xi32>
    %eq3A = arith.cmpi eq, %select_n3A, %iota3A_5 : vector<128x8xi32>
    %convert_element_type3A = arith.extui %eq3A : vector<128x8xi1> to vector<128x8xi32>
    %convert_element_type3A_29 = arith.sitofp %convert_element_type3A : vector<128x8xi32> to vector<128x8xf32>
    %iota3A_30 = tpu.iota {dimensions = array<i32: 1>} : vector<8x128xi32>
    %iota3A_31 = tpu.iota {dimensions = array<i32: 0>} : vector<8x128xi32>
    %jit3A_32 = arith.constant 16 : i32
    %div3A_33 = vector.broadcast %jit3A_32 : i32 to vector<8x128xi32>
    %div3A_34 = arith.divsi %iota3A_30, %div3A_33 : vector<8x128xi32>
    %sign3A_35 = arith.constant 0 : i32
    %sign3A_36 = vector.broadcast %sign3A_35 : i32 to vector<8x128xi32>
    %sign3A_37 = arith.cmpi sgt, %iota3A_30, %sign3A_36 : vector<8x128xi32>
    %sign3A_38 = arith.extui %sign3A_37 : vector<8x128xi1> to vector<8x128xi32>
    %sign3A_39 = arith.constant 0 : i32
    %sign3A_40 = vector.broadcast %sign3A_39 : i32 to vector<8x128xi32>
    %sign3A_41 = arith.cmpi slt, %iota3A_30, %sign3A_40 : vector<8x128xi32>
    %sign3A_42 = arith.extui %sign3A_41 : vector<8x128xi1> to vector<8x128xi32>
    %sign3A_43 = arith.subi %sign3A_38, %sign3A_42 : vector<8x128xi32>
    %sign3A_44 = arith.constant 0 : i32
    %sign3A_45 = arith.cmpi sgt, %jit3A_32, %sign3A_44 : i32
    %sign3A_46 = arith.extui %sign3A_45 : i1 to i32
    %sign3A_47 = arith.constant 0 : i32
    %sign3A_48 = arith.cmpi slt, %jit3A_32, %sign3A_47 : i32
    %sign3A_49 = arith.extui %sign3A_48 : i1 to i32
    %sign3A_50 = arith.subi %sign3A_46, %sign3A_49 : i32
    %ne3A_51 = vector.broadcast %sign3A_50 : i32 to vector<8x128xi32>
    %ne3A_52 = arith.cmpi ne, %sign3A_43, %ne3A_51 : vector<8x128xi32>
    %rem3A_53 = vector.broadcast %jit3A_32 : i32 to vector<8x128xi32>
    %rem3A_54 = arith.remsi %iota3A_30, %rem3A_53 : vector<8x128xi32>
    %ne3A_55 = arith.constant 0 : i32
    %ne3A_56 = vector.broadcast %ne3A_55 : i32 to vector<8x128xi32>
    %ne3A_57 = arith.cmpi ne, %rem3A_54, %ne3A_56 : vector<8x128xi32>
    %and3A_58 = arith.andi %ne3A_52, %ne3A_57 : vector<8x128xi1>
    %sub3A_59 = arith.constant 1 : i32
    %sub3A_60 = vector.broadcast %sub3A_59 : i32 to vector<8x128xi32>
    %sub3A_61 = arith.subi %div3A_34, %sub3A_60 : vector<8x128xi32>
    %select_n3A_62 = arith.select %and3A_58, %sub3A_61, %div3A_34 : vector<8x128xi1>, vector<8x128xi32>
    %eq3A_63 = arith.cmpi eq, %select_n3A_62, %iota3A_31 : vector<8x128xi32>
    %convert_element_type3A_64 = arith.extui %eq3A_63 : vector<8x128xi1> to vector<8x128xi32>
    %convert_element_type3A_65 = arith.sitofp %convert_element_type3A_64 : vector<8x128xi32> to vector<8x128xf32>
    %broadcast_in_dim3A = arith.constant 1.000000e+00 : f32
    %broadcast_in_dim3A_66 = vector.broadcast %broadcast_in_dim3A : f32 to vector<8x8xf32>
    %reshape3A = vector.shape_cast %get3A_1 : vector<12800x128xf32> to vector<400x32x128xf32>
    %get3A_67 = arith.constant 0 : index
    %get3A_68 = memref.load %arg1[%get3A_67] : memref<1xi32, #tpu.memory_space<smem>>
    %reduce_sum3A = arith.constant dense<0.000000e+00> : vector<400x128xf32>
    %reduce_sum3A_69 = vector.multi_reduction <add>, %reshape3A, %reduce_sum3A [1] : vector<400x32x128xf32> to vector<400x128xf32>
    %mul3A = arith.constant 1.250000e-01 : f32
    %mul3A_70 = vector.broadcast %mul3A : f32 to vector<400x128xf32>
    %mul3A_71 = arith.mulf %reduce_sum3A_69, %mul3A_70 : vector<400x128xf32>
    %add3A = arith.addf %mul3A_71, %get3A_4 : vector<400x128xf32>
    %gt3A = arith.constant 0 : i32
    %gt3A_72 = arith.cmpi sgt, %get3A_68, %gt3A : i32
    %broadcast_in_dim3A_73 = arith.constant 0.000000e+00 : f32
    %broadcast_in_dim3A_74 = vector.broadcast %broadcast_in_dim3A_73 : f32 to vector<400x128xf32>
    %select_n3A_75 = arith.select %gt3A_72, %add3A, %broadcast_in_dim3A_74 : vector<400x128xf32>
    %while3A = arith.constant 1 : i32
    %while3A_76 = arith.subi %get3A_68, %while3A : i32
    %while3A_77 = arith.addi %while3A, %while3A_76 : i32
    %while3A_78 = arith.constant 1 : i32
    %while3A_79 = arith.divsi %while3A_76, %while3A_78 : i32
    %while3A_80 = arith.muli %while3A_79, %while3A_78 : i32
    %while3A_81 = arith.addi %while3A, %while3A_80 : i32
    %while3A_82 = arith.constant 1 : i32
    %while3A_83 = scf.for %while3A_88 = %while3A to %while3A_81 step %while3A_82 iter_args(%while3A_89 = %select_n3A_75) -> (vector<400x128xf32>)  : i32 {
      %mul3A_90 = arith.mulf %while3A_89, %while3A_89 : vector<400x128xf32>
      %dot_general3A = arith.constant dense<0.000000e+00> : vector<400x8xf32>
      %dot_general3A_91 = tpu.matmul %mul3A_90, %convert_element_type3A_29, %dot_general3A {dimension_numbers = #tpu.dot_dimension_numbers<[1], [0], [0], [1], [0, 0, 1, 1], [], []>, transpose_lhs_hint = false} : vector<400x128xf32>, vector<128x8xf32>, vector<400x8xf32> -> vector<400x8xf32>
      %sqrt3A = math.sqrt %dot_general3A_91 : vector<400x8xf32>
      %max3A = arith.constant 9.99999996E-13 : f32
      %max3A_92 = vector.broadcast %max3A : f32 to vector<400x8xf32>
      %max3A_93 = arith.maximumf %sqrt3A, %max3A_92 : vector<400x8xf32>
      %div3A_94 = arith.constant 1.000000e+00 : f32
      %div3A_95 = vector.broadcast %div3A_94 : f32 to vector<400x8xf32>
      %div3A_96 = arith.divf %div3A_95, %max3A_93 : vector<400x8xf32>
      %dot_general3A_97 = arith.constant dense<0.000000e+00> : vector<400x128xf32>
      %dot_general3A_98 = tpu.matmul %div3A_96, %convert_element_type3A_65, %dot_general3A_97 {dimension_numbers = #tpu.dot_dimension_numbers<[1], [0], [0], [1], [0, 0, 1, 1], [], []>, transpose_lhs_hint = false} : vector<400x8xf32>, vector<8x128xf32>, vector<400x128xf32> -> vector<400x128xf32>
      %mul3A_99 = arith.mulf %while3A_89, %dot_general3A_98 : vector<400x128xf32>
      %reshape3A_100 = vector.shape_cast %mul3A_99 : vector<400x128xf32> to vector<400x1x128xf32>
      %mul3A_101 = vector.broadcast %reshape3A_100 : vector<400x1x128xf32> to vector<400x32x128xf32>
      %mul3A_102 = arith.mulf %reshape3A, %mul3A_101 : vector<400x32x128xf32>
      %reshape3A_103 = vector.shape_cast %mul3A_102 : vector<400x32x128xf32> to vector<12800x128xf32>
      %dot_general3A_104 = arith.constant dense<0.000000e+00> : vector<12800x8xf32>
      %dot_general3A_105 = tpu.matmul %reshape3A_103, %convert_element_type3A_29, %dot_general3A_104 {dimension_numbers = #tpu.dot_dimension_numbers<[1], [0], [0], [1], [0, 0, 1, 1], [], []>, transpose_lhs_hint = false} : vector<12800x128xf32>, vector<128x8xf32>, vector<12800x8xf32> -> vector<12800x8xf32>
      %exp3A = math.exp %dot_general3A_105 : vector<12800x8xf32>
      %dot_general3A_106 = arith.constant dense<0.000000e+00> : vector<12800x8xf32>
      %dot_general3A_107 = tpu.matmul %exp3A, %broadcast_in_dim3A_66, %dot_general3A_106 {dimension_numbers = #tpu.dot_dimension_numbers<[1], [0], [0], [1], [0, 0, 1, 1], [], []>, transpose_lhs_hint = false} : vector<12800x8xf32>, vector<8x8xf32>, vector<12800x8xf32> -> vector<12800x8xf32>
      %div3A_108 = arith.divf %exp3A, %dot_general3A_107 : vector<12800x8xf32>
      %dot_general3A_109 = arith.constant dense<0.000000e+00> : vector<12800x128xf32>
      %dot_general3A_110 = tpu.matmul %div3A_108, %convert_element_type3A_65, %dot_general3A_109 {dimension_numbers = #tpu.dot_dimension_numbers<[1], [0], [0], [1], [0, 0, 1, 1], [], []>, transpose_lhs_hint = false} : vector<12800x8xf32>, vector<8x128xf32>, vector<12800x128xf32> -> vector<12800x128xf32>
      %mul3A_111 = arith.mulf %get3A_1, %dot_general3A_110 : vector<12800x128xf32>
      %reshape3A_112 = vector.shape_cast %mul3A_111 : vector<12800x128xf32> to vector<400x32x128xf32>
      %reduce_sum3A_113 = arith.constant dense<0.000000e+00> : vector<400x128xf32>
      %reduce_sum3A_114 = vector.multi_reduction <add>, %reshape3A_112, %reduce_sum3A_113 [1] : vector<400x32x128xf32> to vector<400x128xf32>
      %add3A_115 = arith.addf %reduce_sum3A_114, %get3A_4 : vector<400x128xf32>
      scf.yield %add3A_115 : vector<400x128xf32>
    }
    %while3A_84 = arith.constant 1 : i32
    %while3A_85 = scf.for %while3A_88 = %while3A_81 to %while3A_77 step %while3A_84 iter_args(%while3A_89 = %while3A_83) -> (vector<400x128xf32>)  : i32 {
      %mul3A_90 = arith.mulf %while3A_89, %while3A_89 : vector<400x128xf32>
      %dot_general3A = arith.constant dense<0.000000e+00> : vector<400x8xf32>
      %dot_general3A_91 = tpu.matmul %mul3A_90, %convert_element_type3A_29, %dot_general3A {dimension_numbers = #tpu.dot_dimension_numbers<[1], [0], [0], [1], [0, 0, 1, 1], [], []>, transpose_lhs_hint = false} : vector<400x128xf32>, vector<128x8xf32>, vector<400x8xf32> -> vector<400x8xf32>
      %sqrt3A = math.sqrt %dot_general3A_91 : vector<400x8xf32>
      %max3A = arith.constant 9.99999996E-13 : f32
      %max3A_92 = vector.broadcast %max3A : f32 to vector<400x8xf32>
      %max3A_93 = arith.maximumf %sqrt3A, %max3A_92 : vector<400x8xf32>
      %div3A_94 = arith.constant 1.000000e+00 : f32
      %div3A_95 = vector.broadcast %div3A_94 : f32 to vector<400x8xf32>
      %div3A_96 = arith.divf %div3A_95, %max3A_93 : vector<400x8xf32>
      %dot_general3A_97 = arith.constant dense<0.000000e+00> : vector<400x128xf32>
      %dot_general3A_98 = tpu.matmul %div3A_96, %convert_element_type3A_65, %dot_general3A_97 {dimension_numbers = #tpu.dot_dimension_numbers<[1], [0], [0], [1], [0, 0, 1, 1], [], []>, transpose_lhs_hint = false} : vector<400x8xf32>, vector<8x128xf32>, vector<400x128xf32> -> vector<400x128xf32>
      %mul3A_99 = arith.mulf %while3A_89, %dot_general3A_98 : vector<400x128xf32>
      %reshape3A_100 = vector.shape_cast %mul3A_99 : vector<400x128xf32> to vector<400x1x128xf32>
      %mul3A_101 = vector.broadcast %reshape3A_100 : vector<400x1x128xf32> to vector<400x32x128xf32>
      %mul3A_102 = arith.mulf %reshape3A, %mul3A_101 : vector<400x32x128xf32>
      %reshape3A_103 = vector.shape_cast %mul3A_102 : vector<400x32x128xf32> to vector<12800x128xf32>
      %dot_general3A_104 = arith.constant dense<0.000000e+00> : vector<12800x8xf32>
      %dot_general3A_105 = tpu.matmul %reshape3A_103, %convert_element_type3A_29, %dot_general3A_104 {dimension_numbers = #tpu.dot_dimension_numbers<[1], [0], [0], [1], [0, 0, 1, 1], [], []>, transpose_lhs_hint = false} : vector<12800x128xf32>, vector<128x8xf32>, vector<12800x8xf32> -> vector<12800x8xf32>
      %exp3A = math.exp %dot_general3A_105 : vector<12800x8xf32>
      %dot_general3A_106 = arith.constant dense<0.000000e+00> : vector<12800x8xf32>
      %dot_general3A_107 = tpu.matmul %exp3A, %broadcast_in_dim3A_66, %dot_general3A_106 {dimension_numbers = #tpu.dot_dimension_numbers<[1], [0], [0], [1], [0, 0, 1, 1], [], []>, transpose_lhs_hint = false} : vector<12800x8xf32>, vector<8x8xf32>, vector<12800x8xf32> -> vector<12800x8xf32>
      %div3A_108 = arith.divf %exp3A, %dot_general3A_107 : vector<12800x8xf32>
      %dot_general3A_109 = arith.constant dense<0.000000e+00> : vector<12800x128xf32>
      %dot_general3A_110 = tpu.matmul %div3A_108, %convert_element_type3A_65, %dot_general3A_109 {dimension_numbers = #tpu.dot_dimension_numbers<[1], [0], [0], [1], [0, 0, 1, 1], [], []>, transpose_lhs_hint = false} : vector<12800x8xf32>, vector<8x128xf32>, vector<12800x128xf32> -> vector<12800x128xf32>
      %mul3A_111 = arith.mulf %get3A_1, %dot_general3A_110 : vector<12800x128xf32>
      %reshape3A_112 = vector.shape_cast %mul3A_111 : vector<12800x128xf32> to vector<400x32x128xf32>
      %reduce_sum3A_113 = arith.constant dense<0.000000e+00> : vector<400x128xf32>
      %reduce_sum3A_114 = vector.multi_reduction <add>, %reshape3A_112, %reduce_sum3A_113 [1] : vector<400x32x128xf32> to vector<400x128xf32>
      %add3A_115 = arith.addf %reduce_sum3A_114, %get3A_4 : vector<400x128xf32>
      scf.yield %add3A_115 : vector<400x128xf32>
    }
    %swap3A = arith.constant 0 : index
    %swap3A_86 = arith.constant 0 : index
    %swap3A_87 = vector.load %arg4[%swap3A, %swap3A_86] : memref<400x128xf32, #tpu.memory_space<vmem>>, vector<400x128xf32>
    tpu.vector_store %arg4[%swap3A, %swap3A_86], %while3A_85 {strides = array<i32>} : memref<400x128xf32, #tpu.memory_space<vmem>>, vector<400x128xf32>,
    return
  }
  func.func @transform_0(%arg0: i32) -> i32 {
    %c0_i32 = arith.constant 0 : i32
    %c0_i32_0 = arith.constant 0 : i32
    return %c0_i32 : i32
  }
  func.func @transform_1(%arg0: i32) -> (i32, i32) {
    %c0_i32 = arith.constant 0 : i32
    %c0_i32_0 = arith.constant 0 : i32
    return %arg0, %c0_i32 : i32, i32
  }
  func.func @transform_2(%arg0: i32) -> (i32, i32) {
    %add3A = arith.constant 10 : i32
    %add3A_0 = arith.addi %add3A, %arg0 : i32
    %c0_i32 = arith.constant 0 : i32
    %c0_i32_1 = arith.constant 0 : i32
    return %add3A_0, %c0_i32 : i32, i32
  }
  func.func @transform_3(%arg0: i32) -> (i32, i32) {
    %c0_i32 = arith.constant 0 : i32
    %c0_i32_0 = arith.constant 0 : i32
    return %arg0, %c0_i32 : i32, i32
  }
}

module attributes {stable_mosaic.version = 14 : i64} {
  func.func @_normalize_body(%arg0: memref<10000x128xf32, #tpu.memory_space<vmem>>, %arg1: memref<10008x128xf32, #tpu.memory_space<vmem>>) attributes {dimension_semantics = [], scalar_prefetch = 0 : i64, scratch_operands = 0 : i64, tpu.core_type = #tpu.core_type<tc>} {
    %get3A = arith.constant 0 : index
    %get3A_0 = arith.constant 0 : index
    %get3A_1 = vector.load %arg0[%get3A, %get3A_0] : memref<10000x128xf32, #tpu.memory_space<vmem>>, vector<10000x128xf32>
    %iota3A = tpu.iota {dimensions = array<i32: 0>} : vector<128x8xi32>
    %iota3A_2 = tpu.iota {dimensions = array<i32: 1>} : vector<128x8xi32>
    %jit3A = arith.constant 16 : i32
    %div3A = vector.broadcast %jit3A : i32 to vector<128x8xi32>
    %div3A_3 = arith.divsi %iota3A, %div3A : vector<128x8xi32>
    %sign3A = arith.constant 0 : i32
    %sign3A_4 = vector.broadcast %sign3A : i32 to vector<128x8xi32>
    %sign3A_5 = arith.cmpi sgt, %iota3A, %sign3A_4 : vector<128x8xi32>
    %sign3A_6 = arith.extui %sign3A_5 : vector<128x8xi1> to vector<128x8xi32>
    %sign3A_7 = arith.constant 0 : i32
    %sign3A_8 = vector.broadcast %sign3A_7 : i32 to vector<128x8xi32>
    %sign3A_9 = arith.cmpi slt, %iota3A, %sign3A_8 : vector<128x8xi32>
    %sign3A_10 = arith.extui %sign3A_9 : vector<128x8xi1> to vector<128x8xi32>
    %sign3A_11 = arith.subi %sign3A_6, %sign3A_10 : vector<128x8xi32>
    %sign3A_12 = arith.constant 0 : i32
    %sign3A_13 = arith.cmpi sgt, %jit3A, %sign3A_12 : i32
    %sign3A_14 = arith.extui %sign3A_13 : i1 to i32
    %sign3A_15 = arith.constant 0 : i32
    %sign3A_16 = arith.cmpi slt, %jit3A, %sign3A_15 : i32
    %sign3A_17 = arith.extui %sign3A_16 : i1 to i32
    %sign3A_18 = arith.subi %sign3A_14, %sign3A_17 : i32
    %ne3A = vector.broadcast %sign3A_18 : i32 to vector<128x8xi32>
    %ne3A_19 = arith.cmpi ne, %sign3A_11, %ne3A : vector<128x8xi32>
    %rem3A = vector.broadcast %jit3A : i32 to vector<128x8xi32>
    %rem3A_20 = arith.remsi %iota3A, %rem3A : vector<128x8xi32>
    %ne3A_21 = arith.constant 0 : i32
    %ne3A_22 = vector.broadcast %ne3A_21 : i32 to vector<128x8xi32>
    %ne3A_23 = arith.cmpi ne, %rem3A_20, %ne3A_22 : vector<128x8xi32>
    %and3A = arith.andi %ne3A_19, %ne3A_23 : vector<128x8xi1>
    %sub3A = arith.constant 1 : i32
    %sub3A_24 = vector.broadcast %sub3A : i32 to vector<128x8xi32>
    %sub3A_25 = arith.subi %div3A_3, %sub3A_24 : vector<128x8xi32>
    %select_n3A = arith.select %and3A, %sub3A_25, %div3A_3 : vector<128x8xi1>, vector<128x8xi32>
    %eq3A = arith.cmpi eq, %select_n3A, %iota3A_2 : vector<128x8xi32>
    %convert_element_type3A = arith.extui %eq3A : vector<128x8xi1> to vector<128x8xi32>
    %convert_element_type3A_26 = arith.sitofp %convert_element_type3A : vector<128x8xi32> to vector<128x8xf32>
    %iota3A_27 = tpu.iota {dimensions = array<i32: 1>} : vector<8x128xi32>
    %iota3A_28 = tpu.iota {dimensions = array<i32: 0>} : vector<8x128xi32>
    %jit3A_29 = arith.constant 16 : i32
    %div3A_30 = vector.broadcast %jit3A_29 : i32 to vector<8x128xi32>
    %div3A_31 = arith.divsi %iota3A_27, %div3A_30 : vector<8x128xi32>
    %sign3A_32 = arith.constant 0 : i32
    %sign3A_33 = vector.broadcast %sign3A_32 : i32 to vector<8x128xi32>
    %sign3A_34 = arith.cmpi sgt, %iota3A_27, %sign3A_33 : vector<8x128xi32>
    %sign3A_35 = arith.extui %sign3A_34 : vector<8x128xi1> to vector<8x128xi32>
    %sign3A_36 = arith.constant 0 : i32
    %sign3A_37 = vector.broadcast %sign3A_36 : i32 to vector<8x128xi32>
    %sign3A_38 = arith.cmpi slt, %iota3A_27, %sign3A_37 : vector<8x128xi32>
    %sign3A_39 = arith.extui %sign3A_38 : vector<8x128xi1> to vector<8x128xi32>
    %sign3A_40 = arith.subi %sign3A_35, %sign3A_39 : vector<8x128xi32>
    %sign3A_41 = arith.constant 0 : i32
    %sign3A_42 = arith.cmpi sgt, %jit3A_29, %sign3A_41 : i32
    %sign3A_43 = arith.extui %sign3A_42 : i1 to i32
    %sign3A_44 = arith.constant 0 : i32
    %sign3A_45 = arith.cmpi slt, %jit3A_29, %sign3A_44 : i32
    %sign3A_46 = arith.extui %sign3A_45 : i1 to i32
    %sign3A_47 = arith.subi %sign3A_43, %sign3A_46 : i32
    %ne3A_48 = vector.broadcast %sign3A_47 : i32 to vector<8x128xi32>
    %ne3A_49 = arith.cmpi ne, %sign3A_40, %ne3A_48 : vector<8x128xi32>
    %rem3A_50 = vector.broadcast %jit3A_29 : i32 to vector<8x128xi32>
    %rem3A_51 = arith.remsi %iota3A_27, %rem3A_50 : vector<8x128xi32>
    %ne3A_52 = arith.constant 0 : i32
    %ne3A_53 = vector.broadcast %ne3A_52 : i32 to vector<8x128xi32>
    %ne3A_54 = arith.cmpi ne, %rem3A_51, %ne3A_53 : vector<8x128xi32>
    %and3A_55 = arith.andi %ne3A_49, %ne3A_54 : vector<8x128xi1>
    %sub3A_56 = arith.constant 1 : i32
    %sub3A_57 = vector.broadcast %sub3A_56 : i32 to vector<8x128xi32>
    %sub3A_58 = arith.subi %div3A_31, %sub3A_57 : vector<8x128xi32>
    %select_n3A_59 = arith.select %and3A_55, %sub3A_58, %div3A_31 : vector<8x128xi1>, vector<8x128xi32>
    %eq3A_60 = arith.cmpi eq, %select_n3A_59, %iota3A_28 : vector<8x128xi32>
    %convert_element_type3A_61 = arith.extui %eq3A_60 : vector<8x128xi1> to vector<8x128xi32>
    %convert_element_type3A_62 = arith.sitofp %convert_element_type3A_61 : vector<8x128xi32> to vector<8x128xf32>
    %mul3A = arith.mulf %get3A_1, %get3A_1 : vector<10000x128xf32>
    %dot_general3A = arith.constant dense<0.000000e+00> : vector<10000x8xf32>
    %dot_general3A_63 = tpu.matmul %mul3A, %convert_element_type3A_26, %dot_general3A {dimension_numbers = #tpu.dot_dimension_numbers<[1], [0], [0], [1], [0, 0, 1, 1], [], []>, transpose_lhs_hint = false} : vector<10000x128xf32>, vector<128x8xf32>, vector<10000x8xf32> -> vector<10000x8xf32>
    %sqrt3A = math.sqrt %dot_general3A_63 : vector<10000x8xf32>
    %max3A = arith.constant 9.99999996E-13 : f32
    %max3A_64 = vector.broadcast %max3A : f32 to vector<10000x8xf32>
    %max3A_65 = arith.maximumf %sqrt3A, %max3A_64 : vector<10000x8xf32>
    %div3A_66 = arith.constant 1.000000e+00 : f32
    %div3A_67 = vector.broadcast %div3A_66 : f32 to vector<10000x8xf32>
    %div3A_68 = arith.divf %div3A_67, %max3A_65 : vector<10000x8xf32>
    %dot_general3A_69 = arith.constant dense<0.000000e+00> : vector<10000x128xf32>
    %dot_general3A_70 = tpu.matmul %div3A_68, %convert_element_type3A_62, %dot_general3A_69 {dimension_numbers = #tpu.dot_dimension_numbers<[1], [0], [0], [1], [0, 0, 1, 1], [], []>, transpose_lhs_hint = false} : vector<10000x8xf32>, vector<8x128xf32>, vector<10000x128xf32> -> vector<10000x128xf32>
    %mul3A_71 = arith.mulf %get3A_1, %dot_general3A_70 : vector<10000x128xf32>
    %swap3A = arith.constant 0 : index
    %swap3A_72 = arith.constant 0 : index
    %swap3A_73 = vector.load %arg1[%swap3A, %swap3A_72] : memref<10008x128xf32, #tpu.memory_space<vmem>>, vector<10000x128xf32>
    tpu.vector_store %arg1[%swap3A, %swap3A_72], %mul3A_71 {strides = array<i32>} : memref<10008x128xf32, #tpu.memory_space<vmem>>, vector<10000x128xf32>,
    %broadcast_in_dim3A = arith.constant 0.000000e+00 : f32
    %broadcast_in_dim3A_74 = vector.broadcast %broadcast_in_dim3A : f32 to vector<8x128xf32>
    %swap3A_75 = arith.constant 10000 : index
    %swap3A_76 = arith.constant 0 : index
    %swap3A_77 = vector.load %arg1[%swap3A_75, %swap3A_76] : memref<10008x128xf32, #tpu.memory_space<vmem>>, vector<8x128xf32>
    tpu.vector_store %arg1[%swap3A_75, %swap3A_76], %broadcast_in_dim3A_74 {strides = array<i32>} : memref<10008x128xf32, #tpu.memory_space<vmem>>, vector<8x128xf32>,
    return
  }
}

module attributes {stable_mosaic.version = 14 : i64} {
  func.func @_routing_body(%arg0: i32, %arg1: memref<1xi32, #tpu.memory_space<smem>>, %arg2: memref<12800x128xf32, #tpu.memory_space<vmem>>, %arg3: memref<400x128xf32, #tpu.memory_space<vmem>>, %arg4: memref<400x128xf32, #tpu.memory_space<vmem>>) attributes {dimension_semantics = [#tpu.dimension_semantics<arbitrary>], iteration_bounds = array<i64: 5>, scalar_prefetch = 0 : i64, scratch_operands = 0 : i64, tpu.core_type = #tpu.core_type<tc>, window_params = [{transform_indices = @transform_0, window_bounds = array<i64: 1>}, {transform_indices = @transform_1, window_bounds = array<i64: 12800, 128>}, {transform_indices = @transform_2, window_bounds = array<i64: 400, 128>}, {transform_indices = @transform_3, window_bounds = array<i64: 400, 128>}]} {
    %get3A = arith.constant 0 : index
    %get3A_0 = arith.constant 0 : index
    %get3A_1 = vector.load %arg2[%get3A, %get3A_0] : memref<12800x128xf32, #tpu.memory_space<vmem>>, vector<12800x128xf32>
    %get3A_2 = arith.constant 0 : index
    %get3A_3 = arith.constant 0 : index
    %get3A_4 = vector.load %arg3[%get3A_2, %get3A_3] : memref<400x128xf32, #tpu.memory_space<vmem>>, vector<400x128xf32>
    %iota3A = tpu.iota {dimensions = array<i32: 0>} : vector<128x8xi32>
    %iota3A_5 = tpu.iota {dimensions = array<i32: 1>} : vector<128x8xi32>
    %jit3A = arith.constant 16 : i32
    %div3A = vector.broadcast %jit3A : i32 to vector<128x8xi32>
    %div3A_6 = arith.divsi %iota3A, %div3A : vector<128x8xi32>
    %sign3A = arith.constant 0 : i32
    %sign3A_7 = vector.broadcast %sign3A : i32 to vector<128x8xi32>
    %sign3A_8 = arith.cmpi sgt, %iota3A, %sign3A_7 : vector<128x8xi32>
    %sign3A_9 = arith.extui %sign3A_8 : vector<128x8xi1> to vector<128x8xi32>
    %sign3A_10 = arith.constant 0 : i32
    %sign3A_11 = vector.broadcast %sign3A_10 : i32 to vector<128x8xi32>
    %sign3A_12 = arith.cmpi slt, %iota3A, %sign3A_11 : vector<128x8xi32>
    %sign3A_13 = arith.extui %sign3A_12 : vector<128x8xi1> to vector<128x8xi32>
    %sign3A_14 = arith.subi %sign3A_9, %sign3A_13 : vector<128x8xi32>
    %sign3A_15 = arith.constant 0 : i32
    %sign3A_16 = arith.cmpi sgt, %jit3A, %sign3A_15 : i32
    %sign3A_17 = arith.extui %sign3A_16 : i1 to i32
    %sign3A_18 = arith.constant 0 : i32
    %sign3A_19 = arith.cmpi slt, %jit3A, %sign3A_18 : i32
    %sign3A_20 = arith.extui %sign3A_19 : i1 to i32
    %sign3A_21 = arith.subi %sign3A_17, %sign3A_20 : i32
    %ne3A = vector.broadcast %sign3A_21 : i32 to vector<128x8xi32>
    %ne3A_22 = arith.cmpi ne, %sign3A_14, %ne3A : vector<128x8xi32>
    %rem3A = vector.broadcast %jit3A : i32 to vector<128x8xi32>
    %rem3A_23 = arith.remsi %iota3A, %rem3A : vector<128x8xi32>
    %ne3A_24 = arith.constant 0 : i32
    %ne3A_25 = vector.broadcast %ne3A_24 : i32 to vector<128x8xi32>
    %ne3A_26 = arith.cmpi ne, %rem3A_23, %ne3A_25 : vector<128x8xi32>
    %and3A = arith.andi %ne3A_22, %ne3A_26 : vector<128x8xi1>
    %sub3A = arith.constant 1 : i32
    %sub3A_27 = vector.broadcast %sub3A : i32 to vector<128x8xi32>
    %sub3A_28 = arith.subi %div3A_6, %sub3A_27 : vector<128x8xi32>
    %select_n3A = arith.select %and3A, %sub3A_28, %div3A_6 : vector<128x8xi1>, vector<128x8xi32>
    %eq3A = arith.cmpi eq, %select_n3A, %iota3A_5 : vector<128x8xi32>
    %convert_element_type3A = arith.extui %eq3A : vector<128x8xi1> to vector<128x8xi32>
    %convert_element_type3A_29 = arith.sitofp %convert_element_type3A : vector<128x8xi32> to vector<128x8xf32>
    %iota3A_30 = tpu.iota {dimensions = array<i32: 1>} : vector<8x128xi32>
    %iota3A_31 = tpu.iota {dimensions = array<i32: 0>} : vector<8x128xi32>
    %jit3A_32 = arith.constant 16 : i32
    %div3A_33 = vector.broadcast %jit3A_32 : i32 to vector<8x128xi32>
    %div3A_34 = arith.divsi %iota3A_30, %div3A_33 : vector<8x128xi32>
    %sign3A_35 = arith.constant 0 : i32
    %sign3A_36 = vector.broadcast %sign3A_35 : i32 to vector<8x128xi32>
    %sign3A_37 = arith.cmpi sgt, %iota3A_30, %sign3A_36 : vector<8x128xi32>
    %sign3A_38 = arith.extui %sign3A_37 : vector<8x128xi1> to vector<8x128xi32>
    %sign3A_39 = arith.constant 0 : i32
    %sign3A_40 = vector.broadcast %sign3A_39 : i32 to vector<8x128xi32>
    %sign3A_41 = arith.cmpi slt, %iota3A_30, %sign3A_40 : vector<8x128xi32>
    %sign3A_42 = arith.extui %sign3A_41 : vector<8x128xi1> to vector<8x128xi32>
    %sign3A_43 = arith.subi %sign3A_38, %sign3A_42 : vector<8x128xi32>
    %sign3A_44 = arith.constant 0 : i32
    %sign3A_45 = arith.cmpi sgt, %jit3A_32, %sign3A_44 : i32
    %sign3A_46 = arith.extui %sign3A_45 : i1 to i32
    %sign3A_47 = arith.constant 0 : i32
    %sign3A_48 = arith.cmpi slt, %jit3A_32, %sign3A_47 : i32
    %sign3A_49 = arith.extui %sign3A_48 : i1 to i32
    %sign3A_50 = arith.subi %sign3A_46, %sign3A_49 : i32
    %ne3A_51 = vector.broadcast %sign3A_50 : i32 to vector<8x128xi32>
    %ne3A_52 = arith.cmpi ne, %sign3A_43, %ne3A_51 : vector<8x128xi32>
    %rem3A_53 = vector.broadcast %jit3A_32 : i32 to vector<8x128xi32>
    %rem3A_54 = arith.remsi %iota3A_30, %rem3A_53 : vector<8x128xi32>
    %ne3A_55 = arith.constant 0 : i32
    %ne3A_56 = vector.broadcast %ne3A_55 : i32 to vector<8x128xi32>
    %ne3A_57 = arith.cmpi ne, %rem3A_54, %ne3A_56 : vector<8x128xi32>
    %and3A_58 = arith.andi %ne3A_52, %ne3A_57 : vector<8x128xi1>
    %sub3A_59 = arith.constant 1 : i32
    %sub3A_60 = vector.broadcast %sub3A_59 : i32 to vector<8x128xi32>
    %sub3A_61 = arith.subi %div3A_34, %sub3A_60 : vector<8x128xi32>
    %select_n3A_62 = arith.select %and3A_58, %sub3A_61, %div3A_34 : vector<8x128xi1>, vector<8x128xi32>
    %eq3A_63 = arith.cmpi eq, %select_n3A_62, %iota3A_31 : vector<8x128xi32>
    %convert_element_type3A_64 = arith.extui %eq3A_63 : vector<8x128xi1> to vector<8x128xi32>
    %convert_element_type3A_65 = arith.sitofp %convert_element_type3A_64 : vector<8x128xi32> to vector<8x128xf32>
    %broadcast_in_dim3A = arith.constant 1.000000e+00 : f32
    %broadcast_in_dim3A_66 = vector.broadcast %broadcast_in_dim3A : f32 to vector<8x8xf32>
    %reshape3A = vector.shape_cast %get3A_1 : vector<12800x128xf32> to vector<400x32x128xf32>
    %get3A_67 = arith.constant 0 : index
    %get3A_68 = memref.load %arg1[%get3A_67] : memref<1xi32, #tpu.memory_space<smem>>
    %reduce_sum3A = arith.constant dense<0.000000e+00> : vector<400x128xf32>
    %reduce_sum3A_69 = vector.multi_reduction <add>, %reshape3A, %reduce_sum3A [1] : vector<400x32x128xf32> to vector<400x128xf32>
    %mul3A = arith.constant 1.250000e-01 : f32
    %mul3A_70 = vector.broadcast %mul3A : f32 to vector<400x128xf32>
    %mul3A_71 = arith.mulf %reduce_sum3A_69, %mul3A_70 : vector<400x128xf32>
    %add3A = arith.addf %mul3A_71, %get3A_4 : vector<400x128xf32>
    %gt3A = arith.constant 0 : i32
    %gt3A_72 = arith.cmpi sgt, %get3A_68, %gt3A : i32
    %broadcast_in_dim3A_73 = arith.constant 0.000000e+00 : f32
    %broadcast_in_dim3A_74 = vector.broadcast %broadcast_in_dim3A_73 : f32 to vector<400x128xf32>
    %select_n3A_75 = arith.select %gt3A_72, %add3A, %broadcast_in_dim3A_74 : vector<400x128xf32>
    %while3A = arith.constant 1 : i32
    %while3A_76 = arith.subi %get3A_68, %while3A : i32
    %while3A_77 = arith.addi %while3A, %while3A_76 : i32
    %while3A_78 = arith.constant 1 : i32
    %while3A_79 = arith.divsi %while3A_76, %while3A_78 : i32
    %while3A_80 = arith.muli %while3A_79, %while3A_78 : i32
    %while3A_81 = arith.addi %while3A, %while3A_80 : i32
    %while3A_82 = arith.constant 1 : i32
    %while3A_83 = scf.for %while3A_88 = %while3A to %while3A_81 step %while3A_82 iter_args(%while3A_89 = %select_n3A_75) -> (vector<400x128xf32>)  : i32 {
      %mul3A_90 = arith.mulf %while3A_89, %while3A_89 : vector<400x128xf32>
      %dot_general3A = arith.constant dense<0.000000e+00> : vector<400x8xf32>
      %dot_general3A_91 = tpu.matmul %mul3A_90, %convert_element_type3A_29, %dot_general3A {dimension_numbers = #tpu.dot_dimension_numbers<[1], [0], [0], [1], [0, 0, 1, 1], [], []>, transpose_lhs_hint = false} : vector<400x128xf32>, vector<128x8xf32>, vector<400x8xf32> -> vector<400x8xf32>
      %sqrt3A = math.sqrt %dot_general3A_91 : vector<400x8xf32>
      %max3A = arith.constant 9.99999996E-13 : f32
      %max3A_92 = vector.broadcast %max3A : f32 to vector<400x8xf32>
      %max3A_93 = arith.maximumf %sqrt3A, %max3A_92 : vector<400x8xf32>
      %div3A_94 = arith.constant 1.000000e+00 : f32
      %div3A_95 = vector.broadcast %div3A_94 : f32 to vector<400x8xf32>
      %div3A_96 = arith.divf %div3A_95, %max3A_93 : vector<400x8xf32>
      %dot_general3A_97 = arith.constant dense<0.000000e+00> : vector<400x128xf32>
      %dot_general3A_98 = tpu.matmul %div3A_96, %convert_element_type3A_65, %dot_general3A_97 {dimension_numbers = #tpu.dot_dimension_numbers<[1], [0], [0], [1], [0, 0, 1, 1], [], []>, transpose_lhs_hint = false} : vector<400x8xf32>, vector<8x128xf32>, vector<400x128xf32> -> vector<400x128xf32>
      %mul3A_99 = arith.mulf %while3A_89, %dot_general3A_98 : vector<400x128xf32>
      %reshape3A_100 = vector.shape_cast %mul3A_99 : vector<400x128xf32> to vector<400x1x128xf32>
      %mul3A_101 = vector.broadcast %reshape3A_100 : vector<400x1x128xf32> to vector<400x32x128xf32>
      %mul3A_102 = arith.mulf %reshape3A, %mul3A_101 : vector<400x32x128xf32>
      %reshape3A_103 = vector.shape_cast %mul3A_102 : vector<400x32x128xf32> to vector<12800x128xf32>
      %dot_general3A_104 = arith.constant dense<0.000000e+00> : vector<12800x8xf32>
      %dot_general3A_105 = tpu.matmul %reshape3A_103, %convert_element_type3A_29, %dot_general3A_104 {dimension_numbers = #tpu.dot_dimension_numbers<[1], [0], [0], [1], [0, 0, 1, 1], [], []>, transpose_lhs_hint = false} : vector<12800x128xf32>, vector<128x8xf32>, vector<12800x8xf32> -> vector<12800x8xf32>
      %exp3A = math.exp %dot_general3A_105 : vector<12800x8xf32>
      %dot_general3A_106 = arith.constant dense<0.000000e+00> : vector<12800x8xf32>
      %dot_general3A_107 = tpu.matmul %exp3A, %broadcast_in_dim3A_66, %dot_general3A_106 {dimension_numbers = #tpu.dot_dimension_numbers<[1], [0], [0], [1], [0, 0, 1, 1], [], []>, transpose_lhs_hint = false} : vector<12800x8xf32>, vector<8x8xf32>, vector<12800x8xf32> -> vector<12800x8xf32>
      %div3A_108 = arith.divf %exp3A, %dot_general3A_107 : vector<12800x8xf32>
      %dot_general3A_109 = arith.constant dense<0.000000e+00> : vector<12800x128xf32>
      %dot_general3A_110 = tpu.matmul %div3A_108, %convert_element_type3A_65, %dot_general3A_109 {dimension_numbers = #tpu.dot_dimension_numbers<[1], [0], [0], [1], [0, 0, 1, 1], [], []>, transpose_lhs_hint = false} : vector<12800x8xf32>, vector<8x128xf32>, vector<12800x128xf32> -> vector<12800x128xf32>
      %mul3A_111 = arith.mulf %get3A_1, %dot_general3A_110 : vector<12800x128xf32>
      %reshape3A_112 = vector.shape_cast %mul3A_111 : vector<12800x128xf32> to vector<400x32x128xf32>
      %reduce_sum3A_113 = arith.constant dense<0.000000e+00> : vector<400x128xf32>
      %reduce_sum3A_114 = vector.multi_reduction <add>, %reshape3A_112, %reduce_sum3A_113 [1] : vector<400x32x128xf32> to vector<400x128xf32>
      %add3A_115 = arith.addf %reduce_sum3A_114, %get3A_4 : vector<400x128xf32>
      scf.yield %add3A_115 : vector<400x128xf32>
    }
    %while3A_84 = arith.constant 1 : i32
    %while3A_85 = scf.for %while3A_88 = %while3A_81 to %while3A_77 step %while3A_84 iter_args(%while3A_89 = %while3A_83) -> (vector<400x128xf32>)  : i32 {
      %mul3A_90 = arith.mulf %while3A_89, %while3A_89 : vector<400x128xf32>
      %dot_general3A = arith.constant dense<0.000000e+00> : vector<400x8xf32>
      %dot_general3A_91 = tpu.matmul %mul3A_90, %convert_element_type3A_29, %dot_general3A {dimension_numbers = #tpu.dot_dimension_numbers<[1], [0], [0], [1], [0, 0, 1, 1], [], []>, transpose_lhs_hint = false} : vector<400x128xf32>, vector<128x8xf32>, vector<400x8xf32> -> vector<400x8xf32>
      %sqrt3A = math.sqrt %dot_general3A_91 : vector<400x8xf32>
      %max3A = arith.constant 9.99999996E-13 : f32
      %max3A_92 = vector.broadcast %max3A : f32 to vector<400x8xf32>
      %max3A_93 = arith.maximumf %sqrt3A, %max3A_92 : vector<400x8xf32>
      %div3A_94 = arith.constant 1.000000e+00 : f32
      %div3A_95 = vector.broadcast %div3A_94 : f32 to vector<400x8xf32>
      %div3A_96 = arith.divf %div3A_95, %max3A_93 : vector<400x8xf32>
      %dot_general3A_97 = arith.constant dense<0.000000e+00> : vector<400x128xf32>
      %dot_general3A_98 = tpu.matmul %div3A_96, %convert_element_type3A_65, %dot_general3A_97 {dimension_numbers = #tpu.dot_dimension_numbers<[1], [0], [0], [1], [0, 0, 1, 1], [], []>, transpose_lhs_hint = false} : vector<400x8xf32>, vector<8x128xf32>, vector<400x128xf32> -> vector<400x128xf32>
      %mul3A_99 = arith.mulf %while3A_89, %dot_general3A_98 : vector<400x128xf32>
      %reshape3A_100 = vector.shape_cast %mul3A_99 : vector<400x128xf32> to vector<400x1x128xf32>
      %mul3A_101 = vector.broadcast %reshape3A_100 : vector<400x1x128xf32> to vector<400x32x128xf32>
      %mul3A_102 = arith.mulf %reshape3A, %mul3A_101 : vector<400x32x128xf32>
      %reshape3A_103 = vector.shape_cast %mul3A_102 : vector<400x32x128xf32> to vector<12800x128xf32>
      %dot_general3A_104 = arith.constant dense<0.000000e+00> : vector<12800x8xf32>
      %dot_general3A_105 = tpu.matmul %reshape3A_103, %convert_element_type3A_29, %dot_general3A_104 {dimension_numbers = #tpu.dot_dimension_numbers<[1], [0], [0], [1], [0, 0, 1, 1], [], []>, transpose_lhs_hint = false} : vector<12800x128xf32>, vector<128x8xf32>, vector<12800x8xf32> -> vector<12800x8xf32>
      %exp3A = math.exp %dot_general3A_105 : vector<12800x8xf32>
      %dot_general3A_106 = arith.constant dense<0.000000e+00> : vector<12800x8xf32>
      %dot_general3A_107 = tpu.matmul %exp3A, %broadcast_in_dim3A_66, %dot_general3A_106 {dimension_numbers = #tpu.dot_dimension_numbers<[1], [0], [0], [1], [0, 0, 1, 1], [], []>, transpose_lhs_hint = false} : vector<12800x8xf32>, vector<8x8xf32>, vector<12800x8xf32> -> vector<12800x8xf32>
      %div3A_108 = arith.divf %exp3A, %dot_general3A_107 : vector<12800x8xf32>
      %dot_general3A_109 = arith.constant dense<0.000000e+00> : vector<12800x128xf32>
      %dot_general3A_110 = tpu.matmul %div3A_108, %convert_element_type3A_65, %dot_general3A_109 {dimension_numbers = #tpu.dot_dimension_numbers<[1], [0], [0], [1], [0, 0, 1, 1], [], []>, transpose_lhs_hint = false} : vector<12800x8xf32>, vector<8x128xf32>, vector<12800x128xf32> -> vector<12800x128xf32>
      %mul3A_111 = arith.mulf %get3A_1, %dot_general3A_110 : vector<12800x128xf32>
      %reshape3A_112 = vector.shape_cast %mul3A_111 : vector<12800x128xf32> to vector<400x32x128xf32>
      %reduce_sum3A_113 = arith.constant dense<0.000000e+00> : vector<400x128xf32>
      %reduce_sum3A_114 = vector.multi_reduction <add>, %reshape3A_112, %reduce_sum3A_113 [1] : vector<400x32x128xf32> to vector<400x128xf32>
      %add3A_115 = arith.addf %reduce_sum3A_114, %get3A_4 : vector<400x128xf32>
      scf.yield %add3A_115 : vector<400x128xf32>
    }
    %swap3A = arith.constant 0 : index
    %swap3A_86 = arith.constant 0 : index
    %swap3A_87 = vector.load %arg4[%swap3A, %swap3A_86] : memref<400x128xf32, #tpu.memory_space<vmem>>, vector<400x128xf32>
    tpu.vector_store %arg4[%swap3A, %swap3A_86], %while3A_85 {strides = array<i32>} : memref<400x128xf32, #tpu.memory_space<vmem>>, vector<400x128xf32>,
    return
  }
  func.func @transform_0(%arg0: i32) -> i32 {
    %c0_i32 = arith.constant 0 : i32
    %c0_i32_0 = arith.constant 0 : i32
    return %c0_i32 : i32
  }
  func.func @transform_1(%arg0: i32) -> (i32, i32) {
    %c0_i32 = arith.constant 0 : i32
    %c0_i32_0 = arith.constant 0 : i32
    return %arg0, %c0_i32 : i32, i32
  }
  func.func @transform_2(%arg0: i32) -> (i32, i32) {
    %add3A = arith.constant 5 : i32
    %add3A_0 = arith.addi %add3A, %arg0 : i32
    %c0_i32 = arith.constant 0 : i32
    %c0_i32_1 = arith.constant 0 : i32
    return %add3A_0, %c0_i32 : i32, i32
  }
  func.func @transform_3(%arg0: i32) -> (i32, i32) {
    %c0_i32 = arith.constant 0 : i32
    %c0_i32_0 = arith.constant 0 : i32
    return %arg0, %c0_i32 : i32, i32
  }
}

module attributes {stable_mosaic.version = 14 : i64} {
  func.func @_routing_body(%arg0: i32, %arg1: memref<1xi32, #tpu.memory_space<smem>>, %arg2: memref<12800x128xf32, #tpu.memory_space<vmem>>, %arg3: memref<400x128xf32, #tpu.memory_space<vmem>>, %arg4: memref<400x128xf32, #tpu.memory_space<vmem>>) attributes {dimension_semantics = [#tpu.dimension_semantics<arbitrary>], iteration_bounds = array<i64: 5>, scalar_prefetch = 0 : i64, scratch_operands = 0 : i64, tpu.core_type = #tpu.core_type<tc>, window_params = [{transform_indices = @transform_0, window_bounds = array<i64: 1>}, {transform_indices = @transform_1, window_bounds = array<i64: 12800, 128>}, {transform_indices = @transform_2, window_bounds = array<i64: 400, 128>}, {transform_indices = @transform_3, window_bounds = array<i64: 400, 128>}]} {
    %get3A = arith.constant 0 : index
    %get3A_0 = arith.constant 0 : index
    %get3A_1 = vector.load %arg2[%get3A, %get3A_0] : memref<12800x128xf32, #tpu.memory_space<vmem>>, vector<12800x128xf32>
    %get3A_2 = arith.constant 0 : index
    %get3A_3 = arith.constant 0 : index
    %get3A_4 = vector.load %arg3[%get3A_2, %get3A_3] : memref<400x128xf32, #tpu.memory_space<vmem>>, vector<400x128xf32>
    %iota3A = tpu.iota {dimensions = array<i32: 0>} : vector<128x8xi32>
    %iota3A_5 = tpu.iota {dimensions = array<i32: 1>} : vector<128x8xi32>
    %jit3A = arith.constant 16 : i32
    %div3A = vector.broadcast %jit3A : i32 to vector<128x8xi32>
    %div3A_6 = arith.divsi %iota3A, %div3A : vector<128x8xi32>
    %sign3A = arith.constant 0 : i32
    %sign3A_7 = vector.broadcast %sign3A : i32 to vector<128x8xi32>
    %sign3A_8 = arith.cmpi sgt, %iota3A, %sign3A_7 : vector<128x8xi32>
    %sign3A_9 = arith.extui %sign3A_8 : vector<128x8xi1> to vector<128x8xi32>
    %sign3A_10 = arith.constant 0 : i32
    %sign3A_11 = vector.broadcast %sign3A_10 : i32 to vector<128x8xi32>
    %sign3A_12 = arith.cmpi slt, %iota3A, %sign3A_11 : vector<128x8xi32>
    %sign3A_13 = arith.extui %sign3A_12 : vector<128x8xi1> to vector<128x8xi32>
    %sign3A_14 = arith.subi %sign3A_9, %sign3A_13 : vector<128x8xi32>
    %sign3A_15 = arith.constant 0 : i32
    %sign3A_16 = arith.cmpi sgt, %jit3A, %sign3A_15 : i32
    %sign3A_17 = arith.extui %sign3A_16 : i1 to i32
    %sign3A_18 = arith.constant 0 : i32
    %sign3A_19 = arith.cmpi slt, %jit3A, %sign3A_18 : i32
    %sign3A_20 = arith.extui %sign3A_19 : i1 to i32
    %sign3A_21 = arith.subi %sign3A_17, %sign3A_20 : i32
    %ne3A = vector.broadcast %sign3A_21 : i32 to vector<128x8xi32>
    %ne3A_22 = arith.cmpi ne, %sign3A_14, %ne3A : vector<128x8xi32>
    %rem3A = vector.broadcast %jit3A : i32 to vector<128x8xi32>
    %rem3A_23 = arith.remsi %iota3A, %rem3A : vector<128x8xi32>
    %ne3A_24 = arith.constant 0 : i32
    %ne3A_25 = vector.broadcast %ne3A_24 : i32 to vector<128x8xi32>
    %ne3A_26 = arith.cmpi ne, %rem3A_23, %ne3A_25 : vector<128x8xi32>
    %and3A = arith.andi %ne3A_22, %ne3A_26 : vector<128x8xi1>
    %sub3A = arith.constant 1 : i32
    %sub3A_27 = vector.broadcast %sub3A : i32 to vector<128x8xi32>
    %sub3A_28 = arith.subi %div3A_6, %sub3A_27 : vector<128x8xi32>
    %select_n3A = arith.select %and3A, %sub3A_28, %div3A_6 : vector<128x8xi1>, vector<128x8xi32>
    %eq3A = arith.cmpi eq, %select_n3A, %iota3A_5 : vector<128x8xi32>
    %convert_element_type3A = arith.extui %eq3A : vector<128x8xi1> to vector<128x8xi32>
    %convert_element_type3A_29 = arith.sitofp %convert_element_type3A : vector<128x8xi32> to vector<128x8xf32>
    %iota3A_30 = tpu.iota {dimensions = array<i32: 1>} : vector<8x128xi32>
    %iota3A_31 = tpu.iota {dimensions = array<i32: 0>} : vector<8x128xi32>
    %jit3A_32 = arith.constant 16 : i32
    %div3A_33 = vector.broadcast %jit3A_32 : i32 to vector<8x128xi32>
    %div3A_34 = arith.divsi %iota3A_30, %div3A_33 : vector<8x128xi32>
    %sign3A_35 = arith.constant 0 : i32
    %sign3A_36 = vector.broadcast %sign3A_35 : i32 to vector<8x128xi32>
    %sign3A_37 = arith.cmpi sgt, %iota3A_30, %sign3A_36 : vector<8x128xi32>
    %sign3A_38 = arith.extui %sign3A_37 : vector<8x128xi1> to vector<8x128xi32>
    %sign3A_39 = arith.constant 0 : i32
    %sign3A_40 = vector.broadcast %sign3A_39 : i32 to vector<8x128xi32>
    %sign3A_41 = arith.cmpi slt, %iota3A_30, %sign3A_40 : vector<8x128xi32>
    %sign3A_42 = arith.extui %sign3A_41 : vector<8x128xi1> to vector<8x128xi32>
    %sign3A_43 = arith.subi %sign3A_38, %sign3A_42 : vector<8x128xi32>
    %sign3A_44 = arith.constant 0 : i32
    %sign3A_45 = arith.cmpi sgt, %jit3A_32, %sign3A_44 : i32
    %sign3A_46 = arith.extui %sign3A_45 : i1 to i32
    %sign3A_47 = arith.constant 0 : i32
    %sign3A_48 = arith.cmpi slt, %jit3A_32, %sign3A_47 : i32
    %sign3A_49 = arith.extui %sign3A_48 : i1 to i32
    %sign3A_50 = arith.subi %sign3A_46, %sign3A_49 : i32
    %ne3A_51 = vector.broadcast %sign3A_50 : i32 to vector<8x128xi32>
    %ne3A_52 = arith.cmpi ne, %sign3A_43, %ne3A_51 : vector<8x128xi32>
    %rem3A_53 = vector.broadcast %jit3A_32 : i32 to vector<8x128xi32>
    %rem3A_54 = arith.remsi %iota3A_30, %rem3A_53 : vector<8x128xi32>
    %ne3A_55 = arith.constant 0 : i32
    %ne3A_56 = vector.broadcast %ne3A_55 : i32 to vector<8x128xi32>
    %ne3A_57 = arith.cmpi ne, %rem3A_54, %ne3A_56 : vector<8x128xi32>
    %and3A_58 = arith.andi %ne3A_52, %ne3A_57 : vector<8x128xi1>
    %sub3A_59 = arith.constant 1 : i32
    %sub3A_60 = vector.broadcast %sub3A_59 : i32 to vector<8x128xi32>
    %sub3A_61 = arith.subi %div3A_34, %sub3A_60 : vector<8x128xi32>
    %select_n3A_62 = arith.select %and3A_58, %sub3A_61, %div3A_34 : vector<8x128xi1>, vector<8x128xi32>
    %eq3A_63 = arith.cmpi eq, %select_n3A_62, %iota3A_31 : vector<8x128xi32>
    %convert_element_type3A_64 = arith.extui %eq3A_63 : vector<8x128xi1> to vector<8x128xi32>
    %convert_element_type3A_65 = arith.sitofp %convert_element_type3A_64 : vector<8x128xi32> to vector<8x128xf32>
    %broadcast_in_dim3A = arith.constant 1.000000e+00 : f32
    %broadcast_in_dim3A_66 = vector.broadcast %broadcast_in_dim3A : f32 to vector<8x8xf32>
    %reshape3A = vector.shape_cast %get3A_1 : vector<12800x128xf32> to vector<400x32x128xf32>
    %get3A_67 = arith.constant 0 : index
    %get3A_68 = memref.load %arg1[%get3A_67] : memref<1xi32, #tpu.memory_space<smem>>
    %reduce_sum3A = arith.constant dense<0.000000e+00> : vector<400x128xf32>
    %reduce_sum3A_69 = vector.multi_reduction <add>, %reshape3A, %reduce_sum3A [1] : vector<400x32x128xf32> to vector<400x128xf32>
    %mul3A = arith.constant 1.250000e-01 : f32
    %mul3A_70 = vector.broadcast %mul3A : f32 to vector<400x128xf32>
    %mul3A_71 = arith.mulf %reduce_sum3A_69, %mul3A_70 : vector<400x128xf32>
    %add3A = arith.addf %mul3A_71, %get3A_4 : vector<400x128xf32>
    %gt3A = arith.constant 0 : i32
    %gt3A_72 = arith.cmpi sgt, %get3A_68, %gt3A : i32
    %broadcast_in_dim3A_73 = arith.constant 0.000000e+00 : f32
    %broadcast_in_dim3A_74 = vector.broadcast %broadcast_in_dim3A_73 : f32 to vector<400x128xf32>
    %select_n3A_75 = arith.select %gt3A_72, %add3A, %broadcast_in_dim3A_74 : vector<400x128xf32>
    %while3A = arith.constant 1 : i32
    %while3A_76 = arith.subi %get3A_68, %while3A : i32
    %while3A_77 = arith.addi %while3A, %while3A_76 : i32
    %while3A_78 = arith.constant 1 : i32
    %while3A_79 = arith.divsi %while3A_76, %while3A_78 : i32
    %while3A_80 = arith.muli %while3A_79, %while3A_78 : i32
    %while3A_81 = arith.addi %while3A, %while3A_80 : i32
    %while3A_82 = arith.constant 1 : i32
    %while3A_83 = scf.for %while3A_88 = %while3A to %while3A_81 step %while3A_82 iter_args(%while3A_89 = %select_n3A_75) -> (vector<400x128xf32>)  : i32 {
      %mul3A_90 = arith.mulf %while3A_89, %while3A_89 : vector<400x128xf32>
      %dot_general3A = arith.constant dense<0.000000e+00> : vector<400x8xf32>
      %dot_general3A_91 = tpu.matmul %mul3A_90, %convert_element_type3A_29, %dot_general3A {dimension_numbers = #tpu.dot_dimension_numbers<[1], [0], [0], [1], [0, 0, 1, 1], [], []>, transpose_lhs_hint = false} : vector<400x128xf32>, vector<128x8xf32>, vector<400x8xf32> -> vector<400x8xf32>
      %sqrt3A = math.sqrt %dot_general3A_91 : vector<400x8xf32>
      %max3A = arith.constant 9.99999996E-13 : f32
      %max3A_92 = vector.broadcast %max3A : f32 to vector<400x8xf32>
      %max3A_93 = arith.maximumf %sqrt3A, %max3A_92 : vector<400x8xf32>
      %div3A_94 = arith.constant 1.000000e+00 : f32
      %div3A_95 = vector.broadcast %div3A_94 : f32 to vector<400x8xf32>
      %div3A_96 = arith.divf %div3A_95, %max3A_93 : vector<400x8xf32>
      %dot_general3A_97 = arith.constant dense<0.000000e+00> : vector<400x128xf32>
      %dot_general3A_98 = tpu.matmul %div3A_96, %convert_element_type3A_65, %dot_general3A_97 {dimension_numbers = #tpu.dot_dimension_numbers<[1], [0], [0], [1], [0, 0, 1, 1], [], []>, transpose_lhs_hint = false} : vector<400x8xf32>, vector<8x128xf32>, vector<400x128xf32> -> vector<400x128xf32>
      %mul3A_99 = arith.mulf %while3A_89, %dot_general3A_98 : vector<400x128xf32>
      %reshape3A_100 = vector.shape_cast %mul3A_99 : vector<400x128xf32> to vector<400x1x128xf32>
      %mul3A_101 = vector.broadcast %reshape3A_100 : vector<400x1x128xf32> to vector<400x32x128xf32>
      %mul3A_102 = arith.mulf %reshape3A, %mul3A_101 : vector<400x32x128xf32>
      %reshape3A_103 = vector.shape_cast %mul3A_102 : vector<400x32x128xf32> to vector<12800x128xf32>
      %dot_general3A_104 = arith.constant dense<0.000000e+00> : vector<12800x8xf32>
      %dot_general3A_105 = tpu.matmul %reshape3A_103, %convert_element_type3A_29, %dot_general3A_104 {dimension_numbers = #tpu.dot_dimension_numbers<[1], [0], [0], [1], [0, 0, 1, 1], [], []>, transpose_lhs_hint = false} : vector<12800x128xf32>, vector<128x8xf32>, vector<12800x8xf32> -> vector<12800x8xf32>
      %exp3A = math.exp %dot_general3A_105 : vector<12800x8xf32>
      %dot_general3A_106 = arith.constant dense<0.000000e+00> : vector<12800x8xf32>
      %dot_general3A_107 = tpu.matmul %exp3A, %broadcast_in_dim3A_66, %dot_general3A_106 {dimension_numbers = #tpu.dot_dimension_numbers<[1], [0], [0], [1], [0, 0, 1, 1], [], []>, transpose_lhs_hint = false} : vector<12800x8xf32>, vector<8x8xf32>, vector<12800x8xf32> -> vector<12800x8xf32>
      %div3A_108 = arith.divf %exp3A, %dot_general3A_107 : vector<12800x8xf32>
      %dot_general3A_109 = arith.constant dense<0.000000e+00> : vector<12800x128xf32>
      %dot_general3A_110 = tpu.matmul %div3A_108, %convert_element_type3A_65, %dot_general3A_109 {dimension_numbers = #tpu.dot_dimension_numbers<[1], [0], [0], [1], [0, 0, 1, 1], [], []>, transpose_lhs_hint = false} : vector<12800x8xf32>, vector<8x128xf32>, vector<12800x128xf32> -> vector<12800x128xf32>
      %mul3A_111 = arith.mulf %get3A_1, %dot_general3A_110 : vector<12800x128xf32>
      %reshape3A_112 = vector.shape_cast %mul3A_111 : vector<12800x128xf32> to vector<400x32x128xf32>
      %reduce_sum3A_113 = arith.constant dense<0.000000e+00> : vector<400x128xf32>
      %reduce_sum3A_114 = vector.multi_reduction <add>, %reshape3A_112, %reduce_sum3A_113 [1] : vector<400x32x128xf32> to vector<400x128xf32>
      %add3A_115 = arith.addf %reduce_sum3A_114, %get3A_4 : vector<400x128xf32>
      scf.yield %add3A_115 : vector<400x128xf32>
    }
    %while3A_84 = arith.constant 1 : i32
    %while3A_85 = scf.for %while3A_88 = %while3A_81 to %while3A_77 step %while3A_84 iter_args(%while3A_89 = %while3A_83) -> (vector<400x128xf32>)  : i32 {
      %mul3A_90 = arith.mulf %while3A_89, %while3A_89 : vector<400x128xf32>
      %dot_general3A = arith.constant dense<0.000000e+00> : vector<400x8xf32>
      %dot_general3A_91 = tpu.matmul %mul3A_90, %convert_element_type3A_29, %dot_general3A {dimension_numbers = #tpu.dot_dimension_numbers<[1], [0], [0], [1], [0, 0, 1, 1], [], []>, transpose_lhs_hint = false} : vector<400x128xf32>, vector<128x8xf32>, vector<400x8xf32> -> vector<400x8xf32>
      %sqrt3A = math.sqrt %dot_general3A_91 : vector<400x8xf32>
      %max3A = arith.constant 9.99999996E-13 : f32
      %max3A_92 = vector.broadcast %max3A : f32 to vector<400x8xf32>
      %max3A_93 = arith.maximumf %sqrt3A, %max3A_92 : vector<400x8xf32>
      %div3A_94 = arith.constant 1.000000e+00 : f32
      %div3A_95 = vector.broadcast %div3A_94 : f32 to vector<400x8xf32>
      %div3A_96 = arith.divf %div3A_95, %max3A_93 : vector<400x8xf32>
      %dot_general3A_97 = arith.constant dense<0.000000e+00> : vector<400x128xf32>
      %dot_general3A_98 = tpu.matmul %div3A_96, %convert_element_type3A_65, %dot_general3A_97 {dimension_numbers = #tpu.dot_dimension_numbers<[1], [0], [0], [1], [0, 0, 1, 1], [], []>, transpose_lhs_hint = false} : vector<400x8xf32>, vector<8x128xf32>, vector<400x128xf32> -> vector<400x128xf32>
      %mul3A_99 = arith.mulf %while3A_89, %dot_general3A_98 : vector<400x128xf32>
      %reshape3A_100 = vector.shape_cast %mul3A_99 : vector<400x128xf32> to vector<400x1x128xf32>
      %mul3A_101 = vector.broadcast %reshape3A_100 : vector<400x1x128xf32> to vector<400x32x128xf32>
      %mul3A_102 = arith.mulf %reshape3A, %mul3A_101 : vector<400x32x128xf32>
      %reshape3A_103 = vector.shape_cast %mul3A_102 : vector<400x32x128xf32> to vector<12800x128xf32>
      %dot_general3A_104 = arith.constant dense<0.000000e+00> : vector<12800x8xf32>
      %dot_general3A_105 = tpu.matmul %reshape3A_103, %convert_element_type3A_29, %dot_general3A_104 {dimension_numbers = #tpu.dot_dimension_numbers<[1], [0], [0], [1], [0, 0, 1, 1], [], []>, transpose_lhs_hint = false} : vector<12800x128xf32>, vector<128x8xf32>, vector<12800x8xf32> -> vector<12800x8xf32>
      %exp3A = math.exp %dot_general3A_105 : vector<12800x8xf32>
      %dot_general3A_106 = arith.constant dense<0.000000e+00> : vector<12800x8xf32>
      %dot_general3A_107 = tpu.matmul %exp3A, %broadcast_in_dim3A_66, %dot_general3A_106 {dimension_numbers = #tpu.dot_dimension_numbers<[1], [0], [0], [1], [0, 0, 1, 1], [], []>, transpose_lhs_hint = false} : vector<12800x8xf32>, vector<8x8xf32>, vector<12800x8xf32> -> vector<12800x8xf32>
      %div3A_108 = arith.divf %exp3A, %dot_general3A_107 : vector<12800x8xf32>
      %dot_general3A_109 = arith.constant dense<0.000000e+00> : vector<12800x128xf32>
      %dot_general3A_110 = tpu.matmul %div3A_108, %convert_element_type3A_65, %dot_general3A_109 {dimension_numbers = #tpu.dot_dimension_numbers<[1], [0], [0], [1], [0, 0, 1, 1], [], []>, transpose_lhs_hint = false} : vector<12800x8xf32>, vector<8x128xf32>, vector<12800x128xf32> -> vector<12800x128xf32>
      %mul3A_111 = arith.mulf %get3A_1, %dot_general3A_110 : vector<12800x128xf32>
      %reshape3A_112 = vector.shape_cast %mul3A_111 : vector<12800x128xf32> to vector<400x32x128xf32>
      %reduce_sum3A_113 = arith.constant dense<0.000000e+00> : vector<400x128xf32>
      %reduce_sum3A_114 = vector.multi_reduction <add>, %reshape3A_112, %reduce_sum3A_113 [1] : vector<400x32x128xf32> to vector<400x128xf32>
      %add3A_115 = arith.addf %reduce_sum3A_114, %get3A_4 : vector<400x128xf32>
      scf.yield %add3A_115 : vector<400x128xf32>
    }
    %swap3A = arith.constant 0 : index
    %swap3A_86 = arith.constant 0 : index
    %swap3A_87 = vector.load %arg4[%swap3A, %swap3A_86] : memref<400x128xf32, #tpu.memory_space<vmem>>, vector<400x128xf32>
    tpu.vector_store %arg4[%swap3A, %swap3A_86], %while3A_85 {strides = array<i32>} : memref<400x128xf32, #tpu.memory_space<vmem>>, vector<400x128xf32>,
    return
  }
  func.func @transform_0(%arg0: i32) -> i32 {
    %c0_i32 = arith.constant 0 : i32
    %c0_i32_0 = arith.constant 0 : i32
    return %c0_i32 : i32
  }
  func.func @transform_1(%arg0: i32) -> (i32, i32) {
    %c0_i32 = arith.constant 0 : i32
    %c0_i32_0 = arith.constant 0 : i32
    return %arg0, %c0_i32 : i32, i32
  }
  func.func @transform_2(%arg0: i32) -> (i32, i32) {
    %add3A = arith.constant 0 : i32
    %add3A_0 = arith.addi %add3A, %arg0 : i32
    %c0_i32 = arith.constant 0 : i32
    %c0_i32_1 = arith.constant 0 : i32
    return %add3A_0, %c0_i32 : i32, i32
  }
  func.func @transform_3(%arg0: i32) -> (i32, i32) {
    %c0_i32 = arith.constant 0 : i32
    %c0_i32_0 = arith.constant 0 : i32
    return %arg0, %c0_i32 : i32, i32
  }
}

module attributes {stable_mosaic.version = 14 : i64} {
  func.func @_routing_body(%arg0: i32, %arg1: memref<1xi32, #tpu.memory_space<smem>>, %arg2: memref<12800x128xf32, #tpu.memory_space<vmem>>, %arg3: memref<400x128xf32, #tpu.memory_space<vmem>>, %arg4: memref<400x128xf32, #tpu.memory_space<vmem>>) attributes {dimension_semantics = [#tpu.dimension_semantics<arbitrary>], iteration_bounds = array<i64: 5>, scalar_prefetch = 0 : i64, scratch_operands = 0 : i64, tpu.core_type = #tpu.core_type<tc>, window_params = [{transform_indices = @transform_0, window_bounds = array<i64: 1>}, {transform_indices = @transform_1, window_bounds = array<i64: 12800, 128>}, {transform_indices = @transform_2, window_bounds = array<i64: 400, 128>}, {transform_indices = @transform_3, window_bounds = array<i64: 400, 128>}]} {
    %get3A = arith.constant 0 : index
    %get3A_0 = arith.constant 0 : index
    %get3A_1 = vector.load %arg2[%get3A, %get3A_0] : memref<12800x128xf32, #tpu.memory_space<vmem>>, vector<12800x128xf32>
    %get3A_2 = arith.constant 0 : index
    %get3A_3 = arith.constant 0 : index
    %get3A_4 = vector.load %arg3[%get3A_2, %get3A_3] : memref<400x128xf32, #tpu.memory_space<vmem>>, vector<400x128xf32>
    %iota3A = tpu.iota {dimensions = array<i32: 0>} : vector<128x8xi32>
    %iota3A_5 = tpu.iota {dimensions = array<i32: 1>} : vector<128x8xi32>
    %jit3A = arith.constant 16 : i32
    %div3A = vector.broadcast %jit3A : i32 to vector<128x8xi32>
    %div3A_6 = arith.divsi %iota3A, %div3A : vector<128x8xi32>
    %sign3A = arith.constant 0 : i32
    %sign3A_7 = vector.broadcast %sign3A : i32 to vector<128x8xi32>
    %sign3A_8 = arith.cmpi sgt, %iota3A, %sign3A_7 : vector<128x8xi32>
    %sign3A_9 = arith.extui %sign3A_8 : vector<128x8xi1> to vector<128x8xi32>
    %sign3A_10 = arith.constant 0 : i32
    %sign3A_11 = vector.broadcast %sign3A_10 : i32 to vector<128x8xi32>
    %sign3A_12 = arith.cmpi slt, %iota3A, %sign3A_11 : vector<128x8xi32>
    %sign3A_13 = arith.extui %sign3A_12 : vector<128x8xi1> to vector<128x8xi32>
    %sign3A_14 = arith.subi %sign3A_9, %sign3A_13 : vector<128x8xi32>
    %sign3A_15 = arith.constant 0 : i32
    %sign3A_16 = arith.cmpi sgt, %jit3A, %sign3A_15 : i32
    %sign3A_17 = arith.extui %sign3A_16 : i1 to i32
    %sign3A_18 = arith.constant 0 : i32
    %sign3A_19 = arith.cmpi slt, %jit3A, %sign3A_18 : i32
    %sign3A_20 = arith.extui %sign3A_19 : i1 to i32
    %sign3A_21 = arith.subi %sign3A_17, %sign3A_20 : i32
    %ne3A = vector.broadcast %sign3A_21 : i32 to vector<128x8xi32>
    %ne3A_22 = arith.cmpi ne, %sign3A_14, %ne3A : vector<128x8xi32>
    %rem3A = vector.broadcast %jit3A : i32 to vector<128x8xi32>
    %rem3A_23 = arith.remsi %iota3A, %rem3A : vector<128x8xi32>
    %ne3A_24 = arith.constant 0 : i32
    %ne3A_25 = vector.broadcast %ne3A_24 : i32 to vector<128x8xi32>
    %ne3A_26 = arith.cmpi ne, %rem3A_23, %ne3A_25 : vector<128x8xi32>
    %and3A = arith.andi %ne3A_22, %ne3A_26 : vector<128x8xi1>
    %sub3A = arith.constant 1 : i32
    %sub3A_27 = vector.broadcast %sub3A : i32 to vector<128x8xi32>
    %sub3A_28 = arith.subi %div3A_6, %sub3A_27 : vector<128x8xi32>
    %select_n3A = arith.select %and3A, %sub3A_28, %div3A_6 : vector<128x8xi1>, vector<128x8xi32>
    %eq3A = arith.cmpi eq, %select_n3A, %iota3A_5 : vector<128x8xi32>
    %convert_element_type3A = arith.extui %eq3A : vector<128x8xi1> to vector<128x8xi32>
    %convert_element_type3A_29 = arith.sitofp %convert_element_type3A : vector<128x8xi32> to vector<128x8xf32>
    %iota3A_30 = tpu.iota {dimensions = array<i32: 1>} : vector<8x128xi32>
    %iota3A_31 = tpu.iota {dimensions = array<i32: 0>} : vector<8x128xi32>
    %jit3A_32 = arith.constant 16 : i32
    %div3A_33 = vector.broadcast %jit3A_32 : i32 to vector<8x128xi32>
    %div3A_34 = arith.divsi %iota3A_30, %div3A_33 : vector<8x128xi32>
    %sign3A_35 = arith.constant 0 : i32
    %sign3A_36 = vector.broadcast %sign3A_35 : i32 to vector<8x128xi32>
    %sign3A_37 = arith.cmpi sgt, %iota3A_30, %sign3A_36 : vector<8x128xi32>
    %sign3A_38 = arith.extui %sign3A_37 : vector<8x128xi1> to vector<8x128xi32>
    %sign3A_39 = arith.constant 0 : i32
    %sign3A_40 = vector.broadcast %sign3A_39 : i32 to vector<8x128xi32>
    %sign3A_41 = arith.cmpi slt, %iota3A_30, %sign3A_40 : vector<8x128xi32>
    %sign3A_42 = arith.extui %sign3A_41 : vector<8x128xi1> to vector<8x128xi32>
    %sign3A_43 = arith.subi %sign3A_38, %sign3A_42 : vector<8x128xi32>
    %sign3A_44 = arith.constant 0 : i32
    %sign3A_45 = arith.cmpi sgt, %jit3A_32, %sign3A_44 : i32
    %sign3A_46 = arith.extui %sign3A_45 : i1 to i32
    %sign3A_47 = arith.constant 0 : i32
    %sign3A_48 = arith.cmpi slt, %jit3A_32, %sign3A_47 : i32
    %sign3A_49 = arith.extui %sign3A_48 : i1 to i32
    %sign3A_50 = arith.subi %sign3A_46, %sign3A_49 : i32
    %ne3A_51 = vector.broadcast %sign3A_50 : i32 to vector<8x128xi32>
    %ne3A_52 = arith.cmpi ne, %sign3A_43, %ne3A_51 : vector<8x128xi32>
    %rem3A_53 = vector.broadcast %jit3A_32 : i32 to vector<8x128xi32>
    %rem3A_54 = arith.remsi %iota3A_30, %rem3A_53 : vector<8x128xi32>
    %ne3A_55 = arith.constant 0 : i32
    %ne3A_56 = vector.broadcast %ne3A_55 : i32 to vector<8x128xi32>
    %ne3A_57 = arith.cmpi ne, %rem3A_54, %ne3A_56 : vector<8x128xi32>
    %and3A_58 = arith.andi %ne3A_52, %ne3A_57 : vector<8x128xi1>
    %sub3A_59 = arith.constant 1 : i32
    %sub3A_60 = vector.broadcast %sub3A_59 : i32 to vector<8x128xi32>
    %sub3A_61 = arith.subi %div3A_34, %sub3A_60 : vector<8x128xi32>
    %select_n3A_62 = arith.select %and3A_58, %sub3A_61, %div3A_34 : vector<8x128xi1>, vector<8x128xi32>
    %eq3A_63 = arith.cmpi eq, %select_n3A_62, %iota3A_31 : vector<8x128xi32>
    %convert_element_type3A_64 = arith.extui %eq3A_63 : vector<8x128xi1> to vector<8x128xi32>
    %convert_element_type3A_65 = arith.sitofp %convert_element_type3A_64 : vector<8x128xi32> to vector<8x128xf32>
    %broadcast_in_dim3A = arith.constant 1.000000e+00 : f32
    %broadcast_in_dim3A_66 = vector.broadcast %broadcast_in_dim3A : f32 to vector<8x8xf32>
    %reshape3A = vector.shape_cast %get3A_1 : vector<12800x128xf32> to vector<400x32x128xf32>
    %get3A_67 = arith.constant 0 : index
    %get3A_68 = memref.load %arg1[%get3A_67] : memref<1xi32, #tpu.memory_space<smem>>
    %reduce_sum3A = arith.constant dense<0.000000e+00> : vector<400x128xf32>
    %reduce_sum3A_69 = vector.multi_reduction <add>, %reshape3A, %reduce_sum3A [1] : vector<400x32x128xf32> to vector<400x128xf32>
    %mul3A = arith.constant 1.250000e-01 : f32
    %mul3A_70 = vector.broadcast %mul3A : f32 to vector<400x128xf32>
    %mul3A_71 = arith.mulf %reduce_sum3A_69, %mul3A_70 : vector<400x128xf32>
    %add3A = arith.addf %mul3A_71, %get3A_4 : vector<400x128xf32>
    %gt3A = arith.constant 0 : i32
    %gt3A_72 = arith.cmpi sgt, %get3A_68, %gt3A : i32
    %broadcast_in_dim3A_73 = arith.constant 0.000000e+00 : f32
    %broadcast_in_dim3A_74 = vector.broadcast %broadcast_in_dim3A_73 : f32 to vector<400x128xf32>
    %select_n3A_75 = arith.select %gt3A_72, %add3A, %broadcast_in_dim3A_74 : vector<400x128xf32>
    %while3A = arith.constant 1 : i32
    %while3A_76 = arith.subi %get3A_68, %while3A : i32
    %while3A_77 = arith.addi %while3A, %while3A_76 : i32
    %while3A_78 = arith.constant 1 : i32
    %while3A_79 = arith.divsi %while3A_76, %while3A_78 : i32
    %while3A_80 = arith.muli %while3A_79, %while3A_78 : i32
    %while3A_81 = arith.addi %while3A, %while3A_80 : i32
    %while3A_82 = arith.constant 1 : i32
    %while3A_83 = scf.for %while3A_88 = %while3A to %while3A_81 step %while3A_82 iter_args(%while3A_89 = %select_n3A_75) -> (vector<400x128xf32>)  : i32 {
      %mul3A_90 = arith.mulf %while3A_89, %while3A_89 : vector<400x128xf32>
      %dot_general3A = arith.constant dense<0.000000e+00> : vector<400x8xf32>
      %dot_general3A_91 = tpu.matmul %mul3A_90, %convert_element_type3A_29, %dot_general3A {dimension_numbers = #tpu.dot_dimension_numbers<[1], [0], [0], [1], [0, 0, 1, 1], [], []>, transpose_lhs_hint = false} : vector<400x128xf32>, vector<128x8xf32>, vector<400x8xf32> -> vector<400x8xf32>
      %sqrt3A = math.sqrt %dot_general3A_91 : vector<400x8xf32>
      %max3A = arith.constant 9.99999996E-13 : f32
      %max3A_92 = vector.broadcast %max3A : f32 to vector<400x8xf32>
      %max3A_93 = arith.maximumf %sqrt3A, %max3A_92 : vector<400x8xf32>
      %div3A_94 = arith.constant 1.000000e+00 : f32
      %div3A_95 = vector.broadcast %div3A_94 : f32 to vector<400x8xf32>
      %div3A_96 = arith.divf %div3A_95, %max3A_93 : vector<400x8xf32>
      %dot_general3A_97 = arith.constant dense<0.000000e+00> : vector<400x128xf32>
      %dot_general3A_98 = tpu.matmul %div3A_96, %convert_element_type3A_65, %dot_general3A_97 {dimension_numbers = #tpu.dot_dimension_numbers<[1], [0], [0], [1], [0, 0, 1, 1], [], []>, transpose_lhs_hint = false} : vector<400x8xf32>, vector<8x128xf32>, vector<400x128xf32> -> vector<400x128xf32>
      %mul3A_99 = arith.mulf %while3A_89, %dot_general3A_98 : vector<400x128xf32>
      %reshape3A_100 = vector.shape_cast %mul3A_99 : vector<400x128xf32> to vector<400x1x128xf32>
      %mul3A_101 = vector.broadcast %reshape3A_100 : vector<400x1x128xf32> to vector<400x32x128xf32>
      %mul3A_102 = arith.mulf %reshape3A, %mul3A_101 : vector<400x32x128xf32>
      %reshape3A_103 = vector.shape_cast %mul3A_102 : vector<400x32x128xf32> to vector<12800x128xf32>
      %dot_general3A_104 = arith.constant dense<0.000000e+00> : vector<12800x8xf32>
      %dot_general3A_105 = tpu.matmul %reshape3A_103, %convert_element_type3A_29, %dot_general3A_104 {dimension_numbers = #tpu.dot_dimension_numbers<[1], [0], [0], [1], [0, 0, 1, 1], [], []>, transpose_lhs_hint = false} : vector<12800x128xf32>, vector<128x8xf32>, vector<12800x8xf32> -> vector<12800x8xf32>
      %exp3A = math.exp %dot_general3A_105 : vector<12800x8xf32>
      %dot_general3A_106 = arith.constant dense<0.000000e+00> : vector<12800x8xf32>
      %dot_general3A_107 = tpu.matmul %exp3A, %broadcast_in_dim3A_66, %dot_general3A_106 {dimension_numbers = #tpu.dot_dimension_numbers<[1], [0], [0], [1], [0, 0, 1, 1], [], []>, transpose_lhs_hint = false} : vector<12800x8xf32>, vector<8x8xf32>, vector<12800x8xf32> -> vector<12800x8xf32>
      %div3A_108 = arith.divf %exp3A, %dot_general3A_107 : vector<12800x8xf32>
      %dot_general3A_109 = arith.constant dense<0.000000e+00> : vector<12800x128xf32>
      %dot_general3A_110 = tpu.matmul %div3A_108, %convert_element_type3A_65, %dot_general3A_109 {dimension_numbers = #tpu.dot_dimension_numbers<[1], [0], [0], [1], [0, 0, 1, 1], [], []>, transpose_lhs_hint = false} : vector<12800x8xf32>, vector<8x128xf32>, vector<12800x128xf32> -> vector<12800x128xf32>
      %mul3A_111 = arith.mulf %get3A_1, %dot_general3A_110 : vector<12800x128xf32>
      %reshape3A_112 = vector.shape_cast %mul3A_111 : vector<12800x128xf32> to vector<400x32x128xf32>
      %reduce_sum3A_113 = arith.constant dense<0.000000e+00> : vector<400x128xf32>
      %reduce_sum3A_114 = vector.multi_reduction <add>, %reshape3A_112, %reduce_sum3A_113 [1] : vector<400x32x128xf32> to vector<400x128xf32>
      %add3A_115 = arith.addf %reduce_sum3A_114, %get3A_4 : vector<400x128xf32>
      scf.yield %add3A_115 : vector<400x128xf32>
    }
    %while3A_84 = arith.constant 1 : i32
    %while3A_85 = scf.for %while3A_88 = %while3A_81 to %while3A_77 step %while3A_84 iter_args(%while3A_89 = %while3A_83) -> (vector<400x128xf32>)  : i32 {
      %mul3A_90 = arith.mulf %while3A_89, %while3A_89 : vector<400x128xf32>
      %dot_general3A = arith.constant dense<0.000000e+00> : vector<400x8xf32>
      %dot_general3A_91 = tpu.matmul %mul3A_90, %convert_element_type3A_29, %dot_general3A {dimension_numbers = #tpu.dot_dimension_numbers<[1], [0], [0], [1], [0, 0, 1, 1], [], []>, transpose_lhs_hint = false} : vector<400x128xf32>, vector<128x8xf32>, vector<400x8xf32> -> vector<400x8xf32>
      %sqrt3A = math.sqrt %dot_general3A_91 : vector<400x8xf32>
      %max3A = arith.constant 9.99999996E-13 : f32
      %max3A_92 = vector.broadcast %max3A : f32 to vector<400x8xf32>
      %max3A_93 = arith.maximumf %sqrt3A, %max3A_92 : vector<400x8xf32>
      %div3A_94 = arith.constant 1.000000e+00 : f32
      %div3A_95 = vector.broadcast %div3A_94 : f32 to vector<400x8xf32>
      %div3A_96 = arith.divf %div3A_95, %max3A_93 : vector<400x8xf32>
      %dot_general3A_97 = arith.constant dense<0.000000e+00> : vector<400x128xf32>
      %dot_general3A_98 = tpu.matmul %div3A_96, %convert_element_type3A_65, %dot_general3A_97 {dimension_numbers = #tpu.dot_dimension_numbers<[1], [0], [0], [1], [0, 0, 1, 1], [], []>, transpose_lhs_hint = false} : vector<400x8xf32>, vector<8x128xf32>, vector<400x128xf32> -> vector<400x128xf32>
      %mul3A_99 = arith.mulf %while3A_89, %dot_general3A_98 : vector<400x128xf32>
      %reshape3A_100 = vector.shape_cast %mul3A_99 : vector<400x128xf32> to vector<400x1x128xf32>
      %mul3A_101 = vector.broadcast %reshape3A_100 : vector<400x1x128xf32> to vector<400x32x128xf32>
      %mul3A_102 = arith.mulf %reshape3A, %mul3A_101 : vector<400x32x128xf32>
      %reshape3A_103 = vector.shape_cast %mul3A_102 : vector<400x32x128xf32> to vector<12800x128xf32>
      %dot_general3A_104 = arith.constant dense<0.000000e+00> : vector<12800x8xf32>
      %dot_general3A_105 = tpu.matmul %reshape3A_103, %convert_element_type3A_29, %dot_general3A_104 {dimension_numbers = #tpu.dot_dimension_numbers<[1], [0], [0], [1], [0, 0, 1, 1], [], []>, transpose_lhs_hint = false} : vector<12800x128xf32>, vector<128x8xf32>, vector<12800x8xf32> -> vector<12800x8xf32>
      %exp3A = math.exp %dot_general3A_105 : vector<12800x8xf32>
      %dot_general3A_106 = arith.constant dense<0.000000e+00> : vector<12800x8xf32>
      %dot_general3A_107 = tpu.matmul %exp3A, %broadcast_in_dim3A_66, %dot_general3A_106 {dimension_numbers = #tpu.dot_dimension_numbers<[1], [0], [0], [1], [0, 0, 1, 1], [], []>, transpose_lhs_hint = false} : vector<12800x8xf32>, vector<8x8xf32>, vector<12800x8xf32> -> vector<12800x8xf32>
      %div3A_108 = arith.divf %exp3A, %dot_general3A_107 : vector<12800x8xf32>
      %dot_general3A_109 = arith.constant dense<0.000000e+00> : vector<12800x128xf32>
      %dot_general3A_110 = tpu.matmul %div3A_108, %convert_element_type3A_65, %dot_general3A_109 {dimension_numbers = #tpu.dot_dimension_numbers<[1], [0], [0], [1], [0, 0, 1, 1], [], []>, transpose_lhs_hint = false} : vector<12800x8xf32>, vector<8x128xf32>, vector<12800x128xf32> -> vector<12800x128xf32>
      %mul3A_111 = arith.mulf %get3A_1, %dot_general3A_110 : vector<12800x128xf32>
      %reshape3A_112 = vector.shape_cast %mul3A_111 : vector<12800x128xf32> to vector<400x32x128xf32>
      %reduce_sum3A_113 = arith.constant dense<0.000000e+00> : vector<400x128xf32>
      %reduce_sum3A_114 = vector.multi_reduction <add>, %reshape3A_112, %reduce_sum3A_113 [1] : vector<400x32x128xf32> to vector<400x128xf32>
      %add3A_115 = arith.addf %reduce_sum3A_114, %get3A_4 : vector<400x128xf32>
      scf.yield %add3A_115 : vector<400x128xf32>
    }
    %swap3A = arith.constant 0 : index
    %swap3A_86 = arith.constant 0 : index
    %swap3A_87 = vector.load %arg4[%swap3A, %swap3A_86] : memref<400x128xf32, #tpu.memory_space<vmem>>, vector<400x128xf32>
    tpu.vector_store %arg4[%swap3A, %swap3A_86], %while3A_85 {strides = array<i32>} : memref<400x128xf32, #tpu.memory_space<vmem>>, vector<400x128xf32>,
    return
  }
  func.func @transform_0(%arg0: i32) -> i32 {
    %c0_i32 = arith.constant 0 : i32
    %c0_i32_0 = arith.constant 0 : i32
    return %c0_i32 : i32
  }
  func.func @transform_1(%arg0: i32) -> (i32, i32) {
    %c0_i32 = arith.constant 0 : i32
    %c0_i32_0 = arith.constant 0 : i32
    return %arg0, %c0_i32 : i32, i32
  }
  func.func @transform_2(%arg0: i32) -> (i32, i32) {
    %add3A = arith.constant 20 : i32
    %add3A_0 = arith.addi %add3A, %arg0 : i32
    %c0_i32 = arith.constant 0 : i32
    %c0_i32_1 = arith.constant 0 : i32
    return %add3A_0, %c0_i32 : i32, i32
  }
  func.func @transform_3(%arg0: i32) -> (i32, i32) {
    %c0_i32 = arith.constant 0 : i32
    %c0_i32_0 = arith.constant 0 : i32
    return %arg0, %c0_i32 : i32, i32
  }
}

</mosaic_0001>

<sc_bundles>
// kernel: kernel.13.cloned.1.call-start
scs
__scs_entry_jumppad:
0x0: {  	(pc) =	sbr.rel $0x88, $3  }
0x1: {  	(tag) =	ssettag $0x0;
	lr =	simm.s32 $0x1  }
0x2: {  	[smem:$0x3F9E] =	sst lr;
	_ =	strace $0xD0000000  }
0x3: {  	_ = 	snop  }
0x4: {  	_ = 	snop  }
0x5: {  	_ = 	snop  }
0x6: {  	_ = 	snop  }
0x7: {  	_ = 	snop  }
__scs_overlays_trampoline_lowered:
0x8: {  	[smem:$0x3FAD] =	sst s0  }
0x9: {  	[smem:$0x3FAE] =	sst s1  }
0xa: {  	[smem:$0x3FAF] =	sst s2  }
0xb: {  	[smem:$0x3FB0] =	sst s3  }
0xc: {  	[smem:$0x3FB1] =	sst s4  }
0xd: {  	[smem:$0x3FB2] =	sst s5  }
0xe: {  	[smem:$0x3FB3] =	sst s6  }
0xf: {  	[smem:$0x3FB4] =	sst s7  }
0x10: {  	[smem:$0x3FB5] =	sst s8  }
0x11: {  	[smem:$0x3FB6] =	sst s9;
	s0 =	simm.s32 @!p0 $0x0  }
0x12: {  	s1 =	sld [smem:$0x3F9C];
	s0 =	simm.s32 @p0 $0x1  }
0x13: {  	[smem:$0x3FB7] =	sst s0;
	s0 =	simm.s32 @!p1 $0x0  }
0x14: {  	s2 =	sld [smem:$0x3F9B];
	s0 =	simm.s32 @p1 $0x1  }
0x15: {  	[smem:$0x3FB8] =	sst s0;
	s0 =	simm.s32 @!p2 $0x0  }
0x16: {  	s3 =	sld [smem:$0x3FDB];
	s0 =	simm.s32 @p2 $0x1  }
0x17: {  	s4 =	simm.s32 $0x1BF5;
	[smem:$0x3FBA] =	sst s0  }
0x18: {  	s0 =	sld [smem:$0x3F9D];
	_ =	swait.ge [sflag:s4], $0x0  }
0x19: {  	s7 =	sld [smem:$0x3F9E]  }
0x1a: {  	s8 =	sadd.s32 $0xFFFFE003, lr  }
0x1b: {  	s9 =	sadd.s32 $0xFFFFFEF7, lr;
	s5 =	simm.s32 $0xFFFFFFFF;
	p2 =	slt.u32 s8, $0xFFFFF086  }
0x1c: {  	p1 =	slt.u32 s9, $0xF7A;
	s5 =	simm.s32 @!p2 $0x0  }
0x1d: {  	s5 =	simm.s32 @p1 $0x1;
	p0 =	seq.s32 s7, s2  }
0x1e: {  	s7 =	smul.u32 @!p0 $0xF7A, s2;
	p2 =	seq.s32 @!p0 s5, $0x0  }
0x1f: {  	s9 =	smul.u32 $0xF7A, s1;
	s8 =	simm.s32 @!p0 $0x1BF5;
	p2 =	por !p2, p0  }
0x20: {  	[sflag:s8] =	ssyncset.s32 @!p0 $0xFFFFF086;
	s6 =	sadd.s32 @!p0 s3, s7;
	s7 =	simm.s32 @!p0 $0x108  }
0x21: {  	s3 =	sadd.s32 s3, s9;
	s6 =	sadd.s32 @!p0 $0x88, s6;
	s7 =	simm.s32 @p2 $0x1082  }
0x22: {  	[simem:s7], [sflag:s8] =	dma.local @!p0 [hbm:s6], $0xF7A  }
0x23: {  	s9 =	sor.u32 $0xD0000000, s2;
	s6 =	simm.s32 $0x108;
	_ =	swait.ge @!p0 [sflag:s8], $0x0  }
0x24: {  	s3 =	sadd.s32 $0x88, s3;
	s6 =	simm.s32 @!p1 $0x1082;
	[sflag:s4] =	ssyncset.s32 $0xFFFFF086  }
0x25: {  	[simem:s6], [sflag:s4] =	dma.local [hbm:s3], $0xF7A  }
0x26: {  	[smem:$0x3F9E] =	sst s1;
	(tag) =	ssettag s2;
	_ =	strace s9  }
0x27: {  	s1 =	sld [smem:$0x3FAE]  }
0x28: {  	s2 =	sld [smem:$0x3FAF]  }
0x29: {  	s4 =	sld [smem:$0x3FB1]  }
0x2a: {  	p0 =	seq.s32 s5, $0x0;
	s5 =	sld [smem:$0x3FB2]  }
0x2b: {  	s6 =	sld [smem:$0x3FB3]  }
0x2c: {  	s7 =	sld [smem:$0x3FB4]  }
0x2d: {  	s3 =	simm.s32 $0x108;
	s8 =	sld [smem:$0x3FB5]  }
0x2e: {  	s3 =	simm.s32 @!p0 $0x1082;
	s9 =	sld [smem:$0x3FB6]  }
0x2f: {  	lr =	sadd.s32 s0, s3;
	s0 =	sld [smem:$0x3FAD]  }
0x30: {  	s3 =	sld [smem:$0x3FB0]  }
0x31: {  	[smem:$0x3FB9] =	sst s10  }
0x32: {  	s10 =	sld [smem:$0x3FB7];
	_ =	sdelay $0x3  }
0x33: {  	p0 =	seq.s32 s10, $0x1;
	s10 =	sld [smem:$0x3FB9];
	_ =	sdelay $0x3  }
0x34: {  	[smem:$0x3FB9] =	sst s10  }
0x35: {  	s10 =	sld [smem:$0x3FB8];
	_ =	sdelay $0x3  }
0x36: {  	p1 =	seq.s32 s10, $0x1;
	s10 =	sld [smem:$0x3FB9];
	_ =	sdelay $0x3  }
0x37: {  	[smem:$0x3FB9] =	sst s10  }
0x38: {  	s10 =	sld [smem:$0x3FBA]  }
0x39: {  	_ = 	snop;
	(pc) =	sbr.ind lr, $3  }
0x3a: {  	_ = 	snop  }
0x3b: {  	_ = 	snop  }
0x3c: {  	p2 =	seq.s32 s10, $0x1;
	s10 =	sld [smem:$0x3FB9]  }
0x3d: {  	_ =	shalt  }
0x3e: {  	_ =	shalt  }
0x3f: {  	_ =	shalt  }
0x40: {  	_ =	shalt  }
0x41: {  	_ =	shalt  }
0x42: {  	_ =	shalt  }
0x43: {  	_ =	shalt  }
0x44: {  	_ =	shalt  }
0x45: {  	_ =	shalt  }
0x46: {  	_ =	shalt  }
0x47: {  	_ =	shalt  }
0x48: {  	_ =	shalt  }
0x49: {  	_ =	shalt  }
0x4a: {  	_ =	shalt  }
0x4b: {  	_ =	shalt  }
0x4c: {  	_ =	shalt  }
0x4d: {  	_ =	shalt  }
0x4e: {  	_ =	shalt  }
0x4f: {  	_ =	shalt  }
0x50: {  	_ =	shalt  }
0x51: {  	_ =	shalt  }
0x52: {  	_ =	shalt  }
0x53: {  	_ =	shalt  }
0x54: {  	_ =	shalt  }
0x55: {  	_ =	shalt  }
0x56: {  	_ =	shalt  }
0x57: {  	_ =	shalt  }
0x58: {  	_ =	shalt  }
0x59: {  	_ =	shalt  }
0x5a: {  	_ =	shalt  }
0x5b: {  	_ =	shalt  }
0x5c: {  	_ =	shalt  }
0x5d: {  	_ =	shalt  }
0x5e: {  	_ =	shalt  }
0x5f: {  	_ =	shalt  }
0x60: {  	_ =	shalt  }
0x61: {  	_ =	shalt  }
0x62: {  	_ =	shalt  }
0x63: {  	_ =	shalt  }
0x64: {  	_ =	shalt  }
0x65: {  	_ =	shalt  }
0x66: {  	_ =	shalt  }
0x67: {  	_ =	shalt  }
0x68: {  	_ =	shalt  }
0x69: {  	_ =	shalt  }
0x6a: {  	_ =	shalt  }
0x6b: {  	_ =	shalt  }
0x6c: {  	_ =	shalt  }
0x6d: {  	_ =	shalt  }
0x6e: {  	_ =	shalt  }
0x6f: {  	_ =	shalt  }
0x70: {  	_ =	shalt  }
0x71: {  	_ =	shalt  }
0x72: {  	_ =	shalt  }
0x73: {  	_ =	shalt  }
0x74: {  	_ =	shalt  }
0x75: {  	_ =	shalt  }
0x76: {  	_ =	shalt  }
0x77: {  	_ =	shalt  }
0x78: {  	_ =	shalt  }
0x79: {  	_ =	shalt  }
0x7a: {  	_ =	shalt  }
0x7b: {  	_ =	shalt  }
0x7c: {  	_ =	shalt  }
0x7d: {  	_ =	shalt  }
0x7e: {  	_ =	shalt  }
0x7f: {  	_ =	shalt  }
0x80: {  	_ =	shalt  }
0x81: {  	_ =	shalt  }
0x82: {  	_ =	shalt  }
0x83: {  	_ =	shalt  }
0x84: {  	_ =	shalt  }
0x85: {  	_ =	shalt  }
0x86: {  	_ =	shalt  }
0x87: {  	_ =	shalt  }
.Lfunc_end0:
.L_simem_size_0:
called_computation_lowered:
.L_overlay_start_0:
0x88: {  	s2 =	sld [smem:$0x3FD9]  }
0x89: {  	s3 =	sld [smem:$0x3FFE];
	_ =	sdelay $0x1  }
0x8a: {  	s1 =	srdreg.scid  }
0x8b: {  	s0 =	sand.u32 $0x1, s1  }
0x8c: {  	s17 =	sshll.u32 s0, $0xA;
	s2 =	sadd.s32 s3, s2  }
0x8d: {  	s2 =	sadd.s32 s2, s17  }
0x8e: {  	[smem:$0x3FC5] =	sst s2  }
0x8f: {  	_ = 	snop  }
0x90: {  	(tm) =	ssettm $0x1  }
0x91: {  	s18 =	sld [smem:$0x3FFB];
	_ =	sdelay $0x3  }
0x92: {  	_ =	strace s18  }
0x93: {  	s2 =	sld [smem:$0x3FFC];
	_ =	sdelay $0x3  }
0x94: {  	_ =	strace s2  }
0x95: {  	s2 =	sld [smem:$0x3FFD];
	_ =	sdelay $0x3  }
0x96: {  	_ =	strace s2  }
0x97: {  	_ =	strace $0x8FFFFFFF  }
0x98: {  	s19 =	sld [smem:$0x3FDB];
	_ =	sdelay $0x1  }
0x99: {  	s20 =	simm.s32 $_scs_section_size  }
0x9a: {  	s4 =	simm.s32 $_size__tile_overlayer_lowered;
	s5 =	simm.s32 $_tile_overlayer_lowered  }
0x9b: {  	s6 =	simm.s32 $0x1BFF;
	s21 =	sshll.u32 s5, $0x1;
	s3 =	sadd.s32 s20, s19  }
0x9c: {  	s22 =	simm.s32 $0x0;
	s4 =	sshll.u32 s4, $0x1;
	s5 =	sadd.s32 s21, s3  }
0x9d: {  	[timem:s22], [sflag:s6] =	dma.local [hbm:s5], s4  }
0x9e: {  	_ =	swait.ge [sflag:s6], s4  }
0x9f: {  	s4 =	ssub.s32 $0x0, s4;
	[sflag:s6] =	ssyncset.done $0x0  }
0xa0: {  	[sflag:s6] =	ssyncadd.s32 s4;
	_ =	sdelay $0x1  }
0xa1: {  	s23 =	simm.s32 $0x1B8B  }
0xa2: {  	_ =	swait.ge [sflag:s23], $0x1  }
0xa3: {  	[sflag:s23] =	ssyncset.done $0x0  }
0xa4: {  	[sflag:s23] =	ssyncadd.s32 $0xFFFFFFFF  }
0xa5: {  	s4 =	sld [smem:$0x0]  }
0xa6: {  	s5 =	sand.u32 $0xFFFFFFFE, s1  }
0xa7: {  	p0 =	sne.s32 s1, s5  }
0xa8: {  	s5 =	sshll.u32 @p0 s5, $0xE  }
0xa9: {  	s5 =	sadd.s32 @p0 $0x11B8D, s5;
	s6 =	sshll.u32 @p0 s4, $0x11  }
0xaa: {  	s5 =	sor.u32 @p0 s6, s5  }
0xab: {  	[sflag:s5] =	ssyncadd.remote.s32 @p0 $0x1;
	_ =	sdelay $0x1  }
0xac: {  	s5 =	simm.s32 @p0 $0x1B8D  }
0xad: {  	_ =	swait.eq @p0 [sflag:s5], $0x1  }
0xae: {  	[sflag:s5] =	ssyncadd.s32 @p0 $0xFFFFFFFF  }
0xaf: {  	s6 =	sshll.u32 @!p0 s1, $0xE  }
0xb0: {  	s6 =	sor.u32 @!p0 $0x4000, s6;
	s5 =	simm.s32 @!p0 $0x1B8D  }
0xb1: {  	s4 =	sshll.u32 @!p0 s4, $0x11;
	s6 =	sadd.s32 @!p0 $0x11B8D, s6;
	_ =	swait.eq @!p0 [sflag:s5], $0x1  }
0xb2: {  	s4 =	sor.u32 @!p0 s4, s6;
	[sflag:s5] =	ssyncadd.s32 @!p0 $0xFFFFFFFF  }
0xb3: {  	s25 =	simm.s32 $0x1B8E;
	s24 =	sld [smem:$0x3FFE];
	[sflag:s4] =	ssyncadd.remote.s32 @!p0 $0x1  }
0xb4: {  	s26 =	simm.s32 $execute0_lowered;
	[smem:$0x3FD2] =	sst s25  }
0xb5: {  	s5 =	sshll.u32 s26, $0x1;
	_ =	strace $0x8000004F;
	[dreg:$0x1] =	wrdreg $0xFFFFFFFF  }
0xb6: {  	s28 =	simm.s32 $_size_execute0_lowered;
	s3 =	sadd.s32 s3, s5;
	[dreg:$0x0] =	wrdreg $0x0  }
0xb7: {  	s5 =	sshll.u32 s28, $0x1;
	[dreg:$0x2] =	wrdreg s3  }
0xb8: {  	[dreg:$0x3] =	wrdreg s5  }
0xb9: {  	[dreg:$0x4] =	wrdreg $0xC0  }
0xba: {  	_ =	task [dreg:s22], $0x5FFFF  }
0xbb: {  	[dreg:$0x1] =	wrdreg $0xFFFFFFFF  }
0xbc: {  	[dreg:$0x0] =	wrdreg $0x60  }
0xbd: {  	[dreg:$0x2] =	wrdreg s24  }
0xbe: {  	[dreg:$0x3] =	wrdreg $0x9  }
0xbf: {  	_ =	task.clear_ibuf [dreg:s22], $0x4FFFF;
	_ =	strace $0x9000004F  }
0xc0: {  	s29 =	simm.s32 $0x9;
	_ =	strace $0x80000051  }
0xc1: {  	_ =	swait.ge [sflag:s29], $0x1  }
0xc2: {  	[sflag:s29] =	ssyncadd.s32 $0xFFFFFFFF  }
0xc3: {  	_ =	strace $0x90000051  }
0xc4: {  	_ =	sfence  }
0xc5: {  	s30 =	sld [smem:$0x0];
	_ =	sdelay $0x2  }
0xc6: {  	s31 =	sshll.u32 s1, $0xD;
	s1 =	sshrl.u32 s1, $0x2  }
0xc7: {  	s4 =	sand.u32 $0x4000, s31;
	s1 =	sadd.s32 s1, s30  }
0xc8: {  	s0 =	sor.u32 s4, s0;
	s1 =	sshll.u32 s1, $0x11  }
0xc9: {  	s0 =	sor.u32 s1, s0  }
0xca: {  	s0 =	sadd.s32 $0x8F2B, s0  }
0xcb: {  	[sflag:s0] =	ssyncadd.remote.s32 $0x1  }
0xcc: {  	_ =	sfence.sel $0xFFFF  }
0xcd: {  	[dreg:$0x0] =	wrdreg $0xFFFFFFFF;
	(pc) =	sbr.abs _section_cstart, $3  }
0xce: {  	[dreg:$0x1] =	wrdreg $0xFFFFFFFF  }
0xcf: {  	_ =	task.clear_ibuf [dreg:s22], $0x2FFFF;
	_ =	strace $0x9FFFFFFF  }
0xd0: {  	(tm) =	ssettm $0x7FFFFFFF  }
0xd1: {  	_ =	shalt  }
tec
execute0_lowered:
.L_overlay_start_1:
0x0: {  	(tag) =	ssettag $0x1  }
0x1: {  	s4 =	rddreg [dreg:$0x0]  }
0x2: {  	s0 =	rddreg [dreg:$0x1];
	s1 =	simm.s32 $0x0;
	s5 =	srdreg.scid  }
0x3: {  	s2 =	stileid.u32;
	s11 =	simm.s32 $0x180;
	s12 =	simm.s32 $0x80  }
0x4: {  	s13 =	simm.s32 $0x8300;
	s14 =	simm.s32 $0xC300;
	s15 =	simm.s32 $0x1  }
0x5: {  	s16 =	simm.s32 $0x300;
	s17 =	simm.s32 $0x200;
	s18 =	simm.s32 $0x280  }
0x6: {  	s19 =	simm.s32 $0x10300;
	s20 =	simm.s32 $0x14300;
	s21 =	simm.s32 $0x2  }
0x7: {  	s22 =	simm.s32 $0x0;
	[smem:$0x7FF] =	sst s1;
	s3 =	sadd.s32 $0xA400, s4  }
0x8: {  	s8 =	sand.u32 $0x1, s5;
	s29 =	sshll.u32 s2, $0x6;
	s6 =	sshll.u32 s2, $0xD  }
0x9: {  	_ =	strace $0x80000050;
	s7 =	ssub.s32 $0x2, s8;
	s5 =	sadd.s32 s29, s4  }
.Ltmp0:
0xa: {  	s6 =	sadd.s32 s6, s4;
	s9 =	sshll.u32 s8, $0xC;
	(pc) =	sbr.rel .LBB2_1-.Ltmp0, $4  }
0xb: {  	s10 =	sshll.u32 s8, $0x5;
	s4 =	sshll.u32 s2, $0x1;
	s8 =	sor.u32 $0xFFFFFFE0, s8  }
0xc: {  	s30 =	sshrl.u32 s7, $0x1;
	s6 =	sadd.s32 s9, s6;
	s31 =	sadd.s32 s10, s5  }
0xd: {  	s9 =	simm.s32 $0x100;
	s10 =	simm.s32 $0x7;
	s7 =	ssub.s32 s7, s30  }
0xe: {  	s6 =	sadd.s32 $0x31F600, s6;
	s5 =	smax.u32 s7, $0x1;
	s7 =	sadd.s32 $0x6400, s31  }
.LBB2_11:
0xf: {  	s22 =	sadd.s32 $0x1, s22  }
0x10: {  	p0 =	sne.s32 s22, s5  }
.Ltmp1:
0x11: {  	_ = 	snop;
	(pc) =	sbr.rel @!p0 .LBB2_12-.Ltmp1, $1  }
0x12: {  	_ =	sdelay $0x3  }
.LBB2_1:
.Ltmp2:
0x13: {  	(pc) =	sbr.rel .LBB2_2-.Ltmp2, $2  }
0x14: {  	_ =	sdelay $0x2  }
0x15: {  	s23 =	smov.u32 s6;
	s24 =	smov.u32 s4;
	s25 =	simm.s32 $0x0  }
.LBB2_7:
0x16: {  	s28 =	sadd.s32 $0x800, s26  }
0x17: {  	[tilespmem:s17], [sflag:$0x7] =	stream.linear.gather [hbm4b:s28+s1], $0x80, $0x38;
	[tilespmem:$0x18300] =	vst v63  }
0x18: {  	_ =	swait.ge [sflag:s10], $0x80  }
0x19: {  	[sflag:s10] =	ssyncset.done $0x0  }
0x1a: {  	s31 =	sadd.s32 $0x810, s26;
	[sflag:s10] =	ssyncadd.s32 $0xFFFFFF80  }
0x1b: {  	[tilespmem:s18], [sflag:$0x7] =	stream.linear.gather [hbm4b:s31+s1], $0x80, $0x38;
	[tilespmem:$0x18300] =	vst v63  }
0x1c: {  	_ =	swait.ge [sflag:s10], $0x80  }
0x1d: {  	[sflag:s10] =	ssyncset.done $0x0  }
0x1e: {  	[sflag:s10] =	ssyncadd.s32 $0xFFFFFF80  }
0x1f: {  	[tilespmem:s19], [sflag:$0x3] =	stream.indirect.gather [hbm4b:s3+s12], $0x80, s17, s12, $0xb8;
	[tilespmem:$0x18300] =	vst v63  }
0x20: {  	_ = 	snop  }
0x21: {  	[tilespmem:s20], [sflag:$0x3] =	stream.indirect.gather [hbm4b:s3+s12], $0x80, s18, s12, $0xb8;
	[tilespmem:$0x18300] =	vst v63  }
.LBB2_9:
0x22: {  	_ =	swait.ge [sflag:s21], $0x4000  }
0x23: {  	[sflag:s21] =	ssyncset.done $0x0  }
0x24: {  	[sflag:s21] =	ssyncadd.s32 $0xFFFFC000  }
0x25: {  	_ =	swait.ge [sflag:s21], $0x4000  }
0x26: {  	[sflag:s21] =	ssyncset.done $0x0  }
0x27: {  	s26 =	sadd.s32 $0x20000, s23;
	[sflag:s21] =	ssyncadd.s32 $0xFFFFC000  }
0x28: {  	[hbm4b:s26+s1] =	stream.linear.scatter [tilespmem:s13], [sflag:$0x5], $0x8000, $0x38;
	[tilespmem:$0x18300] =	vst v63  }
.LBB2_10:
0x29: {  	s25 =	sadd.s32 $0xC00, s25  }
0x2a: {  	p0 =	sne.s32 s25, $0x3000  }
.Ltmp3:
0x2b: {  	_ = 	snop;
	(pc) =	sbr.rel @!p0 .LBB2_11-.Ltmp3, $2  }
0x2c: {  	_ =	sdelay $0x2  }
0x2d: {  	s24 =	sadd.s32 $0x60, s24;
	s23 =	sadd.s32 $0x60000, s23  }
.LBB2_2:
0x2e: {  	s26 =	sadd.s32 $0xFFFFFFA0, s24  }
0x2f: {  	p0 =	sgt.u32 s26, $0xF9  }
0x30: {  	s26 =	simm.s32 @!p0 $0x4  }
0x31: {  	p1 =	sgt.u32 s24, $0xF9;
	_ =	swait.ge @!p0 [sflag:s26], $0x8000  }
0x32: {  	s28 =	simm.s32 @!p1 $0x0;
	[sflag:s26] =	ssyncset.done @!p0 $0x0  }
0x33: {  	s29 =	simm.s32 @!p1 $0x7;
	[sflag:s26] =	ssyncadd.s32 @!p0 $0xFFFF8000;
	s26 =	sadd.s32 @!p1 s25, s7  }
0x34: {  	[tilespmem:s28], [sflag:$0x7] =	stream.linear.gather @!p1 [hbm4b:s26+s28], $0x80, $0x38;
	[tilespmem:$0x18300] =	vst v63  }
0x35: {  	_ =	swait.ge @!p1 [sflag:s29], $0x80  }
0x36: {  	[sflag:s29] =	ssyncset.done @!p1 $0x0  }
0x37: {  	s30 =	simm.s32 @!p1 $0x80;
	s26 =	sadd.s32 @!p1 $0x10, s26;
	[sflag:s29] =	ssyncadd.s32 @!p1 $0xFFFFFF80  }
0x38: {  	[tilespmem:s30], [sflag:$0x7] =	stream.linear.gather @!p1 [hbm4b:s26+s28], $0x80, $0x38;
	[tilespmem:$0x18300] =	vst v63  }
0x39: {  	_ =	swait.ge @!p1 [sflag:s29], $0x80  }
0x3a: {  	[sflag:s29] =	ssyncset.done @!p1 $0x0  }
0x3b: {  	s26 =	simm.s32 @!p1 $0x300;
	[sflag:s29] =	ssyncadd.s32 @!p1 $0xFFFFFF80;
	s29 =	sadd.s32 s24, s8  }
0x3c: {  	[tilespmem:s26], [sflag:$0x1] =	stream.indirect.gather @!p1 [hbm4b:s3+s30], $0x80, s28, s30, $0xb8;
	[tilespmem:$0x18300] =	vst v63  }
0x3d: {  	p0 =	sgt.u32 s29, $0xF9  }
0x3e: {  	s28 =	simm.s32 @!p1 $0x4300;
	s26 =	simm.s32 @!p0 $0x3  }
0x3f: {  	[tilespmem:s28], [sflag:$0x1] =	stream.indirect.gather @!p1 [hbm4b:s3+s30], $0x80, s30, s30, $0xb8;
	[tilespmem:$0x18300] =	vst v63  }
0x40: {  	_ =	swait.ge @!p0 [sflag:s26], $0x4000  }
0x41: {  	[sflag:s26] =	ssyncset.done @!p0 $0x0  }
0x42: {  	[sflag:s26] =	ssyncadd.s32 @!p0 $0xFFFFC000  }
0x43: {  	s31 =	sadd.s32 $0xFFFFFFC0, s24;
	_ =	swait.ge @!p0 [sflag:s26], $0x4000  }
0x44: {  	p2 =	sgt.u32 s24, $0xD9;
	s29 =	simm.s32 @!p0 $0x10300;
	[sflag:s26] =	ssyncset.done @!p0 $0x0  }
0x45: {  	s28 =	simm.s32 @!p0 $0x0;
	[sflag:s26] =	ssyncadd.s32 @!p0 $0xFFFFC000;
	s26 =	sadd.s32 @!p0 $0xFFFE0000, s23  }
0x46: {  	[hbm4b:s26+s28] =	stream.linear.scatter @!p0 [tilespmem:s29], [sflag:$0x6], $0x8000, $0x38;
	[tilespmem:$0x18300] =	vst v63  }
.Ltmp4:
0x47: {  	p3 =	sgt.u32 s31, $0xF9;
	(pc) =	sbr.rel @p2 .LBB2_4-.Ltmp4, $4  }
0x48: {  	s26 =	simm.s32 @!p3 $0x5  }
0x49: {  	_ =	swait.ge @!p3 [sflag:s26], $0x8000  }
0x4a: {  	[sflag:s26] =	ssyncset.done @!p3 $0x0  }
0x4b: {  	[sflag:s26] =	ssyncadd.s32 @!p3 $0xFFFF8000;
	s26 =	sadd.s32 s25, s7  }
0x4c: {  	s28 =	sadd.s32 $0x400, s26  }
0x4d: {  	[tilespmem:s9], [sflag:$0x7] =	stream.linear.gather [hbm4b:s28+s1], $0x80, $0x38;
	[tilespmem:$0x18300] =	vst v63  }
0x4e: {  	_ =	swait.ge [sflag:s10], $0x80  }
0x4f: {  	[sflag:s10] =	ssyncset.done $0x0  }
0x50: {  	s31 =	sadd.s32 $0x410, s26;
	[sflag:s10] =	ssyncadd.s32 $0xFFFFFF80  }
0x51: {  	[tilespmem:s11], [sflag:$0x7] =	stream.linear.gather [hbm4b:s31+s1], $0x80, $0x38;
	[tilespmem:$0x18300] =	vst v63  }
0x52: {  	_ =	swait.ge [sflag:s10], $0x80  }
.Ltmp5:
0x53: {  	[sflag:s10] =	ssyncset.done $0x0;
	(pc) =	sbr.rel .LBB2_5-.Ltmp5, $4  }
0x54: {  	[sflag:s10] =	ssyncadd.s32 $0xFFFFFF80  }
0x55: {  	[tilespmem:s13], [sflag:$0x2] =	stream.indirect.gather [hbm4b:s3+s12], $0x80, s9, s12, $0xb8;
	[tilespmem:$0x18300] =	vst v63  }
0x56: {  	_ = 	snop  }
0x57: {  	[tilespmem:s14], [sflag:$0x2] =	stream.indirect.gather [hbm4b:s3+s12], $0x80, s11, s12, $0xb8;
	[tilespmem:$0x18300] =	vst v63  }
.LBB2_4:
.Ltmp6:
0x58: {  	(pc) =	sbr.rel @p1 .LBB2_6-.Ltmp6, $1  }
0x59: {  	_ =	sdelay $0x3  }
.LBB2_5:
0x5a: {  	_ =	swait.ge [sflag:s15], $0x4000  }
0x5b: {  	[sflag:s15] =	ssyncset.done $0x0  }
0x5c: {  	[sflag:s15] =	ssyncadd.s32 $0xFFFFC000  }
0x5d: {  	_ =	swait.ge [sflag:s15], $0x4000  }
0x5e: {  	[sflag:s15] =	ssyncset.done $0x0  }
0x5f: {  	[sflag:s15] =	ssyncadd.s32 $0xFFFFC000  }
0x60: {  	[hbm4b:s23+s1] =	stream.linear.scatter [tilespmem:s16], [sflag:$0x4], $0x8000, $0x38;
	[tilespmem:$0x18300] =	vst v63  }
.LBB2_6:
0x61: {  	p1 =	sgt.u32 s24, $0xB9  }
.Ltmp7:
0x62: {  	_ = 	snop;
	(pc) =	sbr.rel @!p1 .LBB2_7-.Ltmp7, $4  }
0x63: {  	s28 =	simm.s32 @!p0 $0x6  }
0x64: {  	_ =	swait.ge @!p0 [sflag:s28], $0x8000  }
0x65: {  	[sflag:s28] =	ssyncset.done @!p0 $0x0  }
0x66: {  	[sflag:s28] =	ssyncadd.s32 @!p0 $0xFFFF8000  }
.Ltmp8:
0x67: {  	(pc) =	sbr.rel @p2 .LBB2_10-.Ltmp8, $4  }
.Ltmp9:
0x68: {  	(pc) =	sbr.rel @!p2 .LBB2_9-.Ltmp9, $4  }
0x69: {  	_ = 	snop  }
0x6a: {  	_ = 	snop  }
0x6b: {  	_ = 	snop  }
0x6c: {  	_ = 	snop  }
.LBB2_12:
0x6d: {  	_ =	sfence.sel $0x180000  }
0x6e: {  	[bflag:$0x0] =	sbarrier.arrive $0xFFFF  }
0x6f: {  	p0 =	sne.s32 s2, $0x0;
	_ =	strace $0x90000050  }
0x70: {  	s0 =	sadd.s32 @!p0 $0x100000, s0;
	[bflag:$0x2] =	sbarrier.arrive $0xFFFF  }
0x71: {  	[sflag:s0] =	ssyncadd.tile.s32 @!p0 $0x1;
	_ =	shalt  }
.Lfunc_end2:
_tile_overlayer_lowered:
.L_overlay_start_2:
0x72: {  	(tag) =	ssettag $0x2  }
0x73: {  	s0 =	rddreg [dreg:$0x0];
	s2 =	stileid.u32  }
0x74: {  	s1 =	rddreg [dreg:$0x1];
	p0 =	sne.s32 s2, $0x0  }
0x75: {  	s3 =	rddreg [dreg:$0x2];
	[bflag:$0x3] =	sbarrier.arrive $0xFFFF;
	s2 =	simm.s32 @!p0 $0x1C07  }
0x76: {  	[timem:s3], [sflag:s2] =	dma.local @!p0 [hbm:s0], s1  }
0x77: {  	s0 =	simm.s32 @!p0 $0x7  }
0x78: {  	_ =	swait.ge @!p0 [sflag:s0], s1  }
0x79: {  	s1 =	ssub.s32 @!p0 $0x0, s1;
	[sflag:s0] =	ssyncset.done @!p0 $0x0  }
0x7a: {  	[sflag:s0] =	ssyncadd.s32 @!p0 s1  }
0x7b: {  	[bflag:$0x3] =	sbarrier.arrive $0xFFFF  }
0x7c: {  	_ =	shalt  }

// kernel: kernel.16.cloned.1.call-start
scs
__scs_entry_jumppad:
0x0: {  	(pc) =	sbr.rel $0x88, $3  }
0x1: {  	(tag) =	ssettag $0x0;
	lr =	simm.s32 $0x1  }
0x2: {  	[smem:$0x3F9E] =	sst lr;
	_ =	strace $0xD0000000  }
0x3: {  	_ = 	snop  }
0x4: {  	_ = 	snop  }
0x5: {  	_ = 	snop  }
0x6: {  	_ = 	snop  }
0x7: {  	_ = 	snop  }
__scs_overlays_trampoline_lowered:
0x8: {  	[smem:$0x3FAD] =	sst s0  }
0x9: {  	[smem:$0x3FAE] =	sst s1  }
0xa: {  	[smem:$0x3FAF] =	sst s2  }
0xb: {  	[smem:$0x3FB0] =	sst s3  }
0xc: {  	[smem:$0x3FB1] =	sst s4  }
0xd: {  	[smem:$0x3FB2] =	sst s5  }
0xe: {  	[smem:$0x3FB3] =	sst s6  }
0xf: {  	[smem:$0x3FB4] =	sst s7  }
0x10: {  	[smem:$0x3FB5] =	sst s8  }
0x11: {  	[smem:$0x3FB6] =	sst s9;
	s0 =	simm.s32 @!p0 $0x0  }
0x12: {  	s1 =	sld [smem:$0x3F9C];
	s0 =	simm.s32 @p0 $0x1  }
0x13: {  	[smem:$0x3FB7] =	sst s0;
	s0 =	simm.s32 @!p1 $0x0  }
0x14: {  	s2 =	sld [smem:$0x3F9B];
	s0 =	simm.s32 @p1 $0x1  }
0x15: {  	[smem:$0x3FB8] =	sst s0;
	s0 =	simm.s32 @!p2 $0x0  }
0x16: {  	s3 =	sld [smem:$0x3FDB];
	s0 =	simm.s32 @p2 $0x1  }
0x17: {  	s4 =	simm.s32 $0x1BF5;
	[smem:$0x3FBA] =	sst s0  }
0x18: {  	s0 =	sld [smem:$0x3F9D];
	_ =	swait.ge [sflag:s4], $0x0  }
0x19: {  	s7 =	sld [smem:$0x3F9E]  }
0x1a: {  	s8 =	sadd.s32 $0xFFFFE003, lr  }
0x1b: {  	s9 =	sadd.s32 $0xFFFFFEF7, lr;
	s5 =	simm.s32 $0xFFFFFFFF;
	p2 =	slt.u32 s8, $0xFFFFF086  }
0x1c: {  	p1 =	slt.u32 s9, $0xF7A;
	s5 =	simm.s32 @!p2 $0x0  }
0x1d: {  	s5 =	simm.s32 @p1 $0x1;
	p0 =	seq.s32 s7, s2  }
0x1e: {  	s7 =	smul.u32 @!p0 $0xF7A, s2;
	p2 =	seq.s32 @!p0 s5, $0x0  }
0x1f: {  	s9 =	smul.u32 $0xF7A, s1;
	s8 =	simm.s32 @!p0 $0x1BF5;
	p2 =	por !p2, p0  }
0x20: {  	[sflag:s8] =	ssyncset.s32 @!p0 $0xFFFFF086;
	s6 =	sadd.s32 @!p0 s3, s7;
	s7 =	simm.s32 @!p0 $0x108  }
0x21: {  	s3 =	sadd.s32 s3, s9;
	s6 =	sadd.s32 @!p0 $0x88, s6;
	s7 =	simm.s32 @p2 $0x1082  }
0x22: {  	[simem:s7], [sflag:s8] =	dma.local @!p0 [hbm:s6], $0xF7A  }
0x23: {  	s9 =	sor.u32 $0xD0000000, s2;
	s6 =	simm.s32 $0x108;
	_ =	swait.ge @!p0 [sflag:s8], $0x0  }
0x24: {  	s3 =	sadd.s32 $0x88, s3;
	s6 =	simm.s32 @!p1 $0x1082;
	[sflag:s4] =	ssyncset.s32 $0xFFFFF086  }
0x25: {  	[simem:s6], [sflag:s4] =	dma.local [hbm:s3], $0xF7A  }
0x26: {  	[smem:$0x3F9E] =	sst s1;
	(tag) =	ssettag s2;
	_ =	strace s9  }
0x27: {  	s1 =	sld [smem:$0x3FAE]  }
0x28: {  	s2 =	sld [smem:$0x3FAF]  }
0x29: {  	s4 =	sld [smem:$0x3FB1]  }
0x2a: {  	p0 =	seq.s32 s5, $0x0;
	s5 =	sld [smem:$0x3FB2]  }
0x2b: {  	s6 =	sld [smem:$0x3FB3]  }
0x2c: {  	s7 =	sld [smem:$0x3FB4]  }
0x2d: {  	s3 =	simm.s32 $0x108;
	s8 =	sld [smem:$0x3FB5]  }
0x2e: {  	s3 =	simm.s32 @!p0 $0x1082;
	s9 =	sld [smem:$0x3FB6]  }
0x2f: {  	lr =	sadd.s32 s0, s3;
	s0 =	sld [smem:$0x3FAD]  }
0x30: {  	s3 =	sld [smem:$0x3FB0]  }
0x31: {  	[smem:$0x3FB9] =	sst s10  }
0x32: {  	s10 =	sld [smem:$0x3FB7];
	_ =	sdelay $0x3  }
0x33: {  	p0 =	seq.s32 s10, $0x1;
	s10 =	sld [smem:$0x3FB9];
	_ =	sdelay $0x3  }
0x34: {  	[smem:$0x3FB9] =	sst s10  }
0x35: {  	s10 =	sld [smem:$0x3FB8];
	_ =	sdelay $0x3  }
0x36: {  	p1 =	seq.s32 s10, $0x1;
	s10 =	sld [smem:$0x3FB9];
	_ =	sdelay $0x3  }
0x37: {  	[smem:$0x3FB9] =	sst s10  }
0x38: {  	s10 =	sld [smem:$0x3FBA]  }
0x39: {  	_ = 	snop;
	(pc) =	sbr.ind lr, $3  }
0x3a: {  	_ = 	snop  }
0x3b: {  	_ = 	snop  }
0x3c: {  	p2 =	seq.s32 s10, $0x1;
	s10 =	sld [smem:$0x3FB9]  }
0x3d: {  	_ =	shalt  }
0x3e: {  	_ =	shalt  }
0x3f: {  	_ =	shalt  }
0x40: {  	_ =	shalt  }
0x41: {  	_ =	shalt  }
0x42: {  	_ =	shalt  }
0x43: {  	_ =	shalt  }
0x44: {  	_ =	shalt  }
0x45: {  	_ =	shalt  }
0x46: {  	_ =	shalt  }
0x47: {  	_ =	shalt  }
0x48: {  	_ =	shalt  }
0x49: {  	_ =	shalt  }
0x4a: {  	_ =	shalt  }
0x4b: {  	_ =	shalt  }
0x4c: {  	_ =	shalt  }
0x4d: {  	_ =	shalt  }
0x4e: {  	_ =	shalt  }
0x4f: {  	_ =	shalt  }
0x50: {  	_ =	shalt  }
0x51: {  	_ =	shalt  }
0x52: {  	_ =	shalt  }
0x53: {  	_ =	shalt  }
0x54: {  	_ =	shalt  }
0x55: {  	_ =	shalt  }
0x56: {  	_ =	shalt  }
0x57: {  	_ =	shalt  }
0x58: {  	_ =	shalt  }
0x59: {  	_ =	shalt  }
0x5a: {  	_ =	shalt  }
0x5b: {  	_ =	shalt  }
0x5c: {  	_ =	shalt  }
0x5d: {  	_ =	shalt  }
0x5e: {  	_ =	shalt  }
0x5f: {  	_ =	shalt  }
0x60: {  	_ =	shalt  }
0x61: {  	_ =	shalt  }
0x62: {  	_ =	shalt  }
0x63: {  	_ =	shalt  }
0x64: {  	_ =	shalt  }
0x65: {  	_ =	shalt  }
0x66: {  	_ =	shalt  }
0x67: {  	_ =	shalt  }
0x68: {  	_ =	shalt  }
0x69: {  	_ =	shalt  }
0x6a: {  	_ =	shalt  }
0x6b: {  	_ =	shalt  }
0x6c: {  	_ =	shalt  }
0x6d: {  	_ =	shalt  }
0x6e: {  	_ =	shalt  }
0x6f: {  	_ =	shalt  }
0x70: {  	_ =	shalt  }
0x71: {  	_ =	shalt  }
0x72: {  	_ =	shalt  }
0x73: {  	_ =	shalt  }
0x74: {  	_ =	shalt  }
0x75: {  	_ =	shalt  }
0x76: {  	_ =	shalt  }
0x77: {  	_ =	shalt  }
0x78: {  	_ =	shalt  }
0x79: {  	_ =	shalt  }
0x7a: {  	_ =	shalt  }
0x7b: {  	_ =	shalt  }
0x7c: {  	_ =	shalt  }
0x7d: {  	_ =	shalt  }
0x7e: {  	_ =	shalt  }
0x7f: {  	_ =	shalt  }
0x80: {  	_ =	shalt  }
0x81: {  	_ =	shalt  }
0x82: {  	_ =	shalt  }
0x83: {  	_ =	shalt  }
0x84: {  	_ =	shalt  }
0x85: {  	_ =	shalt  }
0x86: {  	_ =	shalt  }
0x87: {  	_ =	shalt  }
.Lfunc_end0:
.L_simem_size_0:
called_computation.1_lowered:
.L_overlay_start_0:
0x88: {  	s2 =	sld [smem:$0x3FD9]  }
0x89: {  	s3 =	sld [smem:$0x3FFE];
	_ =	sdelay $0x1  }
0x8a: {  	s1 =	srdreg.scid  }
0x8b: {  	s0 =	sand.u32 $0x1, s1  }
0x8c: {  	s17 =	sshll.u32 s0, $0xA;
	s2 =	sadd.s32 s3, s2  }
0x8d: {  	s2 =	sadd.s32 s2, s17  }
0x8e: {  	[smem:$0x3FC5] =	sst s2  }
0x8f: {  	_ = 	snop  }
0x90: {  	(tm) =	ssettm $0x1  }
0x91: {  	s18 =	sld [smem:$0x3FFB];
	_ =	sdelay $0x3  }
0x92: {  	_ =	strace s18  }
0x93: {  	s2 =	sld [smem:$0x3FFC];
	_ =	sdelay $0x3  }
0x94: {  	_ =	strace s2  }
0x95: {  	s2 =	sld [smem:$0x3FFD];
	_ =	sdelay $0x3  }
0x96: {  	_ =	strace s2  }
0x97: {  	_ =	strace $0x8FFFFFFF  }
0x98: {  	s19 =	sld [smem:$0x3FDB];
	_ =	sdelay $0x1  }
0x99: {  	s20 =	simm.s32 $_scs_section_size  }
0x9a: {  	s4 =	simm.s32 $_size__tile_overlayer_lowered;
	s5 =	simm.s32 $_tile_overlayer_lowered  }
0x9b: {  	s6 =	simm.s32 $0x1BFF;
	s21 =	sshll.u32 s5, $0x1;
	s3 =	sadd.s32 s20, s19  }
0x9c: {  	s22 =	simm.s32 $0x0;
	s4 =	sshll.u32 s4, $0x1;
	s5 =	sadd.s32 s21, s3  }
0x9d: {  	[timem:s22], [sflag:s6] =	dma.local [hbm:s5], s4  }
0x9e: {  	_ =	swait.ge [sflag:s6], s4  }
0x9f: {  	s4 =	ssub.s32 $0x0, s4;
	[sflag:s6] =	ssyncset.done $0x0  }
0xa0: {  	[sflag:s6] =	ssyncadd.s32 s4;
	_ =	sdelay $0x1  }
0xa1: {  	s23 =	simm.s32 $0x1B8B  }
0xa2: {  	_ =	swait.ge [sflag:s23], $0x1  }
0xa3: {  	[sflag:s23] =	ssyncset.done $0x0  }
0xa4: {  	[sflag:s23] =	ssyncadd.s32 $0xFFFFFFFF  }
0xa5: {  	s4 =	sld [smem:$0x0]  }
0xa6: {  	s5 =	sand.u32 $0xFFFFFFFE, s1  }
0xa7: {  	p0 =	sne.s32 s1, s5  }
0xa8: {  	s5 =	sshll.u32 @p0 s5, $0xE  }
0xa9: {  	s5 =	sadd.s32 @p0 $0x11B8D, s5;
	s6 =	sshll.u32 @p0 s4, $0x11  }
0xaa: {  	s5 =	sor.u32 @p0 s6, s5  }
0xab: {  	[sflag:s5] =	ssyncadd.remote.s32 @p0 $0x1;
	_ =	sdelay $0x1  }
0xac: {  	s5 =	simm.s32 @p0 $0x1B8D  }
0xad: {  	_ =	swait.eq @p0 [sflag:s5], $0x1  }
0xae: {  	[sflag:s5] =	ssyncadd.s32 @p0 $0xFFFFFFFF  }
0xaf: {  	s6 =	sshll.u32 @!p0 s1, $0xE  }
0xb0: {  	s6 =	sor.u32 @!p0 $0x4000, s6;
	s5 =	simm.s32 @!p0 $0x1B8D  }
0xb1: {  	s4 =	sshll.u32 @!p0 s4, $0x11;
	s6 =	sadd.s32 @!p0 $0x11B8D, s6;
	_ =	swait.eq @!p0 [sflag:s5], $0x1  }
0xb2: {  	s4 =	sor.u32 @!p0 s4, s6;
	[sflag:s5] =	ssyncadd.s32 @!p0 $0xFFFFFFFF  }
0xb3: {  	s25 =	simm.s32 $0x1B8E;
	s24 =	sld [smem:$0x3FFE];
	[sflag:s4] =	ssyncadd.remote.s32 @!p0 $0x1  }
0xb4: {  	s26 =	simm.s32 $execute0_lowered;
	[smem:$0x3FD2] =	sst s25  }
0xb5: {  	s5 =	sshll.u32 s26, $0x1;
	_ =	strace $0x8000004C;
	[dreg:$0x1] =	wrdreg $0xFFFFFFFF  }
0xb6: {  	s28 =	simm.s32 $_size_execute0_lowered;
	s3 =	sadd.s32 s3, s5;
	[dreg:$0x0] =	wrdreg $0x0  }
0xb7: {  	s5 =	sshll.u32 s28, $0x1;
	[dreg:$0x2] =	wrdreg s3  }
0xb8: {  	[dreg:$0x3] =	wrdreg s5  }
0xb9: {  	[dreg:$0x4] =	wrdreg $0xC0  }
0xba: {  	_ =	task [dreg:s22], $0x5FFFF  }
0xbb: {  	[dreg:$0x1] =	wrdreg $0xFFFFFFFF  }
0xbc: {  	[dreg:$0x0] =	wrdreg $0x60  }
0xbd: {  	[dreg:$0x2] =	wrdreg s24  }
0xbe: {  	[dreg:$0x3] =	wrdreg $0xA  }
0xbf: {  	_ =	task.clear_ibuf [dreg:s22], $0x4FFFF;
	_ =	strace $0x9000004C  }
0xc0: {  	s29 =	simm.s32 $0xA;
	_ =	strace $0x8000004E  }
0xc1: {  	_ =	swait.ge [sflag:s29], $0x1  }
0xc2: {  	[sflag:s29] =	ssyncadd.s32 $0xFFFFFFFF  }
0xc3: {  	_ =	strace $0x9000004E  }
0xc4: {  	_ =	sfence  }
0xc5: {  	s30 =	sld [smem:$0x0];
	_ =	sdelay $0x2  }
0xc6: {  	s31 =	sshll.u32 s1, $0xD;
	s1 =	sshrl.u32 s1, $0x2  }
0xc7: {  	s4 =	sand.u32 $0x4000, s31;
	s1 =	sadd.s32 s1, s30  }
0xc8: {  	s0 =	sor.u32 s4, s0;
	s1 =	sshll.u32 s1, $0x11  }
0xc9: {  	s0 =	sor.u32 s1, s0  }
0xca: {  	s0 =	sadd.s32 $0x8F2B, s0  }
0xcb: {  	[sflag:s0] =	ssyncadd.remote.s32 $0x1  }
0xcc: {  	_ =	sfence.sel $0xFFFF  }
0xcd: {  	[dreg:$0x0] =	wrdreg $0xFFFFFFFF;
	(pc) =	sbr.abs _section_cstart, $3  }
0xce: {  	[dreg:$0x1] =	wrdreg $0xFFFFFFFF  }
0xcf: {  	_ =	task.clear_ibuf [dreg:s22], $0x2FFFF;
	_ =	strace $0x9FFFFFFF  }
0xd0: {  	(tm) =	ssettm $0x7FFFFFFF  }
0xd1: {  	_ =	shalt  }
tec
execute0_lowered:
.L_overlay_start_1:
0x0: {  	(tag) =	ssettag $0x1  }
0x1: {  	s4 =	rddreg [dreg:$0x0]  }
0x2: {  	s0 =	rddreg [dreg:$0x1];
	s1 =	simm.s32 $0x0;
	s5 =	srdreg.scid  }
0x3: {  	s2 =	stileid.u32;
	s11 =	simm.s32 $0x180;
	s12 =	simm.s32 $0x80  }
0x4: {  	s13 =	simm.s32 $0x8300;
	s14 =	simm.s32 $0xC300;
	s15 =	simm.s32 $0x1  }
0x5: {  	s16 =	simm.s32 $0x300;
	s17 =	simm.s32 $0x200;
	s18 =	simm.s32 $0x280  }
0x6: {  	s19 =	simm.s32 $0x10300;
	s20 =	simm.s32 $0x14300;
	s21 =	simm.s32 $0x2  }
0x7: {  	s22 =	simm.s32 $0x0;
	[smem:$0x7FF] =	sst s1;
	s3 =	sadd.s32 $0xA400, s4  }
0x8: {  	s8 =	sand.u32 $0x1, s5;
	s29 =	sshll.u32 s2, $0x6;
	s6 =	sshll.u32 s2, $0xD  }
0x9: {  	_ =	strace $0x8000004D;
	s7 =	ssub.s32 $0x2, s8;
	s5 =	sadd.s32 s29, s4  }
.Ltmp0:
0xa: {  	s6 =	sadd.s32 s6, s4;
	s9 =	sshll.u32 s8, $0xC;
	(pc) =	sbr.rel .LBB2_1-.Ltmp0, $4  }
0xb: {  	s10 =	sshll.u32 s8, $0x5;
	s4 =	sshll.u32 s2, $0x1;
	s8 =	sor.u32 $0xFFFFFFE0, s8  }
0xc: {  	s30 =	sshrl.u32 s7, $0x1;
	s6 =	sadd.s32 s9, s6;
	s31 =	sadd.s32 s10, s5  }
0xd: {  	s9 =	simm.s32 $0x100;
	s10 =	simm.s32 $0x7;
	s7 =	ssub.s32 s7, s30  }
0xe: {  	s6 =	sadd.s32 $0x225600, s6;
	s5 =	smax.u32 s7, $0x1;
	s7 =	sadd.s32 $0x4400, s31  }
.LBB2_11:
0xf: {  	s22 =	sadd.s32 $0x1, s22  }
0x10: {  	p0 =	sne.s32 s22, s5  }
.Ltmp1:
0x11: {  	_ = 	snop;
	(pc) =	sbr.rel @!p0 .LBB2_12-.Ltmp1, $1  }
0x12: {  	_ =	sdelay $0x3  }
.LBB2_1:
.Ltmp2:
0x13: {  	(pc) =	sbr.rel .LBB2_2-.Ltmp2, $2  }
0x14: {  	_ =	sdelay $0x2  }
0x15: {  	s23 =	smov.u32 s6;
	s24 =	smov.u32 s4;
	s25 =	simm.s32 $0x0  }
.LBB2_7:
0x16: {  	s28 =	sadd.s32 $0x800, s26  }
0x17: {  	[tilespmem:s17], [sflag:$0x7] =	stream.linear.gather [hbm4b:s28+s1], $0x80, $0x38;
	[tilespmem:$0x18300] =	vst v63  }
0x18: {  	_ =	swait.ge [sflag:s10], $0x80  }
0x19: {  	[sflag:s10] =	ssyncset.done $0x0  }
0x1a: {  	s31 =	sadd.s32 $0x810, s26;
	[sflag:s10] =	ssyncadd.s32 $0xFFFFFF80  }
0x1b: {  	[tilespmem:s18], [sflag:$0x7] =	stream.linear.gather [hbm4b:s31+s1], $0x80, $0x38;
	[tilespmem:$0x18300] =	vst v63  }
0x1c: {  	_ =	swait.ge [sflag:s10], $0x80  }
0x1d: {  	[sflag:s10] =	ssyncset.done $0x0  }
0x1e: {  	[sflag:s10] =	ssyncadd.s32 $0xFFFFFF80  }
0x1f: {  	[tilespmem:s19], [sflag:$0x3] =	stream.indirect.gather [hbm4b:s3+s12], $0x80, s17, s12, $0xb8;
	[tilespmem:$0x18300] =	vst v63  }
0x20: {  	_ = 	snop  }
0x21: {  	[tilespmem:s20], [sflag:$0x3] =	stream.indirect.gather [hbm4b:s3+s12], $0x80, s18, s12, $0xb8;
	[tilespmem:$0x18300] =	vst v63  }
.LBB2_9:
0x22: {  	_ =	swait.ge [sflag:s21], $0x4000  }
0x23: {  	[sflag:s21] =	ssyncset.done $0x0  }
0x24: {  	[sflag:s21] =	ssyncadd.s32 $0xFFFFC000  }
0x25: {  	_ =	swait.ge [sflag:s21], $0x4000  }
0x26: {  	[sflag:s21] =	ssyncset.done $0x0  }
0x27: {  	s26 =	sadd.s32 $0x20000, s23;
	[sflag:s21] =	ssyncadd.s32 $0xFFFFC000  }
0x28: {  	[hbm4b:s26+s1] =	stream.linear.scatter [tilespmem:s13], [sflag:$0x5], $0x8000, $0x38;
	[tilespmem:$0x18300] =	vst v63  }
.LBB2_10:
0x29: {  	s25 =	sadd.s32 $0xC00, s25  }
0x2a: {  	p0 =	sne.s32 s25, $0x3000  }
.Ltmp3:
0x2b: {  	_ = 	snop;
	(pc) =	sbr.rel @!p0 .LBB2_11-.Ltmp3, $2  }
0x2c: {  	_ =	sdelay $0x2  }
0x2d: {  	s24 =	sadd.s32 $0x60, s24;
	s23 =	sadd.s32 $0x60000, s23  }
.LBB2_2:
0x2e: {  	s26 =	sadd.s32 $0xFFFFFFA0, s24  }
0x2f: {  	p0 =	sgt.u32 s26, $0xF9  }
0x30: {  	s26 =	simm.s32 @!p0 $0x4  }
0x31: {  	p1 =	sgt.u32 s24, $0xF9;
	_ =	swait.ge @!p0 [sflag:s26], $0x8000  }
0x32: {  	s28 =	simm.s32 @!p1 $0x0;
	[sflag:s26] =	ssyncset.done @!p0 $0x0  }
0x33: {  	s29 =	simm.s32 @!p1 $0x7;
	[sflag:s26] =	ssyncadd.s32 @!p0 $0xFFFF8000;
	s26 =	sadd.s32 @!p1 s25, s7  }
0x34: {  	[tilespmem:s28], [sflag:$0x7] =	stream.linear.gather @!p1 [hbm4b:s26+s28], $0x80, $0x38;
	[tilespmem:$0x18300] =	vst v63  }
0x35: {  	_ =	swait.ge @!p1 [sflag:s29], $0x80  }
0x36: {  	[sflag:s29] =	ssyncset.done @!p1 $0x0  }
0x37: {  	s30 =	simm.s32 @!p1 $0x80;
	s26 =	sadd.s32 @!p1 $0x10, s26;
	[sflag:s29] =	ssyncadd.s32 @!p1 $0xFFFFFF80  }
0x38: {  	[tilespmem:s30], [sflag:$0x7] =	stream.linear.gather @!p1 [hbm4b:s26+s28], $0x80, $0x38;
	[tilespmem:$0x18300] =	vst v63  }
0x39: {  	_ =	swait.ge @!p1 [sflag:s29], $0x80  }
0x3a: {  	[sflag:s29] =	ssyncset.done @!p1 $0x0  }
0x3b: {  	s26 =	simm.s32 @!p1 $0x300;
	[sflag:s29] =	ssyncadd.s32 @!p1 $0xFFFFFF80;
	s29 =	sadd.s32 s24, s8  }
0x3c: {  	[tilespmem:s26], [sflag:$0x1] =	stream.indirect.gather @!p1 [hbm4b:s3+s30], $0x80, s28, s30, $0xb8;
	[tilespmem:$0x18300] =	vst v63  }
0x3d: {  	p0 =	sgt.u32 s29, $0xF9  }
0x3e: {  	s28 =	simm.s32 @!p1 $0x4300;
	s26 =	simm.s32 @!p0 $0x3  }
0x3f: {  	[tilespmem:s28], [sflag:$0x1] =	stream.indirect.gather @!p1 [hbm4b:s3+s30], $0x80, s30, s30, $0xb8;
	[tilespmem:$0x18300] =	vst v63  }
0x40: {  	_ =	swait.ge @!p0 [sflag:s26], $0x4000  }
0x41: {  	[sflag:s26] =	ssyncset.done @!p0 $0x0  }
0x42: {  	[sflag:s26] =	ssyncadd.s32 @!p0 $0xFFFFC000  }
0x43: {  	s31 =	sadd.s32 $0xFFFFFFC0, s24;
	_ =	swait.ge @!p0 [sflag:s26], $0x4000  }
0x44: {  	p2 =	sgt.u32 s24, $0xD9;
	s29 =	simm.s32 @!p0 $0x10300;
	[sflag:s26] =	ssyncset.done @!p0 $0x0  }
0x45: {  	s28 =	simm.s32 @!p0 $0x0;
	[sflag:s26] =	ssyncadd.s32 @!p0 $0xFFFFC000;
	s26 =	sadd.s32 @!p0 $0xFFFE0000, s23  }
0x46: {  	[hbm4b:s26+s28] =	stream.linear.scatter @!p0 [tilespmem:s29], [sflag:$0x6], $0x8000, $0x38;
	[tilespmem:$0x18300] =	vst v63  }
.Ltmp4:
0x47: {  	p3 =	sgt.u32 s31, $0xF9;
	(pc) =	sbr.rel @p2 .LBB2_4-.Ltmp4, $4  }
0x48: {  	s26 =	simm.s32 @!p3 $0x5  }
0x49: {  	_ =	swait.ge @!p3 [sflag:s26], $0x8000  }
0x4a: {  	[sflag:s26] =	ssyncset.done @!p3 $0x0  }
0x4b: {  	[sflag:s26] =	ssyncadd.s32 @!p3 $0xFFFF8000;
	s26 =	sadd.s32 s25, s7  }
0x4c: {  	s28 =	sadd.s32 $0x400, s26  }
0x4d: {  	[tilespmem:s9], [sflag:$0x7] =	stream.linear.gather [hbm4b:s28+s1], $0x80, $0x38;
	[tilespmem:$0x18300] =	vst v63  }
0x4e: {  	_ =	swait.ge [sflag:s10], $0x80  }
0x4f: {  	[sflag:s10] =	ssyncset.done $0x0  }
0x50: {  	s31 =	sadd.s32 $0x410, s26;
	[sflag:s10] =	ssyncadd.s32 $0xFFFFFF80  }
0x51: {  	[tilespmem:s11], [sflag:$0x7] =	stream.linear.gather [hbm4b:s31+s1], $0x80, $0x38;
	[tilespmem:$0x18300] =	vst v63  }
0x52: {  	_ =	swait.ge [sflag:s10], $0x80  }
.Ltmp5:
0x53: {  	[sflag:s10] =	ssyncset.done $0x0;
	(pc) =	sbr.rel .LBB2_5-.Ltmp5, $4  }
0x54: {  	[sflag:s10] =	ssyncadd.s32 $0xFFFFFF80  }
0x55: {  	[tilespmem:s13], [sflag:$0x2] =	stream.indirect.gather [hbm4b:s3+s12], $0x80, s9, s12, $0xb8;
	[tilespmem:$0x18300] =	vst v63  }
0x56: {  	_ = 	snop  }
0x57: {  	[tilespmem:s14], [sflag:$0x2] =	stream.indirect.gather [hbm4b:s3+s12], $0x80, s11, s12, $0xb8;
	[tilespmem:$0x18300] =	vst v63  }
.LBB2_4:
.Ltmp6:
0x58: {  	(pc) =	sbr.rel @p1 .LBB2_6-.Ltmp6, $1  }
0x59: {  	_ =	sdelay $0x3  }
.LBB2_5:
0x5a: {  	_ =	swait.ge [sflag:s15], $0x4000  }
0x5b: {  	[sflag:s15] =	ssyncset.done $0x0  }
0x5c: {  	[sflag:s15] =	ssyncadd.s32 $0xFFFFC000  }
0x5d: {  	_ =	swait.ge [sflag:s15], $0x4000  }
0x5e: {  	[sflag:s15] =	ssyncset.done $0x0  }
0x5f: {  	[sflag:s15] =	ssyncadd.s32 $0xFFFFC000  }
0x60: {  	[hbm4b:s23+s1] =	stream.linear.scatter [tilespmem:s16], [sflag:$0x4], $0x8000, $0x38;
	[tilespmem:$0x18300] =	vst v63  }
.LBB2_6:
0x61: {  	p1 =	sgt.u32 s24, $0xB9  }
.Ltmp7:
0x62: {  	_ = 	snop;
	(pc) =	sbr.rel @!p1 .LBB2_7-.Ltmp7, $4  }
0x63: {  	s28 =	simm.s32 @!p0 $0x6  }
0x64: {  	_ =	swait.ge @!p0 [sflag:s28], $0x8000  }
0x65: {  	[sflag:s28] =	ssyncset.done @!p0 $0x0  }
0x66: {  	[sflag:s28] =	ssyncadd.s32 @!p0 $0xFFFF8000  }
.Ltmp8:
0x67: {  	(pc) =	sbr.rel @p2 .LBB2_10-.Ltmp8, $4  }
.Ltmp9:
0x68: {  	(pc) =	sbr.rel @!p2 .LBB2_9-.Ltmp9, $4  }
0x69: {  	_ = 	snop  }
0x6a: {  	_ = 	snop  }
0x6b: {  	_ = 	snop  }
0x6c: {  	_ = 	snop  }
.LBB2_12:
0x6d: {  	_ =	sfence.sel $0x180000  }
0x6e: {  	[bflag:$0x0] =	sbarrier.arrive $0xFFFF  }
0x6f: {  	p0 =	sne.s32 s2, $0x0;
	_ =	strace $0x9000004D  }
0x70: {  	s0 =	sadd.s32 @!p0 $0x100000, s0;
	[bflag:$0x2] =	sbarrier.arrive $0xFFFF  }
0x71: {  	[sflag:s0] =	ssyncadd.tile.s32 @!p0 $0x1;
	_ =	shalt  }
.Lfunc_end2:
_tile_overlayer_lowered:
.L_overlay_start_2:
0x72: {  	(tag) =	ssettag $0x2  }
0x73: {  	s0 =	rddreg [dreg:$0x0];
	s2 =	stileid.u32  }
0x74: {  	s1 =	rddreg [dreg:$0x1];
	p0 =	sne.s32 s2, $0x0  }
0x75: {  	s3 =	rddreg [dreg:$0x2];
	[bflag:$0x3] =	sbarrier.arrive $0xFFFF;
	s2 =	simm.s32 @!p0 $0x1C07  }
0x76: {  	[timem:s3], [sflag:s2] =	dma.local @!p0 [hbm:s0], s1  }
0x77: {  	s0 =	simm.s32 @!p0 $0x7  }
0x78: {  	_ =	swait.ge @!p0 [sflag:s0], s1  }
0x79: {  	s1 =	ssub.s32 @!p0 $0x0, s1;
	[sflag:s0] =	ssyncset.done @!p0 $0x0  }
0x7a: {  	[sflag:s0] =	ssyncadd.s32 @!p0 s1  }
0x7b: {  	[bflag:$0x3] =	sbarrier.arrive $0xFFFF  }
0x7c: {  	_ =	shalt  }

// kernel: kernel.19.cloned.1.call-start
scs
__scs_entry_jumppad:
0x0: {  	(pc) =	sbr.rel $0x88, $3  }
0x1: {  	(tag) =	ssettag $0x0;
	lr =	simm.s32 $0x1  }
0x2: {  	[smem:$0x3F9E] =	sst lr;
	_ =	strace $0xD0000000  }
0x3: {  	_ = 	snop  }
0x4: {  	_ = 	snop  }
0x5: {  	_ = 	snop  }
0x6: {  	_ = 	snop  }
0x7: {  	_ = 	snop  }
__scs_overlays_trampoline_lowered:
0x8: {  	[smem:$0x3FAD] =	sst s0  }
0x9: {  	[smem:$0x3FAE] =	sst s1  }
0xa: {  	[smem:$0x3FAF] =	sst s2  }
0xb: {  	[smem:$0x3FB0] =	sst s3  }
0xc: {  	[smem:$0x3FB1] =	sst s4  }
0xd: {  	[smem:$0x3FB2] =	sst s5  }
0xe: {  	[smem:$0x3FB3] =	sst s6  }
0xf: {  	[smem:$0x3FB4] =	sst s7  }
0x10: {  	[smem:$0x3FB5] =	sst s8  }
0x11: {  	[smem:$0x3FB6] =	sst s9;
	s0 =	simm.s32 @!p0 $0x0  }
0x12: {  	s1 =	sld [smem:$0x3F9C];
	s0 =	simm.s32 @p0 $0x1  }
0x13: {  	[smem:$0x3FB7] =	sst s0;
	s0 =	simm.s32 @!p1 $0x0  }
0x14: {  	s2 =	sld [smem:$0x3F9B];
	s0 =	simm.s32 @p1 $0x1  }
0x15: {  	[smem:$0x3FB8] =	sst s0;
	s0 =	simm.s32 @!p2 $0x0  }
0x16: {  	s3 =	sld [smem:$0x3FDB];
	s0 =	simm.s32 @p2 $0x1  }
0x17: {  	s4 =	simm.s32 $0x1BF5;
	[smem:$0x3FBA] =	sst s0  }
0x18: {  	s0 =	sld [smem:$0x3F9D];
	_ =	swait.ge [sflag:s4], $0x0  }
0x19: {  	s7 =	sld [smem:$0x3F9E]  }
0x1a: {  	s8 =	sadd.s32 $0xFFFFE003, lr  }
0x1b: {  	s9 =	sadd.s32 $0xFFFFFEF7, lr;
	s5 =	simm.s32 $0xFFFFFFFF;
	p2 =	slt.u32 s8, $0xFFFFF086  }
0x1c: {  	p1 =	slt.u32 s9, $0xF7A;
	s5 =	simm.s32 @!p2 $0x0  }
0x1d: {  	s5 =	simm.s32 @p1 $0x1;
	p0 =	seq.s32 s7, s2  }
0x1e: {  	s7 =	smul.u32 @!p0 $0xF7A, s2;
	p2 =	seq.s32 @!p0 s5, $0x0  }
0x1f: {  	s9 =	smul.u32 $0xF7A, s1;
	s8 =	simm.s32 @!p0 $0x1BF5;
	p2 =	por !p2, p0  }
0x20: {  	[sflag:s8] =	ssyncset.s32 @!p0 $0xFFFFF086;
	s6 =	sadd.s32 @!p0 s3, s7;
	s7 =	simm.s32 @!p0 $0x108  }
0x21: {  	s3 =	sadd.s32 s3, s9;
	s6 =	sadd.s32 @!p0 $0x88, s6;
	s7 =	simm.s32 @p2 $0x1082  }
0x22: {  	[simem:s7], [sflag:s8] =	dma.local @!p0 [hbm:s6], $0xF7A  }
0x23: {  	s9 =	sor.u32 $0xD0000000, s2;
	s6 =	simm.s32 $0x108;
	_ =	swait.ge @!p0 [sflag:s8], $0x0  }
0x24: {  	s3 =	sadd.s32 $0x88, s3;
	s6 =	simm.s32 @!p1 $0x1082;
	[sflag:s4] =	ssyncset.s32 $0xFFFFF086  }
0x25: {  	[simem:s6], [sflag:s4] =	dma.local [hbm:s3], $0xF7A  }
0x26: {  	[smem:$0x3F9E] =	sst s1;
	(tag) =	ssettag s2;
	_ =	strace s9  }
0x27: {  	s1 =	sld [smem:$0x3FAE]  }
0x28: {  	s2 =	sld [smem:$0x3FAF]  }
0x29: {  	s4 =	sld [smem:$0x3FB1]  }
0x2a: {  	p0 =	seq.s32 s5, $0x0;
	s5 =	sld [smem:$0x3FB2]  }
0x2b: {  	s6 =	sld [smem:$0x3FB3]  }
0x2c: {  	s7 =	sld [smem:$0x3FB4]  }
0x2d: {  	s3 =	simm.s32 $0x108;
	s8 =	sld [smem:$0x3FB5]  }
0x2e: {  	s3 =	simm.s32 @!p0 $0x1082;
	s9 =	sld [smem:$0x3FB6]  }
0x2f: {  	lr =	sadd.s32 s0, s3;
	s0 =	sld [smem:$0x3FAD]  }
0x30: {  	s3 =	sld [smem:$0x3FB0]  }
0x31: {  	[smem:$0x3FB9] =	sst s10  }
0x32: {  	s10 =	sld [smem:$0x3FB7];
	_ =	sdelay $0x3  }
0x33: {  	p0 =	seq.s32 s10, $0x1;
	s10 =	sld [smem:$0x3FB9];
	_ =	sdelay $0x3  }
0x34: {  	[smem:$0x3FB9] =	sst s10  }
0x35: {  	s10 =	sld [smem:$0x3FB8];
	_ =	sdelay $0x3  }
0x36: {  	p1 =	seq.s32 s10, $0x1;
	s10 =	sld [smem:$0x3FB9];
	_ =	sdelay $0x3  }
0x37: {  	[smem:$0x3FB9] =	sst s10  }
0x38: {  	s10 =	sld [smem:$0x3FBA]  }
0x39: {  	_ = 	snop;
	(pc) =	sbr.ind lr, $3  }
0x3a: {  	_ = 	snop  }
0x3b: {  	_ = 	snop  }
0x3c: {  	p2 =	seq.s32 s10, $0x1;
	s10 =	sld [smem:$0x3FB9]  }
0x3d: {  	_ =	shalt  }
0x3e: {  	_ =	shalt  }
0x3f: {  	_ =	shalt  }
0x40: {  	_ =	shalt  }
0x41: {  	_ =	shalt  }
0x42: {  	_ =	shalt  }
0x43: {  	_ =	shalt  }
0x44: {  	_ =	shalt  }
0x45: {  	_ =	shalt  }
0x46: {  	_ =	shalt  }
0x47: {  	_ =	shalt  }
0x48: {  	_ =	shalt  }
0x49: {  	_ =	shalt  }
0x4a: {  	_ =	shalt  }
0x4b: {  	_ =	shalt  }
0x4c: {  	_ =	shalt  }
0x4d: {  	_ =	shalt  }
0x4e: {  	_ =	shalt  }
0x4f: {  	_ =	shalt  }
0x50: {  	_ =	shalt  }
0x51: {  	_ =	shalt  }
0x52: {  	_ =	shalt  }
0x53: {  	_ =	shalt  }
0x54: {  	_ =	shalt  }
0x55: {  	_ =	shalt  }
0x56: {  	_ =	shalt  }
0x57: {  	_ =	shalt  }
0x58: {  	_ =	shalt  }
0x59: {  	_ =	shalt  }
0x5a: {  	_ =	shalt  }
0x5b: {  	_ =	shalt  }
0x5c: {  	_ =	shalt  }
0x5d: {  	_ =	shalt  }
0x5e: {  	_ =	shalt  }
0x5f: {  	_ =	shalt  }
0x60: {  	_ =	shalt  }
0x61: {  	_ =	shalt  }
0x62: {  	_ =	shalt  }
0x63: {  	_ =	shalt  }
0x64: {  	_ =	shalt  }
0x65: {  	_ =	shalt  }
0x66: {  	_ =	shalt  }
0x67: {  	_ =	shalt  }
0x68: {  	_ =	shalt  }
0x69: {  	_ =	shalt  }
0x6a: {  	_ =	shalt  }
0x6b: {  	_ =	shalt  }
0x6c: {  	_ =	shalt  }
0x6d: {  	_ =	shalt  }
0x6e: {  	_ =	shalt  }
0x6f: {  	_ =	shalt  }
0x70: {  	_ =	shalt  }
0x71: {  	_ =	shalt  }
0x72: {  	_ =	shalt  }
0x73: {  	_ =	shalt  }
0x74: {  	_ =	shalt  }
0x75: {  	_ =	shalt  }
0x76: {  	_ =	shalt  }
0x77: {  	_ =	shalt  }
0x78: {  	_ =	shalt  }
0x79: {  	_ =	shalt  }
0x7a: {  	_ =	shalt  }
0x7b: {  	_ =	shalt  }
0x7c: {  	_ =	shalt  }
0x7d: {  	_ =	shalt  }
0x7e: {  	_ =	shalt  }
0x7f: {  	_ =	shalt  }
0x80: {  	_ =	shalt  }
0x81: {  	_ =	shalt  }
0x82: {  	_ =	shalt  }
0x83: {  	_ =	shalt  }
0x84: {  	_ =	shalt  }
0x85: {  	_ =	shalt  }
0x86: {  	_ =	shalt  }
0x87: {  	_ =	shalt  }
.Lfunc_end0:
.L_simem_size_0:
called_computation.2_lowered:
.L_overlay_start_0:
0x88: {  	s2 =	sld [smem:$0x3FD9]  }
0x89: {  	s3 =	sld [smem:$0x3FFE];
	_ =	sdelay $0x1  }
0x8a: {  	s1 =	srdreg.scid  }
0x8b: {  	s0 =	sand.u32 $0x1, s1  }
0x8c: {  	s17 =	sshll.u32 s0, $0xA;
	s2 =	sadd.s32 s3, s2  }
0x8d: {  	s2 =	sadd.s32 s2, s17  }
0x8e: {  	[smem:$0x3FC5] =	sst s2  }
0x8f: {  	_ = 	snop  }
0x90: {  	(tm) =	ssettm $0x1  }
0x91: {  	s18 =	sld [smem:$0x3FFB];
	_ =	sdelay $0x3  }
0x92: {  	_ =	strace s18  }
0x93: {  	s2 =	sld [smem:$0x3FFC];
	_ =	sdelay $0x3  }
0x94: {  	_ =	strace s2  }
0x95: {  	s2 =	sld [smem:$0x3FFD];
	_ =	sdelay $0x3  }
0x96: {  	_ =	strace s2  }
0x97: {  	_ =	strace $0x8FFFFFFF  }
0x98: {  	s19 =	sld [smem:$0x3FDB];
	_ =	sdelay $0x1  }
0x99: {  	s20 =	simm.s32 $_scs_section_size  }
0x9a: {  	s4 =	simm.s32 $_size__tile_overlayer_lowered;
	s5 =	simm.s32 $_tile_overlayer_lowered  }
0x9b: {  	s6 =	simm.s32 $0x1BFF;
	s21 =	sshll.u32 s5, $0x1;
	s3 =	sadd.s32 s20, s19  }
0x9c: {  	s22 =	simm.s32 $0x0;
	s4 =	sshll.u32 s4, $0x1;
	s5 =	sadd.s32 s21, s3  }
0x9d: {  	[timem:s22], [sflag:s6] =	dma.local [hbm:s5], s4  }
0x9e: {  	_ =	swait.ge [sflag:s6], s4  }
0x9f: {  	s4 =	ssub.s32 $0x0, s4;
	[sflag:s6] =	ssyncset.done $0x0  }
0xa0: {  	[sflag:s6] =	ssyncadd.s32 s4;
	_ =	sdelay $0x1  }
0xa1: {  	s23 =	simm.s32 $0x1B8B  }
0xa2: {  	_ =	swait.ge [sflag:s23], $0x1  }
0xa3: {  	[sflag:s23] =	ssyncset.done $0x0  }
0xa4: {  	[sflag:s23] =	ssyncadd.s32 $0xFFFFFFFF  }
0xa5: {  	s4 =	sld [smem:$0x0]  }
0xa6: {  	s5 =	sand.u32 $0xFFFFFFFE, s1  }
0xa7: {  	p0 =	sne.s32 s1, s5  }
0xa8: {  	s5 =	sshll.u32 @p0 s5, $0xE  }
0xa9: {  	s5 =	sadd.s32 @p0 $0x11B8D, s5;
	s6 =	sshll.u32 @p0 s4, $0x11  }
0xaa: {  	s5 =	sor.u32 @p0 s6, s5  }
0xab: {  	[sflag:s5] =	ssyncadd.remote.s32 @p0 $0x1;
	_ =	sdelay $0x1  }
0xac: {  	s5 =	simm.s32 @p0 $0x1B8D  }
0xad: {  	_ =	swait.eq @p0 [sflag:s5], $0x1  }
0xae: {  	[sflag:s5] =	ssyncadd.s32 @p0 $0xFFFFFFFF  }
0xaf: {  	s6 =	sshll.u32 @!p0 s1, $0xE  }
0xb0: {  	s6 =	sor.u32 @!p0 $0x4000, s6;
	s5 =	simm.s32 @!p0 $0x1B8D  }
0xb1: {  	s4 =	sshll.u32 @!p0 s4, $0x11;
	s6 =	sadd.s32 @!p0 $0x11B8D, s6;
	_ =	swait.eq @!p0 [sflag:s5], $0x1  }
0xb2: {  	s4 =	sor.u32 @!p0 s4, s6;
	[sflag:s5] =	ssyncadd.s32 @!p0 $0xFFFFFFFF  }
0xb3: {  	s25 =	simm.s32 $0x1B8E;
	s24 =	sld [smem:$0x3FFE];
	[sflag:s4] =	ssyncadd.remote.s32 @!p0 $0x1  }
0xb4: {  	s26 =	simm.s32 $execute0_lowered;
	[smem:$0x3FD2] =	sst s25  }
0xb5: {  	s5 =	sshll.u32 s26, $0x1;
	_ =	strace $0x80000049;
	[dreg:$0x1] =	wrdreg $0xFFFFFFFF  }
0xb6: {  	s28 =	simm.s32 $_size_execute0_lowered;
	s3 =	sadd.s32 s3, s5;
	[dreg:$0x0] =	wrdreg $0x0  }
0xb7: {  	s5 =	sshll.u32 s28, $0x1;
	[dreg:$0x2] =	wrdreg s3  }
0xb8: {  	[dreg:$0x3] =	wrdreg s5  }
0xb9: {  	[dreg:$0x4] =	wrdreg $0xC0  }
0xba: {  	_ =	task [dreg:s22], $0x5FFFF  }
0xbb: {  	[dreg:$0x1] =	wrdreg $0xFFFFFFFF  }
0xbc: {  	[dreg:$0x0] =	wrdreg $0x60  }
0xbd: {  	[dreg:$0x2] =	wrdreg s24  }
0xbe: {  	[dreg:$0x3] =	wrdreg $0xB  }
0xbf: {  	_ =	task.clear_ibuf [dreg:s22], $0x4FFFF;
	_ =	strace $0x90000049  }
0xc0: {  	s29 =	simm.s32 $0xB;
	_ =	strace $0x8000004B  }
0xc1: {  	_ =	swait.ge [sflag:s29], $0x1  }
0xc2: {  	[sflag:s29] =	ssyncadd.s32 $0xFFFFFFFF  }
0xc3: {  	_ =	strace $0x9000004B  }
0xc4: {  	_ =	sfence  }
0xc5: {  	s30 =	sld [smem:$0x0];
	_ =	sdelay $0x2  }
0xc6: {  	s31 =	sshll.u32 s1, $0xD;
	s1 =	sshrl.u32 s1, $0x2  }
0xc7: {  	s4 =	sand.u32 $0x4000, s31;
	s1 =	sadd.s32 s1, s30  }
0xc8: {  	s0 =	sor.u32 s4, s0;
	s1 =	sshll.u32 s1, $0x11  }
0xc9: {  	s0 =	sor.u32 s1, s0  }
0xca: {  	s0 =	sadd.s32 $0x8F2B, s0  }
0xcb: {  	[sflag:s0] =	ssyncadd.remote.s32 $0x1  }
0xcc: {  	_ =	sfence.sel $0xFFFF  }
0xcd: {  	[dreg:$0x0] =	wrdreg $0xFFFFFFFF;
	(pc) =	sbr.abs _section_cstart, $3  }
0xce: {  	[dreg:$0x1] =	wrdreg $0xFFFFFFFF  }
0xcf: {  	_ =	task.clear_ibuf [dreg:s22], $0x2FFFF;
	_ =	strace $0x9FFFFFFF  }
0xd0: {  	(tm) =	ssettm $0x7FFFFFFF  }
0xd1: {  	_ =	shalt  }
tec
execute0_lowered:
.L_overlay_start_1:
0x0: {  	(tag) =	ssettag $0x1  }
0x1: {  	s4 =	rddreg [dreg:$0x0]  }
0x2: {  	s0 =	rddreg [dreg:$0x1];
	s1 =	simm.s32 $0x0;
	s5 =	srdreg.scid  }
0x3: {  	s2 =	stileid.u32;
	s11 =	simm.s32 $0x180;
	s12 =	simm.s32 $0x80  }
0x4: {  	s13 =	simm.s32 $0x8300;
	s14 =	simm.s32 $0xC300;
	s15 =	simm.s32 $0x1  }
0x5: {  	s16 =	simm.s32 $0x300;
	s17 =	simm.s32 $0x200;
	s18 =	simm.s32 $0x280  }
0x6: {  	s19 =	simm.s32 $0x10300;
	s20 =	simm.s32 $0x14300;
	s21 =	simm.s32 $0x2  }
0x7: {  	s22 =	simm.s32 $0x0;
	[smem:$0x7FF] =	sst s1;
	s3 =	sadd.s32 $0xA400, s4  }
0x8: {  	s8 =	sand.u32 $0x1, s5;
	s29 =	sshll.u32 s2, $0x6;
	s6 =	sshll.u32 s2, $0xD  }
0x9: {  	_ =	strace $0x8000004A;
	s7 =	ssub.s32 $0x2, s8;
	s5 =	sadd.s32 s29, s4  }
.Ltmp0:
0xa: {  	s6 =	sadd.s32 s6, s4;
	s9 =	sshll.u32 s8, $0xC;
	(pc) =	sbr.rel .LBB2_1-.Ltmp0, $4  }
0xb: {  	s10 =	sshll.u32 s8, $0x5;
	s4 =	sshll.u32 s2, $0x1;
	s8 =	sor.u32 $0xFFFFFFE0, s8  }
0xc: {  	s30 =	sshrl.u32 s7, $0x1;
	s6 =	sadd.s32 s9, s6;
	s31 =	sadd.s32 s10, s5  }
0xd: {  	s9 =	simm.s32 $0x100;
	s10 =	simm.s32 $0x7;
	s7 =	ssub.s32 s7, s30  }
0xe: {  	s6 =	sadd.s32 $0x12B600, s6;
	s5 =	smax.u32 s7, $0x1;
	s7 =	sadd.s32 $0x2400, s31  }
.LBB2_11:
0xf: {  	s22 =	sadd.s32 $0x1, s22  }
0x10: {  	p0 =	sne.s32 s22, s5  }
.Ltmp1:
0x11: {  	_ = 	snop;
	(pc) =	sbr.rel @!p0 .LBB2_12-.Ltmp1, $1  }
0x12: {  	_ =	sdelay $0x3  }
.LBB2_1:
.Ltmp2:
0x13: {  	(pc) =	sbr.rel .LBB2_2-.Ltmp2, $2  }
0x14: {  	_ =	sdelay $0x2  }
0x15: {  	s23 =	smov.u32 s6;
	s24 =	smov.u32 s4;
	s25 =	simm.s32 $0x0  }
.LBB2_7:
0x16: {  	s28 =	sadd.s32 $0x800, s26  }
0x17: {  	[tilespmem:s17], [sflag:$0x7] =	stream.linear.gather [hbm4b:s28+s1], $0x80, $0x38;
	[tilespmem:$0x18300] =	vst v63  }
0x18: {  	_ =	swait.ge [sflag:s10], $0x80  }
0x19: {  	[sflag:s10] =	ssyncset.done $0x0  }
0x1a: {  	s31 =	sadd.s32 $0x810, s26;
	[sflag:s10] =	ssyncadd.s32 $0xFFFFFF80  }
0x1b: {  	[tilespmem:s18], [sflag:$0x7] =	stream.linear.gather [hbm4b:s31+s1], $0x80, $0x38;
	[tilespmem:$0x18300] =	vst v63  }
0x1c: {  	_ =	swait.ge [sflag:s10], $0x80  }
0x1d: {  	[sflag:s10] =	ssyncset.done $0x0  }
0x1e: {  	[sflag:s10] =	ssyncadd.s32 $0xFFFFFF80  }
0x1f: {  	[tilespmem:s19], [sflag:$0x3] =	stream.indirect.gather [hbm4b:s3+s12], $0x80, s17, s12, $0xb8;
	[tilespmem:$0x18300] =	vst v63  }
0x20: {  	_ = 	snop  }
0x21: {  	[tilespmem:s20], [sflag:$0x3] =	stream.indirect.gather [hbm4b:s3+s12], $0x80, s18, s12, $0xb8;
	[tilespmem:$0x18300] =	vst v63  }
.LBB2_9:
0x22: {  	_ =	swait.ge [sflag:s21], $0x4000  }
0x23: {  	[sflag:s21] =	ssyncset.done $0x0  }
0x24: {  	[sflag:s21] =	ssyncadd.s32 $0xFFFFC000  }
0x25: {  	_ =	swait.ge [sflag:s21], $0x4000  }
0x26: {  	[sflag:s21] =	ssyncset.done $0x0  }
0x27: {  	s26 =	sadd.s32 $0x20000, s23;
	[sflag:s21] =	ssyncadd.s32 $0xFFFFC000  }
0x28: {  	[hbm4b:s26+s1] =	stream.linear.scatter [tilespmem:s13], [sflag:$0x5], $0x8000, $0x38;
	[tilespmem:$0x18300] =	vst v63  }
.LBB2_10:
0x29: {  	s25 =	sadd.s32 $0xC00, s25  }
0x2a: {  	p0 =	sne.s32 s25, $0x3000  }
.Ltmp3:
0x2b: {  	_ = 	snop;
	(pc) =	sbr.rel @!p0 .LBB2_11-.Ltmp3, $2  }
0x2c: {  	_ =	sdelay $0x2  }
0x2d: {  	s24 =	sadd.s32 $0x60, s24;
	s23 =	sadd.s32 $0x60000, s23  }
.LBB2_2:
0x2e: {  	s26 =	sadd.s32 $0xFFFFFFA0, s24  }
0x2f: {  	p0 =	sgt.u32 s26, $0xF9  }
0x30: {  	s26 =	simm.s32 @!p0 $0x4  }
0x31: {  	p1 =	sgt.u32 s24, $0xF9;
	_ =	swait.ge @!p0 [sflag:s26], $0x8000  }
0x32: {  	s28 =	simm.s32 @!p1 $0x0;
	[sflag:s26] =	ssyncset.done @!p0 $0x0  }
0x33: {  	s29 =	simm.s32 @!p1 $0x7;
	[sflag:s26] =	ssyncadd.s32 @!p0 $0xFFFF8000;
	s26 =	sadd.s32 @!p1 s25, s7  }
0x34: {  	[tilespmem:s28], [sflag:$0x7] =	stream.linear.gather @!p1 [hbm4b:s26+s28], $0x80, $0x38;
	[tilespmem:$0x18300] =	vst v63  }
0x35: {  	_ =	swait.ge @!p1 [sflag:s29], $0x80  }
0x36: {  	[sflag:s29] =	ssyncset.done @!p1 $0x0  }
0x37: {  	s30 =	simm.s32 @!p1 $0x80;
	s26 =	sadd.s32 @!p1 $0x10, s26;
	[sflag:s29] =	ssyncadd.s32 @!p1 $0xFFFFFF80  }
0x38: {  	[tilespmem:s30], [sflag:$0x7] =	stream.linear.gather @!p1 [hbm4b:s26+s28], $0x80, $0x38;
	[tilespmem:$0x18300] =	vst v63  }
0x39: {  	_ =	swait.ge @!p1 [sflag:s29], $0x80  }
0x3a: {  	[sflag:s29] =	ssyncset.done @!p1 $0x0  }
0x3b: {  	s26 =	simm.s32 @!p1 $0x300;
	[sflag:s29] =	ssyncadd.s32 @!p1 $0xFFFFFF80;
	s29 =	sadd.s32 s24, s8  }
0x3c: {  	[tilespmem:s26], [sflag:$0x1] =	stream.indirect.gather @!p1 [hbm4b:s3+s30], $0x80, s28, s30, $0xb8;
	[tilespmem:$0x18300] =	vst v63  }
0x3d: {  	p0 =	sgt.u32 s29, $0xF9  }
0x3e: {  	s28 =	simm.s32 @!p1 $0x4300;
	s26 =	simm.s32 @!p0 $0x3  }
0x3f: {  	[tilespmem:s28], [sflag:$0x1] =	stream.indirect.gather @!p1 [hbm4b:s3+s30], $0x80, s30, s30, $0xb8;
	[tilespmem:$0x18300] =	vst v63  }
0x40: {  	_ =	swait.ge @!p0 [sflag:s26], $0x4000  }
0x41: {  	[sflag:s26] =	ssyncset.done @!p0 $0x0  }
0x42: {  	[sflag:s26] =	ssyncadd.s32 @!p0 $0xFFFFC000  }
0x43: {  	s31 =	sadd.s32 $0xFFFFFFC0, s24;
	_ =	swait.ge @!p0 [sflag:s26], $0x4000  }
0x44: {  	p2 =	sgt.u32 s24, $0xD9;
	s29 =	simm.s32 @!p0 $0x10300;
	[sflag:s26] =	ssyncset.done @!p0 $0x0  }
0x45: {  	s28 =	simm.s32 @!p0 $0x0;
	[sflag:s26] =	ssyncadd.s32 @!p0 $0xFFFFC000;
	s26 =	sadd.s32 @!p0 $0xFFFE0000, s23  }
0x46: {  	[hbm4b:s26+s28] =	stream.linear.scatter @!p0 [tilespmem:s29], [sflag:$0x6], $0x8000, $0x38;
	[tilespmem:$0x18300] =	vst v63  }
.Ltmp4:
0x47: {  	p3 =	sgt.u32 s31, $0xF9;
	(pc) =	sbr.rel @p2 .LBB2_4-.Ltmp4, $4  }
0x48: {  	s26 =	simm.s32 @!p3 $0x5  }
0x49: {  	_ =	swait.ge @!p3 [sflag:s26], $0x8000  }
0x4a: {  	[sflag:s26] =	ssyncset.done @!p3 $0x0  }
0x4b: {  	[sflag:s26] =	ssyncadd.s32 @!p3 $0xFFFF8000;
	s26 =	sadd.s32 s25, s7  }
0x4c: {  	s28 =	sadd.s32 $0x400, s26  }
0x4d: {  	[tilespmem:s9], [sflag:$0x7] =	stream.linear.gather [hbm4b:s28+s1], $0x80, $0x38;
	[tilespmem:$0x18300] =	vst v63  }
0x4e: {  	_ =	swait.ge [sflag:s10], $0x80  }
0x4f: {  	[sflag:s10] =	ssyncset.done $0x0  }
0x50: {  	s31 =	sadd.s32 $0x410, s26;
	[sflag:s10] =	ssyncadd.s32 $0xFFFFFF80  }
0x51: {  	[tilespmem:s11], [sflag:$0x7] =	stream.linear.gather [hbm4b:s31+s1], $0x80, $0x38;
	[tilespmem:$0x18300] =	vst v63  }
0x52: {  	_ =	swait.ge [sflag:s10], $0x80  }
.Ltmp5:
0x53: {  	[sflag:s10] =	ssyncset.done $0x0;
	(pc) =	sbr.rel .LBB2_5-.Ltmp5, $4  }
0x54: {  	[sflag:s10] =	ssyncadd.s32 $0xFFFFFF80  }
0x55: {  	[tilespmem:s13], [sflag:$0x2] =	stream.indirect.gather [hbm4b:s3+s12], $0x80, s9, s12, $0xb8;
	[tilespmem:$0x18300] =	vst v63  }
0x56: {  	_ = 	snop  }
0x57: {  	[tilespmem:s14], [sflag:$0x2] =	stream.indirect.gather [hbm4b:s3+s12], $0x80, s11, s12, $0xb8;
	[tilespmem:$0x18300] =	vst v63  }
.LBB2_4:
.Ltmp6:
0x58: {  	(pc) =	sbr.rel @p1 .LBB2_6-.Ltmp6, $1  }
0x59: {  	_ =	sdelay $0x3  }
.LBB2_5:
0x5a: {  	_ =	swait.ge [sflag:s15], $0x4000  }
0x5b: {  	[sflag:s15] =	ssyncset.done $0x0  }
0x5c: {  	[sflag:s15] =	ssyncadd.s32 $0xFFFFC000  }
0x5d: {  	_ =	swait.ge [sflag:s15], $0x4000  }
0x5e: {  	[sflag:s15] =	ssyncset.done $0x0  }
0x5f: {  	[sflag:s15] =	ssyncadd.s32 $0xFFFFC000  }
0x60: {  	[hbm4b:s23+s1] =	stream.linear.scatter [tilespmem:s16], [sflag:$0x4], $0x8000, $0x38;
	[tilespmem:$0x18300] =	vst v63  }
.LBB2_6:
0x61: {  	p1 =	sgt.u32 s24, $0xB9  }
.Ltmp7:
0x62: {  	_ = 	snop;
	(pc) =	sbr.rel @!p1 .LBB2_7-.Ltmp7, $4  }
0x63: {  	s28 =	simm.s32 @!p0 $0x6  }
0x64: {  	_ =	swait.ge @!p0 [sflag:s28], $0x8000  }
0x65: {  	[sflag:s28] =	ssyncset.done @!p0 $0x0  }
0x66: {  	[sflag:s28] =	ssyncadd.s32 @!p0 $0xFFFF8000  }
.Ltmp8:
0x67: {  	(pc) =	sbr.rel @p2 .LBB2_10-.Ltmp8, $4  }
.Ltmp9:
0x68: {  	(pc) =	sbr.rel @!p2 .LBB2_9-.Ltmp9, $4  }
0x69: {  	_ = 	snop  }
0x6a: {  	_ = 	snop  }
0x6b: {  	_ = 	snop  }
0x6c: {  	_ = 	snop  }
.LBB2_12:
0x6d: {  	_ =	sfence.sel $0x180000  }
0x6e: {  	[bflag:$0x0] =	sbarrier.arrive $0xFFFF  }
0x6f: {  	p0 =	sne.s32 s2, $0x0;
	_ =	strace $0x9000004A  }
0x70: {  	s0 =	sadd.s32 @!p0 $0x100000, s0;
	[bflag:$0x2] =	sbarrier.arrive $0xFFFF  }
0x71: {  	[sflag:s0] =	ssyncadd.tile.s32 @!p0 $0x1;
	_ =	shalt  }
.Lfunc_end2:
_tile_overlayer_lowered:
.L_overlay_start_2:
0x72: {  	(tag) =	ssettag $0x2  }
0x73: {  	s0 =	rddreg [dreg:$0x0];
	s2 =	stileid.u32  }
0x74: {  	s1 =	rddreg [dreg:$0x1];
	p0 =	sne.s32 s2, $0x0  }
0x75: {  	s3 =	rddreg [dreg:$0x2];
	[bflag:$0x3] =	sbarrier.arrive $0xFFFF;
	s2 =	simm.s32 @!p0 $0x1C07  }
0x76: {  	[timem:s3], [sflag:s2] =	dma.local @!p0 [hbm:s0], s1  }
0x77: {  	s0 =	simm.s32 @!p0 $0x7  }
0x78: {  	_ =	swait.ge @!p0 [sflag:s0], s1  }
0x79: {  	s1 =	ssub.s32 @!p0 $0x0, s1;
	[sflag:s0] =	ssyncset.done @!p0 $0x0  }
0x7a: {  	[sflag:s0] =	ssyncadd.s32 @!p0 s1  }
0x7b: {  	[bflag:$0x3] =	sbarrier.arrive $0xFFFF  }
0x7c: {  	_ =	shalt  }

// kernel: kernel.22.cloned.1.call-start
scs
__scs_entry_jumppad:
0x0: {  	(pc) =	sbr.rel $0x88, $3  }
0x1: {  	(tag) =	ssettag $0x0;
	lr =	simm.s32 $0x1  }
0x2: {  	[smem:$0x3F9E] =	sst lr;
	_ =	strace $0xD0000000  }
0x3: {  	_ = 	snop  }
0x4: {  	_ = 	snop  }
0x5: {  	_ = 	snop  }
0x6: {  	_ = 	snop  }
0x7: {  	_ = 	snop  }
__scs_overlays_trampoline_lowered:
0x8: {  	[smem:$0x3FAD] =	sst s0  }
0x9: {  	[smem:$0x3FAE] =	sst s1  }
0xa: {  	[smem:$0x3FAF] =	sst s2  }
0xb: {  	[smem:$0x3FB0] =	sst s3  }
0xc: {  	[smem:$0x3FB1] =	sst s4  }
0xd: {  	[smem:$0x3FB2] =	sst s5  }
0xe: {  	[smem:$0x3FB3] =	sst s6  }
0xf: {  	[smem:$0x3FB4] =	sst s7  }
0x10: {  	[smem:$0x3FB5] =	sst s8  }
0x11: {  	[smem:$0x3FB6] =	sst s9;
	s0 =	simm.s32 @!p0 $0x0  }
0x12: {  	s1 =	sld [smem:$0x3F9C];
	s0 =	simm.s32 @p0 $0x1  }
0x13: {  	[smem:$0x3FB7] =	sst s0;
	s0 =	simm.s32 @!p1 $0x0  }
0x14: {  	s2 =	sld [smem:$0x3F9B];
	s0 =	simm.s32 @p1 $0x1  }
0x15: {  	[smem:$0x3FB8] =	sst s0;
	s0 =	simm.s32 @!p2 $0x0  }
0x16: {  	s3 =	sld [smem:$0x3FDB];
	s0 =	simm.s32 @p2 $0x1  }
0x17: {  	s4 =	simm.s32 $0x1BF5;
	[smem:$0x3FBA] =	sst s0  }
0x18: {  	s0 =	sld [smem:$0x3F9D];
	_ =	swait.ge [sflag:s4], $0x0  }
0x19: {  	s7 =	sld [smem:$0x3F9E]  }
0x1a: {  	s8 =	sadd.s32 $0xFFFFE003, lr  }
0x1b: {  	s9 =	sadd.s32 $0xFFFFFEF7, lr;
	s5 =	simm.s32 $0xFFFFFFFF;
	p2 =	slt.u32 s8, $0xFFFFF086  }
0x1c: {  	p1 =	slt.u32 s9, $0xF7A;
	s5 =	simm.s32 @!p2 $0x0  }
0x1d: {  	s5 =	simm.s32 @p1 $0x1;
	p0 =	seq.s32 s7, s2  }
0x1e: {  	s7 =	smul.u32 @!p0 $0xF7A, s2;
	p2 =	seq.s32 @!p0 s5, $0x0  }
0x1f: {  	s9 =	smul.u32 $0xF7A, s1;
	s8 =	simm.s32 @!p0 $0x1BF5;
	p2 =	por !p2, p0  }
0x20: {  	[sflag:s8] =	ssyncset.s32 @!p0 $0xFFFFF086;
	s6 =	sadd.s32 @!p0 s3, s7;
	s7 =	simm.s32 @!p0 $0x108  }
0x21: {  	s3 =	sadd.s32 s3, s9;
	s6 =	sadd.s32 @!p0 $0x88, s6;
	s7 =	simm.s32 @p2 $0x1082  }
0x22: {  	[simem:s7], [sflag:s8] =	dma.local @!p0 [hbm:s6], $0xF7A  }
0x23: {  	s9 =	sor.u32 $0xD0000000, s2;
	s6 =	simm.s32 $0x108;
	_ =	swait.ge @!p0 [sflag:s8], $0x0  }
0x24: {  	s3 =	sadd.s32 $0x88, s3;
	s6 =	simm.s32 @!p1 $0x1082;
	[sflag:s4] =	ssyncset.s32 $0xFFFFF086  }
0x25: {  	[simem:s6], [sflag:s4] =	dma.local [hbm:s3], $0xF7A  }
0x26: {  	[smem:$0x3F9E] =	sst s1;
	(tag) =	ssettag s2;
	_ =	strace s9  }
0x27: {  	s1 =	sld [smem:$0x3FAE]  }
0x28: {  	s2 =	sld [smem:$0x3FAF]  }
0x29: {  	s4 =	sld [smem:$0x3FB1]  }
0x2a: {  	p0 =	seq.s32 s5, $0x0;
	s5 =	sld [smem:$0x3FB2]  }
0x2b: {  	s6 =	sld [smem:$0x3FB3]  }
0x2c: {  	s7 =	sld [smem:$0x3FB4]  }
0x2d: {  	s3 =	simm.s32 $0x108;
	s8 =	sld [smem:$0x3FB5]  }
0x2e: {  	s3 =	simm.s32 @!p0 $0x1082;
	s9 =	sld [smem:$0x3FB6]  }
0x2f: {  	lr =	sadd.s32 s0, s3;
	s0 =	sld [smem:$0x3FAD]  }
0x30: {  	s3 =	sld [smem:$0x3FB0]  }
0x31: {  	[smem:$0x3FB9] =	sst s10  }
0x32: {  	s10 =	sld [smem:$0x3FB7];
	_ =	sdelay $0x3  }
0x33: {  	p0 =	seq.s32 s10, $0x1;
	s10 =	sld [smem:$0x3FB9];
	_ =	sdelay $0x3  }
0x34: {  	[smem:$0x3FB9] =	sst s10  }
0x35: {  	s10 =	sld [smem:$0x3FB8];
	_ =	sdelay $0x3  }
0x36: {  	p1 =	seq.s32 s10, $0x1;
	s10 =	sld [smem:$0x3FB9];
	_ =	sdelay $0x3  }
0x37: {  	[smem:$0x3FB9] =	sst s10  }
0x38: {  	s10 =	sld [smem:$0x3FBA]  }
0x39: {  	_ = 	snop;
	(pc) =	sbr.ind lr, $3  }
0x3a: {  	_ = 	snop  }
0x3b: {  	_ = 	snop  }
0x3c: {  	p2 =	seq.s32 s10, $0x1;
	s10 =	sld [smem:$0x3FB9]  }
0x3d: {  	_ =	shalt  }
0x3e: {  	_ =	shalt  }
0x3f: {  	_ =	shalt  }
0x40: {  	_ =	shalt  }
0x41: {  	_ =	shalt  }
0x42: {  	_ =	shalt  }
0x43: {  	_ =	shalt  }
0x44: {  	_ =	shalt  }
0x45: {  	_ =	shalt  }
0x46: {  	_ =	shalt  }
0x47: {  	_ =	shalt  }
0x48: {  	_ =	shalt  }
0x49: {  	_ =	shalt  }
0x4a: {  	_ =	shalt  }
0x4b: {  	_ =	shalt  }
0x4c: {  	_ =	shalt  }
0x4d: {  	_ =	shalt  }
0x4e: {  	_ =	shalt  }
0x4f: {  	_ =	shalt  }
0x50: {  	_ =	shalt  }
0x51: {  	_ =	shalt  }
0x52: {  	_ =	shalt  }
0x53: {  	_ =	shalt  }
0x54: {  	_ =	shalt  }
0x55: {  	_ =	shalt  }
0x56: {  	_ =	shalt  }
0x57: {  	_ =	shalt  }
0x58: {  	_ =	shalt  }
0x59: {  	_ =	shalt  }
0x5a: {  	_ =	shalt  }
0x5b: {  	_ =	shalt  }
0x5c: {  	_ =	shalt  }
0x5d: {  	_ =	shalt  }
0x5e: {  	_ =	shalt  }
0x5f: {  	_ =	shalt  }
0x60: {  	_ =	shalt  }
0x61: {  	_ =	shalt  }
0x62: {  	_ =	shalt  }
0x63: {  	_ =	shalt  }
0x64: {  	_ =	shalt  }
0x65: {  	_ =	shalt  }
0x66: {  	_ =	shalt  }
0x67: {  	_ =	shalt  }
0x68: {  	_ =	shalt  }
0x69: {  	_ =	shalt  }
0x6a: {  	_ =	shalt  }
0x6b: {  	_ =	shalt  }
0x6c: {  	_ =	shalt  }
0x6d: {  	_ =	shalt  }
0x6e: {  	_ =	shalt  }
0x6f: {  	_ =	shalt  }
0x70: {  	_ =	shalt  }
0x71: {  	_ =	shalt  }
0x72: {  	_ =	shalt  }
0x73: {  	_ =	shalt  }
0x74: {  	_ =	shalt  }
0x75: {  	_ =	shalt  }
0x76: {  	_ =	shalt  }
0x77: {  	_ =	shalt  }
0x78: {  	_ =	shalt  }
0x79: {  	_ =	shalt  }
0x7a: {  	_ =	shalt  }
0x7b: {  	_ =	shalt  }
0x7c: {  	_ =	shalt  }
0x7d: {  	_ =	shalt  }
0x7e: {  	_ =	shalt  }
0x7f: {  	_ =	shalt  }
0x80: {  	_ =	shalt  }
0x81: {  	_ =	shalt  }
0x82: {  	_ =	shalt  }
0x83: {  	_ =	shalt  }
0x84: {  	_ =	shalt  }
0x85: {  	_ =	shalt  }
0x86: {  	_ =	shalt  }
0x87: {  	_ =	shalt  }
.Lfunc_end0:
.L_simem_size_0:
called_computation.3_lowered:
.L_overlay_start_0:
0x88: {  	s2 =	sld [smem:$0x3FD9]  }
0x89: {  	s3 =	sld [smem:$0x3FFE];
	_ =	sdelay $0x1  }
0x8a: {  	s1 =	srdreg.scid  }
0x8b: {  	s0 =	sand.u32 $0x1, s1  }
0x8c: {  	s17 =	sshll.u32 s0, $0xA;
	s2 =	sadd.s32 s3, s2  }
0x8d: {  	s2 =	sadd.s32 s2, s17  }
0x8e: {  	[smem:$0x3FC5] =	sst s2  }
0x8f: {  	_ = 	snop  }
0x90: {  	s2 =	sld [smem:$0x3FD0];
	(tm) =	ssettm $0x1  }
0x91: {  	s18 =	sld [smem:$0x3FFB];
	_ =	sdelay $0x3  }
0x92: {  	_ =	strace s18  }
0x93: {  	s3 =	sld [smem:$0x3FFC];
	_ =	sdelay $0x3  }
0x94: {  	_ =	strace s3  }
0x95: {  	s3 =	sld [smem:$0x3FFD];
	_ =	sdelay $0x3  }
0x96: {  	_ =	strace s3  }
0x97: {  	_ =	strace $0x8FFFFFFF  }
0x98: {  	s19 =	sld [smem:$0x3FDB];
	_ =	sdelay $0x1  }
0x99: {  	s4 =	simm.s32 $_scs_section_size  }
0x9a: {  	s5 =	simm.s32 $_size__tile_overlayer_lowered;
	s6 =	simm.s32 $_tile_overlayer_lowered  }
0x9b: {  	s22 =	simm.s32 $0x1BFF;
	s21 =	sshll.u32 s6, $0x1;
	s3 =	sadd.s32 s4, s19  }
0x9c: {  	s7 =	simm.s32 $0x0;
	s20 =	sshll.u32 s5, $0x1;
	s5 =	sadd.s32 s21, s3  }
0x9d: {  	[timem:s7], [sflag:s22] =	dma.local [hbm:s5], s20  }
0x9e: {  	_ =	swait.ge [sflag:s22], s20  }
0x9f: {  	s4 =	ssub.s32 $0x0, s20;
	[sflag:s22] =	ssyncset.done $0x0  }
0xa0: {  	[sflag:s22] =	ssyncadd.s32 s4;
	_ =	sdelay $0x1  }
0xa1: {  	s23 =	simm.s32 $0x1B8B  }
0xa2: {  	_ =	swait.ge [sflag:s23], $0x1  }
0xa3: {  	[sflag:s23] =	ssyncset.done $0x0  }
0xa4: {  	s25 =	simm.s32 $0x1B8E;
	s24 =	sld [smem:$0x3FFE];
	[sflag:s23] =	ssyncadd.s32 $0xFFFFFFFF  }
0xa5: {  	s26 =	simm.s32 $execute0_lowered;
	[smem:$0x3FD2] =	sst s25  }
0xa6: {  	s5 =	sshll.u32 s26, $0x1;
	_ =	strace $0x80000046;
	[dreg:$0x1] =	wrdreg $0xFFFFFFFF  }
0xa7: {  	s28 =	simm.s32 $_size_execute0_lowered;
	s3 =	sadd.s32 s3, s5;
	[dreg:$0x0] =	wrdreg $0x0  }
0xa8: {  	s5 =	sshll.u32 s28, $0x1;
	[dreg:$0x2] =	wrdreg s3  }
0xa9: {  	[dreg:$0x3] =	wrdreg s5  }
0xaa: {  	[dreg:$0x4] =	wrdreg $0xC0  }
0xab: {  	_ =	task [dreg:s7], $0x5FFFF  }
0xac: {  	[dreg:$0x1] =	wrdreg $0xFFFFFFFF  }
0xad: {  	[dreg:$0x0] =	wrdreg $0x60  }
0xae: {  	[dreg:$0x2] =	wrdreg s24  }
0xaf: {  	[dreg:$0x3] =	wrdreg s2  }
0xb0: {  	[dreg:$0x4] =	wrdreg $0xC  }
0xb1: {  	_ =	task.clear_ibuf [dreg:s7], $0x5FFFF;
	_ =	strace $0x90000046  }
0xb2: {  	s29 =	simm.s32 $0xC;
	_ =	strace $0x80000048  }
0xb3: {  	_ =	swait.ge [sflag:s29], $0x1  }
0xb4: {  	[sflag:s29] =	ssyncadd.s32 $0xFFFFFFFF  }
0xb5: {  	_ =	strace $0x90000048  }
0xb6: {  	_ =	sfence  }
0xb7: {  	s30 =	sld [smem:$0x0];
	_ =	sdelay $0x2  }
0xb8: {  	s31 =	sshll.u32 s1, $0xD;
	s1 =	sshrl.u32 s1, $0x2  }
0xb9: {  	s3 =	sand.u32 $0x4000, s31;
	s1 =	sadd.s32 s1, s30  }
0xba: {  	s0 =	sor.u32 s3, s0;
	s1 =	sshll.u32 s1, $0x11  }
0xbb: {  	s0 =	sor.u32 s1, s0  }
0xbc: {  	s0 =	sadd.s32 $0x8F2B, s0  }
0xbd: {  	[sflag:s0] =	ssyncadd.remote.s32 $0x1  }
0xbe: {  	_ =	sfence.sel $0xFFFF  }
0xbf: {  	[dreg:$0x0] =	wrdreg $0xFFFFFFFF;
	(pc) =	sbr.abs _section_cstart, $3  }
0xc0: {  	[dreg:$0x1] =	wrdreg $0xFFFFFFFF  }
0xc1: {  	_ =	task.clear_ibuf [dreg:s7], $0x2FFFF;
	_ =	strace $0x9FFFFFFF  }
0xc2: {  	(tm) =	ssettm $0x7FFFFFFF  }
0xc3: {  	_ =	shalt  }
tec
execute0_lowered:
.L_overlay_start_1:
0x0: {  	(tag) =	ssettag $0x1  }
0x1: {  	s4 =	rddreg [dreg:$0x0]  }
0x2: {  	s5 =	rddreg [dreg:$0x1]  }
0x3: {  	s1 =	srdreg.scid;
	s0 =	rddreg [dreg:$0x2]  }
0x4: {  	s2 =	simm.s32 $0x0;
	s11 =	simm.s32 $0x180;
	s12 =	simm.s32 $0x80  }
0x5: {  	s13 =	simm.s32 $0x8300;
	s14 =	simm.s32 $0xC300;
	s15 =	simm.s32 $0x1  }
0x6: {  	s16 =	simm.s32 $0x300;
	s17 =	simm.s32 $0x200;
	s18 =	simm.s32 $0x280  }
0x7: {  	s19 =	simm.s32 $0x10300;
	s20 =	simm.s32 $0x14300;
	s21 =	simm.s32 $0x2  }
0x8: {  	s22 =	simm.s32 $0x0;
	s8 =	sand.u32 $0x1, s1;
	[smem:$0x7FF] =	sst s2  }
0x9: {  	s1 =	stileid.u32;
	s3 =	sadd.s32 $0xA400, s4;
	s6 =	ssub.s32 $0x2, s8  }
0xa: {  	_ =	strace $0x80000047;
	s7 =	sshll.u32 s1, $0xD;
	s29 =	sshll.u32 s8, $0xC  }
.Ltmp0:
0xb: {  	s10 =	sshll.u32 s1, $0x6;
	s31 =	sshll.u32 s8, $0x5;
	(pc) =	sbr.rel .LBB2_1-.Ltmp0, $4  }
0xc: {  	s8 =	sor.u32 $0xFFFFFFE0, s8;
	s9 =	sshrl.u32 s6, $0x1;
	s7 =	sadd.s32 s7, s4  }
0xd: {  	s4 =	sshll.u32 s1, $0x1;
	s30 =	sadd.s32 s10, s5;
	s10 =	simm.s32 $0x7  }
0xe: {  	s6 =	ssub.s32 s6, s9;
	s7 =	sadd.s32 s29, s7;
	s9 =	simm.s32 $0x100  }
0xf: {  	s5 =	smax.u32 s6, $0x1;
	s6 =	sadd.s32 $0x31600, s7;
	s7 =	sadd.s32 s31, s30  }
.LBB2_11:
0x10: {  	s22 =	sadd.s32 $0x1, s22  }
0x11: {  	p0 =	sne.s32 s22, s5  }
.Ltmp1:
0x12: {  	_ = 	snop;
	(pc) =	sbr.rel @!p0 .LBB2_12-.Ltmp1, $1  }
0x13: {  	_ =	sdelay $0x3  }
.LBB2_1:
.Ltmp2:
0x14: {  	(pc) =	sbr.rel .LBB2_2-.Ltmp2, $2  }
0x15: {  	_ =	sdelay $0x2  }
0x16: {  	s23 =	smov.u32 s6;
	s24 =	smov.u32 s4;
	s25 =	simm.s32 $0x0  }
.LBB2_7:
0x17: {  	s28 =	sadd.s32 $0x800, s26  }
0x18: {  	[tilespmem:s17], [sflag:$0x7] =	stream.linear.gather [hbm4b:s28+s2], $0x80, $0x38;
	[tilespmem:$0x18300] =	vst v63  }
0x19: {  	_ =	swait.ge [sflag:s10], $0x80  }
0x1a: {  	[sflag:s10] =	ssyncset.done $0x0  }
0x1b: {  	s31 =	sadd.s32 $0x810, s26;
	[sflag:s10] =	ssyncadd.s32 $0xFFFFFF80  }
0x1c: {  	[tilespmem:s18], [sflag:$0x7] =	stream.linear.gather [hbm4b:s31+s2], $0x80, $0x38;
	[tilespmem:$0x18300] =	vst v63  }
0x1d: {  	_ =	swait.ge [sflag:s10], $0x80  }
0x1e: {  	[sflag:s10] =	ssyncset.done $0x0  }
0x1f: {  	[sflag:s10] =	ssyncadd.s32 $0xFFFFFF80  }
0x20: {  	[tilespmem:s19], [sflag:$0x3] =	stream.indirect.gather [hbm4b:s3+s12], $0x80, s17, s12, $0xb8;
	[tilespmem:$0x18300] =	vst v63  }
0x21: {  	_ = 	snop  }
0x22: {  	[tilespmem:s20], [sflag:$0x3] =	stream.indirect.gather [hbm4b:s3+s12], $0x80, s18, s12, $0xb8;
	[tilespmem:$0x18300] =	vst v63  }
.LBB2_9:
0x23: {  	_ =	swait.ge [sflag:s21], $0x4000  }
0x24: {  	[sflag:s21] =	ssyncset.done $0x0  }
0x25: {  	[sflag:s21] =	ssyncadd.s32 $0xFFFFC000  }
0x26: {  	_ =	swait.ge [sflag:s21], $0x4000  }
0x27: {  	[sflag:s21] =	ssyncset.done $0x0  }
0x28: {  	s26 =	sadd.s32 $0x20000, s23;
	[sflag:s21] =	ssyncadd.s32 $0xFFFFC000  }
0x29: {  	[hbm4b:s26+s2] =	stream.linear.scatter [tilespmem:s13], [sflag:$0x5], $0x8000, $0x38;
	[tilespmem:$0x18300] =	vst v63  }
.LBB2_10:
0x2a: {  	s25 =	sadd.s32 $0xC00, s25  }
0x2b: {  	p0 =	sne.s32 s25, $0x3000  }
.Ltmp3:
0x2c: {  	_ = 	snop;
	(pc) =	sbr.rel @!p0 .LBB2_11-.Ltmp3, $2  }
0x2d: {  	_ =	sdelay $0x2  }
0x2e: {  	s24 =	sadd.s32 $0x60, s24;
	s23 =	sadd.s32 $0x60000, s23  }
.LBB2_2:
0x2f: {  	s26 =	sadd.s32 $0xFFFFFFA0, s24  }
0x30: {  	p0 =	sgt.u32 s26, $0xF9  }
0x31: {  	s26 =	simm.s32 @!p0 $0x4  }
0x32: {  	p1 =	sgt.u32 s24, $0xF9;
	_ =	swait.ge @!p0 [sflag:s26], $0x8000  }
0x33: {  	s28 =	simm.s32 @!p1 $0x0;
	[sflag:s26] =	ssyncset.done @!p0 $0x0  }
0x34: {  	s29 =	simm.s32 @!p1 $0x7;
	[sflag:s26] =	ssyncadd.s32 @!p0 $0xFFFF8000;
	s26 =	sadd.s32 @!p1 s25, s7  }
0x35: {  	[tilespmem:s28], [sflag:$0x7] =	stream.linear.gather @!p1 [hbm4b:s26+s28], $0x80, $0x38;
	[tilespmem:$0x18300] =	vst v63  }
0x36: {  	_ =	swait.ge @!p1 [sflag:s29], $0x80  }
0x37: {  	[sflag:s29] =	ssyncset.done @!p1 $0x0  }
0x38: {  	s30 =	simm.s32 @!p1 $0x80;
	s26 =	sadd.s32 @!p1 $0x10, s26;
	[sflag:s29] =	ssyncadd.s32 @!p1 $0xFFFFFF80  }
0x39: {  	[tilespmem:s30], [sflag:$0x7] =	stream.linear.gather @!p1 [hbm4b:s26+s28], $0x80, $0x38;
	[tilespmem:$0x18300] =	vst v63  }
0x3a: {  	_ =	swait.ge @!p1 [sflag:s29], $0x80  }
0x3b: {  	[sflag:s29] =	ssyncset.done @!p1 $0x0  }
0x3c: {  	s26 =	simm.s32 @!p1 $0x300;
	[sflag:s29] =	ssyncadd.s32 @!p1 $0xFFFFFF80;
	s29 =	sadd.s32 s24, s8  }
0x3d: {  	[tilespmem:s26], [sflag:$0x1] =	stream.indirect.gather @!p1 [hbm4b:s3+s30], $0x80, s28, s30, $0xb8;
	[tilespmem:$0x18300] =	vst v63  }
0x3e: {  	p0 =	sgt.u32 s29, $0xF9  }
0x3f: {  	s28 =	simm.s32 @!p1 $0x4300;
	s26 =	simm.s32 @!p0 $0x3  }
0x40: {  	[tilespmem:s28], [sflag:$0x1] =	stream.indirect.gather @!p1 [hbm4b:s3+s30], $0x80, s30, s30, $0xb8;
	[tilespmem:$0x18300] =	vst v63  }
0x41: {  	_ =	swait.ge @!p0 [sflag:s26], $0x4000  }
0x42: {  	[sflag:s26] =	ssyncset.done @!p0 $0x0  }
0x43: {  	[sflag:s26] =	ssyncadd.s32 @!p0 $0xFFFFC000  }
0x44: {  	s31 =	sadd.s32 $0xFFFFFFC0, s24;
	_ =	swait.ge @!p0 [sflag:s26], $0x4000  }
0x45: {  	p2 =	sgt.u32 s24, $0xD9;
	s29 =	simm.s32 @!p0 $0x10300;
	[sflag:s26] =	ssyncset.done @!p0 $0x0  }
0x46: {  	s28 =	simm.s32 @!p0 $0x0;
	[sflag:s26] =	ssyncadd.s32 @!p0 $0xFFFFC000;
	s26 =	sadd.s32 @!p0 $0xFFFE0000, s23  }
0x47: {  	[hbm4b:s26+s28] =	stream.linear.scatter @!p0 [tilespmem:s29], [sflag:$0x6], $0x8000, $0x38;
	[tilespmem:$0x18300] =	vst v63  }
.Ltmp4:
0x48: {  	p3 =	sgt.u32 s31, $0xF9;
	(pc) =	sbr.rel @p2 .LBB2_4-.Ltmp4, $4  }
0x49: {  	s26 =	simm.s32 @!p3 $0x5  }
0x4a: {  	_ =	swait.ge @!p3 [sflag:s26], $0x8000  }
0x4b: {  	[sflag:s26] =	ssyncset.done @!p3 $0x0  }
0x4c: {  	[sflag:s26] =	ssyncadd.s32 @!p3 $0xFFFF8000;
	s26 =	sadd.s32 s25, s7  }
0x4d: {  	s28 =	sadd.s32 $0x400, s26  }
0x4e: {  	[tilespmem:s9], [sflag:$0x7] =	stream.linear.gather [hbm4b:s28+s2], $0x80, $0x38;
	[tilespmem:$0x18300] =	vst v63  }
0x4f: {  	_ =	swait.ge [sflag:s10], $0x80  }
0x50: {  	[sflag:s10] =	ssyncset.done $0x0  }
0x51: {  	s31 =	sadd.s32 $0x410, s26;
	[sflag:s10] =	ssyncadd.s32 $0xFFFFFF80  }
0x52: {  	[tilespmem:s11], [sflag:$0x7] =	stream.linear.gather [hbm4b:s31+s2], $0x80, $0x38;
	[tilespmem:$0x18300] =	vst v63  }
0x53: {  	_ =	swait.ge [sflag:s10], $0x80  }
.Ltmp5:
0x54: {  	[sflag:s10] =	ssyncset.done $0x0;
	(pc) =	sbr.rel .LBB2_5-.Ltmp5, $4  }
0x55: {  	[sflag:s10] =	ssyncadd.s32 $0xFFFFFF80  }
0x56: {  	[tilespmem:s13], [sflag:$0x2] =	stream.indirect.gather [hbm4b:s3+s12], $0x80, s9, s12, $0xb8;
	[tilespmem:$0x18300] =	vst v63  }
0x57: {  	_ = 	snop  }
0x58: {  	[tilespmem:s14], [sflag:$0x2] =	stream.indirect.gather [hbm4b:s3+s12], $0x80, s11, s12, $0xb8;
	[tilespmem:$0x18300] =	vst v63  }
.LBB2_4:
.Ltmp6:
0x59: {  	(pc) =	sbr.rel @p1 .LBB2_6-.Ltmp6, $1  }
0x5a: {  	_ =	sdelay $0x3  }
.LBB2_5:
0x5b: {  	_ =	swait.ge [sflag:s15], $0x4000  }
0x5c: {  	[sflag:s15] =	ssyncset.done $0x0  }
0x5d: {  	[sflag:s15] =	ssyncadd.s32 $0xFFFFC000  }
0x5e: {  	_ =	swait.ge [sflag:s15], $0x4000  }
0x5f: {  	[sflag:s15] =	ssyncset.done $0x0  }
0x60: {  	[sflag:s15] =	ssyncadd.s32 $0xFFFFC000  }
0x61: {  	[hbm4b:s23+s2] =	stream.linear.scatter [tilespmem:s16], [sflag:$0x4], $0x8000, $0x38;
	[tilespmem:$0x18300] =	vst v63  }
.LBB2_6:
0x62: {  	p1 =	sgt.u32 s24, $0xB9  }
.Ltmp7:
0x63: {  	_ = 	snop;
	(pc) =	sbr.rel @!p1 .LBB2_7-.Ltmp7, $4  }
0x64: {  	s28 =	simm.s32 @!p0 $0x6  }
0x65: {  	_ =	swait.ge @!p0 [sflag:s28], $0x8000  }
0x66: {  	[sflag:s28] =	ssyncset.done @!p0 $0x0  }
0x67: {  	[sflag:s28] =	ssyncadd.s32 @!p0 $0xFFFF8000  }
.Ltmp8:
0x68: {  	(pc) =	sbr.rel @p2 .LBB2_10-.Ltmp8, $4  }
.Ltmp9:
0x69: {  	(pc) =	sbr.rel @!p2 .LBB2_9-.Ltmp9, $4  }
0x6a: {  	_ = 	snop  }
0x6b: {  	_ = 	snop  }
0x6c: {  	_ = 	snop  }
0x6d: {  	_ = 	snop  }
.LBB2_12:
0x6e: {  	_ =	sfence.sel $0x180000  }
0x6f: {  	[bflag:$0x0] =	sbarrier.arrive $0xFFFF  }
0x70: {  	p0 =	sne.s32 s1, $0x0;
	_ =	strace $0x90000047  }
0x71: {  	s0 =	sadd.s32 @!p0 $0x100000, s0;
	[bflag:$0x2] =	sbarrier.arrive $0xFFFF  }
0x72: {  	[sflag:s0] =	ssyncadd.tile.s32 @!p0 $0x1;
	_ =	shalt  }
.Lfunc_end2:
_tile_overlayer_lowered:
.L_overlay_start_2:
0x73: {  	(tag) =	ssettag $0x2  }
0x74: {  	s0 =	rddreg [dreg:$0x0];
	s2 =	stileid.u32  }
0x75: {  	s1 =	rddreg [dreg:$0x1];
	p0 =	sne.s32 s2, $0x0  }
0x76: {  	s3 =	rddreg [dreg:$0x2];
	[bflag:$0x3] =	sbarrier.arrive $0xFFFF;
	s2 =	simm.s32 @!p0 $0x1C07  }
0x77: {  	[timem:s3], [sflag:s2] =	dma.local @!p0 [hbm:s0], s1  }
0x78: {  	s0 =	simm.s32 @!p0 $0x7  }
0x79: {  	_ =	swait.ge @!p0 [sflag:s0], s1  }
0x7a: {  	s1 =	ssub.s32 @!p0 $0x0, s1;
	[sflag:s0] =	ssyncset.done @!p0 $0x0  }
0x7b: {  	[sflag:s0] =	ssyncadd.s32 @!p0 s1  }
0x7c: {  	[bflag:$0x3] =	sbarrier.arrive $0xFFFF  }
0x7d: {  	_ =	shalt  }

// kernel: kernel.25.cloned.1.call-start
scs
__scs_entry_jumppad:
0x0: {  	(pc) =	sbr.rel $0x88, $3  }
0x1: {  	(tag) =	ssettag $0x0;
	lr =	simm.s32 $0x1  }
0x2: {  	[smem:$0x3F9E] =	sst lr;
	_ =	strace $0xD0000000  }
0x3: {  	_ = 	snop  }
0x4: {  	_ = 	snop  }
0x5: {  	_ = 	snop  }
0x6: {  	_ = 	snop  }
0x7: {  	_ = 	snop  }
__scs_overlays_trampoline_lowered:
0x8: {  	[smem:$0x3FAD] =	sst s0  }
0x9: {  	[smem:$0x3FAE] =	sst s1  }
0xa: {  	[smem:$0x3FAF] =	sst s2  }
0xb: {  	[smem:$0x3FB0] =	sst s3  }
0xc: {  	[smem:$0x3FB1] =	sst s4  }
0xd: {  	[smem:$0x3FB2] =	sst s5  }
0xe: {  	[smem:$0x3FB3] =	sst s6  }
0xf: {  	[smem:$0x3FB4] =	sst s7  }
0x10: {  	[smem:$0x3FB5] =	sst s8  }
0x11: {  	[smem:$0x3FB6] =	sst s9;
	s0 =	simm.s32 @!p0 $0x0  }
0x12: {  	s1 =	sld [smem:$0x3F9C];
	s0 =	simm.s32 @p0 $0x1  }
0x13: {  	[smem:$0x3FB7] =	sst s0;
	s0 =	simm.s32 @!p1 $0x0  }
0x14: {  	s2 =	sld [smem:$0x3F9B];
	s0 =	simm.s32 @p1 $0x1  }
0x15: {  	[smem:$0x3FB8] =	sst s0;
	s0 =	simm.s32 @!p2 $0x0  }
0x16: {  	s3 =	sld [smem:$0x3FDB];
	s0 =	simm.s32 @p2 $0x1  }
0x17: {  	s4 =	simm.s32 $0x1BF5;
	[smem:$0x3FBA] =	sst s0  }
0x18: {  	s0 =	sld [smem:$0x3F9D];
	_ =	swait.ge [sflag:s4], $0x0  }
0x19: {  	s7 =	sld [smem:$0x3F9E]  }
0x1a: {  	s8 =	sadd.s32 $0xFFFFE003, lr  }
0x1b: {  	s9 =	sadd.s32 $0xFFFFFEF7, lr;
	s5 =	simm.s32 $0xFFFFFFFF;
	p2 =	slt.u32 s8, $0xFFFFF086  }
0x1c: {  	p1 =	slt.u32 s9, $0xF7A;
	s5 =	simm.s32 @!p2 $0x0  }
0x1d: {  	s5 =	simm.s32 @p1 $0x1;
	p0 =	seq.s32 s7, s2  }
0x1e: {  	s7 =	smul.u32 @!p0 $0xF7A, s2;
	p2 =	seq.s32 @!p0 s5, $0x0  }
0x1f: {  	s9 =	smul.u32 $0xF7A, s1;
	s8 =	simm.s32 @!p0 $0x1BF5;
	p2 =	por !p2, p0  }
0x20: {  	[sflag:s8] =	ssyncset.s32 @!p0 $0xFFFFF086;
	s6 =	sadd.s32 @!p0 s3, s7;
	s7 =	simm.s32 @!p0 $0x108  }
0x21: {  	s3 =	sadd.s32 s3, s9;
	s6 =	sadd.s32 @!p0 $0x88, s6;
	s7 =	simm.s32 @p2 $0x1082  }
0x22: {  	[simem:s7], [sflag:s8] =	dma.local @!p0 [hbm:s6], $0xF7A  }
0x23: {  	s9 =	sor.u32 $0xD0000000, s2;
	s6 =	simm.s32 $0x108;
	_ =	swait.ge @!p0 [sflag:s8], $0x0  }
0x24: {  	s3 =	sadd.s32 $0x88, s3;
	s6 =	simm.s32 @!p1 $0x1082;
	[sflag:s4] =	ssyncset.s32 $0xFFFFF086  }
0x25: {  	[simem:s6], [sflag:s4] =	dma.local [hbm:s3], $0xF7A  }
0x26: {  	[smem:$0x3F9E] =	sst s1;
	(tag) =	ssettag s2;
	_ =	strace s9  }
0x27: {  	s1 =	sld [smem:$0x3FAE]  }
0x28: {  	s2 =	sld [smem:$0x3FAF]  }
0x29: {  	s4 =	sld [smem:$0x3FB1]  }
0x2a: {  	p0 =	seq.s32 s5, $0x0;
	s5 =	sld [smem:$0x3FB2]  }
0x2b: {  	s6 =	sld [smem:$0x3FB3]  }
0x2c: {  	s7 =	sld [smem:$0x3FB4]  }
0x2d: {  	s3 =	simm.s32 $0x108;
	s8 =	sld [smem:$0x3FB5]  }
0x2e: {  	s3 =	simm.s32 @!p0 $0x1082;
	s9 =	sld [smem:$0x3FB6]  }
0x2f: {  	lr =	sadd.s32 s0, s3;
	s0 =	sld [smem:$0x3FAD]  }
0x30: {  	s3 =	sld [smem:$0x3FB0]  }
0x31: {  	[smem:$0x3FB9] =	sst s10  }
0x32: {  	s10 =	sld [smem:$0x3FB7];
	_ =	sdelay $0x3  }
0x33: {  	p0 =	seq.s32 s10, $0x1;
	s10 =	sld [smem:$0x3FB9];
	_ =	sdelay $0x3  }
0x34: {  	[smem:$0x3FB9] =	sst s10  }
0x35: {  	s10 =	sld [smem:$0x3FB8];
	_ =	sdelay $0x3  }
0x36: {  	p1 =	seq.s32 s10, $0x1;
	s10 =	sld [smem:$0x3FB9];
	_ =	sdelay $0x3  }
0x37: {  	[smem:$0x3FB9] =	sst s10  }
0x38: {  	s10 =	sld [smem:$0x3FBA]  }
0x39: {  	_ = 	snop;
	(pc) =	sbr.ind lr, $3  }
0x3a: {  	_ = 	snop  }
0x3b: {  	_ = 	snop  }
0x3c: {  	p2 =	seq.s32 s10, $0x1;
	s10 =	sld [smem:$0x3FB9]  }
0x3d: {  	_ =	shalt  }
0x3e: {  	_ =	shalt  }
0x3f: {  	_ =	shalt  }
0x40: {  	_ =	shalt  }
0x41: {  	_ =	shalt  }
0x42: {  	_ =	shalt  }
0x43: {  	_ =	shalt  }
0x44: {  	_ =	shalt  }
0x45: {  	_ =	shalt  }
0x46: {  	_ =	shalt  }
0x47: {  	_ =	shalt  }
0x48: {  	_ =	shalt  }
0x49: {  	_ =	shalt  }
0x4a: {  	_ =	shalt  }
0x4b: {  	_ =	shalt  }
0x4c: {  	_ =	shalt  }
0x4d: {  	_ =	shalt  }
0x4e: {  	_ =	shalt  }
0x4f: {  	_ =	shalt  }
0x50: {  	_ =	shalt  }
0x51: {  	_ =	shalt  }
0x52: {  	_ =	shalt  }
0x53: {  	_ =	shalt  }
0x54: {  	_ =	shalt  }
0x55: {  	_ =	shalt  }
0x56: {  	_ =	shalt  }
0x57: {  	_ =	shalt  }
0x58: {  	_ =	shalt  }
0x59: {  	_ =	shalt  }
0x5a: {  	_ =	shalt  }
0x5b: {  	_ =	shalt  }
0x5c: {  	_ =	shalt  }
0x5d: {  	_ =	shalt  }
0x5e: {  	_ =	shalt  }
0x5f: {  	_ =	shalt  }
0x60: {  	_ =	shalt  }
0x61: {  	_ =	shalt  }
0x62: {  	_ =	shalt  }
0x63: {  	_ =	shalt  }
0x64: {  	_ =	shalt  }
0x65: {  	_ =	shalt  }
0x66: {  	_ =	shalt  }
0x67: {  	_ =	shalt  }
0x68: {  	_ =	shalt  }
0x69: {  	_ =	shalt  }
0x6a: {  	_ =	shalt  }
0x6b: {  	_ =	shalt  }
0x6c: {  	_ =	shalt  }
0x6d: {  	_ =	shalt  }
0x6e: {  	_ =	shalt  }
0x6f: {  	_ =	shalt  }
0x70: {  	_ =	shalt  }
0x71: {  	_ =	shalt  }
0x72: {  	_ =	shalt  }
0x73: {  	_ =	shalt  }
0x74: {  	_ =	shalt  }
0x75: {  	_ =	shalt  }
0x76: {  	_ =	shalt  }
0x77: {  	_ =	shalt  }
0x78: {  	_ =	shalt  }
0x79: {  	_ =	shalt  }
0x7a: {  	_ =	shalt  }
0x7b: {  	_ =	shalt  }
0x7c: {  	_ =	shalt  }
0x7d: {  	_ =	shalt  }
0x7e: {  	_ =	shalt  }
0x7f: {  	_ =	shalt  }
0x80: {  	_ =	shalt  }
0x81: {  	_ =	shalt  }
0x82: {  	_ =	shalt  }
0x83: {  	_ =	shalt  }
0x84: {  	_ =	shalt  }
0x85: {  	_ =	shalt  }
0x86: {  	_ =	shalt  }
0x87: {  	_ =	shalt  }
.Lfunc_end0:
.L_simem_size_0:
called_computation.4_lowered:
.L_overlay_start_0:
0x88: {  	s2 =	sld [smem:$0x3FD9]  }
0x89: {  	s3 =	sld [smem:$0x3FFE];
	_ =	sdelay $0x1  }
0x8a: {  	s1 =	srdreg.scid  }
0x8b: {  	s0 =	sand.u32 $0x1, s1  }
0x8c: {  	s17 =	sshll.u32 s0, $0xA;
	s2 =	sadd.s32 s3, s2  }
0x8d: {  	s2 =	sadd.s32 s2, s17  }
0x8e: {  	[smem:$0x3FC5] =	sst s2  }
0x8f: {  	_ = 	snop  }
0x90: {  	(tm) =	ssettm $0x1  }
0x91: {  	s18 =	sld [smem:$0x3FFB];
	_ =	sdelay $0x3  }
0x92: {  	_ =	strace s18  }
0x93: {  	s2 =	sld [smem:$0x3FFC];
	_ =	sdelay $0x3  }
0x94: {  	_ =	strace s2  }
0x95: {  	s2 =	sld [smem:$0x3FFD];
	_ =	sdelay $0x3  }
0x96: {  	_ =	strace s2  }
0x97: {  	_ =	strace $0x8FFFFFFF  }
0x98: {  	s19 =	sld [smem:$0x3FDB];
	_ =	sdelay $0x1  }
0x99: {  	s20 =	simm.s32 $_scs_section_size  }
0x9a: {  	s4 =	simm.s32 $_size__tile_overlayer_lowered;
	s5 =	simm.s32 $_tile_overlayer_lowered  }
0x9b: {  	s6 =	simm.s32 $0x1BFF;
	s21 =	sshll.u32 s5, $0x1;
	s3 =	sadd.s32 s20, s19  }
0x9c: {  	s22 =	simm.s32 $0x0;
	s4 =	sshll.u32 s4, $0x1;
	s5 =	sadd.s32 s21, s3  }
0x9d: {  	[timem:s22], [sflag:s6] =	dma.local [hbm:s5], s4  }
0x9e: {  	_ =	swait.ge [sflag:s6], s4  }
0x9f: {  	s4 =	ssub.s32 $0x0, s4;
	[sflag:s6] =	ssyncset.done $0x0  }
0xa0: {  	[sflag:s6] =	ssyncadd.s32 s4;
	_ =	sdelay $0x1  }
0xa1: {  	s23 =	simm.s32 $0x1B8B  }
0xa2: {  	_ =	swait.ge [sflag:s23], $0x1  }
0xa3: {  	[sflag:s23] =	ssyncset.done $0x0  }
0xa4: {  	[sflag:s23] =	ssyncadd.s32 $0xFFFFFFFF  }
0xa5: {  	s4 =	sld [smem:$0x0]  }
0xa6: {  	s5 =	sand.u32 $0xFFFFFFFE, s1  }
0xa7: {  	p0 =	sne.s32 s1, s5  }
0xa8: {  	s5 =	sshll.u32 @p0 s5, $0xE  }
0xa9: {  	s5 =	sadd.s32 @p0 $0x11B8D, s5;
	s6 =	sshll.u32 @p0 s4, $0x11  }
0xaa: {  	s5 =	sor.u32 @p0 s6, s5  }
0xab: {  	[sflag:s5] =	ssyncadd.remote.s32 @p0 $0x1;
	_ =	sdelay $0x1  }
0xac: {  	s5 =	simm.s32 @p0 $0x1B8D  }
0xad: {  	_ =	swait.eq @p0 [sflag:s5], $0x1  }
0xae: {  	[sflag:s5] =	ssyncadd.s32 @p0 $0xFFFFFFFF  }
0xaf: {  	s6 =	sshll.u32 @!p0 s1, $0xE  }
0xb0: {  	s6 =	sor.u32 @!p0 $0x4000, s6;
	s5 =	simm.s32 @!p0 $0x1B8D  }
0xb1: {  	s4 =	sshll.u32 @!p0 s4, $0x11;
	s6 =	sadd.s32 @!p0 $0x11B8D, s6;
	_ =	swait.eq @!p0 [sflag:s5], $0x1  }
0xb2: {  	s4 =	sor.u32 @!p0 s4, s6;
	[sflag:s5] =	ssyncadd.s32 @!p0 $0xFFFFFFFF  }
0xb3: {  	s25 =	simm.s32 $0x1B8E;
	s24 =	sld [smem:$0x3FFE];
	[sflag:s4] =	ssyncadd.remote.s32 @!p0 $0x1  }
0xb4: {  	s26 =	simm.s32 $execute0_lowered;
	[smem:$0x3FD2] =	sst s25  }
0xb5: {  	s5 =	sshll.u32 s26, $0x1;
	_ =	strace $0x80000052;
	[dreg:$0x1] =	wrdreg $0xFFFFFFFF  }
0xb6: {  	s28 =	simm.s32 $_size_execute0_lowered;
	s3 =	sadd.s32 s3, s5;
	[dreg:$0x0] =	wrdreg $0x0  }
0xb7: {  	s5 =	sshll.u32 s28, $0x1;
	[dreg:$0x2] =	wrdreg s3  }
0xb8: {  	[dreg:$0x3] =	wrdreg s5  }
0xb9: {  	[dreg:$0x4] =	wrdreg $0xC0  }
0xba: {  	_ =	task [dreg:s22], $0x5FFFF  }
0xbb: {  	[dreg:$0x1] =	wrdreg $0xFFFFFFFF  }
0xbc: {  	[dreg:$0x0] =	wrdreg $0x60  }
0xbd: {  	[dreg:$0x2] =	wrdreg s24  }
0xbe: {  	[dreg:$0x3] =	wrdreg $0xD  }
0xbf: {  	_ =	task.clear_ibuf [dreg:s22], $0x4FFFF;
	_ =	strace $0x90000052  }
0xc0: {  	s29 =	simm.s32 $0xD;
	_ =	strace $0x80000054  }
0xc1: {  	_ =	swait.ge [sflag:s29], $0x1  }
0xc2: {  	[sflag:s29] =	ssyncadd.s32 $0xFFFFFFFF  }
0xc3: {  	_ =	strace $0x90000054  }
0xc4: {  	_ =	sfence  }
0xc5: {  	s30 =	sld [smem:$0x0];
	_ =	sdelay $0x2  }
0xc6: {  	s31 =	sshll.u32 s1, $0xD;
	s1 =	sshrl.u32 s1, $0x2  }
0xc7: {  	s4 =	sand.u32 $0x4000, s31;
	s1 =	sadd.s32 s1, s30  }
0xc8: {  	s0 =	sor.u32 s4, s0;
	s1 =	sshll.u32 s1, $0x11  }
0xc9: {  	s0 =	sor.u32 s1, s0  }
0xca: {  	s0 =	sadd.s32 $0x8F2B, s0  }
0xcb: {  	[sflag:s0] =	ssyncadd.remote.s32 $0x1  }
0xcc: {  	_ =	sfence.sel $0xFFFF  }
0xcd: {  	[dreg:$0x0] =	wrdreg $0xFFFFFFFF;
	(pc) =	sbr.abs _section_cstart, $3  }
0xce: {  	[dreg:$0x1] =	wrdreg $0xFFFFFFFF  }
0xcf: {  	_ =	task.clear_ibuf [dreg:s22], $0x2FFFF;
	_ =	strace $0x9FFFFFFF  }
0xd0: {  	(tm) =	ssettm $0x7FFFFFFF  }
0xd1: {  	_ =	shalt  }
tec
execute0_lowered:
.L_overlay_start_1:
0x0: {  	(tag) =	ssettag $0x1  }
0x1: {  	s4 =	rddreg [dreg:$0x0]  }
0x2: {  	s0 =	rddreg [dreg:$0x1];
	s1 =	simm.s32 $0x0;
	s5 =	srdreg.scid  }
0x3: {  	s2 =	stileid.u32;
	s11 =	simm.s32 $0x180;
	s12 =	simm.s32 $0x80  }
0x4: {  	s13 =	simm.s32 $0x8300;
	s14 =	simm.s32 $0xC300;
	s15 =	simm.s32 $0x1  }
0x5: {  	s16 =	simm.s32 $0x300;
	s17 =	simm.s32 $0x200;
	s18 =	simm.s32 $0x280  }
0x6: {  	s19 =	simm.s32 $0x10300;
	s20 =	simm.s32 $0x14300;
	s21 =	simm.s32 $0x2  }
0x7: {  	s22 =	simm.s32 $0x0;
	[smem:$0x7FF] =	sst s1;
	s3 =	sadd.s32 $0xA400, s4  }
0x8: {  	s8 =	sand.u32 $0x1, s5;
	s29 =	sshll.u32 s2, $0x6;
	s6 =	sshll.u32 s2, $0xD  }
0x9: {  	_ =	strace $0x80000053;
	s7 =	ssub.s32 $0x2, s8;
	s5 =	sadd.s32 s29, s4  }
.Ltmp0:
0xa: {  	s6 =	sadd.s32 s6, s4;
	s9 =	sshll.u32 s8, $0xC;
	(pc) =	sbr.rel .LBB2_1-.Ltmp0, $4  }
0xb: {  	s10 =	sshll.u32 s8, $0x5;
	s4 =	sshll.u32 s2, $0x1;
	s8 =	sor.u32 $0xFFFFFFE0, s8  }
0xc: {  	s30 =	sshrl.u32 s7, $0x1;
	s6 =	sadd.s32 s9, s6;
	s31 =	sadd.s32 s10, s5  }
0xd: {  	s9 =	simm.s32 $0x100;
	s10 =	simm.s32 $0x7;
	s7 =	ssub.s32 s7, s30  }
0xe: {  	s6 =	sadd.s32 $0x419600, s6;
	s5 =	smax.u32 s7, $0x1;
	s7 =	sadd.s32 $0x8400, s31  }
.LBB2_11:
0xf: {  	s22 =	sadd.s32 $0x1, s22  }
0x10: {  	p0 =	sne.s32 s22, s5  }
.Ltmp1:
0x11: {  	_ = 	snop;
	(pc) =	sbr.rel @!p0 .LBB2_12-.Ltmp1, $1  }
0x12: {  	_ =	sdelay $0x3  }
.LBB2_1:
.Ltmp2:
0x13: {  	(pc) =	sbr.rel .LBB2_2-.Ltmp2, $2  }
0x14: {  	_ =	sdelay $0x2  }
0x15: {  	s23 =	smov.u32 s6;
	s24 =	smov.u32 s4;
	s25 =	simm.s32 $0x0  }
.LBB2_7:
0x16: {  	s28 =	sadd.s32 $0x800, s26  }
0x17: {  	[tilespmem:s17], [sflag:$0x7] =	stream.linear.gather [hbm4b:s28+s1], $0x80, $0x38;
	[tilespmem:$0x18300] =	vst v63  }
0x18: {  	_ =	swait.ge [sflag:s10], $0x80  }
0x19: {  	[sflag:s10] =	ssyncset.done $0x0  }
0x1a: {  	s31 =	sadd.s32 $0x810, s26;
	[sflag:s10] =	ssyncadd.s32 $0xFFFFFF80  }
0x1b: {  	[tilespmem:s18], [sflag:$0x7] =	stream.linear.gather [hbm4b:s31+s1], $0x80, $0x38;
	[tilespmem:$0x18300] =	vst v63  }
0x1c: {  	_ =	swait.ge [sflag:s10], $0x80  }
0x1d: {  	[sflag:s10] =	ssyncset.done $0x0  }
0x1e: {  	[sflag:s10] =	ssyncadd.s32 $0xFFFFFF80  }
0x1f: {  	[tilespmem:s19], [sflag:$0x3] =	stream.indirect.gather [hbm4b:s3+s12], $0x80, s17, s12, $0xb8;
	[tilespmem:$0x18300] =	vst v63  }
0x20: {  	_ = 	snop  }
0x21: {  	[tilespmem:s20], [sflag:$0x3] =	stream.indirect.gather [hbm4b:s3+s12], $0x80, s18, s12, $0xb8;
	[tilespmem:$0x18300] =	vst v63  }
.LBB2_9:
0x22: {  	_ =	swait.ge [sflag:s21], $0x4000  }
0x23: {  	[sflag:s21] =	ssyncset.done $0x0  }
0x24: {  	[sflag:s21] =	ssyncadd.s32 $0xFFFFC000  }
0x25: {  	_ =	swait.ge [sflag:s21], $0x4000  }
0x26: {  	[sflag:s21] =	ssyncset.done $0x0  }
0x27: {  	s26 =	sadd.s32 $0x20000, s23;
	[sflag:s21] =	ssyncadd.s32 $0xFFFFC000  }
0x28: {  	[hbm4b:s26+s1] =	stream.linear.scatter [tilespmem:s13], [sflag:$0x5], $0x8000, $0x38;
	[tilespmem:$0x18300] =	vst v63  }
.LBB2_10:
0x29: {  	s25 =	sadd.s32 $0xC00, s25  }
0x2a: {  	p0 =	sne.s32 s25, $0x3000  }
.Ltmp3:
0x2b: {  	_ = 	snop;
	(pc) =	sbr.rel @!p0 .LBB2_11-.Ltmp3, $2  }
0x2c: {  	_ =	sdelay $0x2  }
0x2d: {  	s24 =	sadd.s32 $0x60, s24;
	s23 =	sadd.s32 $0x60000, s23  }
.LBB2_2:
0x2e: {  	s26 =	sadd.s32 $0xFFFFFFA0, s24  }
0x2f: {  	p0 =	sgt.u32 s26, $0xF9  }
0x30: {  	s26 =	simm.s32 @!p0 $0x4  }
0x31: {  	p1 =	sgt.u32 s24, $0xF9;
	_ =	swait.ge @!p0 [sflag:s26], $0x8000  }
0x32: {  	s28 =	simm.s32 @!p1 $0x0;
	[sflag:s26] =	ssyncset.done @!p0 $0x0  }
0x33: {  	s29 =	simm.s32 @!p1 $0x7;
	[sflag:s26] =	ssyncadd.s32 @!p0 $0xFFFF8000;
	s26 =	sadd.s32 @!p1 s25, s7  }
0x34: {  	[tilespmem:s28], [sflag:$0x7] =	stream.linear.gather @!p1 [hbm4b:s26+s28], $0x80, $0x38;
	[tilespmem:$0x18300] =	vst v63  }
0x35: {  	_ =	swait.ge @!p1 [sflag:s29], $0x80  }
0x36: {  	[sflag:s29] =	ssyncset.done @!p1 $0x0  }
0x37: {  	s30 =	simm.s32 @!p1 $0x80;
	s26 =	sadd.s32 @!p1 $0x10, s26;
	[sflag:s29] =	ssyncadd.s32 @!p1 $0xFFFFFF80  }
0x38: {  	[tilespmem:s30], [sflag:$0x7] =	stream.linear.gather @!p1 [hbm4b:s26+s28], $0x80, $0x38;
	[tilespmem:$0x18300] =	vst v63  }
0x39: {  	_ =	swait.ge @!p1 [sflag:s29], $0x80  }
0x3a: {  	[sflag:s29] =	ssyncset.done @!p1 $0x0  }
0x3b: {  	s26 =	simm.s32 @!p1 $0x300;
	[sflag:s29] =	ssyncadd.s32 @!p1 $0xFFFFFF80;
	s29 =	sadd.s32 s24, s8  }
0x3c: {  	[tilespmem:s26], [sflag:$0x1] =	stream.indirect.gather @!p1 [hbm4b:s3+s30], $0x80, s28, s30, $0xb8;
	[tilespmem:$0x18300] =	vst v63  }
0x3d: {  	p0 =	sgt.u32 s29, $0xF9  }
0x3e: {  	s28 =	simm.s32 @!p1 $0x4300;
	s26 =	simm.s32 @!p0 $0x3  }
0x3f: {  	[tilespmem:s28], [sflag:$0x1] =	stream.indirect.gather @!p1 [hbm4b:s3+s30], $0x80, s30, s30, $0xb8;
	[tilespmem:$0x18300] =	vst v63  }
0x40: {  	_ =	swait.ge @!p0 [sflag:s26], $0x4000  }
0x41: {  	[sflag:s26] =	ssyncset.done @!p0 $0x0  }
0x42: {  	[sflag:s26] =	ssyncadd.s32 @!p0 $0xFFFFC000  }
0x43: {  	s31 =	sadd.s32 $0xFFFFFFC0, s24;
	_ =	swait.ge @!p0 [sflag:s26], $0x4000  }
0x44: {  	p2 =	sgt.u32 s24, $0xD9;
	s29 =	simm.s32 @!p0 $0x10300;
	[sflag:s26] =	ssyncset.done @!p0 $0x0  }
0x45: {  	s28 =	simm.s32 @!p0 $0x0;
	[sflag:s26] =	ssyncadd.s32 @!p0 $0xFFFFC000;
	s26 =	sadd.s32 @!p0 $0xFFFE0000, s23  }
0x46: {  	[hbm4b:s26+s28] =	stream.linear.scatter @!p0 [tilespmem:s29], [sflag:$0x6], $0x8000, $0x38;
	[tilespmem:$0x18300] =	vst v63  }
.Ltmp4:
0x47: {  	p3 =	sgt.u32 s31, $0xF9;
	(pc) =	sbr.rel @p2 .LBB2_4-.Ltmp4, $4  }
0x48: {  	s26 =	simm.s32 @!p3 $0x5  }
0x49: {  	_ =	swait.ge @!p3 [sflag:s26], $0x8000  }
0x4a: {  	[sflag:s26] =	ssyncset.done @!p3 $0x0  }
0x4b: {  	[sflag:s26] =	ssyncadd.s32 @!p3 $0xFFFF8000;
	s26 =	sadd.s32 s25, s7  }
0x4c: {  	s28 =	sadd.s32 $0x400, s26  }
0x4d: {  	[tilespmem:s9], [sflag:$0x7] =	stream.linear.gather [hbm4b:s28+s1], $0x80, $0x38;
	[tilespmem:$0x18300] =	vst v63  }
0x4e: {  	_ =	swait.ge [sflag:s10], $0x80  }
0x4f: {  	[sflag:s10] =	ssyncset.done $0x0  }
0x50: {  	s31 =	sadd.s32 $0x410, s26;
	[sflag:s10] =	ssyncadd.s32 $0xFFFFFF80  }
0x51: {  	[tilespmem:s11], [sflag:$0x7] =	stream.linear.gather [hbm4b:s31+s1], $0x80, $0x38;
	[tilespmem:$0x18300] =	vst v63  }
0x52: {  	_ =	swait.ge [sflag:s10], $0x80  }
.Ltmp5:
0x53: {  	[sflag:s10] =	ssyncset.done $0x0;
	(pc) =	sbr.rel .LBB2_5-.Ltmp5, $4  }
0x54: {  	[sflag:s10] =	ssyncadd.s32 $0xFFFFFF80  }
0x55: {  	[tilespmem:s13], [sflag:$0x2] =	stream.indirect.gather [hbm4b:s3+s12], $0x80, s9, s12, $0xb8;
	[tilespmem:$0x18300] =	vst v63  }
0x56: {  	_ = 	snop  }
0x57: {  	[tilespmem:s14], [sflag:$0x2] =	stream.indirect.gather [hbm4b:s3+s12], $0x80, s11, s12, $0xb8;
	[tilespmem:$0x18300] =	vst v63  }
.LBB2_4:
.Ltmp6:
0x58: {  	(pc) =	sbr.rel @p1 .LBB2_6-.Ltmp6, $1  }
0x59: {  	_ =	sdelay $0x3  }
.LBB2_5:
0x5a: {  	_ =	swait.ge [sflag:s15], $0x4000  }
0x5b: {  	[sflag:s15] =	ssyncset.done $0x0  }
0x5c: {  	[sflag:s15] =	ssyncadd.s32 $0xFFFFC000  }
0x5d: {  	_ =	swait.ge [sflag:s15], $0x4000  }
0x5e: {  	[sflag:s15] =	ssyncset.done $0x0  }
0x5f: {  	[sflag:s15] =	ssyncadd.s32 $0xFFFFC000  }
0x60: {  	[hbm4b:s23+s1] =	stream.linear.scatter [tilespmem:s16], [sflag:$0x4], $0x8000, $0x38;
	[tilespmem:$0x18300] =	vst v63  }
.LBB2_6:
0x61: {  	p1 =	sgt.u32 s24, $0xB9  }
.Ltmp7:
0x62: {  	_ = 	snop;
	(pc) =	sbr.rel @!p1 .LBB2_7-.Ltmp7, $4  }
0x63: {  	s28 =	simm.s32 @!p0 $0x6  }
0x64: {  	_ =	swait.ge @!p0 [sflag:s28], $0x8000  }
0x65: {  	[sflag:s28] =	ssyncset.done @!p0 $0x0  }
0x66: {  	[sflag:s28] =	ssyncadd.s32 @!p0 $0xFFFF8000  }
.Ltmp8:
0x67: {  	(pc) =	sbr.rel @p2 .LBB2_10-.Ltmp8, $4  }
.Ltmp9:
0x68: {  	(pc) =	sbr.rel @!p2 .LBB2_9-.Ltmp9, $4  }
0x69: {  	_ = 	snop  }
0x6a: {  	_ = 	snop  }
0x6b: {  	_ = 	snop  }
0x6c: {  	_ = 	snop  }
.LBB2_12:
0x6d: {  	_ =	sfence.sel $0x180000  }
0x6e: {  	[bflag:$0x0] =	sbarrier.arrive $0xFFFF  }
0x6f: {  	p0 =	sne.s32 s2, $0x0;
	_ =	strace $0x90000053  }
0x70: {  	s0 =	sadd.s32 @!p0 $0x100000, s0;
	[bflag:$0x2] =	sbarrier.arrive $0xFFFF  }
0x71: {  	[sflag:s0] =	ssyncadd.tile.s32 @!p0 $0x1;
	_ =	shalt  }
.Lfunc_end2:
_tile_overlayer_lowered:
.L_overlay_start_2:
0x72: {  	(tag) =	ssettag $0x2  }
0x73: {  	s0 =	rddreg [dreg:$0x0];
	s2 =	stileid.u32  }
0x74: {  	s1 =	rddreg [dreg:$0x1];
	p0 =	sne.s32 s2, $0x0  }
0x75: {  	s3 =	rddreg [dreg:$0x2];
	[bflag:$0x3] =	sbarrier.arrive $0xFFFF;
	s2 =	simm.s32 @!p0 $0x1C07  }
0x76: {  	[timem:s3], [sflag:s2] =	dma.local @!p0 [hbm:s0], s1  }
0x77: {  	s0 =	simm.s32 @!p0 $0x7  }
0x78: {  	_ =	swait.ge @!p0 [sflag:s0], s1  }
0x79: {  	s1 =	ssub.s32 @!p0 $0x0, s1;
	[sflag:s0] =	ssyncset.done @!p0 $0x0  }
0x7a: {  	[sflag:s0] =	ssyncadd.s32 @!p0 s1  }
0x7b: {  	[bflag:$0x3] =	sbarrier.arrive $0xFFFF  }
0x7c: {  	_ =	shalt  }

</sc_bundles>
